<compile_context>
chip_gen: v7x
topology: tpu7x:2x2x1
jax: 0.10.2.dev20260603
libtpu: 0.0.44.dev20260713+nightly
codegen_flags: <defaults>
</compile_context>

<pallas_src>
import functools

import jax
import jax.numpy as jnp
from jax import lax
from jax.experimental import pallas as pl
from jax.experimental.pallas import tpu as pltpu
from jax.experimental.pallas import tpu_sc as plsc

B = 4096
F = 26
V = 100000
D = 16
H1 = 32
H2 = 32

NC = 2
NS = 16
NW = NC * NS
FH = F // 2
NG = B // 16

CH0 = 50048
CH1 = 49920
VTAIL = 128
B1D = 128
TOFF = B1D + CH1
BUF0 = CH0 + 16
BUF1 = TOFF + VTAIL
NU2 = 2 * FH
NU = NU2 + 2


def _sc_slab_fm(tview, first_tables, idx_flat, xvt, tail2, tail1):
    mesh = plsc.VectorSubcoreMesh(core_axis_name="c", subcore_axis_name="s")

    @functools.partial(
        pl.kernel,
        out_type=(
            jax.ShapeDtypeStruct((NW * B,), jnp.float32),
            jax.ShapeDtypeStruct((NW * B,), jnp.float32),
            jax.ShapeDtypeStruct((F * B,), jnp.float32),
        ),
        mesh=mesh,
        compiler_params=pltpu.CompilerParams(
            use_tc_tiling_on_sc=True, needs_layout_passes=False),
        scratch_types=[
            pltpu.VMEM((BUF0,), jnp.float32),
            pltpu.VMEM((BUF1,), jnp.float32),
            pltpu.VMEM((2 * B,), jnp.int32),
            pltpu.VMEM((2 * B,), jnp.float32),
            pltpu.VMEM((B,), jnp.float32),
            pltpu.VMEM((B,), jnp.float32),
            pltpu.VMEM((B,), jnp.float32),
            pltpu.SemaphoreType.DMA,
            pltpu.SemaphoreType.DMA,
            pltpu.SemaphoreType.DMA,
        ],
    )
    def body(tview_hbm, first_hbm, idx_hbm, xvt_hbm, tail2_hbm, tail1_hbm,
             s_hbm, sq_hbm, e1_hbm,
             slab0, slab1, idx_v, xv_v, s_acc, sq_acc, e1_acc,
             dsem0, dsem1, isem):
        wid = lax.axis_index("s") * NC + lax.axis_index("c")
        d = wid % D
        fh = wid // D
        fsafe = jnp.minimum(wid, F - 1)

        slabs = (slab0, slab1)
        dsems = (dsem0, dsem1)

        def field_of_slot(jf):
            return fh * FH + jf if jf < FH else fsafe

        def start_dma(u):
            t = u % 2
            if u < NU2:
                f = fh * FH + (u // 2)
                src_of = lambda off, sz: tview_hbm.at[f, d, pl.ds(off, sz)]
                tail_src = tail2_hbm.at[f, d, :]
            else:
                src_of = lambda off, sz: first_hbm.at[fsafe, pl.ds(off, sz)]
                tail_src = tail1_hbm.at[fsafe, :]
            if t == 0:
                return [pltpu.async_copy(
                    src_of(0, CH0), slabs[0].at[pl.ds(0, CH0)], dsems[0])]
            return [
                pltpu.async_copy(
                    src_of(CH0, CH1), slabs[1].at[pl.ds(B1D, CH1)], dsems[1]),
                pltpu.async_copy(
                    tail_src, slabs[1].at[pl.ds(TOFF, VTAIL)], dsems[1]),
            ]

        def start_idx_prefetch(jf):
            p = (jf % 2) * B
            f = field_of_slot(jf)
            c1 = pltpu.async_copy(
                idx_hbm.at[pl.ds(f * B, B)], idx_v.at[pl.ds(p, B)], isem)
            c2 = pltpu.async_copy(
                xvt_hbm.at[f, :], xv_v.at[pl.ds(p, B)], isem)
            return (c1, c2)

        zero16 = jnp.zeros((16,), jnp.float32)
        slab0[pl.ds(CH0, 16)] = zero16
        for z in range(B1D // 16):
            slab1[pl.ds(z * 16, 16)] = zero16

        icpy = start_idx_prefetch(0)
        dmas = {0: start_dma(0)}
        for c in icpy:
            c.wait()
        icpy = None

        for u in range(NU):
            jf, t = u // 2, u % 2
            if t == 0 and jf > 0:
                for c in icpy:
                    c.wait()
            if u + 1 < NU:
                dmas[u + 1] = start_dma(u + 1)
            for c in dmas.pop(u):
                c.wait()
            if t == 0 and jf + 1 <= FH:
                icpy = start_idx_prefetch(jf + 1)

            p = (jf % 2) * B
            buf = slabs[t]

            def g_body(g, _, _t=t, _u=u, _buf=buf, _p=p):
                sl = pl.ds(_p + g * 16, 16)
                asl = pl.ds(g * 16, 16)
                vi = idx_v[sl]
                if _t == 0:
                    vic = jnp.minimum(vi, CH0)
                else:
                    v2 = vi - (CH0 - B1D)
                    vic = jnp.maximum(v2, 0)
                    vict = v2 + (VTAIL - (V - CH0 - CH1))
                    vic = jnp.where(v2 >= TOFF, vict, vic)
                vals = plsc.load_gather(_buf, [vic])
                vs = vals * xv_v[sl]
                if _u == 0:
                    s_acc[asl] = vs
                    sq_acc[asl] = vs * vs
                elif _u < NU2:
                    plsc.addupdate(s_acc.at[asl], vs)
                    plsc.addupdate(sq_acc.at[asl], vs * vs)
                elif _u == NU2:
                    e1_acc[asl] = vs
                else:
                    plsc.addupdate(e1_acc.at[asl], vs)
                return 0

            lax.fori_loop(0, NG, g_body, 0, unroll=2)

        obase = wid * B
        pltpu.sync_copy(s_acc, s_hbm.at[pl.ds(obase, B)])
        pltpu.sync_copy(sq_acc, sq_hbm.at[pl.ds(obase, B)])
        pltpu.sync_copy(e1_acc, e1_hbm.at[pl.ds(fsafe * B, B)])

    return body(tview, first_tables, idx_flat, xvt, tail2, tail1)


def _tc_combine(s2, sq2, e1, W1t, b1, W2t, b2, bias):

    def tc_body(s_ref, sq_ref, e1_ref, W1t_ref, b1_ref, W2t_ref, b2_ref,
                bias_ref, out_ref):
        s = s_ref[0] + s_ref[1]
        sq = sq_ref[0] + sq_ref[1]
        fm2t = 0.5 * (s * s - sq)
        h1 = jnp.maximum(
            jnp.dot(W1t_ref[:], fm2t, preferred_element_type=jnp.float32)
            + b1_ref[:], 0.0)
        h2 = jnp.maximum(
            jnp.dot(W2t_ref[:], h1, preferred_element_type=jnp.float32)
            + b2_ref[:], 0.0)
        tot = (jnp.sum(fm2t, axis=0, keepdims=True)
               + jnp.sum(e1_ref[:], axis=0, keepdims=True)
               + jnp.sum(h2, axis=0, keepdims=True)
               + bias_ref[0, 0])
        out_ref[:] = tot

    return pl.pallas_call(
        tc_body,
        out_shape=jax.ShapeDtypeStruct((1, B), jnp.float32),
    )(s2, sq2, e1, W1t, b1, W2t, b2, bias)


def kernel(Xi, Xv, first_tables, second_tables, W1, b1, W2, b2, bias):
    tview = jnp.transpose(second_tables, (0, 2, 1))
    idx_flat = jnp.transpose(Xi, (1, 2, 0)).reshape(F * B)
    xvt = jnp.transpose(Xv)
    tail2 = tview[:, :, V - VTAIL:]
    tail1 = first_tables[:, V - VTAIL:]

    s_flat, sq_flat, e1_flat = _sc_slab_fm(
        tview, first_tables, idx_flat, xvt, tail2, tail1)
    s2 = s_flat.reshape(2, D, B)
    sq2 = sq_flat.reshape(2, D, B)
    e1 = e1_flat.reshape(F, B)

    out = _tc_combine(s2, sq2, e1, W1.T, b1.reshape(H1, 1), W2.T,
                      b2.reshape(H2, 1), bias.reshape(1, 1))
    return out[0]

# --- scband reference (transcript-rebuilt; emitter-appended) ---
"""Pipeline reference for scband-din-62156766707844 (READ-ONLY COPY).

The authoritative reference and input builder live on the scoring server;
editing this copy changes nothing except your own understanding.
"""

import jax, jax.numpy as jnp
import numpy as np

B = 4096
F = 26
V = 100000
D = 16
H1 = 32
H2 = 32


def setup_inputs(seed: int = 0) -> dict:
    key = jax.random.key(seed)
    ks = jax.random.split(key, 8)
    Xi = jax.random.randint(ks[0], (B, F, 1), 0, V, dtype=jnp.int32)
    Xv = jax.random.uniform(ks[1], (B, F), dtype=jnp.float32)
    # fm first-order embedding tables: 26 tables of [V, 1], stacked -> [F, V]
    first_tables = jax.random.normal(ks[2], (F, V), dtype=jnp.float32) * 0.01
    # fm second-order embedding tables: 26 tables of [V, D], stacked -> [F, V, D]
    second_tables = jax.random.normal(ks[3], (F, V, D), dtype=jnp.float32) * 0.01
    W1 = jax.random.normal(ks[4], (D, H1), dtype=jnp.float32) * 0.1
    b1 = jnp.zeros((H1,), dtype=jnp.float32)
    W2 = jax.random.normal(ks[5], (H1, H2), dtype=jnp.float32) * 0.1
    b2 = jnp.zeros((H2,), dtype=jnp.float32)
    bias = jax.random.normal(ks[6], (1,), dtype=jnp.float32)
    return {"Xi": Xi, "Xv": Xv, "first_tables": first_tables,
            "second_tables": second_tables, "W1": W1, "b1": b1,
            "W2": W2, "b2": b2, "bias": bias}


def reference(Xi, Xv, first_tables, second_tables, W1, b1, W2, b2, bias):
    # eval mode: dropout layers are identity; batch_norm disabled; high-interaction disabled
    idx = Xi[..., 0]                       # [B, F]
    f_idx = jnp.arange(F)[None, :]         # [1, F]
    # fm first order: per-field table lookup, sum over the length-1 axis, scale by Xv
    emb1 = first_tables[f_idx, idx]        # [B, F] (gather)
    fm_first_order = emb1 * Xv             # [B, F]
    # fm second order: per-field table lookup [B, F, D], scaled by Xv
    emb2 = second_tables[f_idx, idx] * Xv[..., None]   # [B, F, D] (gather)
    sum_emb = jnp.sum(emb2, axis=1)        # [B, D]
    sum_emb_sq = sum_emb * sum_emb
    sq_sum = jnp.sum(emb2 * emb2, axis=1)  # [B, D]
    fm_second_order = 0.5 * (sum_emb_sq - sq_sum)      # [B, D]
    # deep part (interation_type=True -> input is fm_second_order of width D)
    x_deep = jax.nn.relu(fm_second_order @ W1 + b1)
    x_deep = jax.nn.relu(x_deep @ W2 + b2)
    # final sum
    total_sum = (jnp.sum(fm_first_order, axis=1)
                 + jnp.sum(fm_second_order, axis=1)
                 + jnp.sum(x_deep, axis=1)
                 + bias[0])
    return total_sum

if __name__ == "__main__":
    import jax
    _d = setup_inputs()
    print(jax.jit(kernel)(*tuple(_d.values())))

</pallas_src>

<mosaic_0001>
#map = affine_map<(d0, d1) -> (0, 0, 0)>
#map1 = affine_map<(d0, d1) -> (0, 0)>
#map2 = affine_map<(d0, d1) -> (0)>
module attributes {stable_mosaic.version = 14 : i64} {
  func.func @body(%arg0: i32, %arg1: i32, %arg2: memref<26x16x100000xf32, #tpu.memory_space<hbm>>, %arg3: memref<26x100000xf32, #tpu.memory_space<hbm>>, %arg4: memref<106496xi32, #tpu.memory_space<hbm>>, %arg5: memref<26x4096xf32, #tpu.memory_space<hbm>>, %arg6: memref<26x16x128xf32, #tpu.memory_space<hbm>>, %arg7: memref<26x128xf32, #tpu.memory_space<hbm>>, %arg8: memref<131072xf32, #tpu.memory_space<hbm>>, %arg9: memref<131072xf32, #tpu.memory_space<hbm>>, %arg10: memref<106496xf32, #tpu.memory_space<hbm>>, %arg11: memref<50064xf32, #tpu.memory_space<vmem>>, %arg12: memref<50176xf32, #tpu.memory_space<vmem>>, %arg13: memref<8192xi32, #tpu.memory_space<vmem>>, %arg14: memref<8192xf32, #tpu.memory_space<vmem>>, %arg15: memref<4096xf32, #tpu.memory_space<vmem>>, %arg16: memref<4096xf32, #tpu.memory_space<vmem>>, %arg17: memref<4096xf32, #tpu.memory_space<vmem>>, %arg18: memref<!tpu.dma_semaphore, #tpu.memory_space<semaphore_mem>>, %arg19: memref<!tpu.dma_semaphore, #tpu.memory_space<semaphore_mem>>, %arg20: memref<!tpu.dma_semaphore, #tpu.memory_space<semaphore_mem>>) attributes {dimension_semantics = [#tpu.dimension_semantics<core_parallel>, #tpu.dimension_semantics<subcore_parallel>], iteration_bounds = array<i64: 2, 16>, scalar_prefetch = 0 : i64, scratch_operands = 10 : i64, tpu.core_type = #tpu.core_type<sc_vector_subcore>, window_params = [{transform_indices = #map}, {transform_indices = #map1}, {transform_indices = #map2}, {transform_indices = #map1}, {transform_indices = #map}, {transform_indices = #map1}, {transform_indices = #map2}, {transform_indices = #map2}, {transform_indices = #map2}]} {
    %mul3A = arith.constant 2 : i32
    %mul3A_0 = arith.muli %arg1, %mul3A : i32
    %add3A = arith.addi %mul3A_0, %arg0 : i32
    %jit3A = arith.constant 16 : i32
    %eq3A = arith.constant 0 : i32
    %eq3A_1 = arith.cmpi eq, %jit3A, %eq3A : i32
    %jit3A_2 = arith.constant 1 : i32
    %select_n3A = arith.select %eq3A_1, %jit3A_2, %jit3A : i32
    %rem3A = arith.remsi %add3A, %select_n3A : i32
    %ne3A = arith.constant 0 : i32
    %ne3A_3 = arith.cmpi ne, %rem3A, %ne3A : i32
    %lt3A = arith.constant 0 : i32
    %lt3A_4 = arith.cmpi slt, %rem3A, %lt3A : i32
    %lt3A_5 = arith.constant 0 : i32
    %lt3A_6 = arith.cmpi slt, %select_n3A, %lt3A_5 : i32
    %ne3A_7 = arith.xori %lt3A_4, %lt3A_6 : i1
    %and3A = arith.andi %ne3A_7, %ne3A_3 : i1
    %add3A_8 = arith.addi %rem3A, %select_n3A : i32
    %select_n3A_9 = arith.select %and3A, %add3A_8, %rem3A : i32
    %jit3A_10 = arith.constant 16 : i32
    %div3A = arith.divsi %add3A, %jit3A_10 : i32
    %sign3A = arith.constant 0 : i32
    %sign3A_11 = arith.cmpi sgt, %add3A, %sign3A : i32
    %sign3A_12 = arith.extui %sign3A_11 : i1 to i32
    %sign3A_13 = arith.constant 0 : i32
    %sign3A_14 = arith.cmpi slt, %add3A, %sign3A_13 : i32
    %sign3A_15 = arith.extui %sign3A_14 : i1 to i32
    %sign3A_16 = arith.subi %sign3A_12, %sign3A_15 : i32
    %sign3A_17 = arith.constant 0 : i32
    %sign3A_18 = arith.cmpi sgt, %jit3A_10, %sign3A_17 : i32
    %sign3A_19 = arith.extui %sign3A_18 : i1 to i32
    %sign3A_20 = arith.constant 0 : i32
    %sign3A_21 = arith.cmpi slt, %jit3A_10, %sign3A_20 : i32
    %sign3A_22 = arith.extui %sign3A_21 : i1 to i32
    %sign3A_23 = arith.subi %sign3A_19, %sign3A_22 : i32
    %ne3A_24 = arith.cmpi ne, %sign3A_16, %sign3A_23 : i32
    %rem3A_25 = arith.remsi %add3A, %jit3A_10 : i32
    %ne3A_26 = arith.constant 0 : i32
    %ne3A_27 = arith.cmpi ne, %rem3A_25, %ne3A_26 : i32
    %and3A_28 = arith.andi %ne3A_24, %ne3A_27 : i1
    %sub3A = arith.constant 1 : i32
    %sub3A_29 = arith.subi %div3A, %sub3A : i32
    %select_n3A_30 = arith.select %and3A_28, %sub3A_29, %div3A : i32
    %min3A = arith.constant 25 : i32
    %min3A_31 = arith.minsi %add3A, %min3A : i32
    %broadcast_in_dim3A = arith.constant 0.000000e+00 : f32
    %broadcast_in_dim3A_32 = vector.broadcast %broadcast_in_dim3A : f32 to vector<16xf32>
    %swap3A = arith.constant 50048 : index
    %swap3A_33 = tpu.vector_load %arg11[%swap3A] {strides = array<i32>} : memref<50064xf32, #tpu.memory_space<vmem>>, vector<16xf32>,
    tpu.vector_store %arg11[%swap3A], %broadcast_in_dim3A_32 {strides = array<i32>} : memref<50064xf32, #tpu.memory_space<vmem>>, vector<16xf32>,
    %swap3A_34 = arith.constant 0 : index
    %swap3A_35 = tpu.vector_load %arg12[%swap3A_34] {strides = array<i32>} : memref<50176xf32, #tpu.memory_space<vmem>>, vector<16xf32>,
    tpu.vector_store %arg12[%swap3A_34], %broadcast_in_dim3A_32 {strides = array<i32>} : memref<50176xf32, #tpu.memory_space<vmem>>, vector<16xf32>,
    %swap3A_36 = arith.constant 16 : index
    %swap3A_37 = tpu.vector_load %arg12[%swap3A_36] {strides = array<i32>} : memref<50176xf32, #tpu.memory_space<vmem>>, vector<16xf32>,
    tpu.vector_store %arg12[%swap3A_36], %broadcast_in_dim3A_32 {strides = array<i32>} : memref<50176xf32, #tpu.memory_space<vmem>>, vector<16xf32>,
    %swap3A_38 = arith.constant 32 : index
    %swap3A_39 = tpu.vector_load %arg12[%swap3A_38] {strides = array<i32>} : memref<50176xf32, #tpu.memory_space<vmem>>, vector<16xf32>,
    tpu.vector_store %arg12[%swap3A_38], %broadcast_in_dim3A_32 {strides = array<i32>} : memref<50176xf32, #tpu.memory_space<vmem>>, vector<16xf32>,
    %swap3A_40 = arith.constant 48 : index
    %swap3A_41 = tpu.vector_load %arg12[%swap3A_40] {strides = array<i32>} : memref<50176xf32, #tpu.memory_space<vmem>>, vector<16xf32>,
    tpu.vector_store %arg12[%swap3A_40], %broadcast_in_dim3A_32 {strides = array<i32>} : memref<50176xf32, #tpu.memory_space<vmem>>, vector<16xf32>,
    %swap3A_42 = arith.constant 64 : index
    %swap3A_43 = tpu.vector_load %arg12[%swap3A_42] {strides = array<i32>} : memref<50176xf32, #tpu.memory_space<vmem>>, vector<16xf32>,
    tpu.vector_store %arg12[%swap3A_42], %broadcast_in_dim3A_32 {strides = array<i32>} : memref<50176xf32, #tpu.memory_space<vmem>>, vector<16xf32>,
    %swap3A_44 = arith.constant 80 : index
    %swap3A_45 = tpu.vector_load %arg12[%swap3A_44] {strides = array<i32>} : memref<50176xf32, #tpu.memory_space<vmem>>, vector<16xf32>,
    tpu.vector_store %arg12[%swap3A_44], %broadcast_in_dim3A_32 {strides = array<i32>} : memref<50176xf32, #tpu.memory_space<vmem>>, vector<16xf32>,
    %swap3A_46 = arith.constant 96 : index
    %swap3A_47 = tpu.vector_load %arg12[%swap3A_46] {strides = array<i32>} : memref<50176xf32, #tpu.memory_space<vmem>>, vector<16xf32>,
    tpu.vector_store %arg12[%swap3A_46], %broadcast_in_dim3A_32 {strides = array<i32>} : memref<50176xf32, #tpu.memory_space<vmem>>, vector<16xf32>,
    %swap3A_48 = arith.constant 112 : index
    %swap3A_49 = tpu.vector_load %arg12[%swap3A_48] {strides = array<i32>} : memref<50176xf32, #tpu.memory_space<vmem>>, vector<16xf32>,
    tpu.vector_store %arg12[%swap3A_48], %broadcast_in_dim3A_32 {strides = array<i32>} : memref<50176xf32, #tpu.memory_space<vmem>>, vector<16xf32>,
    %mul3A_50 = arith.constant 13 : i32
    %mul3A_51 = arith.muli %select_n3A_30, %mul3A_50 : i32
    %add3A_52 = arith.constant 0 : i32
    %add3A_53 = arith.addi %mul3A_51, %add3A_52 : i32
    %mul3A_54 = arith.constant 4096 : i32
    %mul3A_55 = arith.muli %add3A_53, %mul3A_54 : i32
    %dma_start3A = arith.constant 0 : i32
    %dma_start3A_56 = tpu.memref_slice %arg13[%dma_start3A] : memref<8192xi32, #tpu.memory_space<vmem>> -> memref<4096xi32, #tpu.memory_space<vmem>>
    %dma_start3A_57 = tpu.memref_slice %arg4[%mul3A_55] : memref<106496xi32, #tpu.memory_space<hbm>> -> memref<4096xi32, #tpu.memory_space<hbm>>
    %dma_start3A_58 = arith.constant 0 : i32
    %dma_start3A_59 = tpu.memref_slice %arg13[%dma_start3A_58] : memref<8192xi32, #tpu.memory_space<vmem>> -> memref<4096xi32, #tpu.memory_space<vmem>>
    %dma_start3A_60 = tpu.memref_slice %arg4[%mul3A_55] : memref<106496xi32, #tpu.memory_space<hbm>> -> memref<4096xi32, #tpu.memory_space<hbm>>
    tpu.enqueue_dma source(%dma_start3A_60 : memref<4096xi32, #tpu.memory_space<hbm>>) target(%dma_start3A_59 : memref<4096xi32, #tpu.memory_space<vmem>>) target_semaphore(%arg20 : memref<!tpu.dma_semaphore, #tpu.memory_space<semaphore_mem>>)
    %dma_start3A_61 = arith.constant 0 : i32
    %dma_start3A_62 = tpu.memref_slice %arg14[%dma_start3A_61] : memref<8192xf32, #tpu.memory_space<vmem>> -> memref<4096xf32, #tpu.memory_space<vmem>>
    %dma_start3A_63 = arith.constant 0 : i32
    %dma_start3A_64 = tpu.memref_slice %arg5[%add3A_53, %dma_start3A_63] : memref<26x4096xf32, #tpu.memory_space<hbm>> -> memref<1x4096xf32, #tpu.memory_space<hbm>>
    %dma_start3A_65 = tpu.memref_squeeze %dma_start3A_64 : memref<1x4096xf32, #tpu.memory_space<hbm>> -> memref<4096xf32, #tpu.memory_space<hbm>>
    %dma_start3A_66 = arith.constant 0 : i32
    %dma_start3A_67 = tpu.memref_slice %arg14[%dma_start3A_66] : memref<8192xf32, #tpu.memory_space<vmem>> -> memref<4096xf32, #tpu.memory_space<vmem>>
    %dma_start3A_68 = arith.constant 0 : i32
    %dma_start3A_69 = tpu.memref_slice %arg5[%add3A_53, %dma_start3A_68] : memref<26x4096xf32, #tpu.memory_space<hbm>> -> memref<1x4096xf32, #tpu.memory_space<hbm>>
    %dma_start3A_70 = tpu.memref_squeeze %dma_start3A_69 : memref<1x4096xf32, #tpu.memory_space<hbm>> -> memref<4096xf32, #tpu.memory_space<hbm>>
    tpu.enqueue_dma source(%dma_start3A_70 : memref<4096xf32, #tpu.memory_space<hbm>>) target(%dma_start3A_67 : memref<4096xf32, #tpu.memory_space<vmem>>) target_semaphore(%arg20 : memref<!tpu.dma_semaphore, #tpu.memory_space<semaphore_mem>>)
    %mul3A_71 = arith.constant 13 : i32
    %mul3A_72 = arith.muli %select_n3A_30, %mul3A_71 : i32
    %add3A_73 = arith.constant 0 : i32
    %add3A_74 = arith.addi %mul3A_72, %add3A_73 : i32
    %dma_start3A_75 = arith.constant 0 : i32
    %dma_start3A_76 = tpu.memref_slice %arg11[%dma_start3A_75] : memref<50064xf32, #tpu.memory_space<vmem>> -> memref<50048xf32, #tpu.memory_space<vmem>>
    %dma_start3A_77 = arith.constant 0 : i32
    %dma_start3A_78 = tpu.memref_slice %arg2[%add3A_74, %select_n3A_9, %dma_start3A_77] : memref<26x16x100000xf32, #tpu.memory_space<hbm>> -> memref<1x1x50048xf32, #tpu.memory_space<hbm>>
    %dma_start3A_79 = tpu.memref_squeeze %dma_start3A_78 : memref<1x1x50048xf32, #tpu.memory_space<hbm>> -> memref<50048xf32, #tpu.memory_space<hbm>>
    %dma_start3A_80 = arith.constant 0 : i32
    %dma_start3A_81 = tpu.memref_slice %arg11[%dma_start3A_80] : memref<50064xf32, #tpu.memory_space<vmem>> -> memref<50048xf32, #tpu.memory_space<vmem>>
    %dma_start3A_82 = arith.constant 0 : i32
    %dma_start3A_83 = tpu.memref_slice %arg2[%add3A_74, %select_n3A_9, %dma_start3A_82] : memref<26x16x100000xf32, #tpu.memory_space<hbm>> -> memref<1x1x50048xf32, #tpu.memory_space<hbm>>
    %dma_start3A_84 = tpu.memref_squeeze %dma_start3A_83 : memref<1x1x50048xf32, #tpu.memory_space<hbm>> -> memref<50048xf32, #tpu.memory_space<hbm>>
    tpu.enqueue_dma source(%dma_start3A_84 : memref<50048xf32, #tpu.memory_space<hbm>>) target(%dma_start3A_81 : memref<50048xf32, #tpu.memory_space<vmem>>) target_semaphore(%arg18 : memref<!tpu.dma_semaphore, #tpu.memory_space<semaphore_mem>>)
    %dma_wait3A = arith.constant 0 : i32
    %dma_wait3A_85 = tpu.memref_slice %arg13[%dma_wait3A] : memref<8192xi32, #tpu.memory_space<vmem>> -> memref<4096xi32, #tpu.memory_space<vmem>>
    %dma_wait3A_86 = tpu.memref_slice %arg4[%mul3A_55] : memref<106496xi32, #tpu.memory_space<hbm>> -> memref<4096xi32, #tpu.memory_space<hbm>>
    %dma_wait3A_87 = arith.constant 0 : i32
    %dma_wait3A_88 = tpu.memref_slice %arg13[%dma_wait3A_87] : memref<8192xi32, #tpu.memory_space<vmem>> -> memref<4096xi32, #tpu.memory_space<vmem>>
    %dma_wait3A_89 = tpu.memref_slice %arg4[%mul3A_55] : memref<106496xi32, #tpu.memory_space<hbm>> -> memref<4096xi32, #tpu.memory_space<hbm>>
    tpu.wait_dma2 semaphore(%arg20 : memref<!tpu.dma_semaphore, #tpu.memory_space<semaphore_mem>>) src(%dma_wait3A_89 : memref<4096xi32, #tpu.memory_space<hbm>>) dst(%dma_wait3A_88 : memref<4096xi32, #tpu.memory_space<vmem>>)
    %dma_wait3A_90 = arith.constant 0 : i32
    %dma_wait3A_91 = tpu.memref_slice %arg14[%dma_wait3A_90] : memref<8192xf32, #tpu.memory_space<vmem>> -> memref<4096xf32, #tpu.memory_space<vmem>>
    %dma_wait3A_92 = arith.constant 0 : i32
    %dma_wait3A_93 = tpu.memref_slice %arg5[%add3A_53, %dma_wait3A_92] : memref<26x4096xf32, #tpu.memory_space<hbm>> -> memref<1x4096xf32, #tpu.memory_space<hbm>>
    %dma_wait3A_94 = tpu.memref_squeeze %dma_wait3A_93 : memref<1x4096xf32, #tpu.memory_space<hbm>> -> memref<4096xf32, #tpu.memory_space<hbm>>
    %dma_wait3A_95 = arith.constant 0 : i32
    %dma_wait3A_96 = tpu.memref_slice %arg14[%dma_wait3A_95] : memref<8192xf32, #tpu.memory_space<vmem>> -> memref<4096xf32, #tpu.memory_space<vmem>>
    %dma_wait3A_97 = arith.constant 0 : i32
    %dma_wait3A_98 = tpu.memref_slice %arg5[%add3A_53, %dma_wait3A_97] : memref<26x4096xf32, #tpu.memory_space<hbm>> -> memref<1x4096xf32, #tpu.memory_space<hbm>>
    %dma_wait3A_99 = tpu.memref_squeeze %dma_wait3A_98 : memref<1x4096xf32, #tpu.memory_space<hbm>> -> memref<4096xf32, #tpu.memory_space<hbm>>
    tpu.wait_dma2 semaphore(%arg20 : memref<!tpu.dma_semaphore, #tpu.memory_space<semaphore_mem>>) src(%dma_wait3A_99 : memref<4096xf32, #tpu.memory_space<hbm>>) dst(%dma_wait3A_96 : memref<4096xf32, #tpu.memory_space<vmem>>)
    %mul3A_100 = arith.constant 13 : i32
    %mul3A_101 = arith.muli %select_n3A_30, %mul3A_100 : i32
    %add3A_102 = arith.constant 0 : i32
    %add3A_103 = arith.addi %mul3A_101, %add3A_102 : i32
    %dma_start3A_104 = arith.constant 128 : i32
    %dma_start3A_105 = tpu.memref_slice %arg12[%dma_start3A_104] : memref<50176xf32, #tpu.memory_space<vmem>> -> memref<49920xf32, #tpu.memory_space<vmem>>
    %dma_start3A_106 = arith.constant 50048 : i32
    %dma_start3A_107 = tpu.memref_slice %arg2[%add3A_103, %select_n3A_9, %dma_start3A_106] : memref<26x16x100000xf32, #tpu.memory_space<hbm>> -> memref<1x1x49920xf32, #tpu.memory_space<hbm>>
    %dma_start3A_108 = tpu.memref_squeeze %dma_start3A_107 : memref<1x1x49920xf32, #tpu.memory_space<hbm>> -> memref<49920xf32, #tpu.memory_space<hbm>>
    %dma_start3A_109 = arith.constant 128 : i32
    %dma_start3A_110 = tpu.memref_slice %arg12[%dma_start3A_109] : memref<50176xf32, #tpu.memory_space<vmem>> -> memref<49920xf32, #tpu.memory_space<vmem>>
    %dma_start3A_111 = arith.constant 50048 : i32
    %dma_start3A_112 = tpu.memref_slice %arg2[%add3A_103, %select_n3A_9, %dma_start3A_111] : memref<26x16x100000xf32, #tpu.memory_space<hbm>> -> memref<1x1x49920xf32, #tpu.memory_space<hbm>>
    %dma_start3A_113 = tpu.memref_squeeze %dma_start3A_112 : memref<1x1x49920xf32, #tpu.memory_space<hbm>> -> memref<49920xf32, #tpu.memory_space<hbm>>
    tpu.enqueue_dma source(%dma_start3A_113 : memref<49920xf32, #tpu.memory_space<hbm>>) target(%dma_start3A_110 : memref<49920xf32, #tpu.memory_space<vmem>>) target_semaphore(%arg19 : memref<!tpu.dma_semaphore, #tpu.memory_space<semaphore_mem>>)
    %dma_start3A_114 = arith.constant 50048 : i32
    %dma_start3A_115 = tpu.memref_slice %arg12[%dma_start3A_114] : memref<50176xf32, #tpu.memory_space<vmem>> -> memref<128xf32, #tpu.memory_space<vmem>>
    %dma_start3A_116 = arith.constant 0 : i32
    %dma_start3A_117 = tpu.memref_slice %arg6[%add3A_103, %select_n3A_9, %dma_start3A_116] : memref<26x16x128xf32, #tpu.memory_space<hbm>> -> memref<1x1x128xf32, #tpu.memory_space<hbm>>
    %dma_start3A_118 = tpu.memref_squeeze %dma_start3A_117 : memref<1x1x128xf32, #tpu.memory_space<hbm>> -> memref<128xf32, #tpu.memory_space<hbm>>
    %dma_start3A_119 = arith.constant 50048 : i32
    %dma_start3A_120 = tpu.memref_slice %arg12[%dma_start3A_119] : memref<50176xf32, #tpu.memory_space<vmem>> -> memref<128xf32, #tpu.memory_space<vmem>>
    %dma_start3A_121 = arith.constant 0 : i32
    %dma_start3A_122 = tpu.memref_slice %arg6[%add3A_103, %select_n3A_9, %dma_start3A_121] : memref<26x16x128xf32, #tpu.memory_space<hbm>> -> memref<1x1x128xf32, #tpu.memory_space<hbm>>
    %dma_start3A_123 = tpu.memref_squeeze %dma_start3A_122 : memref<1x1x128xf32, #tpu.memory_space<hbm>> -> memref<128xf32, #tpu.memory_space<hbm>>
    tpu.enqueue_dma source(%dma_start3A_123 : memref<128xf32, #tpu.memory_space<hbm>>) target(%dma_start3A_120 : memref<128xf32, #tpu.memory_space<vmem>>) target_semaphore(%arg19 : memref<!tpu.dma_semaphore, #tpu.memory_space<semaphore_mem>>)
    %dma_wait3A_124 = arith.constant 0 : i32
    %dma_wait3A_125 = tpu.memref_slice %arg11[%dma_wait3A_124] : memref<50064xf32, #tpu.memory_space<vmem>> -> memref<50048xf32, #tpu.memory_space<vmem>>
    %dma_wait3A_126 = arith.constant 0 : i32
    %dma_wait3A_127 = tpu.memref_slice %arg2[%add3A_74, %select_n3A_9, %dma_wait3A_126] : memref<26x16x100000xf32, #tpu.memory_space<hbm>> -> memref<1x1x50048xf32, #tpu.memory_space<hbm>>
    %dma_wait3A_128 = tpu.memref_squeeze %dma_wait3A_127 : memref<1x1x50048xf32, #tpu.memory_space<hbm>> -> memref<50048xf32, #tpu.memory_space<hbm>>
    %dma_wait3A_129 = arith.constant 0 : i32
    %dma_wait3A_130 = tpu.memref_slice %arg11[%dma_wait3A_129] : memref<50064xf32, #tpu.memory_space<vmem>> -> memref<50048xf32, #tpu.memory_space<vmem>>
    %dma_wait3A_131 = arith.constant 0 : i32
    %dma_wait3A_132 = tpu.memref_slice %arg2[%add3A_74, %select_n3A_9, %dma_wait3A_131] : memref<26x16x100000xf32, #tpu.memory_space<hbm>> -> memref<1x1x50048xf32, #tpu.memory_space<hbm>>
    %dma_wait3A_133 = tpu.memref_squeeze %dma_wait3A_132 : memref<1x1x50048xf32, #tpu.memory_space<hbm>> -> memref<50048xf32, #tpu.memory_space<hbm>>
    tpu.wait_dma2 semaphore(%arg18 : memref<!tpu.dma_semaphore, #tpu.memory_space<semaphore_mem>>) src(%dma_wait3A_133 : memref<50048xf32, #tpu.memory_space<hbm>>) dst(%dma_wait3A_130 : memref<50048xf32, #tpu.memory_space<vmem>>)
    %mul3A_134 = arith.constant 13 : i32
    %mul3A_135 = arith.muli %select_n3A_30, %mul3A_134 : i32
    %add3A_136 = arith.constant 1 : i32
    %add3A_137 = arith.addi %mul3A_135, %add3A_136 : i32
    %mul3A_138 = arith.constant 4096 : i32
    %mul3A_139 = arith.muli %add3A_137, %mul3A_138 : i32
    %dma_start3A_140 = arith.constant 4096 : i32
    %dma_start3A_141 = tpu.memref_slice %arg13[%dma_start3A_140] : memref<8192xi32, #tpu.memory_space<vmem>> -> memref<4096xi32, #tpu.memory_space<vmem>>
    %dma_start3A_142 = tpu.memref_slice %arg4[%mul3A_139] : memref<106496xi32, #tpu.memory_space<hbm>> -> memref<4096xi32, #tpu.memory_space<hbm>>
    %dma_start3A_143 = arith.constant 4096 : i32
    %dma_start3A_144 = tpu.memref_slice %arg13[%dma_start3A_143] : memref<8192xi32, #tpu.memory_space<vmem>> -> memref<4096xi32, #tpu.memory_space<vmem>>
    %dma_start3A_145 = tpu.memref_slice %arg4[%mul3A_139] : memref<106496xi32, #tpu.memory_space<hbm>> -> memref<4096xi32, #tpu.memory_space<hbm>>
    tpu.enqueue_dma source(%dma_start3A_145 : memref<4096xi32, #tpu.memory_space<hbm>>) target(%dma_start3A_144 : memref<4096xi32, #tpu.memory_space<vmem>>) target_semaphore(%arg20 : memref<!tpu.dma_semaphore, #tpu.memory_space<semaphore_mem>>)
    %dma_start3A_146 = arith.constant 4096 : i32
    %dma_start3A_147 = tpu.memref_slice %arg14[%dma_start3A_146] : memref<8192xf32, #tpu.memory_space<vmem>> -> memref<4096xf32, #tpu.memory_space<vmem>>
    %dma_start3A_148 = arith.constant 0 : i32
    %dma_start3A_149 = tpu.memref_slice %arg5[%add3A_137, %dma_start3A_148] : memref<26x4096xf32, #tpu.memory_space<hbm>> -> memref<1x4096xf32, #tpu.memory_space<hbm>>
    %dma_start3A_150 = tpu.memref_squeeze %dma_start3A_149 : memref<1x4096xf32, #tpu.memory_space<hbm>> -> memref<4096xf32, #tpu.memory_space<hbm>>
    %dma_start3A_151 = arith.constant 4096 : i32
    %dma_start3A_152 = tpu.memref_slice %arg14[%dma_start3A_151] : memref<8192xf32, #tpu.memory_space<vmem>> -> memref<4096xf32, #tpu.memory_space<vmem>>
    %dma_start3A_153 = arith.constant 0 : i32
    %dma_start3A_154 = tpu.memref_slice %arg5[%add3A_137, %dma_start3A_153] : memref<26x4096xf32, #tpu.memory_space<hbm>> -> memref<1x4096xf32, #tpu.memory_space<hbm>>
    %dma_start3A_155 = tpu.memref_squeeze %dma_start3A_154 : memref<1x4096xf32, #tpu.memory_space<hbm>> -> memref<4096xf32, #tpu.memory_space<hbm>>
    tpu.enqueue_dma source(%dma_start3A_155 : memref<4096xf32, #tpu.memory_space<hbm>>) target(%dma_start3A_152 : memref<4096xf32, #tpu.memory_space<vmem>>) target_semaphore(%arg20 : memref<!tpu.dma_semaphore, #tpu.memory_space<semaphore_mem>>)
    %scan3A = arith.constant 0 : i32
    %scan3A_156 = arith.constant 0 : i32
    %scan3A_157 = arith.constant 256 : i32
    %scan3A_158 = arith.addi %scan3A_156, %scan3A_157 : i32
    %scan3A_159 = arith.constant 2 : i32
    %scan3A_160 = scf.for %scan3A_1719 = %scan3A_156 to %scan3A_158 step %scan3A_159 iter_args(%scan3A_1720 = %scan3A) -> (i32)  : i32 {
      %mul3A_1721 = arith.constant 16 : i32
      %mul3A_1722 = arith.muli %scan3A_1719, %mul3A_1721 : i32
      %add3A_1723 = arith.constant 0 : i32
      %add3A_1724 = arith.addi %add3A_1723, %mul3A_1722 : i32
      %mul3A_1725 = arith.constant 16 : i32
      %mul3A_1726 = arith.muli %scan3A_1719, %mul3A_1725 : i32
      %get3A = arith.index_cast %add3A_1724 : i32 to index
      %get3A_1727 = tpu.vector_load %arg13[%get3A] {strides = array<i32>} : memref<8192xi32, #tpu.memory_space<vmem>>, vector<16xi32>,
      %min3A_1728 = arith.constant 50048 : i32
      %min3A_1729 = vector.broadcast %min3A_1728 : i32 to vector<16xi32>
      %min3A_1730 = arith.minsi %get3A_1727, %min3A_1729 : vector<16xi32>
      %gather3A = tpu.vector_load_idx %arg11[%min3A_1730] : memref<50064xf32, #tpu.memory_space<vmem>>[vector<16xi32>], vector<16xf32>,
      %get3A_1731 = arith.index_cast %add3A_1724 : i32 to index
      %get3A_1732 = tpu.vector_load %arg14[%get3A_1731] {strides = array<i32>} : memref<8192xf32, #tpu.memory_space<vmem>>, vector<16xf32>,
      %mul3A_1733 = arith.mulf %gather3A, %get3A_1732 : vector<16xf32>
      %swap3A_1734 = arith.index_cast %mul3A_1726 : i32 to index
      %swap3A_1735 = tpu.vector_load %arg15[%swap3A_1734] {strides = array<i32>} : memref<4096xf32, #tpu.memory_space<vmem>>, vector<16xf32>,
      tpu.vector_store %arg15[%swap3A_1734], %mul3A_1733 {strides = array<i32>} : memref<4096xf32, #tpu.memory_space<vmem>>, vector<16xf32>,
      %mul3A_1736 = arith.mulf %mul3A_1733, %mul3A_1733 : vector<16xf32>
      %swap3A_1737 = arith.index_cast %mul3A_1726 : i32 to index
      %swap3A_1738 = tpu.vector_load %arg16[%swap3A_1737] {strides = array<i32>} : memref<4096xf32, #tpu.memory_space<vmem>>, vector<16xf32>,
      tpu.vector_store %arg16[%swap3A_1737], %mul3A_1736 {strides = array<i32>} : memref<4096xf32, #tpu.memory_space<vmem>>, vector<16xf32>,
      %scan3A_1739 = arith.constant 0 : i32
      %scan3A_1740 = arith.constant 1 : i32
      %scan3A_1741 = arith.addi %scan3A_1719, %scan3A_1740 : i32
      %mul3A_1742 = arith.constant 16 : i32
      %mul3A_1743 = arith.muli %scan3A_1741, %mul3A_1742 : i32
      %add3A_1744 = arith.constant 0 : i32
      %add3A_1745 = arith.addi %add3A_1744, %mul3A_1743 : i32
      %mul3A_1746 = arith.constant 16 : i32
      %mul3A_1747 = arith.muli %scan3A_1741, %mul3A_1746 : i32
      %get3A_1748 = arith.index_cast %add3A_1745 : i32 to index
      %get3A_1749 = tpu.vector_load %arg13[%get3A_1748] {strides = array<i32>} : memref<8192xi32, #tpu.memory_space<vmem>>, vector<16xi32>,
      %min3A_1750 = arith.constant 50048 : i32
      %min3A_1751 = vector.broadcast %min3A_1750 : i32 to vector<16xi32>
      %min3A_1752 = arith.minsi %get3A_1749, %min3A_1751 : vector<16xi32>
      %gather3A_1753 = tpu.vector_load_idx %arg11[%min3A_1752] : memref<50064xf32, #tpu.memory_space<vmem>>[vector<16xi32>], vector<16xf32>,
      %get3A_1754 = arith.index_cast %add3A_1745 : i32 to index
      %get3A_1755 = tpu.vector_load %arg14[%get3A_1754] {strides = array<i32>} : memref<8192xf32, #tpu.memory_space<vmem>>, vector<16xf32>,
      %mul3A_1756 = arith.mulf %gather3A_1753, %get3A_1755 : vector<16xf32>
      %swap3A_1757 = arith.index_cast %mul3A_1747 : i32 to index
      %swap3A_1758 = tpu.vector_load %arg15[%swap3A_1757] {strides = array<i32>} : memref<4096xf32, #tpu.memory_space<vmem>>, vector<16xf32>,
      tpu.vector_store %arg15[%swap3A_1757], %mul3A_1756 {strides = array<i32>} : memref<4096xf32, #tpu.memory_space<vmem>>, vector<16xf32>,
      %mul3A_1759 = arith.mulf %mul3A_1756, %mul3A_1756 : vector<16xf32>
      %swap3A_1760 = arith.index_cast %mul3A_1747 : i32 to index
      %swap3A_1761 = tpu.vector_load %arg16[%swap3A_1760] {strides = array<i32>} : memref<4096xf32, #tpu.memory_space<vmem>>, vector<16xf32>,
      tpu.vector_store %arg16[%swap3A_1760], %mul3A_1759 {strides = array<i32>} : memref<4096xf32, #tpu.memory_space<vmem>>, vector<16xf32>,
      %scan3A_1762 = arith.constant 0 : i32
      scf.yield %scan3A_1762 : i32
    }
    %scan3A_161 = arith.constant 256 : i32
    %mul3A_162 = arith.constant 13 : i32
    %mul3A_163 = arith.muli %select_n3A_30, %mul3A_162 : i32
    %add3A_164 = arith.constant 1 : i32
    %add3A_165 = arith.addi %mul3A_163, %add3A_164 : i32
    %dma_start3A_166 = arith.constant 0 : i32
    %dma_start3A_167 = tpu.memref_slice %arg11[%dma_start3A_166] : memref<50064xf32, #tpu.memory_space<vmem>> -> memref<50048xf32, #tpu.memory_space<vmem>>
    %dma_start3A_168 = arith.constant 0 : i32
    %dma_start3A_169 = tpu.memref_slice %arg2[%add3A_165, %select_n3A_9, %dma_start3A_168] : memref<26x16x100000xf32, #tpu.memory_space<hbm>> -> memref<1x1x50048xf32, #tpu.memory_space<hbm>>
    %dma_start3A_170 = tpu.memref_squeeze %dma_start3A_169 : memref<1x1x50048xf32, #tpu.memory_space<hbm>> -> memref<50048xf32, #tpu.memory_space<hbm>>
    %dma_start3A_171 = arith.constant 0 : i32
    %dma_start3A_172 = tpu.memref_slice %arg11[%dma_start3A_171] : memref<50064xf32, #tpu.memory_space<vmem>> -> memref<50048xf32, #tpu.memory_space<vmem>>
    %dma_start3A_173 = arith.constant 0 : i32
    %dma_start3A_174 = tpu.memref_slice %arg2[%add3A_165, %select_n3A_9, %dma_start3A_173] : memref<26x16x100000xf32, #tpu.memory_space<hbm>> -> memref<1x1x50048xf32, #tpu.memory_space<hbm>>
    %dma_start3A_175 = tpu.memref_squeeze %dma_start3A_174 : memref<1x1x50048xf32, #tpu.memory_space<hbm>> -> memref<50048xf32, #tpu.memory_space<hbm>>
    tpu.enqueue_dma source(%dma_start3A_175 : memref<50048xf32, #tpu.memory_space<hbm>>) target(%dma_start3A_172 : memref<50048xf32, #tpu.memory_space<vmem>>) target_semaphore(%arg18 : memref<!tpu.dma_semaphore, #tpu.memory_space<semaphore_mem>>)
    %dma_wait3A_176 = arith.constant 128 : i32
    %dma_wait3A_177 = tpu.memref_slice %arg12[%dma_wait3A_176] : memref<50176xf32, #tpu.memory_space<vmem>> -> memref<49920xf32, #tpu.memory_space<vmem>>
    %dma_wait3A_178 = arith.constant 50048 : i32
    %dma_wait3A_179 = tpu.memref_slice %arg2[%add3A_103, %select_n3A_9, %dma_wait3A_178] : memref<26x16x100000xf32, #tpu.memory_space<hbm>> -> memref<1x1x49920xf32, #tpu.memory_space<hbm>>
    %dma_wait3A_180 = tpu.memref_squeeze %dma_wait3A_179 : memref<1x1x49920xf32, #tpu.memory_space<hbm>> -> memref<49920xf32, #tpu.memory_space<hbm>>
    %dma_wait3A_181 = arith.constant 128 : i32
    %dma_wait3A_182 = tpu.memref_slice %arg12[%dma_wait3A_181] : memref<50176xf32, #tpu.memory_space<vmem>> -> memref<49920xf32, #tpu.memory_space<vmem>>
    %dma_wait3A_183 = arith.constant 50048 : i32
    %dma_wait3A_184 = tpu.memref_slice %arg2[%add3A_103, %select_n3A_9, %dma_wait3A_183] : memref<26x16x100000xf32, #tpu.memory_space<hbm>> -> memref<1x1x49920xf32, #tpu.memory_space<hbm>>
    %dma_wait3A_185 = tpu.memref_squeeze %dma_wait3A_184 : memref<1x1x49920xf32, #tpu.memory_space<hbm>> -> memref<49920xf32, #tpu.memory_space<hbm>>
    tpu.wait_dma2 semaphore(%arg19 : memref<!tpu.dma_semaphore, #tpu.memory_space<semaphore_mem>>) src(%dma_wait3A_185 : memref<49920xf32, #tpu.memory_space<hbm>>) dst(%dma_wait3A_182 : memref<49920xf32, #tpu.memory_space<vmem>>)
    %dma_wait3A_186 = arith.constant 50048 : i32
    %dma_wait3A_187 = tpu.memref_slice %arg12[%dma_wait3A_186] : memref<50176xf32, #tpu.memory_space<vmem>> -> memref<128xf32, #tpu.memory_space<vmem>>
    %dma_wait3A_188 = arith.constant 0 : i32
    %dma_wait3A_189 = tpu.memref_slice %arg6[%add3A_103, %select_n3A_9, %dma_wait3A_188] : memref<26x16x128xf32, #tpu.memory_space<hbm>> -> memref<1x1x128xf32, #tpu.memory_space<hbm>>
    %dma_wait3A_190 = tpu.memref_squeeze %dma_wait3A_189 : memref<1x1x128xf32, #tpu.memory_space<hbm>> -> memref<128xf32, #tpu.memory_space<hbm>>
    %dma_wait3A_191 = arith.constant 50048 : i32
    %dma_wait3A_192 = tpu.memref_slice %arg12[%dma_wait3A_191] : memref<50176xf32, #tpu.memory_space<vmem>> -> memref<128xf32, #tpu.memory_space<vmem>>
    %dma_wait3A_193 = arith.constant 0 : i32
    %dma_wait3A_194 = tpu.memref_slice %arg6[%add3A_103, %select_n3A_9, %dma_wait3A_193] : memref<26x16x128xf32, #tpu.memory_space<hbm>> -> memref<1x1x128xf32, #tpu.memory_space<hbm>>
    %dma_wait3A_195 = tpu.memref_squeeze %dma_wait3A_194 : memref<1x1x128xf32, #tpu.memory_space<hbm>> -> memref<128xf32, #tpu.memory_space<hbm>>
    tpu.wait_dma2 semaphore(%arg19 : memref<!tpu.dma_semaphore, #tpu.memory_space<semaphore_mem>>) src(%dma_wait3A_195 : memref<128xf32, #tpu.memory_space<hbm>>) dst(%dma_wait3A_192 : memref<128xf32, #tpu.memory_space<vmem>>)
    %scan3A_196 = arith.constant 0 : i32
    %scan3A_197 = arith.constant 0 : i32
    %scan3A_198 = arith.constant 256 : i32
    %scan3A_199 = arith.addi %scan3A_197, %scan3A_198 : i32
    %scan3A_200 = arith.constant 2 : i32
    %scan3A_201 = scf.for %scan3A_1719 = %scan3A_197 to %scan3A_199 step %scan3A_200 iter_args(%scan3A_1720 = %scan3A_196) -> (i32)  : i32 {
      %mul3A_1721 = arith.constant 16 : i32
      %mul3A_1722 = arith.muli %scan3A_1719, %mul3A_1721 : i32
      %add3A_1723 = arith.constant 0 : i32
      %add3A_1724 = arith.addi %add3A_1723, %mul3A_1722 : i32
      %mul3A_1725 = arith.constant 16 : i32
      %mul3A_1726 = arith.muli %scan3A_1719, %mul3A_1725 : i32
      %get3A = arith.index_cast %add3A_1724 : i32 to index
      %get3A_1727 = tpu.vector_load %arg13[%get3A] {strides = array<i32>} : memref<8192xi32, #tpu.memory_space<vmem>>, vector<16xi32>,
      %sub3A_1728 = arith.constant 49920 : i32
      %sub3A_1729 = vector.broadcast %sub3A_1728 : i32 to vector<16xi32>
      %sub3A_1730 = arith.subi %get3A_1727, %sub3A_1729 : vector<16xi32>
      %max3A = arith.constant 0 : i32
      %max3A_1731 = vector.broadcast %max3A : i32 to vector<16xi32>
      %max3A_1732 = arith.maxsi %sub3A_1730, %max3A_1731 : vector<16xi32>
      %add3A_1733 = arith.constant 96 : i32
      %add3A_1734 = vector.broadcast %add3A_1733 : i32 to vector<16xi32>
      %add3A_1735 = arith.addi %sub3A_1730, %add3A_1734 : vector<16xi32>
      %ge3A = arith.constant 50048 : i32
      %ge3A_1736 = vector.broadcast %ge3A : i32 to vector<16xi32>
      %ge3A_1737 = arith.cmpi sge, %sub3A_1730, %ge3A_1736 : vector<16xi32>
      %select_n3A_1738 = arith.select %ge3A_1737, %add3A_1735, %max3A_1732 : vector<16xi1>, vector<16xi32>
      %gather3A = tpu.vector_load_idx %arg12[%select_n3A_1738] : memref<50176xf32, #tpu.memory_space<vmem>>[vector<16xi32>], vector<16xf32>,
      %get3A_1739 = arith.index_cast %add3A_1724 : i32 to index
      %get3A_1740 = tpu.vector_load %arg14[%get3A_1739] {strides = array<i32>} : memref<8192xf32, #tpu.memory_space<vmem>>, vector<16xf32>,
      %mul3A_1741 = arith.mulf %gather3A, %get3A_1740 : vector<16xf32>
      %swap3A_1742 = arith.index_cast %mul3A_1726 : i32 to index
      %swap3A_1743 = tpu.vector_load %arg15[%swap3A_1742] {strides = array<i32>} : memref<4096xf32, #tpu.memory_space<vmem>>, vector<16xf32>,
      tpu.vector_store %arg15[%swap3A_1742], %mul3A_1741 {add = true, strides = array<i32>} : memref<4096xf32, #tpu.memory_space<vmem>>, vector<16xf32>,
      %mul3A_1744 = arith.mulf %mul3A_1741, %mul3A_1741 : vector<16xf32>
      %swap3A_1745 = arith.index_cast %mul3A_1726 : i32 to index
      %swap3A_1746 = tpu.vector_load %arg16[%swap3A_1745] {strides = array<i32>} : memref<4096xf32, #tpu.memory_space<vmem>>, vector<16xf32>,
      tpu.vector_store %arg16[%swap3A_1745], %mul3A_1744 {add = true, strides = array<i32>} : memref<4096xf32, #tpu.memory_space<vmem>>, vector<16xf32>,
      %scan3A_1747 = arith.constant 0 : i32
      %scan3A_1748 = arith.constant 1 : i32
      %scan3A_1749 = arith.addi %scan3A_1719, %scan3A_1748 : i32
      %mul3A_1750 = arith.constant 16 : i32
      %mul3A_1751 = arith.muli %scan3A_1749, %mul3A_1750 : i32
      %add3A_1752 = arith.constant 0 : i32
      %add3A_1753 = arith.addi %add3A_1752, %mul3A_1751 : i32
      %mul3A_1754 = arith.constant 16 : i32
      %mul3A_1755 = arith.muli %scan3A_1749, %mul3A_1754 : i32
      %get3A_1756 = arith.index_cast %add3A_1753 : i32 to index
      %get3A_1757 = tpu.vector_load %arg13[%get3A_1756] {strides = array<i32>} : memref<8192xi32, #tpu.memory_space<vmem>>, vector<16xi32>,
      %sub3A_1758 = arith.constant 49920 : i32
      %sub3A_1759 = vector.broadcast %sub3A_1758 : i32 to vector<16xi32>
      %sub3A_1760 = arith.subi %get3A_1757, %sub3A_1759 : vector<16xi32>
      %max3A_1761 = arith.constant 0 : i32
      %max3A_1762 = vector.broadcast %max3A_1761 : i32 to vector<16xi32>
      %max3A_1763 = arith.maxsi %sub3A_1760, %max3A_1762 : vector<16xi32>
      %add3A_1764 = arith.constant 96 : i32
      %add3A_1765 = vector.broadcast %add3A_1764 : i32 to vector<16xi32>
      %add3A_1766 = arith.addi %sub3A_1760, %add3A_1765 : vector<16xi32>
      %ge3A_1767 = arith.constant 50048 : i32
      %ge3A_1768 = vector.broadcast %ge3A_1767 : i32 to vector<16xi32>
      %ge3A_1769 = arith.cmpi sge, %sub3A_1760, %ge3A_1768 : vector<16xi32>
      %select_n3A_1770 = arith.select %ge3A_1769, %add3A_1766, %max3A_1763 : vector<16xi1>, vector<16xi32>
      %gather3A_1771 = tpu.vector_load_idx %arg12[%select_n3A_1770] : memref<50176xf32, #tpu.memory_space<vmem>>[vector<16xi32>], vector<16xf32>,
      %get3A_1772 = arith.index_cast %add3A_1753 : i32 to index
      %get3A_1773 = tpu.vector_load %arg14[%get3A_1772] {strides = array<i32>} : memref<8192xf32, #tpu.memory_space<vmem>>, vector<16xf32>,
      %mul3A_1774 = arith.mulf %gather3A_1771, %get3A_1773 : vector<16xf32>
      %swap3A_1775 = arith.index_cast %mul3A_1755 : i32 to index
      %swap3A_1776 = tpu.vector_load %arg15[%swap3A_1775] {strides = array<i32>} : memref<4096xf32, #tpu.memory_space<vmem>>, vector<16xf32>,
      tpu.vector_store %arg15[%swap3A_1775], %mul3A_1774 {add = true, strides = array<i32>} : memref<4096xf32, #tpu.memory_space<vmem>>, vector<16xf32>,
      %mul3A_1777 = arith.mulf %mul3A_1774, %mul3A_1774 : vector<16xf32>
      %swap3A_1778 = arith.index_cast %mul3A_1755 : i32 to index
      %swap3A_1779 = tpu.vector_load %arg16[%swap3A_1778] {strides = array<i32>} : memref<4096xf32, #tpu.memory_space<vmem>>, vector<16xf32>,
      tpu.vector_store %arg16[%swap3A_1778], %mul3A_1777 {add = true, strides = array<i32>} : memref<4096xf32, #tpu.memory_space<vmem>>, vector<16xf32>,
      %scan3A_1780 = arith.constant 0 : i32
      scf.yield %scan3A_1780 : i32
    }
    %scan3A_202 = arith.constant 256 : i32
    %dma_wait3A_203 = arith.constant 4096 : i32
    %dma_wait3A_204 = tpu.memref_slice %arg13[%dma_wait3A_203] : memref<8192xi32, #tpu.memory_space<vmem>> -> memref<4096xi32, #tpu.memory_space<vmem>>
    %dma_wait3A_205 = tpu.memref_slice %arg4[%mul3A_139] : memref<106496xi32, #tpu.memory_space<hbm>> -> memref<4096xi32, #tpu.memory_space<hbm>>
    %dma_wait3A_206 = arith.constant 4096 : i32
    %dma_wait3A_207 = tpu.memref_slice %arg13[%dma_wait3A_206] : memref<8192xi32, #tpu.memory_space<vmem>> -> memref<4096xi32, #tpu.memory_space<vmem>>
    %dma_wait3A_208 = tpu.memref_slice %arg4[%mul3A_139] : memref<106496xi32, #tpu.memory_space<hbm>> -> memref<4096xi32, #tpu.memory_space<hbm>>
    tpu.wait_dma2 semaphore(%arg20 : memref<!tpu.dma_semaphore, #tpu.memory_space<semaphore_mem>>) src(%dma_wait3A_208 : memref<4096xi32, #tpu.memory_space<hbm>>) dst(%dma_wait3A_207 : memref<4096xi32, #tpu.memory_space<vmem>>)
    %dma_wait3A_209 = arith.constant 4096 : i32
    %dma_wait3A_210 = tpu.memref_slice %arg14[%dma_wait3A_209] : memref<8192xf32, #tpu.memory_space<vmem>> -> memref<4096xf32, #tpu.memory_space<vmem>>
    %dma_wait3A_211 = arith.constant 0 : i32
    %dma_wait3A_212 = tpu.memref_slice %arg5[%add3A_137, %dma_wait3A_211] : memref<26x4096xf32, #tpu.memory_space<hbm>> -> memref<1x4096xf32, #tpu.memory_space<hbm>>
    %dma_wait3A_213 = tpu.memref_squeeze %dma_wait3A_212 : memref<1x4096xf32, #tpu.memory_space<hbm>> -> memref<4096xf32, #tpu.memory_space<hbm>>
    %dma_wait3A_214 = arith.constant 4096 : i32
    %dma_wait3A_215 = tpu.memref_slice %arg14[%dma_wait3A_214] : memref<8192xf32, #tpu.memory_space<vmem>> -> memref<4096xf32, #tpu.memory_space<vmem>>
    %dma_wait3A_216 = arith.constant 0 : i32
    %dma_wait3A_217 = tpu.memref_slice %arg5[%add3A_137, %dma_wait3A_216] : memref<26x4096xf32, #tpu.memory_space<hbm>> -> memref<1x4096xf32, #tpu.memory_space<hbm>>
    %dma_wait3A_218 = tpu.memref_squeeze %dma_wait3A_217 : memref<1x4096xf32, #tpu.memory_space<hbm>> -> memref<4096xf32, #tpu.memory_space<hbm>>
    tpu.wait_dma2 semaphore(%arg20 : memref<!tpu.dma_semaphore, #tpu.memory_space<semaphore_mem>>) src(%dma_wait3A_218 : memref<4096xf32, #tpu.memory_space<hbm>>) dst(%dma_wait3A_215 : memref<4096xf32, #tpu.memory_space<vmem>>)
    %mul3A_219 = arith.constant 13 : i32
    %mul3A_220 = arith.muli %select_n3A_30, %mul3A_219 : i32
    %add3A_221 = arith.constant 1 : i32
    %add3A_222 = arith.addi %mul3A_220, %add3A_221 : i32
    %dma_start3A_223 = arith.constant 128 : i32
    %dma_start3A_224 = tpu.memref_slice %arg12[%dma_start3A_223] : memref<50176xf32, #tpu.memory_space<vmem>> -> memref<49920xf32, #tpu.memory_space<vmem>>
    %dma_start3A_225 = arith.constant 50048 : i32
    %dma_start3A_226 = tpu.memref_slice %arg2[%add3A_222, %select_n3A_9, %dma_start3A_225] : memref<26x16x100000xf32, #tpu.memory_space<hbm>> -> memref<1x1x49920xf32, #tpu.memory_space<hbm>>
    %dma_start3A_227 = tpu.memref_squeeze %dma_start3A_226 : memref<1x1x49920xf32, #tpu.memory_space<hbm>> -> memref<49920xf32, #tpu.memory_space<hbm>>
    %dma_start3A_228 = arith.constant 128 : i32
    %dma_start3A_229 = tpu.memref_slice %arg12[%dma_start3A_228] : memref<50176xf32, #tpu.memory_space<vmem>> -> memref<49920xf32, #tpu.memory_space<vmem>>
    %dma_start3A_230 = arith.constant 50048 : i32
    %dma_start3A_231 = tpu.memref_slice %arg2[%add3A_222, %select_n3A_9, %dma_start3A_230] : memref<26x16x100000xf32, #tpu.memory_space<hbm>> -> memref<1x1x49920xf32, #tpu.memory_space<hbm>>
    %dma_start3A_232 = tpu.memref_squeeze %dma_start3A_231 : memref<1x1x49920xf32, #tpu.memory_space<hbm>> -> memref<49920xf32, #tpu.memory_space<hbm>>
    tpu.enqueue_dma source(%dma_start3A_232 : memref<49920xf32, #tpu.memory_space<hbm>>) target(%dma_start3A_229 : memref<49920xf32, #tpu.memory_space<vmem>>) target_semaphore(%arg19 : memref<!tpu.dma_semaphore, #tpu.memory_space<semaphore_mem>>)
    %dma_start3A_233 = arith.constant 50048 : i32
    %dma_start3A_234 = tpu.memref_slice %arg12[%dma_start3A_233] : memref<50176xf32, #tpu.memory_space<vmem>> -> memref<128xf32, #tpu.memory_space<vmem>>
    %dma_start3A_235 = arith.constant 0 : i32
    %dma_start3A_236 = tpu.memref_slice %arg6[%add3A_222, %select_n3A_9, %dma_start3A_235] : memref<26x16x128xf32, #tpu.memory_space<hbm>> -> memref<1x1x128xf32, #tpu.memory_space<hbm>>
    %dma_start3A_237 = tpu.memref_squeeze %dma_start3A_236 : memref<1x1x128xf32, #tpu.memory_space<hbm>> -> memref<128xf32, #tpu.memory_space<hbm>>
    %dma_start3A_238 = arith.constant 50048 : i32
    %dma_start3A_239 = tpu.memref_slice %arg12[%dma_start3A_238] : memref<50176xf32, #tpu.memory_space<vmem>> -> memref<128xf32, #tpu.memory_space<vmem>>
    %dma_start3A_240 = arith.constant 0 : i32
    %dma_start3A_241 = tpu.memref_slice %arg6[%add3A_222, %select_n3A_9, %dma_start3A_240] : memref<26x16x128xf32, #tpu.memory_space<hbm>> -> memref<1x1x128xf32, #tpu.memory_space<hbm>>
    %dma_start3A_242 = tpu.memref_squeeze %dma_start3A_241 : memref<1x1x128xf32, #tpu.memory_space<hbm>> -> memref<128xf32, #tpu.memory_space<hbm>>
    tpu.enqueue_dma source(%dma_start3A_242 : memref<128xf32, #tpu.memory_space<hbm>>) target(%dma_start3A_239 : memref<128xf32, #tpu.memory_space<vmem>>) target_semaphore(%arg19 : memref<!tpu.dma_semaphore, #tpu.memory_space<semaphore_mem>>)
    %dma_wait3A_243 = arith.constant 0 : i32
    %dma_wait3A_244 = tpu.memref_slice %arg11[%dma_wait3A_243] : memref<50064xf32, #tpu.memory_space<vmem>> -> memref<50048xf32, #tpu.memory_space<vmem>>
    %dma_wait3A_245 = arith.constant 0 : i32
    %dma_wait3A_246 = tpu.memref_slice %arg2[%add3A_165, %select_n3A_9, %dma_wait3A_245] : memref<26x16x100000xf32, #tpu.memory_space<hbm>> -> memref<1x1x50048xf32, #tpu.memory_space<hbm>>
    %dma_wait3A_247 = tpu.memref_squeeze %dma_wait3A_246 : memref<1x1x50048xf32, #tpu.memory_space<hbm>> -> memref<50048xf32, #tpu.memory_space<hbm>>
    %dma_wait3A_248 = arith.constant 0 : i32
    %dma_wait3A_249 = tpu.memref_slice %arg11[%dma_wait3A_248] : memref<50064xf32, #tpu.memory_space<vmem>> -> memref<50048xf32, #tpu.memory_space<vmem>>
    %dma_wait3A_250 = arith.constant 0 : i32
    %dma_wait3A_251 = tpu.memref_slice %arg2[%add3A_165, %select_n3A_9, %dma_wait3A_250] : memref<26x16x100000xf32, #tpu.memory_space<hbm>> -> memref<1x1x50048xf32, #tpu.memory_space<hbm>>
    %dma_wait3A_252 = tpu.memref_squeeze %dma_wait3A_251 : memref<1x1x50048xf32, #tpu.memory_space<hbm>> -> memref<50048xf32, #tpu.memory_space<hbm>>
    tpu.wait_dma2 semaphore(%arg18 : memref<!tpu.dma_semaphore, #tpu.memory_space<semaphore_mem>>) src(%dma_wait3A_252 : memref<50048xf32, #tpu.memory_space<hbm>>) dst(%dma_wait3A_249 : memref<50048xf32, #tpu.memory_space<vmem>>)
    %mul3A_253 = arith.constant 13 : i32
    %mul3A_254 = arith.muli %select_n3A_30, %mul3A_253 : i32
    %add3A_255 = arith.constant 2 : i32
    %add3A_256 = arith.addi %mul3A_254, %add3A_255 : i32
    %mul3A_257 = arith.constant 4096 : i32
    %mul3A_258 = arith.muli %add3A_256, %mul3A_257 : i32
    %dma_start3A_259 = arith.constant 0 : i32
    %dma_start3A_260 = tpu.memref_slice %arg13[%dma_start3A_259] : memref<8192xi32, #tpu.memory_space<vmem>> -> memref<4096xi32, #tpu.memory_space<vmem>>
    %dma_start3A_261 = tpu.memref_slice %arg4[%mul3A_258] : memref<106496xi32, #tpu.memory_space<hbm>> -> memref<4096xi32, #tpu.memory_space<hbm>>
    %dma_start3A_262 = arith.constant 0 : i32
    %dma_start3A_263 = tpu.memref_slice %arg13[%dma_start3A_262] : memref<8192xi32, #tpu.memory_space<vmem>> -> memref<4096xi32, #tpu.memory_space<vmem>>
    %dma_start3A_264 = tpu.memref_slice %arg4[%mul3A_258] : memref<106496xi32, #tpu.memory_space<hbm>> -> memref<4096xi32, #tpu.memory_space<hbm>>
    tpu.enqueue_dma source(%dma_start3A_264 : memref<4096xi32, #tpu.memory_space<hbm>>) target(%dma_start3A_263 : memref<4096xi32, #tpu.memory_space<vmem>>) target_semaphore(%arg20 : memref<!tpu.dma_semaphore, #tpu.memory_space<semaphore_mem>>)
    %dma_start3A_265 = arith.constant 0 : i32
    %dma_start3A_266 = tpu.memref_slice %arg14[%dma_start3A_265] : memref<8192xf32, #tpu.memory_space<vmem>> -> memref<4096xf32, #tpu.memory_space<vmem>>
    %dma_start3A_267 = arith.constant 0 : i32
    %dma_start3A_268 = tpu.memref_slice %arg5[%add3A_256, %dma_start3A_267] : memref<26x4096xf32, #tpu.memory_space<hbm>> -> memref<1x4096xf32, #tpu.memory_space<hbm>>
    %dma_start3A_269 = tpu.memref_squeeze %dma_start3A_268 : memref<1x4096xf32, #tpu.memory_space<hbm>> -> memref<4096xf32, #tpu.memory_space<hbm>>
    %dma_start3A_270 = arith.constant 0 : i32
    %dma_start3A_271 = tpu.memref_slice %arg14[%dma_start3A_270] : memref<8192xf32, #tpu.memory_space<vmem>> -> memref<4096xf32, #tpu.memory_space<vmem>>
    %dma_start3A_272 = arith.constant 0 : i32
    %dma_start3A_273 = tpu.memref_slice %arg5[%add3A_256, %dma_start3A_272] : memref<26x4096xf32, #tpu.memory_space<hbm>> -> memref<1x4096xf32, #tpu.memory_space<hbm>>
    %dma_start3A_274 = tpu.memref_squeeze %dma_start3A_273 : memref<1x4096xf32, #tpu.memory_space<hbm>> -> memref<4096xf32, #tpu.memory_space<hbm>>
    tpu.enqueue_dma source(%dma_start3A_274 : memref<4096xf32, #tpu.memory_space<hbm>>) target(%dma_start3A_271 : memref<4096xf32, #tpu.memory_space<vmem>>) target_semaphore(%arg20 : memref<!tpu.dma_semaphore, #tpu.memory_space<semaphore_mem>>)
    %scan3A_275 = arith.constant 0 : i32
    %scan3A_276 = arith.constant 0 : i32
    %scan3A_277 = arith.constant 256 : i32
    %scan3A_278 = arith.addi %scan3A_276, %scan3A_277 : i32
    %scan3A_279 = arith.constant 2 : i32
    %scan3A_280 = scf.for %scan3A_1719 = %scan3A_276 to %scan3A_278 step %scan3A_279 iter_args(%scan3A_1720 = %scan3A_275) -> (i32)  : i32 {
      %mul3A_1721 = arith.constant 16 : i32
      %mul3A_1722 = arith.muli %scan3A_1719, %mul3A_1721 : i32
      %add3A_1723 = arith.constant 4096 : i32
      %add3A_1724 = arith.addi %add3A_1723, %mul3A_1722 : i32
      %mul3A_1725 = arith.constant 16 : i32
      %mul3A_1726 = arith.muli %scan3A_1719, %mul3A_1725 : i32
      %get3A = arith.index_cast %add3A_1724 : i32 to index
      %get3A_1727 = tpu.vector_load %arg13[%get3A] {strides = array<i32>} : memref<8192xi32, #tpu.memory_space<vmem>>, vector<16xi32>,
      %min3A_1728 = arith.constant 50048 : i32
      %min3A_1729 = vector.broadcast %min3A_1728 : i32 to vector<16xi32>
      %min3A_1730 = arith.minsi %get3A_1727, %min3A_1729 : vector<16xi32>
      %gather3A = tpu.vector_load_idx %arg11[%min3A_1730] : memref<50064xf32, #tpu.memory_space<vmem>>[vector<16xi32>], vector<16xf32>,
      %get3A_1731 = arith.index_cast %add3A_1724 : i32 to index
      %get3A_1732 = tpu.vector_load %arg14[%get3A_1731] {strides = array<i32>} : memref<8192xf32, #tpu.memory_space<vmem>>, vector<16xf32>,
      %mul3A_1733 = arith.mulf %gather3A, %get3A_1732 : vector<16xf32>
      %swap3A_1734 = arith.index_cast %mul3A_1726 : i32 to index
      %swap3A_1735 = tpu.vector_load %arg15[%swap3A_1734] {strides = array<i32>} : memref<4096xf32, #tpu.memory_space<vmem>>, vector<16xf32>,
      tpu.vector_store %arg15[%swap3A_1734], %mul3A_1733 {add = true, strides = array<i32>} : memref<4096xf32, #tpu.memory_space<vmem>>, vector<16xf32>,
      %mul3A_1736 = arith.mulf %mul3A_1733, %mul3A_1733 : vector<16xf32>
      %swap3A_1737 = arith.index_cast %mul3A_1726 : i32 to index
      %swap3A_1738 = tpu.vector_load %arg16[%swap3A_1737] {strides = array<i32>} : memref<4096xf32, #tpu.memory_space<vmem>>, vector<16xf32>,
      tpu.vector_store %arg16[%swap3A_1737], %mul3A_1736 {add = true, strides = array<i32>} : memref<4096xf32, #tpu.memory_space<vmem>>, vector<16xf32>,
      %scan3A_1739 = arith.constant 0 : i32
      %scan3A_1740 = arith.constant 1 : i32
      %scan3A_1741 = arith.addi %scan3A_1719, %scan3A_1740 : i32
      %mul3A_1742 = arith.constant 16 : i32
      %mul3A_1743 = arith.muli %scan3A_1741, %mul3A_1742 : i32
      %add3A_1744 = arith.constant 4096 : i32
      %add3A_1745 = arith.addi %add3A_1744, %mul3A_1743 : i32
      %mul3A_1746 = arith.constant 16 : i32
      %mul3A_1747 = arith.muli %scan3A_1741, %mul3A_1746 : i32
      %get3A_1748 = arith.index_cast %add3A_1745 : i32 to index
      %get3A_1749 = tpu.vector_load %arg13[%get3A_1748] {strides = array<i32>} : memref<8192xi32, #tpu.memory_space<vmem>>, vector<16xi32>,
      %min3A_1750 = arith.constant 50048 : i32
      %min3A_1751 = vector.broadcast %min3A_1750 : i32 to vector<16xi32>
      %min3A_1752 = arith.minsi %get3A_1749, %min3A_1751 : vector<16xi32>
      %gather3A_1753 = tpu.vector_load_idx %arg11[%min3A_1752] : memref<50064xf32, #tpu.memory_space<vmem>>[vector<16xi32>], vector<16xf32>,
      %get3A_1754 = arith.index_cast %add3A_1745 : i32 to index
      %get3A_1755 = tpu.vector_load %arg14[%get3A_1754] {strides = array<i32>} : memref<8192xf32, #tpu.memory_space<vmem>>, vector<16xf32>,
      %mul3A_1756 = arith.mulf %gather3A_1753, %get3A_1755 : vector<16xf32>
      %swap3A_1757 = arith.index_cast %mul3A_1747 : i32 to index
      %swap3A_1758 = tpu.vector_load %arg15[%swap3A_1757] {strides = array<i32>} : memref<4096xf32, #tpu.memory_space<vmem>>, vector<16xf32>,
      tpu.vector_store %arg15[%swap3A_1757], %mul3A_1756 {add = true, strides = array<i32>} : memref<4096xf32, #tpu.memory_space<vmem>>, vector<16xf32>,
      %mul3A_1759 = arith.mulf %mul3A_1756, %mul3A_1756 : vector<16xf32>
      %swap3A_1760 = arith.index_cast %mul3A_1747 : i32 to index
      %swap3A_1761 = tpu.vector_load %arg16[%swap3A_1760] {strides = array<i32>} : memref<4096xf32, #tpu.memory_space<vmem>>, vector<16xf32>,
      tpu.vector_store %arg16[%swap3A_1760], %mul3A_1759 {add = true, strides = array<i32>} : memref<4096xf32, #tpu.memory_space<vmem>>, vector<16xf32>,
      %scan3A_1762 = arith.constant 0 : i32
      scf.yield %scan3A_1762 : i32
    }
    %scan3A_281 = arith.constant 256 : i32
    %mul3A_282 = arith.constant 13 : i32
    %mul3A_283 = arith.muli %select_n3A_30, %mul3A_282 : i32
    %add3A_284 = arith.constant 2 : i32
    %add3A_285 = arith.addi %mul3A_283, %add3A_284 : i32
    %dma_start3A_286 = arith.constant 0 : i32
    %dma_start3A_287 = tpu.memref_slice %arg11[%dma_start3A_286] : memref<50064xf32, #tpu.memory_space<vmem>> -> memref<50048xf32, #tpu.memory_space<vmem>>
    %dma_start3A_288 = arith.constant 0 : i32
    %dma_start3A_289 = tpu.memref_slice %arg2[%add3A_285, %select_n3A_9, %dma_start3A_288] : memref<26x16x100000xf32, #tpu.memory_space<hbm>> -> memref<1x1x50048xf32, #tpu.memory_space<hbm>>
    %dma_start3A_290 = tpu.memref_squeeze %dma_start3A_289 : memref<1x1x50048xf32, #tpu.memory_space<hbm>> -> memref<50048xf32, #tpu.memory_space<hbm>>
    %dma_start3A_291 = arith.constant 0 : i32
    %dma_start3A_292 = tpu.memref_slice %arg11[%dma_start3A_291] : memref<50064xf32, #tpu.memory_space<vmem>> -> memref<50048xf32, #tpu.memory_space<vmem>>
    %dma_start3A_293 = arith.constant 0 : i32
    %dma_start3A_294 = tpu.memref_slice %arg2[%add3A_285, %select_n3A_9, %dma_start3A_293] : memref<26x16x100000xf32, #tpu.memory_space<hbm>> -> memref<1x1x50048xf32, #tpu.memory_space<hbm>>
    %dma_start3A_295 = tpu.memref_squeeze %dma_start3A_294 : memref<1x1x50048xf32, #tpu.memory_space<hbm>> -> memref<50048xf32, #tpu.memory_space<hbm>>
    tpu.enqueue_dma source(%dma_start3A_295 : memref<50048xf32, #tpu.memory_space<hbm>>) target(%dma_start3A_292 : memref<50048xf32, #tpu.memory_space<vmem>>) target_semaphore(%arg18 : memref<!tpu.dma_semaphore, #tpu.memory_space<semaphore_mem>>)
    %dma_wait3A_296 = arith.constant 128 : i32
    %dma_wait3A_297 = tpu.memref_slice %arg12[%dma_wait3A_296] : memref<50176xf32, #tpu.memory_space<vmem>> -> memref<49920xf32, #tpu.memory_space<vmem>>
    %dma_wait3A_298 = arith.constant 50048 : i32
    %dma_wait3A_299 = tpu.memref_slice %arg2[%add3A_222, %select_n3A_9, %dma_wait3A_298] : memref<26x16x100000xf32, #tpu.memory_space<hbm>> -> memref<1x1x49920xf32, #tpu.memory_space<hbm>>
    %dma_wait3A_300 = tpu.memref_squeeze %dma_wait3A_299 : memref<1x1x49920xf32, #tpu.memory_space<hbm>> -> memref<49920xf32, #tpu.memory_space<hbm>>
    %dma_wait3A_301 = arith.constant 128 : i32
    %dma_wait3A_302 = tpu.memref_slice %arg12[%dma_wait3A_301] : memref<50176xf32, #tpu.memory_space<vmem>> -> memref<49920xf32, #tpu.memory_space<vmem>>
    %dma_wait3A_303 = arith.constant 50048 : i32
    %dma_wait3A_304 = tpu.memref_slice %arg2[%add3A_222, %select_n3A_9, %dma_wait3A_303] : memref<26x16x100000xf32, #tpu.memory_space<hbm>> -> memref<1x1x49920xf32, #tpu.memory_space<hbm>>
    %dma_wait3A_305 = tpu.memref_squeeze %dma_wait3A_304 : memref<1x1x49920xf32, #tpu.memory_space<hbm>> -> memref<49920xf32, #tpu.memory_space<hbm>>
    tpu.wait_dma2 semaphore(%arg19 : memref<!tpu.dma_semaphore, #tpu.memory_space<semaphore_mem>>) src(%dma_wait3A_305 : memref<49920xf32, #tpu.memory_space<hbm>>) dst(%dma_wait3A_302 : memref<49920xf32, #tpu.memory_space<vmem>>)
    %dma_wait3A_306 = arith.constant 50048 : i32
    %dma_wait3A_307 = tpu.memref_slice %arg12[%dma_wait3A_306] : memref<50176xf32, #tpu.memory_space<vmem>> -> memref<128xf32, #tpu.memory_space<vmem>>
    %dma_wait3A_308 = arith.constant 0 : i32
    %dma_wait3A_309 = tpu.memref_slice %arg6[%add3A_222, %select_n3A_9, %dma_wait3A_308] : memref<26x16x128xf32, #tpu.memory_space<hbm>> -> memref<1x1x128xf32, #tpu.memory_space<hbm>>
    %dma_wait3A_310 = tpu.memref_squeeze %dma_wait3A_309 : memref<1x1x128xf32, #tpu.memory_space<hbm>> -> memref<128xf32, #tpu.memory_space<hbm>>
    %dma_wait3A_311 = arith.constant 50048 : i32
    %dma_wait3A_312 = tpu.memref_slice %arg12[%dma_wait3A_311] : memref<50176xf32, #tpu.memory_space<vmem>> -> memref<128xf32, #tpu.memory_space<vmem>>
    %dma_wait3A_313 = arith.constant 0 : i32
    %dma_wait3A_314 = tpu.memref_slice %arg6[%add3A_222, %select_n3A_9, %dma_wait3A_313] : memref<26x16x128xf32, #tpu.memory_space<hbm>> -> memref<1x1x128xf32, #tpu.memory_space<hbm>>
    %dma_wait3A_315 = tpu.memref_squeeze %dma_wait3A_314 : memref<1x1x128xf32, #tpu.memory_space<hbm>> -> memref<128xf32, #tpu.memory_space<hbm>>
    tpu.wait_dma2 semaphore(%arg19 : memref<!tpu.dma_semaphore, #tpu.memory_space<semaphore_mem>>) src(%dma_wait3A_315 : memref<128xf32, #tpu.memory_space<hbm>>) dst(%dma_wait3A_312 : memref<128xf32, #tpu.memory_space<vmem>>)
    %scan3A_316 = arith.constant 0 : i32
    %scan3A_317 = arith.constant 0 : i32
    %scan3A_318 = arith.constant 256 : i32
    %scan3A_319 = arith.addi %scan3A_317, %scan3A_318 : i32
    %scan3A_320 = arith.constant 2 : i32
    %scan3A_321 = scf.for %scan3A_1719 = %scan3A_317 to %scan3A_319 step %scan3A_320 iter_args(%scan3A_1720 = %scan3A_316) -> (i32)  : i32 {
      %mul3A_1721 = arith.constant 16 : i32
      %mul3A_1722 = arith.muli %scan3A_1719, %mul3A_1721 : i32
      %add3A_1723 = arith.constant 4096 : i32
      %add3A_1724 = arith.addi %add3A_1723, %mul3A_1722 : i32
      %mul3A_1725 = arith.constant 16 : i32
      %mul3A_1726 = arith.muli %scan3A_1719, %mul3A_1725 : i32
      %get3A = arith.index_cast %add3A_1724 : i32 to index
      %get3A_1727 = tpu.vector_load %arg13[%get3A] {strides = array<i32>} : memref<8192xi32, #tpu.memory_space<vmem>>, vector<16xi32>,
      %sub3A_1728 = arith.constant 49920 : i32
      %sub3A_1729 = vector.broadcast %sub3A_1728 : i32 to vector<16xi32>
      %sub3A_1730 = arith.subi %get3A_1727, %sub3A_1729 : vector<16xi32>
      %max3A = arith.constant 0 : i32
      %max3A_1731 = vector.broadcast %max3A : i32 to vector<16xi32>
      %max3A_1732 = arith.maxsi %sub3A_1730, %max3A_1731 : vector<16xi32>
      %add3A_1733 = arith.constant 96 : i32
      %add3A_1734 = vector.broadcast %add3A_1733 : i32 to vector<16xi32>
      %add3A_1735 = arith.addi %sub3A_1730, %add3A_1734 : vector<16xi32>
      %ge3A = arith.constant 50048 : i32
      %ge3A_1736 = vector.broadcast %ge3A : i32 to vector<16xi32>
      %ge3A_1737 = arith.cmpi sge, %sub3A_1730, %ge3A_1736 : vector<16xi32>
      %select_n3A_1738 = arith.select %ge3A_1737, %add3A_1735, %max3A_1732 : vector<16xi1>, vector<16xi32>
      %gather3A = tpu.vector_load_idx %arg12[%select_n3A_1738] : memref<50176xf32, #tpu.memory_space<vmem>>[vector<16xi32>], vector<16xf32>,
      %get3A_1739 = arith.index_cast %add3A_1724 : i32 to index
      %get3A_1740 = tpu.vector_load %arg14[%get3A_1739] {strides = array<i32>} : memref<8192xf32, #tpu.memory_space<vmem>>, vector<16xf32>,
      %mul3A_1741 = arith.mulf %gather3A, %get3A_1740 : vector<16xf32>
      %swap3A_1742 = arith.index_cast %mul3A_1726 : i32 to index
      %swap3A_1743 = tpu.vector_load %arg15[%swap3A_1742] {strides = array<i32>} : memref<4096xf32, #tpu.memory_space<vmem>>, vector<16xf32>,
      tpu.vector_store %arg15[%swap3A_1742], %mul3A_1741 {add = true, strides = array<i32>} : memref<4096xf32, #tpu.memory_space<vmem>>, vector<16xf32>,
      %mul3A_1744 = arith.mulf %mul3A_1741, %mul3A_1741 : vector<16xf32>
      %swap3A_1745 = arith.index_cast %mul3A_1726 : i32 to index
      %swap3A_1746 = tpu.vector_load %arg16[%swap3A_1745] {strides = array<i32>} : memref<4096xf32, #tpu.memory_space<vmem>>, vector<16xf32>,
      tpu.vector_store %arg16[%swap3A_1745], %mul3A_1744 {add = true, strides = array<i32>} : memref<4096xf32, #tpu.memory_space<vmem>>, vector<16xf32>,
      %scan3A_1747 = arith.constant 0 : i32
      %scan3A_1748 = arith.constant 1 : i32
      %scan3A_1749 = arith.addi %scan3A_1719, %scan3A_1748 : i32
      %mul3A_1750 = arith.constant 16 : i32
      %mul3A_1751 = arith.muli %scan3A_1749, %mul3A_1750 : i32
      %add3A_1752 = arith.constant 4096 : i32
      %add3A_1753 = arith.addi %add3A_1752, %mul3A_1751 : i32
      %mul3A_1754 = arith.constant 16 : i32
      %mul3A_1755 = arith.muli %scan3A_1749, %mul3A_1754 : i32
      %get3A_1756 = arith.index_cast %add3A_1753 : i32 to index
      %get3A_1757 = tpu.vector_load %arg13[%get3A_1756] {strides = array<i32>} : memref<8192xi32, #tpu.memory_space<vmem>>, vector<16xi32>,
      %sub3A_1758 = arith.constant 49920 : i32
      %sub3A_1759 = vector.broadcast %sub3A_1758 : i32 to vector<16xi32>
      %sub3A_1760 = arith.subi %get3A_1757, %sub3A_1759 : vector<16xi32>
      %max3A_1761 = arith.constant 0 : i32
      %max3A_1762 = vector.broadcast %max3A_1761 : i32 to vector<16xi32>
      %max3A_1763 = arith.maxsi %sub3A_1760, %max3A_1762 : vector<16xi32>
      %add3A_1764 = arith.constant 96 : i32
      %add3A_1765 = vector.broadcast %add3A_1764 : i32 to vector<16xi32>
      %add3A_1766 = arith.addi %sub3A_1760, %add3A_1765 : vector<16xi32>
      %ge3A_1767 = arith.constant 50048 : i32
      %ge3A_1768 = vector.broadcast %ge3A_1767 : i32 to vector<16xi32>
      %ge3A_1769 = arith.cmpi sge, %sub3A_1760, %ge3A_1768 : vector<16xi32>
      %select_n3A_1770 = arith.select %ge3A_1769, %add3A_1766, %max3A_1763 : vector<16xi1>, vector<16xi32>
      %gather3A_1771 = tpu.vector_load_idx %arg12[%select_n3A_1770] : memref<50176xf32, #tpu.memory_space<vmem>>[vector<16xi32>], vector<16xf32>,
      %get3A_1772 = arith.index_cast %add3A_1753 : i32 to index
      %get3A_1773 = tpu.vector_load %arg14[%get3A_1772] {strides = array<i32>} : memref<8192xf32, #tpu.memory_space<vmem>>, vector<16xf32>,
      %mul3A_1774 = arith.mulf %gather3A_1771, %get3A_1773 : vector<16xf32>
      %swap3A_1775 = arith.index_cast %mul3A_1755 : i32 to index
      %swap3A_1776 = tpu.vector_load %arg15[%swap3A_1775] {strides = array<i32>} : memref<4096xf32, #tpu.memory_space<vmem>>, vector<16xf32>,
      tpu.vector_store %arg15[%swap3A_1775], %mul3A_1774 {add = true, strides = array<i32>} : memref<4096xf32, #tpu.memory_space<vmem>>, vector<16xf32>,
      %mul3A_1777 = arith.mulf %mul3A_1774, %mul3A_1774 : vector<16xf32>
      %swap3A_1778 = arith.index_cast %mul3A_1755 : i32 to index
      %swap3A_1779 = tpu.vector_load %arg16[%swap3A_1778] {strides = array<i32>} : memref<4096xf32, #tpu.memory_space<vmem>>, vector<16xf32>,
      tpu.vector_store %arg16[%swap3A_1778], %mul3A_1777 {add = true, strides = array<i32>} : memref<4096xf32, #tpu.memory_space<vmem>>, vector<16xf32>,
      %scan3A_1780 = arith.constant 0 : i32
      scf.yield %scan3A_1780 : i32
    }
    %scan3A_322 = arith.constant 256 : i32
    %dma_wait3A_323 = arith.constant 0 : i32
    %dma_wait3A_324 = tpu.memref_slice %arg13[%dma_wait3A_323] : memref<8192xi32, #tpu.memory_space<vmem>> -> memref<4096xi32, #tpu.memory_space<vmem>>
    %dma_wait3A_325 = tpu.memref_slice %arg4[%mul3A_258] : memref<106496xi32, #tpu.memory_space<hbm>> -> memref<4096xi32, #tpu.memory_space<hbm>>
    %dma_wait3A_326 = arith.constant 0 : i32
    %dma_wait3A_327 = tpu.memref_slice %arg13[%dma_wait3A_326] : memref<8192xi32, #tpu.memory_space<vmem>> -> memref<4096xi32, #tpu.memory_space<vmem>>
    %dma_wait3A_328 = tpu.memref_slice %arg4[%mul3A_258] : memref<106496xi32, #tpu.memory_space<hbm>> -> memref<4096xi32, #tpu.memory_space<hbm>>
    tpu.wait_dma2 semaphore(%arg20 : memref<!tpu.dma_semaphore, #tpu.memory_space<semaphore_mem>>) src(%dma_wait3A_328 : memref<4096xi32, #tpu.memory_space<hbm>>) dst(%dma_wait3A_327 : memref<4096xi32, #tpu.memory_space<vmem>>)
    %dma_wait3A_329 = arith.constant 0 : i32
    %dma_wait3A_330 = tpu.memref_slice %arg14[%dma_wait3A_329] : memref<8192xf32, #tpu.memory_space<vmem>> -> memref<4096xf32, #tpu.memory_space<vmem>>
    %dma_wait3A_331 = arith.constant 0 : i32
    %dma_wait3A_332 = tpu.memref_slice %arg5[%add3A_256, %dma_wait3A_331] : memref<26x4096xf32, #tpu.memory_space<hbm>> -> memref<1x4096xf32, #tpu.memory_space<hbm>>
    %dma_wait3A_333 = tpu.memref_squeeze %dma_wait3A_332 : memref<1x4096xf32, #tpu.memory_space<hbm>> -> memref<4096xf32, #tpu.memory_space<hbm>>
    %dma_wait3A_334 = arith.constant 0 : i32
    %dma_wait3A_335 = tpu.memref_slice %arg14[%dma_wait3A_334] : memref<8192xf32, #tpu.memory_space<vmem>> -> memref<4096xf32, #tpu.memory_space<vmem>>
    %dma_wait3A_336 = arith.constant 0 : i32
    %dma_wait3A_337 = tpu.memref_slice %arg5[%add3A_256, %dma_wait3A_336] : memref<26x4096xf32, #tpu.memory_space<hbm>> -> memref<1x4096xf32, #tpu.memory_space<hbm>>
    %dma_wait3A_338 = tpu.memref_squeeze %dma_wait3A_337 : memref<1x4096xf32, #tpu.memory_space<hbm>> -> memref<4096xf32, #tpu.memory_space<hbm>>
    tpu.wait_dma2 semaphore(%arg20 : memref<!tpu.dma_semaphore, #tpu.memory_space<semaphore_mem>>) src(%dma_wait3A_338 : memref<4096xf32, #tpu.memory_space<hbm>>) dst(%dma_wait3A_335 : memref<4096xf32, #tpu.memory_space<vmem>>)
    %mul3A_339 = arith.constant 13 : i32
    %mul3A_340 = arith.muli %select_n3A_30, %mul3A_339 : i32
    %add3A_341 = arith.constant 2 : i32
    %add3A_342 = arith.addi %mul3A_340, %add3A_341 : i32
    %dma_start3A_343 = arith.constant 128 : i32
    %dma_start3A_344 = tpu.memref_slice %arg12[%dma_start3A_343] : memref<50176xf32, #tpu.memory_space<vmem>> -> memref<49920xf32, #tpu.memory_space<vmem>>
    %dma_start3A_345 = arith.constant 50048 : i32
    %dma_start3A_346 = tpu.memref_slice %arg2[%add3A_342, %select_n3A_9, %dma_start3A_345] : memref<26x16x100000xf32, #tpu.memory_space<hbm>> -> memref<1x1x49920xf32, #tpu.memory_space<hbm>>
    %dma_start3A_347 = tpu.memref_squeeze %dma_start3A_346 : memref<1x1x49920xf32, #tpu.memory_space<hbm>> -> memref<49920xf32, #tpu.memory_space<hbm>>
    %dma_start3A_348 = arith.constant 128 : i32
    %dma_start3A_349 = tpu.memref_slice %arg12[%dma_start3A_348] : memref<50176xf32, #tpu.memory_space<vmem>> -> memref<49920xf32, #tpu.memory_space<vmem>>
    %dma_start3A_350 = arith.constant 50048 : i32
    %dma_start3A_351 = tpu.memref_slice %arg2[%add3A_342, %select_n3A_9, %dma_start3A_350] : memref<26x16x100000xf32, #tpu.memory_space<hbm>> -> memref<1x1x49920xf32, #tpu.memory_space<hbm>>
    %dma_start3A_352 = tpu.memref_squeeze %dma_start3A_351 : memref<1x1x49920xf32, #tpu.memory_space<hbm>> -> memref<49920xf32, #tpu.memory_space<hbm>>
    tpu.enqueue_dma source(%dma_start3A_352 : memref<49920xf32, #tpu.memory_space<hbm>>) target(%dma_start3A_349 : memref<49920xf32, #tpu.memory_space<vmem>>) target_semaphore(%arg19 : memref<!tpu.dma_semaphore, #tpu.memory_space<semaphore_mem>>)
    %dma_start3A_353 = arith.constant 50048 : i32
    %dma_start3A_354 = tpu.memref_slice %arg12[%dma_start3A_353] : memref<50176xf32, #tpu.memory_space<vmem>> -> memref<128xf32, #tpu.memory_space<vmem>>
    %dma_start3A_355 = arith.constant 0 : i32
    %dma_start3A_356 = tpu.memref_slice %arg6[%add3A_342, %select_n3A_9, %dma_start3A_355] : memref<26x16x128xf32, #tpu.memory_space<hbm>> -> memref<1x1x128xf32, #tpu.memory_space<hbm>>
    %dma_start3A_357 = tpu.memref_squeeze %dma_start3A_356 : memref<1x1x128xf32, #tpu.memory_space<hbm>> -> memref<128xf32, #tpu.memory_space<hbm>>
    %dma_start3A_358 = arith.constant 50048 : i32
    %dma_start3A_359 = tpu.memref_slice %arg12[%dma_start3A_358] : memref<50176xf32, #tpu.memory_space<vmem>> -> memref<128xf32, #tpu.memory_space<vmem>>
    %dma_start3A_360 = arith.constant 0 : i32
    %dma_start3A_361 = tpu.memref_slice %arg6[%add3A_342, %select_n3A_9, %dma_start3A_360] : memref<26x16x128xf32, #tpu.memory_space<hbm>> -> memref<1x1x128xf32, #tpu.memory_space<hbm>>
    %dma_start3A_362 = tpu.memref_squeeze %dma_start3A_361 : memref<1x1x128xf32, #tpu.memory_space<hbm>> -> memref<128xf32, #tpu.memory_space<hbm>>
    tpu.enqueue_dma source(%dma_start3A_362 : memref<128xf32, #tpu.memory_space<hbm>>) target(%dma_start3A_359 : memref<128xf32, #tpu.memory_space<vmem>>) target_semaphore(%arg19 : memref<!tpu.dma_semaphore, #tpu.memory_space<semaphore_mem>>)
    %dma_wait3A_363 = arith.constant 0 : i32
    %dma_wait3A_364 = tpu.memref_slice %arg11[%dma_wait3A_363] : memref<50064xf32, #tpu.memory_space<vmem>> -> memref<50048xf32, #tpu.memory_space<vmem>>
    %dma_wait3A_365 = arith.constant 0 : i32
    %dma_wait3A_366 = tpu.memref_slice %arg2[%add3A_285, %select_n3A_9, %dma_wait3A_365] : memref<26x16x100000xf32, #tpu.memory_space<hbm>> -> memref<1x1x50048xf32, #tpu.memory_space<hbm>>
    %dma_wait3A_367 = tpu.memref_squeeze %dma_wait3A_366 : memref<1x1x50048xf32, #tpu.memory_space<hbm>> -> memref<50048xf32, #tpu.memory_space<hbm>>
    %dma_wait3A_368 = arith.constant 0 : i32
    %dma_wait3A_369 = tpu.memref_slice %arg11[%dma_wait3A_368] : memref<50064xf32, #tpu.memory_space<vmem>> -> memref<50048xf32, #tpu.memory_space<vmem>>
    %dma_wait3A_370 = arith.constant 0 : i32
    %dma_wait3A_371 = tpu.memref_slice %arg2[%add3A_285, %select_n3A_9, %dma_wait3A_370] : memref<26x16x100000xf32, #tpu.memory_space<hbm>> -> memref<1x1x50048xf32, #tpu.memory_space<hbm>>
    %dma_wait3A_372 = tpu.memref_squeeze %dma_wait3A_371 : memref<1x1x50048xf32, #tpu.memory_space<hbm>> -> memref<50048xf32, #tpu.memory_space<hbm>>
    tpu.wait_dma2 semaphore(%arg18 : memref<!tpu.dma_semaphore, #tpu.memory_space<semaphore_mem>>) src(%dma_wait3A_372 : memref<50048xf32, #tpu.memory_space<hbm>>) dst(%dma_wait3A_369 : memref<50048xf32, #tpu.memory_space<vmem>>)
    %mul3A_373 = arith.constant 13 : i32
    %mul3A_374 = arith.muli %select_n3A_30, %mul3A_373 : i32
    %add3A_375 = arith.constant 3 : i32
    %add3A_376 = arith.addi %mul3A_374, %add3A_375 : i32
    %mul3A_377 = arith.constant 4096 : i32
    %mul3A_378 = arith.muli %add3A_376, %mul3A_377 : i32
    %dma_start3A_379 = arith.constant 4096 : i32
    %dma_start3A_380 = tpu.memref_slice %arg13[%dma_start3A_379] : memref<8192xi32, #tpu.memory_space<vmem>> -> memref<4096xi32, #tpu.memory_space<vmem>>
    %dma_start3A_381 = tpu.memref_slice %arg4[%mul3A_378] : memref<106496xi32, #tpu.memory_space<hbm>> -> memref<4096xi32, #tpu.memory_space<hbm>>
    %dma_start3A_382 = arith.constant 4096 : i32
    %dma_start3A_383 = tpu.memref_slice %arg13[%dma_start3A_382] : memref<8192xi32, #tpu.memory_space<vmem>> -> memref<4096xi32, #tpu.memory_space<vmem>>
    %dma_start3A_384 = tpu.memref_slice %arg4[%mul3A_378] : memref<106496xi32, #tpu.memory_space<hbm>> -> memref<4096xi32, #tpu.memory_space<hbm>>
    tpu.enqueue_dma source(%dma_start3A_384 : memref<4096xi32, #tpu.memory_space<hbm>>) target(%dma_start3A_383 : memref<4096xi32, #tpu.memory_space<vmem>>) target_semaphore(%arg20 : memref<!tpu.dma_semaphore, #tpu.memory_space<semaphore_mem>>)
    %dma_start3A_385 = arith.constant 4096 : i32
    %dma_start3A_386 = tpu.memref_slice %arg14[%dma_start3A_385] : memref<8192xf32, #tpu.memory_space<vmem>> -> memref<4096xf32, #tpu.memory_space<vmem>>
    %dma_start3A_387 = arith.constant 0 : i32
    %dma_start3A_388 = tpu.memref_slice %arg5[%add3A_376, %dma_start3A_387] : memref<26x4096xf32, #tpu.memory_space<hbm>> -> memref<1x4096xf32, #tpu.memory_space<hbm>>
    %dma_start3A_389 = tpu.memref_squeeze %dma_start3A_388 : memref<1x4096xf32, #tpu.memory_space<hbm>> -> memref<4096xf32, #tpu.memory_space<hbm>>
    %dma_start3A_390 = arith.constant 4096 : i32
    %dma_start3A_391 = tpu.memref_slice %arg14[%dma_start3A_390] : memref<8192xf32, #tpu.memory_space<vmem>> -> memref<4096xf32, #tpu.memory_space<vmem>>
    %dma_start3A_392 = arith.constant 0 : i32
    %dma_start3A_393 = tpu.memref_slice %arg5[%add3A_376, %dma_start3A_392] : memref<26x4096xf32, #tpu.memory_space<hbm>> -> memref<1x4096xf32, #tpu.memory_space<hbm>>
    %dma_start3A_394 = tpu.memref_squeeze %dma_start3A_393 : memref<1x4096xf32, #tpu.memory_space<hbm>> -> memref<4096xf32, #tpu.memory_space<hbm>>
    tpu.enqueue_dma source(%dma_start3A_394 : memref<4096xf32, #tpu.memory_space<hbm>>) target(%dma_start3A_391 : memref<4096xf32, #tpu.memory_space<vmem>>) target_semaphore(%arg20 : memref<!tpu.dma_semaphore, #tpu.memory_space<semaphore_mem>>)
    %scan3A_395 = arith.constant 0 : i32
    %scan3A_396 = arith.constant 0 : i32
    %scan3A_397 = arith.constant 256 : i32
    %scan3A_398 = arith.addi %scan3A_396, %scan3A_397 : i32
    %scan3A_399 = arith.constant 2 : i32
    %scan3A_400 = scf.for %scan3A_1719 = %scan3A_396 to %scan3A_398 step %scan3A_399 iter_args(%scan3A_1720 = %scan3A_395) -> (i32)  : i32 {
      %mul3A_1721 = arith.constant 16 : i32
      %mul3A_1722 = arith.muli %scan3A_1719, %mul3A_1721 : i32
      %add3A_1723 = arith.constant 0 : i32
      %add3A_1724 = arith.addi %add3A_1723, %mul3A_1722 : i32
      %mul3A_1725 = arith.constant 16 : i32
      %mul3A_1726 = arith.muli %scan3A_1719, %mul3A_1725 : i32
      %get3A = arith.index_cast %add3A_1724 : i32 to index
      %get3A_1727 = tpu.vector_load %arg13[%get3A] {strides = array<i32>} : memref<8192xi32, #tpu.memory_space<vmem>>, vector<16xi32>,
      %min3A_1728 = arith.constant 50048 : i32
      %min3A_1729 = vector.broadcast %min3A_1728 : i32 to vector<16xi32>
      %min3A_1730 = arith.minsi %get3A_1727, %min3A_1729 : vector<16xi32>
      %gather3A = tpu.vector_load_idx %arg11[%min3A_1730] : memref<50064xf32, #tpu.memory_space<vmem>>[vector<16xi32>], vector<16xf32>,
      %get3A_1731 = arith.index_cast %add3A_1724 : i32 to index
      %get3A_1732 = tpu.vector_load %arg14[%get3A_1731] {strides = array<i32>} : memref<8192xf32, #tpu.memory_space<vmem>>, vector<16xf32>,
      %mul3A_1733 = arith.mulf %gather3A, %get3A_1732 : vector<16xf32>
      %swap3A_1734 = arith.index_cast %mul3A_1726 : i32 to index
      %swap3A_1735 = tpu.vector_load %arg15[%swap3A_1734] {strides = array<i32>} : memref<4096xf32, #tpu.memory_space<vmem>>, vector<16xf32>,
      tpu.vector_store %arg15[%swap3A_1734], %mul3A_1733 {add = true, strides = array<i32>} : memref<4096xf32, #tpu.memory_space<vmem>>, vector<16xf32>,
      %mul3A_1736 = arith.mulf %mul3A_1733, %mul3A_1733 : vector<16xf32>
      %swap3A_1737 = arith.index_cast %mul3A_1726 : i32 to index
      %swap3A_1738 = tpu.vector_load %arg16[%swap3A_1737] {strides = array<i32>} : memref<4096xf32, #tpu.memory_space<vmem>>, vector<16xf32>,
      tpu.vector_store %arg16[%swap3A_1737], %mul3A_1736 {add = true, strides = array<i32>} : memref<4096xf32, #tpu.memory_space<vmem>>, vector<16xf32>,
      %scan3A_1739 = arith.constant 0 : i32
      %scan3A_1740 = arith.constant 1 : i32
      %scan3A_1741 = arith.addi %scan3A_1719, %scan3A_1740 : i32
      %mul3A_1742 = arith.constant 16 : i32
      %mul3A_1743 = arith.muli %scan3A_1741, %mul3A_1742 : i32
      %add3A_1744 = arith.constant 0 : i32
      %add3A_1745 = arith.addi %add3A_1744, %mul3A_1743 : i32
      %mul3A_1746 = arith.constant 16 : i32
      %mul3A_1747 = arith.muli %scan3A_1741, %mul3A_1746 : i32
      %get3A_1748 = arith.index_cast %add3A_1745 : i32 to index
      %get3A_1749 = tpu.vector_load %arg13[%get3A_1748] {strides = array<i32>} : memref<8192xi32, #tpu.memory_space<vmem>>, vector<16xi32>,
      %min3A_1750 = arith.constant 50048 : i32
      %min3A_1751 = vector.broadcast %min3A_1750 : i32 to vector<16xi32>
      %min3A_1752 = arith.minsi %get3A_1749, %min3A_1751 : vector<16xi32>
      %gather3A_1753 = tpu.vector_load_idx %arg11[%min3A_1752] : memref<50064xf32, #tpu.memory_space<vmem>>[vector<16xi32>], vector<16xf32>,
      %get3A_1754 = arith.index_cast %add3A_1745 : i32 to index
      %get3A_1755 = tpu.vector_load %arg14[%get3A_1754] {strides = array<i32>} : memref<8192xf32, #tpu.memory_space<vmem>>, vector<16xf32>,
      %mul3A_1756 = arith.mulf %gather3A_1753, %get3A_1755 : vector<16xf32>
      %swap3A_1757 = arith.index_cast %mul3A_1747 : i32 to index
      %swap3A_1758 = tpu.vector_load %arg15[%swap3A_1757] {strides = array<i32>} : memref<4096xf32, #tpu.memory_space<vmem>>, vector<16xf32>,
      tpu.vector_store %arg15[%swap3A_1757], %mul3A_1756 {add = true, strides = array<i32>} : memref<4096xf32, #tpu.memory_space<vmem>>, vector<16xf32>,
      %mul3A_1759 = arith.mulf %mul3A_1756, %mul3A_1756 : vector<16xf32>
      %swap3A_1760 = arith.index_cast %mul3A_1747 : i32 to index
      %swap3A_1761 = tpu.vector_load %arg16[%swap3A_1760] {strides = array<i32>} : memref<4096xf32, #tpu.memory_space<vmem>>, vector<16xf32>,
      tpu.vector_store %arg16[%swap3A_1760], %mul3A_1759 {add = true, strides = array<i32>} : memref<4096xf32, #tpu.memory_space<vmem>>, vector<16xf32>,
      %scan3A_1762 = arith.constant 0 : i32
      scf.yield %scan3A_1762 : i32
    }
    %scan3A_401 = arith.constant 256 : i32
    %mul3A_402 = arith.constant 13 : i32
    %mul3A_403 = arith.muli %select_n3A_30, %mul3A_402 : i32
    %add3A_404 = arith.constant 3 : i32
    %add3A_405 = arith.addi %mul3A_403, %add3A_404 : i32
    %dma_start3A_406 = arith.constant 0 : i32
    %dma_start3A_407 = tpu.memref_slice %arg11[%dma_start3A_406] : memref<50064xf32, #tpu.memory_space<vmem>> -> memref<50048xf32, #tpu.memory_space<vmem>>
    %dma_start3A_408 = arith.constant 0 : i32
    %dma_start3A_409 = tpu.memref_slice %arg2[%add3A_405, %select_n3A_9, %dma_start3A_408] : memref<26x16x100000xf32, #tpu.memory_space<hbm>> -> memref<1x1x50048xf32, #tpu.memory_space<hbm>>
    %dma_start3A_410 = tpu.memref_squeeze %dma_start3A_409 : memref<1x1x50048xf32, #tpu.memory_space<hbm>> -> memref<50048xf32, #tpu.memory_space<hbm>>
    %dma_start3A_411 = arith.constant 0 : i32
    %dma_start3A_412 = tpu.memref_slice %arg11[%dma_start3A_411] : memref<50064xf32, #tpu.memory_space<vmem>> -> memref<50048xf32, #tpu.memory_space<vmem>>
    %dma_start3A_413 = arith.constant 0 : i32
    %dma_start3A_414 = tpu.memref_slice %arg2[%add3A_405, %select_n3A_9, %dma_start3A_413] : memref<26x16x100000xf32, #tpu.memory_space<hbm>> -> memref<1x1x50048xf32, #tpu.memory_space<hbm>>
    %dma_start3A_415 = tpu.memref_squeeze %dma_start3A_414 : memref<1x1x50048xf32, #tpu.memory_space<hbm>> -> memref<50048xf32, #tpu.memory_space<hbm>>
    tpu.enqueue_dma source(%dma_start3A_415 : memref<50048xf32, #tpu.memory_space<hbm>>) target(%dma_start3A_412 : memref<50048xf32, #tpu.memory_space<vmem>>) target_semaphore(%arg18 : memref<!tpu.dma_semaphore, #tpu.memory_space<semaphore_mem>>)
    %dma_wait3A_416 = arith.constant 128 : i32
    %dma_wait3A_417 = tpu.memref_slice %arg12[%dma_wait3A_416] : memref<50176xf32, #tpu.memory_space<vmem>> -> memref<49920xf32, #tpu.memory_space<vmem>>
    %dma_wait3A_418 = arith.constant 50048 : i32
    %dma_wait3A_419 = tpu.memref_slice %arg2[%add3A_342, %select_n3A_9, %dma_wait3A_418] : memref<26x16x100000xf32, #tpu.memory_space<hbm>> -> memref<1x1x49920xf32, #tpu.memory_space<hbm>>
    %dma_wait3A_420 = tpu.memref_squeeze %dma_wait3A_419 : memref<1x1x49920xf32, #tpu.memory_space<hbm>> -> memref<49920xf32, #tpu.memory_space<hbm>>
    %dma_wait3A_421 = arith.constant 128 : i32
    %dma_wait3A_422 = tpu.memref_slice %arg12[%dma_wait3A_421] : memref<50176xf32, #tpu.memory_space<vmem>> -> memref<49920xf32, #tpu.memory_space<vmem>>
    %dma_wait3A_423 = arith.constant 50048 : i32
    %dma_wait3A_424 = tpu.memref_slice %arg2[%add3A_342, %select_n3A_9, %dma_wait3A_423] : memref<26x16x100000xf32, #tpu.memory_space<hbm>> -> memref<1x1x49920xf32, #tpu.memory_space<hbm>>
    %dma_wait3A_425 = tpu.memref_squeeze %dma_wait3A_424 : memref<1x1x49920xf32, #tpu.memory_space<hbm>> -> memref<49920xf32, #tpu.memory_space<hbm>>
    tpu.wait_dma2 semaphore(%arg19 : memref<!tpu.dma_semaphore, #tpu.memory_space<semaphore_mem>>) src(%dma_wait3A_425 : memref<49920xf32, #tpu.memory_space<hbm>>) dst(%dma_wait3A_422 : memref<49920xf32, #tpu.memory_space<vmem>>)
    %dma_wait3A_426 = arith.constant 50048 : i32
    %dma_wait3A_427 = tpu.memref_slice %arg12[%dma_wait3A_426] : memref<50176xf32, #tpu.memory_space<vmem>> -> memref<128xf32, #tpu.memory_space<vmem>>
    %dma_wait3A_428 = arith.constant 0 : i32
    %dma_wait3A_429 = tpu.memref_slice %arg6[%add3A_342, %select_n3A_9, %dma_wait3A_428] : memref<26x16x128xf32, #tpu.memory_space<hbm>> -> memref<1x1x128xf32, #tpu.memory_space<hbm>>
    %dma_wait3A_430 = tpu.memref_squeeze %dma_wait3A_429 : memref<1x1x128xf32, #tpu.memory_space<hbm>> -> memref<128xf32, #tpu.memory_space<hbm>>
    %dma_wait3A_431 = arith.constant 50048 : i32
    %dma_wait3A_432 = tpu.memref_slice %arg12[%dma_wait3A_431] : memref<50176xf32, #tpu.memory_space<vmem>> -> memref<128xf32, #tpu.memory_space<vmem>>
    %dma_wait3A_433 = arith.constant 0 : i32
    %dma_wait3A_434 = tpu.memref_slice %arg6[%add3A_342, %select_n3A_9, %dma_wait3A_433] : memref<26x16x128xf32, #tpu.memory_space<hbm>> -> memref<1x1x128xf32, #tpu.memory_space<hbm>>
    %dma_wait3A_435 = tpu.memref_squeeze %dma_wait3A_434 : memref<1x1x128xf32, #tpu.memory_space<hbm>> -> memref<128xf32, #tpu.memory_space<hbm>>
    tpu.wait_dma2 semaphore(%arg19 : memref<!tpu.dma_semaphore, #tpu.memory_space<semaphore_mem>>) src(%dma_wait3A_435 : memref<128xf32, #tpu.memory_space<hbm>>) dst(%dma_wait3A_432 : memref<128xf32, #tpu.memory_space<vmem>>)
    %scan3A_436 = arith.constant 0 : i32
    %scan3A_437 = arith.constant 0 : i32
    %scan3A_438 = arith.constant 256 : i32
    %scan3A_439 = arith.addi %scan3A_437, %scan3A_438 : i32
    %scan3A_440 = arith.constant 2 : i32
    %scan3A_441 = scf.for %scan3A_1719 = %scan3A_437 to %scan3A_439 step %scan3A_440 iter_args(%scan3A_1720 = %scan3A_436) -> (i32)  : i32 {
      %mul3A_1721 = arith.constant 16 : i32
      %mul3A_1722 = arith.muli %scan3A_1719, %mul3A_1721 : i32
      %add3A_1723 = arith.constant 0 : i32
      %add3A_1724 = arith.addi %add3A_1723, %mul3A_1722 : i32
      %mul3A_1725 = arith.constant 16 : i32
      %mul3A_1726 = arith.muli %scan3A_1719, %mul3A_1725 : i32
      %get3A = arith.index_cast %add3A_1724 : i32 to index
      %get3A_1727 = tpu.vector_load %arg13[%get3A] {strides = array<i32>} : memref<8192xi32, #tpu.memory_space<vmem>>, vector<16xi32>,
      %sub3A_1728 = arith.constant 49920 : i32
      %sub3A_1729 = vector.broadcast %sub3A_1728 : i32 to vector<16xi32>
      %sub3A_1730 = arith.subi %get3A_1727, %sub3A_1729 : vector<16xi32>
      %max3A = arith.constant 0 : i32
      %max3A_1731 = vector.broadcast %max3A : i32 to vector<16xi32>
      %max3A_1732 = arith.maxsi %sub3A_1730, %max3A_1731 : vector<16xi32>
      %add3A_1733 = arith.constant 96 : i32
      %add3A_1734 = vector.broadcast %add3A_1733 : i32 to vector<16xi32>
      %add3A_1735 = arith.addi %sub3A_1730, %add3A_1734 : vector<16xi32>
      %ge3A = arith.constant 50048 : i32
      %ge3A_1736 = vector.broadcast %ge3A : i32 to vector<16xi32>
      %ge3A_1737 = arith.cmpi sge, %sub3A_1730, %ge3A_1736 : vector<16xi32>
      %select_n3A_1738 = arith.select %ge3A_1737, %add3A_1735, %max3A_1732 : vector<16xi1>, vector<16xi32>
      %gather3A = tpu.vector_load_idx %arg12[%select_n3A_1738] : memref<50176xf32, #tpu.memory_space<vmem>>[vector<16xi32>], vector<16xf32>,
      %get3A_1739 = arith.index_cast %add3A_1724 : i32 to index
      %get3A_1740 = tpu.vector_load %arg14[%get3A_1739] {strides = array<i32>} : memref<8192xf32, #tpu.memory_space<vmem>>, vector<16xf32>,
      %mul3A_1741 = arith.mulf %gather3A, %get3A_1740 : vector<16xf32>
      %swap3A_1742 = arith.index_cast %mul3A_1726 : i32 to index
      %swap3A_1743 = tpu.vector_load %arg15[%swap3A_1742] {strides = array<i32>} : memref<4096xf32, #tpu.memory_space<vmem>>, vector<16xf32>,
      tpu.vector_store %arg15[%swap3A_1742], %mul3A_1741 {add = true, strides = array<i32>} : memref<4096xf32, #tpu.memory_space<vmem>>, vector<16xf32>,
      %mul3A_1744 = arith.mulf %mul3A_1741, %mul3A_1741 : vector<16xf32>
      %swap3A_1745 = arith.index_cast %mul3A_1726 : i32 to index
      %swap3A_1746 = tpu.vector_load %arg16[%swap3A_1745] {strides = array<i32>} : memref<4096xf32, #tpu.memory_space<vmem>>, vector<16xf32>,
      tpu.vector_store %arg16[%swap3A_1745], %mul3A_1744 {add = true, strides = array<i32>} : memref<4096xf32, #tpu.memory_space<vmem>>, vector<16xf32>,
      %scan3A_1747 = arith.constant 0 : i32
      %scan3A_1748 = arith.constant 1 : i32
      %scan3A_1749 = arith.addi %scan3A_1719, %scan3A_1748 : i32
      %mul3A_1750 = arith.constant 16 : i32
      %mul3A_1751 = arith.muli %scan3A_1749, %mul3A_1750 : i32
      %add3A_1752 = arith.constant 0 : i32
      %add3A_1753 = arith.addi %add3A_1752, %mul3A_1751 : i32
      %mul3A_1754 = arith.constant 16 : i32
      %mul3A_1755 = arith.muli %scan3A_1749, %mul3A_1754 : i32
      %get3A_1756 = arith.index_cast %add3A_1753 : i32 to index
      %get3A_1757 = tpu.vector_load %arg13[%get3A_1756] {strides = array<i32>} : memref<8192xi32, #tpu.memory_space<vmem>>, vector<16xi32>,
      %sub3A_1758 = arith.constant 49920 : i32
      %sub3A_1759 = vector.broadcast %sub3A_1758 : i32 to vector<16xi32>
      %sub3A_1760 = arith.subi %get3A_1757, %sub3A_1759 : vector<16xi32>
      %max3A_1761 = arith.constant 0 : i32
      %max3A_1762 = vector.broadcast %max3A_1761 : i32 to vector<16xi32>
      %max3A_1763 = arith.maxsi %sub3A_1760, %max3A_1762 : vector<16xi32>
      %add3A_1764 = arith.constant 96 : i32
      %add3A_1765 = vector.broadcast %add3A_1764 : i32 to vector<16xi32>
      %add3A_1766 = arith.addi %sub3A_1760, %add3A_1765 : vector<16xi32>
      %ge3A_1767 = arith.constant 50048 : i32
      %ge3A_1768 = vector.broadcast %ge3A_1767 : i32 to vector<16xi32>
      %ge3A_1769 = arith.cmpi sge, %sub3A_1760, %ge3A_1768 : vector<16xi32>
      %select_n3A_1770 = arith.select %ge3A_1769, %add3A_1766, %max3A_1763 : vector<16xi1>, vector<16xi32>
      %gather3A_1771 = tpu.vector_load_idx %arg12[%select_n3A_1770] : memref<50176xf32, #tpu.memory_space<vmem>>[vector<16xi32>], vector<16xf32>,
      %get3A_1772 = arith.index_cast %add3A_1753 : i32 to index
      %get3A_1773 = tpu.vector_load %arg14[%get3A_1772] {strides = array<i32>} : memref<8192xf32, #tpu.memory_space<vmem>>, vector<16xf32>,
      %mul3A_1774 = arith.mulf %gather3A_1771, %get3A_1773 : vector<16xf32>
      %swap3A_1775 = arith.index_cast %mul3A_1755 : i32 to index
      %swap3A_1776 = tpu.vector_load %arg15[%swap3A_1775] {strides = array<i32>} : memref<4096xf32, #tpu.memory_space<vmem>>, vector<16xf32>,
      tpu.vector_store %arg15[%swap3A_1775], %mul3A_1774 {add = true, strides = array<i32>} : memref<4096xf32, #tpu.memory_space<vmem>>, vector<16xf32>,
      %mul3A_1777 = arith.mulf %mul3A_1774, %mul3A_1774 : vector<16xf32>
      %swap3A_1778 = arith.index_cast %mul3A_1755 : i32 to index
      %swap3A_1779 = tpu.vector_load %arg16[%swap3A_1778] {strides = array<i32>} : memref<4096xf32, #tpu.memory_space<vmem>>, vector<16xf32>,
      tpu.vector_store %arg16[%swap3A_1778], %mul3A_1777 {add = true, strides = array<i32>} : memref<4096xf32, #tpu.memory_space<vmem>>, vector<16xf32>,
      %scan3A_1780 = arith.constant 0 : i32
      scf.yield %scan3A_1780 : i32
    }
    %scan3A_442 = arith.constant 256 : i32
    %dma_wait3A_443 = arith.constant 4096 : i32
    %dma_wait3A_444 = tpu.memref_slice %arg13[%dma_wait3A_443] : memref<8192xi32, #tpu.memory_space<vmem>> -> memref<4096xi32, #tpu.memory_space<vmem>>
    %dma_wait3A_445 = tpu.memref_slice %arg4[%mul3A_378] : memref<106496xi32, #tpu.memory_space<hbm>> -> memref<4096xi32, #tpu.memory_space<hbm>>
    %dma_wait3A_446 = arith.constant 4096 : i32
    %dma_wait3A_447 = tpu.memref_slice %arg13[%dma_wait3A_446] : memref<8192xi32, #tpu.memory_space<vmem>> -> memref<4096xi32, #tpu.memory_space<vmem>>
    %dma_wait3A_448 = tpu.memref_slice %arg4[%mul3A_378] : memref<106496xi32, #tpu.memory_space<hbm>> -> memref<4096xi32, #tpu.memory_space<hbm>>
    tpu.wait_dma2 semaphore(%arg20 : memref<!tpu.dma_semaphore, #tpu.memory_space<semaphore_mem>>) src(%dma_wait3A_448 : memref<4096xi32, #tpu.memory_space<hbm>>) dst(%dma_wait3A_447 : memref<4096xi32, #tpu.memory_space<vmem>>)
    %dma_wait3A_449 = arith.constant 4096 : i32
    %dma_wait3A_450 = tpu.memref_slice %arg14[%dma_wait3A_449] : memref<8192xf32, #tpu.memory_space<vmem>> -> memref<4096xf32, #tpu.memory_space<vmem>>
    %dma_wait3A_451 = arith.constant 0 : i32
    %dma_wait3A_452 = tpu.memref_slice %arg5[%add3A_376, %dma_wait3A_451] : memref<26x4096xf32, #tpu.memory_space<hbm>> -> memref<1x4096xf32, #tpu.memory_space<hbm>>
    %dma_wait3A_453 = tpu.memref_squeeze %dma_wait3A_452 : memref<1x4096xf32, #tpu.memory_space<hbm>> -> memref<4096xf32, #tpu.memory_space<hbm>>
    %dma_wait3A_454 = arith.constant 4096 : i32
    %dma_wait3A_455 = tpu.memref_slice %arg14[%dma_wait3A_454] : memref<8192xf32, #tpu.memory_space<vmem>> -> memref<4096xf32, #tpu.memory_space<vmem>>
    %dma_wait3A_456 = arith.constant 0 : i32
    %dma_wait3A_457 = tpu.memref_slice %arg5[%add3A_376, %dma_wait3A_456] : memref<26x4096xf32, #tpu.memory_space<hbm>> -> memref<1x4096xf32, #tpu.memory_space<hbm>>
    %dma_wait3A_458 = tpu.memref_squeeze %dma_wait3A_457 : memref<1x4096xf32, #tpu.memory_space<hbm>> -> memref<4096xf32, #tpu.memory_space<hbm>>
    tpu.wait_dma2 semaphore(%arg20 : memref<!tpu.dma_semaphore, #tpu.memory_space<semaphore_mem>>) src(%dma_wait3A_458 : memref<4096xf32, #tpu.memory_space<hbm>>) dst(%dma_wait3A_455 : memref<4096xf32, #tpu.memory_space<vmem>>)
    %mul3A_459 = arith.constant 13 : i32
    %mul3A_460 = arith.muli %select_n3A_30, %mul3A_459 : i32
    %add3A_461 = arith.constant 3 : i32
    %add3A_462 = arith.addi %mul3A_460, %add3A_461 : i32
    %dma_start3A_463 = arith.constant 128 : i32
    %dma_start3A_464 = tpu.memref_slice %arg12[%dma_start3A_463] : memref<50176xf32, #tpu.memory_space<vmem>> -> memref<49920xf32, #tpu.memory_space<vmem>>
    %dma_start3A_465 = arith.constant 50048 : i32
    %dma_start3A_466 = tpu.memref_slice %arg2[%add3A_462, %select_n3A_9, %dma_start3A_465] : memref<26x16x100000xf32, #tpu.memory_space<hbm>> -> memref<1x1x49920xf32, #tpu.memory_space<hbm>>
    %dma_start3A_467 = tpu.memref_squeeze %dma_start3A_466 : memref<1x1x49920xf32, #tpu.memory_space<hbm>> -> memref<49920xf32, #tpu.memory_space<hbm>>
    %dma_start3A_468 = arith.constant 128 : i32
    %dma_start3A_469 = tpu.memref_slice %arg12[%dma_start3A_468] : memref<50176xf32, #tpu.memory_space<vmem>> -> memref<49920xf32, #tpu.memory_space<vmem>>
    %dma_start3A_470 = arith.constant 50048 : i32
    %dma_start3A_471 = tpu.memref_slice %arg2[%add3A_462, %select_n3A_9, %dma_start3A_470] : memref<26x16x100000xf32, #tpu.memory_space<hbm>> -> memref<1x1x49920xf32, #tpu.memory_space<hbm>>
    %dma_start3A_472 = tpu.memref_squeeze %dma_start3A_471 : memref<1x1x49920xf32, #tpu.memory_space<hbm>> -> memref<49920xf32, #tpu.memory_space<hbm>>
    tpu.enqueue_dma source(%dma_start3A_472 : memref<49920xf32, #tpu.memory_space<hbm>>) target(%dma_start3A_469 : memref<49920xf32, #tpu.memory_space<vmem>>) target_semaphore(%arg19 : memref<!tpu.dma_semaphore, #tpu.memory_space<semaphore_mem>>)
    %dma_start3A_473 = arith.constant 50048 : i32
    %dma_start3A_474 = tpu.memref_slice %arg12[%dma_start3A_473] : memref<50176xf32, #tpu.memory_space<vmem>> -> memref<128xf32, #tpu.memory_space<vmem>>
    %dma_start3A_475 = arith.constant 0 : i32
    %dma_start3A_476 = tpu.memref_slice %arg6[%add3A_462, %select_n3A_9, %dma_start3A_475] : memref<26x16x128xf32, #tpu.memory_space<hbm>> -> memref<1x1x128xf32, #tpu.memory_space<hbm>>
    %dma_start3A_477 = tpu.memref_squeeze %dma_start3A_476 : memref<1x1x128xf32, #tpu.memory_space<hbm>> -> memref<128xf32, #tpu.memory_space<hbm>>
    %dma_start3A_478 = arith.constant 50048 : i32
    %dma_start3A_479 = tpu.memref_slice %arg12[%dma_start3A_478] : memref<50176xf32, #tpu.memory_space<vmem>> -> memref<128xf32, #tpu.memory_space<vmem>>
    %dma_start3A_480 = arith.constant 0 : i32
    %dma_start3A_481 = tpu.memref_slice %arg6[%add3A_462, %select_n3A_9, %dma_start3A_480] : memref<26x16x128xf32, #tpu.memory_space<hbm>> -> memref<1x1x128xf32, #tpu.memory_space<hbm>>
    %dma_start3A_482 = tpu.memref_squeeze %dma_start3A_481 : memref<1x1x128xf32, #tpu.memory_space<hbm>> -> memref<128xf32, #tpu.memory_space<hbm>>
    tpu.enqueue_dma source(%dma_start3A_482 : memref<128xf32, #tpu.memory_space<hbm>>) target(%dma_start3A_479 : memref<128xf32, #tpu.memory_space<vmem>>) target_semaphore(%arg19 : memref<!tpu.dma_semaphore, #tpu.memory_space<semaphore_mem>>)
    %dma_wait3A_483 = arith.constant 0 : i32
    %dma_wait3A_484 = tpu.memref_slice %arg11[%dma_wait3A_483] : memref<50064xf32, #tpu.memory_space<vmem>> -> memref<50048xf32, #tpu.memory_space<vmem>>
    %dma_wait3A_485 = arith.constant 0 : i32
    %dma_wait3A_486 = tpu.memref_slice %arg2[%add3A_405, %select_n3A_9, %dma_wait3A_485] : memref<26x16x100000xf32, #tpu.memory_space<hbm>> -> memref<1x1x50048xf32, #tpu.memory_space<hbm>>
    %dma_wait3A_487 = tpu.memref_squeeze %dma_wait3A_486 : memref<1x1x50048xf32, #tpu.memory_space<hbm>> -> memref<50048xf32, #tpu.memory_space<hbm>>
    %dma_wait3A_488 = arith.constant 0 : i32
    %dma_wait3A_489 = tpu.memref_slice %arg11[%dma_wait3A_488] : memref<50064xf32, #tpu.memory_space<vmem>> -> memref<50048xf32, #tpu.memory_space<vmem>>
    %dma_wait3A_490 = arith.constant 0 : i32
    %dma_wait3A_491 = tpu.memref_slice %arg2[%add3A_405, %select_n3A_9, %dma_wait3A_490] : memref<26x16x100000xf32, #tpu.memory_space<hbm>> -> memref<1x1x50048xf32, #tpu.memory_space<hbm>>
    %dma_wait3A_492 = tpu.memref_squeeze %dma_wait3A_491 : memref<1x1x50048xf32, #tpu.memory_space<hbm>> -> memref<50048xf32, #tpu.memory_space<hbm>>
    tpu.wait_dma2 semaphore(%arg18 : memref<!tpu.dma_semaphore, #tpu.memory_space<semaphore_mem>>) src(%dma_wait3A_492 : memref<50048xf32, #tpu.memory_space<hbm>>) dst(%dma_wait3A_489 : memref<50048xf32, #tpu.memory_space<vmem>>)
    %mul3A_493 = arith.constant 13 : i32
    %mul3A_494 = arith.muli %select_n3A_30, %mul3A_493 : i32
    %add3A_495 = arith.constant 4 : i32
    %add3A_496 = arith.addi %mul3A_494, %add3A_495 : i32
    %mul3A_497 = arith.constant 4096 : i32
    %mul3A_498 = arith.muli %add3A_496, %mul3A_497 : i32
    %dma_start3A_499 = arith.constant 0 : i32
    %dma_start3A_500 = tpu.memref_slice %arg13[%dma_start3A_499] : memref<8192xi32, #tpu.memory_space<vmem>> -> memref<4096xi32, #tpu.memory_space<vmem>>
    %dma_start3A_501 = tpu.memref_slice %arg4[%mul3A_498] : memref<106496xi32, #tpu.memory_space<hbm>> -> memref<4096xi32, #tpu.memory_space<hbm>>
    %dma_start3A_502 = arith.constant 0 : i32
    %dma_start3A_503 = tpu.memref_slice %arg13[%dma_start3A_502] : memref<8192xi32, #tpu.memory_space<vmem>> -> memref<4096xi32, #tpu.memory_space<vmem>>
    %dma_start3A_504 = tpu.memref_slice %arg4[%mul3A_498] : memref<106496xi32, #tpu.memory_space<hbm>> -> memref<4096xi32, #tpu.memory_space<hbm>>
    tpu.enqueue_dma source(%dma_start3A_504 : memref<4096xi32, #tpu.memory_space<hbm>>) target(%dma_start3A_503 : memref<4096xi32, #tpu.memory_space<vmem>>) target_semaphore(%arg20 : memref<!tpu.dma_semaphore, #tpu.memory_space<semaphore_mem>>)
    %dma_start3A_505 = arith.constant 0 : i32
    %dma_start3A_506 = tpu.memref_slice %arg14[%dma_start3A_505] : memref<8192xf32, #tpu.memory_space<vmem>> -> memref<4096xf32, #tpu.memory_space<vmem>>
    %dma_start3A_507 = arith.constant 0 : i32
    %dma_start3A_508 = tpu.memref_slice %arg5[%add3A_496, %dma_start3A_507] : memref<26x4096xf32, #tpu.memory_space<hbm>> -> memref<1x4096xf32, #tpu.memory_space<hbm>>
    %dma_start3A_509 = tpu.memref_squeeze %dma_start3A_508 : memref<1x4096xf32, #tpu.memory_space<hbm>> -> memref<4096xf32, #tpu.memory_space<hbm>>
    %dma_start3A_510 = arith.constant 0 : i32
    %dma_start3A_511 = tpu.memref_slice %arg14[%dma_start3A_510] : memref<8192xf32, #tpu.memory_space<vmem>> -> memref<4096xf32, #tpu.memory_space<vmem>>
    %dma_start3A_512 = arith.constant 0 : i32
    %dma_start3A_513 = tpu.memref_slice %arg5[%add3A_496, %dma_start3A_512] : memref<26x4096xf32, #tpu.memory_space<hbm>> -> memref<1x4096xf32, #tpu.memory_space<hbm>>
    %dma_start3A_514 = tpu.memref_squeeze %dma_start3A_513 : memref<1x4096xf32, #tpu.memory_space<hbm>> -> memref<4096xf32, #tpu.memory_space<hbm>>
    tpu.enqueue_dma source(%dma_start3A_514 : memref<4096xf32, #tpu.memory_space<hbm>>) target(%dma_start3A_511 : memref<4096xf32, #tpu.memory_space<vmem>>) target_semaphore(%arg20 : memref<!tpu.dma_semaphore, #tpu.memory_space<semaphore_mem>>)
    %scan3A_515 = arith.constant 0 : i32
    %scan3A_516 = arith.constant 0 : i32
    %scan3A_517 = arith.constant 256 : i32
    %scan3A_518 = arith.addi %scan3A_516, %scan3A_517 : i32
    %scan3A_519 = arith.constant 2 : i32
    %scan3A_520 = scf.for %scan3A_1719 = %scan3A_516 to %scan3A_518 step %scan3A_519 iter_args(%scan3A_1720 = %scan3A_515) -> (i32)  : i32 {
      %mul3A_1721 = arith.constant 16 : i32
      %mul3A_1722 = arith.muli %scan3A_1719, %mul3A_1721 : i32
      %add3A_1723 = arith.constant 4096 : i32
      %add3A_1724 = arith.addi %add3A_1723, %mul3A_1722 : i32
      %mul3A_1725 = arith.constant 16 : i32
      %mul3A_1726 = arith.muli %scan3A_1719, %mul3A_1725 : i32
      %get3A = arith.index_cast %add3A_1724 : i32 to index
      %get3A_1727 = tpu.vector_load %arg13[%get3A] {strides = array<i32>} : memref<8192xi32, #tpu.memory_space<vmem>>, vector<16xi32>,
      %min3A_1728 = arith.constant 50048 : i32
      %min3A_1729 = vector.broadcast %min3A_1728 : i32 to vector<16xi32>
      %min3A_1730 = arith.minsi %get3A_1727, %min3A_1729 : vector<16xi32>
      %gather3A = tpu.vector_load_idx %arg11[%min3A_1730] : memref<50064xf32, #tpu.memory_space<vmem>>[vector<16xi32>], vector<16xf32>,
      %get3A_1731 = arith.index_cast %add3A_1724 : i32 to index
      %get3A_1732 = tpu.vector_load %arg14[%get3A_1731] {strides = array<i32>} : memref<8192xf32, #tpu.memory_space<vmem>>, vector<16xf32>,
      %mul3A_1733 = arith.mulf %gather3A, %get3A_1732 : vector<16xf32>
      %swap3A_1734 = arith.index_cast %mul3A_1726 : i32 to index
      %swap3A_1735 = tpu.vector_load %arg15[%swap3A_1734] {strides = array<i32>} : memref<4096xf32, #tpu.memory_space<vmem>>, vector<16xf32>,
      tpu.vector_store %arg15[%swap3A_1734], %mul3A_1733 {add = true, strides = array<i32>} : memref<4096xf32, #tpu.memory_space<vmem>>, vector<16xf32>,
      %mul3A_1736 = arith.mulf %mul3A_1733, %mul3A_1733 : vector<16xf32>
      %swap3A_1737 = arith.index_cast %mul3A_1726 : i32 to index
      %swap3A_1738 = tpu.vector_load %arg16[%swap3A_1737] {strides = array<i32>} : memref<4096xf32, #tpu.memory_space<vmem>>, vector<16xf32>,
      tpu.vector_store %arg16[%swap3A_1737], %mul3A_1736 {add = true, strides = array<i32>} : memref<4096xf32, #tpu.memory_space<vmem>>, vector<16xf32>,
      %scan3A_1739 = arith.constant 0 : i32
      %scan3A_1740 = arith.constant 1 : i32
      %scan3A_1741 = arith.addi %scan3A_1719, %scan3A_1740 : i32
      %mul3A_1742 = arith.constant 16 : i32
      %mul3A_1743 = arith.muli %scan3A_1741, %mul3A_1742 : i32
      %add3A_1744 = arith.constant 4096 : i32
      %add3A_1745 = arith.addi %add3A_1744, %mul3A_1743 : i32
      %mul3A_1746 = arith.constant 16 : i32
      %mul3A_1747 = arith.muli %scan3A_1741, %mul3A_1746 : i32
      %get3A_1748 = arith.index_cast %add3A_1745 : i32 to index
      %get3A_1749 = tpu.vector_load %arg13[%get3A_1748] {strides = array<i32>} : memref<8192xi32, #tpu.memory_space<vmem>>, vector<16xi32>,
      %min3A_1750 = arith.constant 50048 : i32
      %min3A_1751 = vector.broadcast %min3A_1750 : i32 to vector<16xi32>
      %min3A_1752 = arith.minsi %get3A_1749, %min3A_1751 : vector<16xi32>
      %gather3A_1753 = tpu.vector_load_idx %arg11[%min3A_1752] : memref<50064xf32, #tpu.memory_space<vmem>>[vector<16xi32>], vector<16xf32>,
      %get3A_1754 = arith.index_cast %add3A_1745 : i32 to index
      %get3A_1755 = tpu.vector_load %arg14[%get3A_1754] {strides = array<i32>} : memref<8192xf32, #tpu.memory_space<vmem>>, vector<16xf32>,
      %mul3A_1756 = arith.mulf %gather3A_1753, %get3A_1755 : vector<16xf32>
      %swap3A_1757 = arith.index_cast %mul3A_1747 : i32 to index
      %swap3A_1758 = tpu.vector_load %arg15[%swap3A_1757] {strides = array<i32>} : memref<4096xf32, #tpu.memory_space<vmem>>, vector<16xf32>,
      tpu.vector_store %arg15[%swap3A_1757], %mul3A_1756 {add = true, strides = array<i32>} : memref<4096xf32, #tpu.memory_space<vmem>>, vector<16xf32>,
      %mul3A_1759 = arith.mulf %mul3A_1756, %mul3A_1756 : vector<16xf32>
      %swap3A_1760 = arith.index_cast %mul3A_1747 : i32 to index
      %swap3A_1761 = tpu.vector_load %arg16[%swap3A_1760] {strides = array<i32>} : memref<4096xf32, #tpu.memory_space<vmem>>, vector<16xf32>,
      tpu.vector_store %arg16[%swap3A_1760], %mul3A_1759 {add = true, strides = array<i32>} : memref<4096xf32, #tpu.memory_space<vmem>>, vector<16xf32>,
      %scan3A_1762 = arith.constant 0 : i32
      scf.yield %scan3A_1762 : i32
    }
    %scan3A_521 = arith.constant 256 : i32
    %mul3A_522 = arith.constant 13 : i32
    %mul3A_523 = arith.muli %select_n3A_30, %mul3A_522 : i32
    %add3A_524 = arith.constant 4 : i32
    %add3A_525 = arith.addi %mul3A_523, %add3A_524 : i32
    %dma_start3A_526 = arith.constant 0 : i32
    %dma_start3A_527 = tpu.memref_slice %arg11[%dma_start3A_526] : memref<50064xf32, #tpu.memory_space<vmem>> -> memref<50048xf32, #tpu.memory_space<vmem>>
    %dma_start3A_528 = arith.constant 0 : i32
    %dma_start3A_529 = tpu.memref_slice %arg2[%add3A_525, %select_n3A_9, %dma_start3A_528] : memref<26x16x100000xf32, #tpu.memory_space<hbm>> -> memref<1x1x50048xf32, #tpu.memory_space<hbm>>
    %dma_start3A_530 = tpu.memref_squeeze %dma_start3A_529 : memref<1x1x50048xf32, #tpu.memory_space<hbm>> -> memref<50048xf32, #tpu.memory_space<hbm>>
    %dma_start3A_531 = arith.constant 0 : i32
    %dma_start3A_532 = tpu.memref_slice %arg11[%dma_start3A_531] : memref<50064xf32, #tpu.memory_space<vmem>> -> memref<50048xf32, #tpu.memory_space<vmem>>
    %dma_start3A_533 = arith.constant 0 : i32
    %dma_start3A_534 = tpu.memref_slice %arg2[%add3A_525, %select_n3A_9, %dma_start3A_533] : memref<26x16x100000xf32, #tpu.memory_space<hbm>> -> memref<1x1x50048xf32, #tpu.memory_space<hbm>>
    %dma_start3A_535 = tpu.memref_squeeze %dma_start3A_534 : memref<1x1x50048xf32, #tpu.memory_space<hbm>> -> memref<50048xf32, #tpu.memory_space<hbm>>
    tpu.enqueue_dma source(%dma_start3A_535 : memref<50048xf32, #tpu.memory_space<hbm>>) target(%dma_start3A_532 : memref<50048xf32, #tpu.memory_space<vmem>>) target_semaphore(%arg18 : memref<!tpu.dma_semaphore, #tpu.memory_space<semaphore_mem>>)
    %dma_wait3A_536 = arith.constant 128 : i32
    %dma_wait3A_537 = tpu.memref_slice %arg12[%dma_wait3A_536] : memref<50176xf32, #tpu.memory_space<vmem>> -> memref<49920xf32, #tpu.memory_space<vmem>>
    %dma_wait3A_538 = arith.constant 50048 : i32
    %dma_wait3A_539 = tpu.memref_slice %arg2[%add3A_462, %select_n3A_9, %dma_wait3A_538] : memref<26x16x100000xf32, #tpu.memory_space<hbm>> -> memref<1x1x49920xf32, #tpu.memory_space<hbm>>
    %dma_wait3A_540 = tpu.memref_squeeze %dma_wait3A_539 : memref<1x1x49920xf32, #tpu.memory_space<hbm>> -> memref<49920xf32, #tpu.memory_space<hbm>>
    %dma_wait3A_541 = arith.constant 128 : i32
    %dma_wait3A_542 = tpu.memref_slice %arg12[%dma_wait3A_541] : memref<50176xf32, #tpu.memory_space<vmem>> -> memref<49920xf32, #tpu.memory_space<vmem>>
    %dma_wait3A_543 = arith.constant 50048 : i32
    %dma_wait3A_544 = tpu.memref_slice %arg2[%add3A_462, %select_n3A_9, %dma_wait3A_543] : memref<26x16x100000xf32, #tpu.memory_space<hbm>> -> memref<1x1x49920xf32, #tpu.memory_space<hbm>>
    %dma_wait3A_545 = tpu.memref_squeeze %dma_wait3A_544 : memref<1x1x49920xf32, #tpu.memory_space<hbm>> -> memref<49920xf32, #tpu.memory_space<hbm>>
    tpu.wait_dma2 semaphore(%arg19 : memref<!tpu.dma_semaphore, #tpu.memory_space<semaphore_mem>>) src(%dma_wait3A_545 : memref<49920xf32, #tpu.memory_space<hbm>>) dst(%dma_wait3A_542 : memref<49920xf32, #tpu.memory_space<vmem>>)
    %dma_wait3A_546 = arith.constant 50048 : i32
    %dma_wait3A_547 = tpu.memref_slice %arg12[%dma_wait3A_546] : memref<50176xf32, #tpu.memory_space<vmem>> -> memref<128xf32, #tpu.memory_space<vmem>>
    %dma_wait3A_548 = arith.constant 0 : i32
    %dma_wait3A_549 = tpu.memref_slice %arg6[%add3A_462, %select_n3A_9, %dma_wait3A_548] : memref<26x16x128xf32, #tpu.memory_space<hbm>> -> memref<1x1x128xf32, #tpu.memory_space<hbm>>
    %dma_wait3A_550 = tpu.memref_squeeze %dma_wait3A_549 : memref<1x1x128xf32, #tpu.memory_space<hbm>> -> memref<128xf32, #tpu.memory_space<hbm>>
    %dma_wait3A_551 = arith.constant 50048 : i32
    %dma_wait3A_552 = tpu.memref_slice %arg12[%dma_wait3A_551] : memref<50176xf32, #tpu.memory_space<vmem>> -> memref<128xf32, #tpu.memory_space<vmem>>
    %dma_wait3A_553 = arith.constant 0 : i32
    %dma_wait3A_554 = tpu.memref_slice %arg6[%add3A_462, %select_n3A_9, %dma_wait3A_553] : memref<26x16x128xf32, #tpu.memory_space<hbm>> -> memref<1x1x128xf32, #tpu.memory_space<hbm>>
    %dma_wait3A_555 = tpu.memref_squeeze %dma_wait3A_554 : memref<1x1x128xf32, #tpu.memory_space<hbm>> -> memref<128xf32, #tpu.memory_space<hbm>>
    tpu.wait_dma2 semaphore(%arg19 : memref<!tpu.dma_semaphore, #tpu.memory_space<semaphore_mem>>) src(%dma_wait3A_555 : memref<128xf32, #tpu.memory_space<hbm>>) dst(%dma_wait3A_552 : memref<128xf32, #tpu.memory_space<vmem>>)
    %scan3A_556 = arith.constant 0 : i32
    %scan3A_557 = arith.constant 0 : i32
    %scan3A_558 = arith.constant 256 : i32
    %scan3A_559 = arith.addi %scan3A_557, %scan3A_558 : i32
    %scan3A_560 = arith.constant 2 : i32
    %scan3A_561 = scf.for %scan3A_1719 = %scan3A_557 to %scan3A_559 step %scan3A_560 iter_args(%scan3A_1720 = %scan3A_556) -> (i32)  : i32 {
      %mul3A_1721 = arith.constant 16 : i32
      %mul3A_1722 = arith.muli %scan3A_1719, %mul3A_1721 : i32
      %add3A_1723 = arith.constant 4096 : i32
      %add3A_1724 = arith.addi %add3A_1723, %mul3A_1722 : i32
      %mul3A_1725 = arith.constant 16 : i32
      %mul3A_1726 = arith.muli %scan3A_1719, %mul3A_1725 : i32
      %get3A = arith.index_cast %add3A_1724 : i32 to index
      %get3A_1727 = tpu.vector_load %arg13[%get3A] {strides = array<i32>} : memref<8192xi32, #tpu.memory_space<vmem>>, vector<16xi32>,
      %sub3A_1728 = arith.constant 49920 : i32
      %sub3A_1729 = vector.broadcast %sub3A_1728 : i32 to vector<16xi32>
      %sub3A_1730 = arith.subi %get3A_1727, %sub3A_1729 : vector<16xi32>
      %max3A = arith.constant 0 : i32
      %max3A_1731 = vector.broadcast %max3A : i32 to vector<16xi32>
      %max3A_1732 = arith.maxsi %sub3A_1730, %max3A_1731 : vector<16xi32>
      %add3A_1733 = arith.constant 96 : i32
      %add3A_1734 = vector.broadcast %add3A_1733 : i32 to vector<16xi32>
      %add3A_1735 = arith.addi %sub3A_1730, %add3A_1734 : vector<16xi32>
      %ge3A = arith.constant 50048 : i32
      %ge3A_1736 = vector.broadcast %ge3A : i32 to vector<16xi32>
      %ge3A_1737 = arith.cmpi sge, %sub3A_1730, %ge3A_1736 : vector<16xi32>
      %select_n3A_1738 = arith.select %ge3A_1737, %add3A_1735, %max3A_1732 : vector<16xi1>, vector<16xi32>
      %gather3A = tpu.vector_load_idx %arg12[%select_n3A_1738] : memref<50176xf32, #tpu.memory_space<vmem>>[vector<16xi32>], vector<16xf32>,
      %get3A_1739 = arith.index_cast %add3A_1724 : i32 to index
      %get3A_1740 = tpu.vector_load %arg14[%get3A_1739] {strides = array<i32>} : memref<8192xf32, #tpu.memory_space<vmem>>, vector<16xf32>,
      %mul3A_1741 = arith.mulf %gather3A, %get3A_1740 : vector<16xf32>
      %swap3A_1742 = arith.index_cast %mul3A_1726 : i32 to index
      %swap3A_1743 = tpu.vector_load %arg15[%swap3A_1742] {strides = array<i32>} : memref<4096xf32, #tpu.memory_space<vmem>>, vector<16xf32>,
      tpu.vector_store %arg15[%swap3A_1742], %mul3A_1741 {add = true, strides = array<i32>} : memref<4096xf32, #tpu.memory_space<vmem>>, vector<16xf32>,
      %mul3A_1744 = arith.mulf %mul3A_1741, %mul3A_1741 : vector<16xf32>
      %swap3A_1745 = arith.index_cast %mul3A_1726 : i32 to index
      %swap3A_1746 = tpu.vector_load %arg16[%swap3A_1745] {strides = array<i32>} : memref<4096xf32, #tpu.memory_space<vmem>>, vector<16xf32>,
      tpu.vector_store %arg16[%swap3A_1745], %mul3A_1744 {add = true, strides = array<i32>} : memref<4096xf32, #tpu.memory_space<vmem>>, vector<16xf32>,
      %scan3A_1747 = arith.constant 0 : i32
      %scan3A_1748 = arith.constant 1 : i32
      %scan3A_1749 = arith.addi %scan3A_1719, %scan3A_1748 : i32
      %mul3A_1750 = arith.constant 16 : i32
      %mul3A_1751 = arith.muli %scan3A_1749, %mul3A_1750 : i32
      %add3A_1752 = arith.constant 4096 : i32
      %add3A_1753 = arith.addi %add3A_1752, %mul3A_1751 : i32
      %mul3A_1754 = arith.constant 16 : i32
      %mul3A_1755 = arith.muli %scan3A_1749, %mul3A_1754 : i32
      %get3A_1756 = arith.index_cast %add3A_1753 : i32 to index
      %get3A_1757 = tpu.vector_load %arg13[%get3A_1756] {strides = array<i32>} : memref<8192xi32, #tpu.memory_space<vmem>>, vector<16xi32>,
      %sub3A_1758 = arith.constant 49920 : i32
      %sub3A_1759 = vector.broadcast %sub3A_1758 : i32 to vector<16xi32>
      %sub3A_1760 = arith.subi %get3A_1757, %sub3A_1759 : vector<16xi32>
      %max3A_1761 = arith.constant 0 : i32
      %max3A_1762 = vector.broadcast %max3A_1761 : i32 to vector<16xi32>
      %max3A_1763 = arith.maxsi %sub3A_1760, %max3A_1762 : vector<16xi32>
      %add3A_1764 = arith.constant 96 : i32
      %add3A_1765 = vector.broadcast %add3A_1764 : i32 to vector<16xi32>
      %add3A_1766 = arith.addi %sub3A_1760, %add3A_1765 : vector<16xi32>
      %ge3A_1767 = arith.constant 50048 : i32
      %ge3A_1768 = vector.broadcast %ge3A_1767 : i32 to vector<16xi32>
      %ge3A_1769 = arith.cmpi sge, %sub3A_1760, %ge3A_1768 : vector<16xi32>
      %select_n3A_1770 = arith.select %ge3A_1769, %add3A_1766, %max3A_1763 : vector<16xi1>, vector<16xi32>
      %gather3A_1771 = tpu.vector_load_idx %arg12[%select_n3A_1770] : memref<50176xf32, #tpu.memory_space<vmem>>[vector<16xi32>], vector<16xf32>,
      %get3A_1772 = arith.index_cast %add3A_1753 : i32 to index
      %get3A_1773 = tpu.vector_load %arg14[%get3A_1772] {strides = array<i32>} : memref<8192xf32, #tpu.memory_space<vmem>>, vector<16xf32>,
      %mul3A_1774 = arith.mulf %gather3A_1771, %get3A_1773 : vector<16xf32>
      %swap3A_1775 = arith.index_cast %mul3A_1755 : i32 to index
      %swap3A_1776 = tpu.vector_load %arg15[%swap3A_1775] {strides = array<i32>} : memref<4096xf32, #tpu.memory_space<vmem>>, vector<16xf32>,
      tpu.vector_store %arg15[%swap3A_1775], %mul3A_1774 {add = true, strides = array<i32>} : memref<4096xf32, #tpu.memory_space<vmem>>, vector<16xf32>,
      %mul3A_1777 = arith.mulf %mul3A_1774, %mul3A_1774 : vector<16xf32>
      %swap3A_1778 = arith.index_cast %mul3A_1755 : i32 to index
      %swap3A_1779 = tpu.vector_load %arg16[%swap3A_1778] {strides = array<i32>} : memref<4096xf32, #tpu.memory_space<vmem>>, vector<16xf32>,
      tpu.vector_store %arg16[%swap3A_1778], %mul3A_1777 {add = true, strides = array<i32>} : memref<4096xf32, #tpu.memory_space<vmem>>, vector<16xf32>,
      %scan3A_1780 = arith.constant 0 : i32
      scf.yield %scan3A_1780 : i32
    }
    %scan3A_562 = arith.constant 256 : i32
    %dma_wait3A_563 = arith.constant 0 : i32
    %dma_wait3A_564 = tpu.memref_slice %arg13[%dma_wait3A_563] : memref<8192xi32, #tpu.memory_space<vmem>> -> memref<4096xi32, #tpu.memory_space<vmem>>
    %dma_wait3A_565 = tpu.memref_slice %arg4[%mul3A_498] : memref<106496xi32, #tpu.memory_space<hbm>> -> memref<4096xi32, #tpu.memory_space<hbm>>
    %dma_wait3A_566 = arith.constant 0 : i32
    %dma_wait3A_567 = tpu.memref_slice %arg13[%dma_wait3A_566] : memref<8192xi32, #tpu.memory_space<vmem>> -> memref<4096xi32, #tpu.memory_space<vmem>>
    %dma_wait3A_568 = tpu.memref_slice %arg4[%mul3A_498] : memref<106496xi32, #tpu.memory_space<hbm>> -> memref<4096xi32, #tpu.memory_space<hbm>>
    tpu.wait_dma2 semaphore(%arg20 : memref<!tpu.dma_semaphore, #tpu.memory_space<semaphore_mem>>) src(%dma_wait3A_568 : memref<4096xi32, #tpu.memory_space<hbm>>) dst(%dma_wait3A_567 : memref<4096xi32, #tpu.memory_space<vmem>>)
    %dma_wait3A_569 = arith.constant 0 : i32
    %dma_wait3A_570 = tpu.memref_slice %arg14[%dma_wait3A_569] : memref<8192xf32, #tpu.memory_space<vmem>> -> memref<4096xf32, #tpu.memory_space<vmem>>
    %dma_wait3A_571 = arith.constant 0 : i32
    %dma_wait3A_572 = tpu.memref_slice %arg5[%add3A_496, %dma_wait3A_571] : memref<26x4096xf32, #tpu.memory_space<hbm>> -> memref<1x4096xf32, #tpu.memory_space<hbm>>
    %dma_wait3A_573 = tpu.memref_squeeze %dma_wait3A_572 : memref<1x4096xf32, #tpu.memory_space<hbm>> -> memref<4096xf32, #tpu.memory_space<hbm>>
    %dma_wait3A_574 = arith.constant 0 : i32
    %dma_wait3A_575 = tpu.memref_slice %arg14[%dma_wait3A_574] : memref<8192xf32, #tpu.memory_space<vmem>> -> memref<4096xf32, #tpu.memory_space<vmem>>
    %dma_wait3A_576 = arith.constant 0 : i32
    %dma_wait3A_577 = tpu.memref_slice %arg5[%add3A_496, %dma_wait3A_576] : memref<26x4096xf32, #tpu.memory_space<hbm>> -> memref<1x4096xf32, #tpu.memory_space<hbm>>
    %dma_wait3A_578 = tpu.memref_squeeze %dma_wait3A_577 : memref<1x4096xf32, #tpu.memory_space<hbm>> -> memref<4096xf32, #tpu.memory_space<hbm>>
    tpu.wait_dma2 semaphore(%arg20 : memref<!tpu.dma_semaphore, #tpu.memory_space<semaphore_mem>>) src(%dma_wait3A_578 : memref<4096xf32, #tpu.memory_space<hbm>>) dst(%dma_wait3A_575 : memref<4096xf32, #tpu.memory_space<vmem>>)
    %mul3A_579 = arith.constant 13 : i32
    %mul3A_580 = arith.muli %select_n3A_30, %mul3A_579 : i32
    %add3A_581 = arith.constant 4 : i32
    %add3A_582 = arith.addi %mul3A_580, %add3A_581 : i32
    %dma_start3A_583 = arith.constant 128 : i32
    %dma_start3A_584 = tpu.memref_slice %arg12[%dma_start3A_583] : memref<50176xf32, #tpu.memory_space<vmem>> -> memref<49920xf32, #tpu.memory_space<vmem>>
    %dma_start3A_585 = arith.constant 50048 : i32
    %dma_start3A_586 = tpu.memref_slice %arg2[%add3A_582, %select_n3A_9, %dma_start3A_585] : memref<26x16x100000xf32, #tpu.memory_space<hbm>> -> memref<1x1x49920xf32, #tpu.memory_space<hbm>>
    %dma_start3A_587 = tpu.memref_squeeze %dma_start3A_586 : memref<1x1x49920xf32, #tpu.memory_space<hbm>> -> memref<49920xf32, #tpu.memory_space<hbm>>
    %dma_start3A_588 = arith.constant 128 : i32
    %dma_start3A_589 = tpu.memref_slice %arg12[%dma_start3A_588] : memref<50176xf32, #tpu.memory_space<vmem>> -> memref<49920xf32, #tpu.memory_space<vmem>>
    %dma_start3A_590 = arith.constant 50048 : i32
    %dma_start3A_591 = tpu.memref_slice %arg2[%add3A_582, %select_n3A_9, %dma_start3A_590] : memref<26x16x100000xf32, #tpu.memory_space<hbm>> -> memref<1x1x49920xf32, #tpu.memory_space<hbm>>
    %dma_start3A_592 = tpu.memref_squeeze %dma_start3A_591 : memref<1x1x49920xf32, #tpu.memory_space<hbm>> -> memref<49920xf32, #tpu.memory_space<hbm>>
    tpu.enqueue_dma source(%dma_start3A_592 : memref<49920xf32, #tpu.memory_space<hbm>>) target(%dma_start3A_589 : memref<49920xf32, #tpu.memory_space<vmem>>) target_semaphore(%arg19 : memref<!tpu.dma_semaphore, #tpu.memory_space<semaphore_mem>>)
    %dma_start3A_593 = arith.constant 50048 : i32
    %dma_start3A_594 = tpu.memref_slice %arg12[%dma_start3A_593] : memref<50176xf32, #tpu.memory_space<vmem>> -> memref<128xf32, #tpu.memory_space<vmem>>
    %dma_start3A_595 = arith.constant 0 : i32
    %dma_start3A_596 = tpu.memref_slice %arg6[%add3A_582, %select_n3A_9, %dma_start3A_595] : memref<26x16x128xf32, #tpu.memory_space<hbm>> -> memref<1x1x128xf32, #tpu.memory_space<hbm>>
    %dma_start3A_597 = tpu.memref_squeeze %dma_start3A_596 : memref<1x1x128xf32, #tpu.memory_space<hbm>> -> memref<128xf32, #tpu.memory_space<hbm>>
    %dma_start3A_598 = arith.constant 50048 : i32
    %dma_start3A_599 = tpu.memref_slice %arg12[%dma_start3A_598] : memref<50176xf32, #tpu.memory_space<vmem>> -> memref<128xf32, #tpu.memory_space<vmem>>
    %dma_start3A_600 = arith.constant 0 : i32
    %dma_start3A_601 = tpu.memref_slice %arg6[%add3A_582, %select_n3A_9, %dma_start3A_600] : memref<26x16x128xf32, #tpu.memory_space<hbm>> -> memref<1x1x128xf32, #tpu.memory_space<hbm>>
    %dma_start3A_602 = tpu.memref_squeeze %dma_start3A_601 : memref<1x1x128xf32, #tpu.memory_space<hbm>> -> memref<128xf32, #tpu.memory_space<hbm>>
    tpu.enqueue_dma source(%dma_start3A_602 : memref<128xf32, #tpu.memory_space<hbm>>) target(%dma_start3A_599 : memref<128xf32, #tpu.memory_space<vmem>>) target_semaphore(%arg19 : memref<!tpu.dma_semaphore, #tpu.memory_space<semaphore_mem>>)
    %dma_wait3A_603 = arith.constant 0 : i32
    %dma_wait3A_604 = tpu.memref_slice %arg11[%dma_wait3A_603] : memref<50064xf32, #tpu.memory_space<vmem>> -> memref<50048xf32, #tpu.memory_space<vmem>>
    %dma_wait3A_605 = arith.constant 0 : i32
    %dma_wait3A_606 = tpu.memref_slice %arg2[%add3A_525, %select_n3A_9, %dma_wait3A_605] : memref<26x16x100000xf32, #tpu.memory_space<hbm>> -> memref<1x1x50048xf32, #tpu.memory_space<hbm>>
    %dma_wait3A_607 = tpu.memref_squeeze %dma_wait3A_606 : memref<1x1x50048xf32, #tpu.memory_space<hbm>> -> memref<50048xf32, #tpu.memory_space<hbm>>
    %dma_wait3A_608 = arith.constant 0 : i32
    %dma_wait3A_609 = tpu.memref_slice %arg11[%dma_wait3A_608] : memref<50064xf32, #tpu.memory_space<vmem>> -> memref<50048xf32, #tpu.memory_space<vmem>>
    %dma_wait3A_610 = arith.constant 0 : i32
    %dma_wait3A_611 = tpu.memref_slice %arg2[%add3A_525, %select_n3A_9, %dma_wait3A_610] : memref<26x16x100000xf32, #tpu.memory_space<hbm>> -> memref<1x1x50048xf32, #tpu.memory_space<hbm>>
    %dma_wait3A_612 = tpu.memref_squeeze %dma_wait3A_611 : memref<1x1x50048xf32, #tpu.memory_space<hbm>> -> memref<50048xf32, #tpu.memory_space<hbm>>
    tpu.wait_dma2 semaphore(%arg18 : memref<!tpu.dma_semaphore, #tpu.memory_space<semaphore_mem>>) src(%dma_wait3A_612 : memref<50048xf32, #tpu.memory_space<hbm>>) dst(%dma_wait3A_609 : memref<50048xf32, #tpu.memory_space<vmem>>)
    %mul3A_613 = arith.constant 13 : i32
    %mul3A_614 = arith.muli %select_n3A_30, %mul3A_613 : i32
    %add3A_615 = arith.constant 5 : i32
    %add3A_616 = arith.addi %mul3A_614, %add3A_615 : i32
    %mul3A_617 = arith.constant 4096 : i32
    %mul3A_618 = arith.muli %add3A_616, %mul3A_617 : i32
    %dma_start3A_619 = arith.constant 4096 : i32
    %dma_start3A_620 = tpu.memref_slice %arg13[%dma_start3A_619] : memref<8192xi32, #tpu.memory_space<vmem>> -> memref<4096xi32, #tpu.memory_space<vmem>>
    %dma_start3A_621 = tpu.memref_slice %arg4[%mul3A_618] : memref<106496xi32, #tpu.memory_space<hbm>> -> memref<4096xi32, #tpu.memory_space<hbm>>
    %dma_start3A_622 = arith.constant 4096 : i32
    %dma_start3A_623 = tpu.memref_slice %arg13[%dma_start3A_622] : memref<8192xi32, #tpu.memory_space<vmem>> -> memref<4096xi32, #tpu.memory_space<vmem>>
    %dma_start3A_624 = tpu.memref_slice %arg4[%mul3A_618] : memref<106496xi32, #tpu.memory_space<hbm>> -> memref<4096xi32, #tpu.memory_space<hbm>>
    tpu.enqueue_dma source(%dma_start3A_624 : memref<4096xi32, #tpu.memory_space<hbm>>) target(%dma_start3A_623 : memref<4096xi32, #tpu.memory_space<vmem>>) target_semaphore(%arg20 : memref<!tpu.dma_semaphore, #tpu.memory_space<semaphore_mem>>)
    %dma_start3A_625 = arith.constant 4096 : i32
    %dma_start3A_626 = tpu.memref_slice %arg14[%dma_start3A_625] : memref<8192xf32, #tpu.memory_space<vmem>> -> memref<4096xf32, #tpu.memory_space<vmem>>
    %dma_start3A_627 = arith.constant 0 : i32
    %dma_start3A_628 = tpu.memref_slice %arg5[%add3A_616, %dma_start3A_627] : memref<26x4096xf32, #tpu.memory_space<hbm>> -> memref<1x4096xf32, #tpu.memory_space<hbm>>
    %dma_start3A_629 = tpu.memref_squeeze %dma_start3A_628 : memref<1x4096xf32, #tpu.memory_space<hbm>> -> memref<4096xf32, #tpu.memory_space<hbm>>
    %dma_start3A_630 = arith.constant 4096 : i32
    %dma_start3A_631 = tpu.memref_slice %arg14[%dma_start3A_630] : memref<8192xf32, #tpu.memory_space<vmem>> -> memref<4096xf32, #tpu.memory_space<vmem>>
    %dma_start3A_632 = arith.constant 0 : i32
    %dma_start3A_633 = tpu.memref_slice %arg5[%add3A_616, %dma_start3A_632] : memref<26x4096xf32, #tpu.memory_space<hbm>> -> memref<1x4096xf32, #tpu.memory_space<hbm>>
    %dma_start3A_634 = tpu.memref_squeeze %dma_start3A_633 : memref<1x4096xf32, #tpu.memory_space<hbm>> -> memref<4096xf32, #tpu.memory_space<hbm>>
    tpu.enqueue_dma source(%dma_start3A_634 : memref<4096xf32, #tpu.memory_space<hbm>>) target(%dma_start3A_631 : memref<4096xf32, #tpu.memory_space<vmem>>) target_semaphore(%arg20 : memref<!tpu.dma_semaphore, #tpu.memory_space<semaphore_mem>>)
    %scan3A_635 = arith.constant 0 : i32
    %scan3A_636 = arith.constant 0 : i32
    %scan3A_637 = arith.constant 256 : i32
    %scan3A_638 = arith.addi %scan3A_636, %scan3A_637 : i32
    %scan3A_639 = arith.constant 2 : i32
    %scan3A_640 = scf.for %scan3A_1719 = %scan3A_636 to %scan3A_638 step %scan3A_639 iter_args(%scan3A_1720 = %scan3A_635) -> (i32)  : i32 {
      %mul3A_1721 = arith.constant 16 : i32
      %mul3A_1722 = arith.muli %scan3A_1719, %mul3A_1721 : i32
      %add3A_1723 = arith.constant 0 : i32
      %add3A_1724 = arith.addi %add3A_1723, %mul3A_1722 : i32
      %mul3A_1725 = arith.constant 16 : i32
      %mul3A_1726 = arith.muli %scan3A_1719, %mul3A_1725 : i32
      %get3A = arith.index_cast %add3A_1724 : i32 to index
      %get3A_1727 = tpu.vector_load %arg13[%get3A] {strides = array<i32>} : memref<8192xi32, #tpu.memory_space<vmem>>, vector<16xi32>,
      %min3A_1728 = arith.constant 50048 : i32
      %min3A_1729 = vector.broadcast %min3A_1728 : i32 to vector<16xi32>
      %min3A_1730 = arith.minsi %get3A_1727, %min3A_1729 : vector<16xi32>
      %gather3A = tpu.vector_load_idx %arg11[%min3A_1730] : memref<50064xf32, #tpu.memory_space<vmem>>[vector<16xi32>], vector<16xf32>,
      %get3A_1731 = arith.index_cast %add3A_1724 : i32 to index
      %get3A_1732 = tpu.vector_load %arg14[%get3A_1731] {strides = array<i32>} : memref<8192xf32, #tpu.memory_space<vmem>>, vector<16xf32>,
      %mul3A_1733 = arith.mulf %gather3A, %get3A_1732 : vector<16xf32>
      %swap3A_1734 = arith.index_cast %mul3A_1726 : i32 to index
      %swap3A_1735 = tpu.vector_load %arg15[%swap3A_1734] {strides = array<i32>} : memref<4096xf32, #tpu.memory_space<vmem>>, vector<16xf32>,
      tpu.vector_store %arg15[%swap3A_1734], %mul3A_1733 {add = true, strides = array<i32>} : memref<4096xf32, #tpu.memory_space<vmem>>, vector<16xf32>,
      %mul3A_1736 = arith.mulf %mul3A_1733, %mul3A_1733 : vector<16xf32>
      %swap3A_1737 = arith.index_cast %mul3A_1726 : i32 to index
      %swap3A_1738 = tpu.vector_load %arg16[%swap3A_1737] {strides = array<i32>} : memref<4096xf32, #tpu.memory_space<vmem>>, vector<16xf32>,
      tpu.vector_store %arg16[%swap3A_1737], %mul3A_1736 {add = true, strides = array<i32>} : memref<4096xf32, #tpu.memory_space<vmem>>, vector<16xf32>,
      %scan3A_1739 = arith.constant 0 : i32
      %scan3A_1740 = arith.constant 1 : i32
      %scan3A_1741 = arith.addi %scan3A_1719, %scan3A_1740 : i32
      %mul3A_1742 = arith.constant 16 : i32
      %mul3A_1743 = arith.muli %scan3A_1741, %mul3A_1742 : i32
      %add3A_1744 = arith.constant 0 : i32
      %add3A_1745 = arith.addi %add3A_1744, %mul3A_1743 : i32
      %mul3A_1746 = arith.constant 16 : i32
      %mul3A_1747 = arith.muli %scan3A_1741, %mul3A_1746 : i32
      %get3A_1748 = arith.index_cast %add3A_1745 : i32 to index
      %get3A_1749 = tpu.vector_load %arg13[%get3A_1748] {strides = array<i32>} : memref<8192xi32, #tpu.memory_space<vmem>>, vector<16xi32>,
      %min3A_1750 = arith.constant 50048 : i32
      %min3A_1751 = vector.broadcast %min3A_1750 : i32 to vector<16xi32>
      %min3A_1752 = arith.minsi %get3A_1749, %min3A_1751 : vector<16xi32>
      %gather3A_1753 = tpu.vector_load_idx %arg11[%min3A_1752] : memref<50064xf32, #tpu.memory_space<vmem>>[vector<16xi32>], vector<16xf32>,
      %get3A_1754 = arith.index_cast %add3A_1745 : i32 to index
      %get3A_1755 = tpu.vector_load %arg14[%get3A_1754] {strides = array<i32>} : memref<8192xf32, #tpu.memory_space<vmem>>, vector<16xf32>,
      %mul3A_1756 = arith.mulf %gather3A_1753, %get3A_1755 : vector<16xf32>
      %swap3A_1757 = arith.index_cast %mul3A_1747 : i32 to index
      %swap3A_1758 = tpu.vector_load %arg15[%swap3A_1757] {strides = array<i32>} : memref<4096xf32, #tpu.memory_space<vmem>>, vector<16xf32>,
      tpu.vector_store %arg15[%swap3A_1757], %mul3A_1756 {add = true, strides = array<i32>} : memref<4096xf32, #tpu.memory_space<vmem>>, vector<16xf32>,
      %mul3A_1759 = arith.mulf %mul3A_1756, %mul3A_1756 : vector<16xf32>
      %swap3A_1760 = arith.index_cast %mul3A_1747 : i32 to index
      %swap3A_1761 = tpu.vector_load %arg16[%swap3A_1760] {strides = array<i32>} : memref<4096xf32, #tpu.memory_space<vmem>>, vector<16xf32>,
      tpu.vector_store %arg16[%swap3A_1760], %mul3A_1759 {add = true, strides = array<i32>} : memref<4096xf32, #tpu.memory_space<vmem>>, vector<16xf32>,
      %scan3A_1762 = arith.constant 0 : i32
      scf.yield %scan3A_1762 : i32
    }
    %scan3A_641 = arith.constant 256 : i32
    %mul3A_642 = arith.constant 13 : i32
    %mul3A_643 = arith.muli %select_n3A_30, %mul3A_642 : i32
    %add3A_644 = arith.constant 5 : i32
    %add3A_645 = arith.addi %mul3A_643, %add3A_644 : i32
    %dma_start3A_646 = arith.constant 0 : i32
    %dma_start3A_647 = tpu.memref_slice %arg11[%dma_start3A_646] : memref<50064xf32, #tpu.memory_space<vmem>> -> memref<50048xf32, #tpu.memory_space<vmem>>
    %dma_start3A_648 = arith.constant 0 : i32
    %dma_start3A_649 = tpu.memref_slice %arg2[%add3A_645, %select_n3A_9, %dma_start3A_648] : memref<26x16x100000xf32, #tpu.memory_space<hbm>> -> memref<1x1x50048xf32, #tpu.memory_space<hbm>>
    %dma_start3A_650 = tpu.memref_squeeze %dma_start3A_649 : memref<1x1x50048xf32, #tpu.memory_space<hbm>> -> memref<50048xf32, #tpu.memory_space<hbm>>
    %dma_start3A_651 = arith.constant 0 : i32
    %dma_start3A_652 = tpu.memref_slice %arg11[%dma_start3A_651] : memref<50064xf32, #tpu.memory_space<vmem>> -> memref<50048xf32, #tpu.memory_space<vmem>>
    %dma_start3A_653 = arith.constant 0 : i32
    %dma_start3A_654 = tpu.memref_slice %arg2[%add3A_645, %select_n3A_9, %dma_start3A_653] : memref<26x16x100000xf32, #tpu.memory_space<hbm>> -> memref<1x1x50048xf32, #tpu.memory_space<hbm>>
    %dma_start3A_655 = tpu.memref_squeeze %dma_start3A_654 : memref<1x1x50048xf32, #tpu.memory_space<hbm>> -> memref<50048xf32, #tpu.memory_space<hbm>>
    tpu.enqueue_dma source(%dma_start3A_655 : memref<50048xf32, #tpu.memory_space<hbm>>) target(%dma_start3A_652 : memref<50048xf32, #tpu.memory_space<vmem>>) target_semaphore(%arg18 : memref<!tpu.dma_semaphore, #tpu.memory_space<semaphore_mem>>)
    %dma_wait3A_656 = arith.constant 128 : i32
    %dma_wait3A_657 = tpu.memref_slice %arg12[%dma_wait3A_656] : memref<50176xf32, #tpu.memory_space<vmem>> -> memref<49920xf32, #tpu.memory_space<vmem>>
    %dma_wait3A_658 = arith.constant 50048 : i32
    %dma_wait3A_659 = tpu.memref_slice %arg2[%add3A_582, %select_n3A_9, %dma_wait3A_658] : memref<26x16x100000xf32, #tpu.memory_space<hbm>> -> memref<1x1x49920xf32, #tpu.memory_space<hbm>>
    %dma_wait3A_660 = tpu.memref_squeeze %dma_wait3A_659 : memref<1x1x49920xf32, #tpu.memory_space<hbm>> -> memref<49920xf32, #tpu.memory_space<hbm>>
    %dma_wait3A_661 = arith.constant 128 : i32
    %dma_wait3A_662 = tpu.memref_slice %arg12[%dma_wait3A_661] : memref<50176xf32, #tpu.memory_space<vmem>> -> memref<49920xf32, #tpu.memory_space<vmem>>
    %dma_wait3A_663 = arith.constant 50048 : i32
    %dma_wait3A_664 = tpu.memref_slice %arg2[%add3A_582, %select_n3A_9, %dma_wait3A_663] : memref<26x16x100000xf32, #tpu.memory_space<hbm>> -> memref<1x1x49920xf32, #tpu.memory_space<hbm>>
    %dma_wait3A_665 = tpu.memref_squeeze %dma_wait3A_664 : memref<1x1x49920xf32, #tpu.memory_space<hbm>> -> memref<49920xf32, #tpu.memory_space<hbm>>
    tpu.wait_dma2 semaphore(%arg19 : memref<!tpu.dma_semaphore, #tpu.memory_space<semaphore_mem>>) src(%dma_wait3A_665 : memref<49920xf32, #tpu.memory_space<hbm>>) dst(%dma_wait3A_662 : memref<49920xf32, #tpu.memory_space<vmem>>)
    %dma_wait3A_666 = arith.constant 50048 : i32
    %dma_wait3A_667 = tpu.memref_slice %arg12[%dma_wait3A_666] : memref<50176xf32, #tpu.memory_space<vmem>> -> memref<128xf32, #tpu.memory_space<vmem>>
    %dma_wait3A_668 = arith.constant 0 : i32
    %dma_wait3A_669 = tpu.memref_slice %arg6[%add3A_582, %select_n3A_9, %dma_wait3A_668] : memref<26x16x128xf32, #tpu.memory_space<hbm>> -> memref<1x1x128xf32, #tpu.memory_space<hbm>>
    %dma_wait3A_670 = tpu.memref_squeeze %dma_wait3A_669 : memref<1x1x128xf32, #tpu.memory_space<hbm>> -> memref<128xf32, #tpu.memory_space<hbm>>
    %dma_wait3A_671 = arith.constant 50048 : i32
    %dma_wait3A_672 = tpu.memref_slice %arg12[%dma_wait3A_671] : memref<50176xf32, #tpu.memory_space<vmem>> -> memref<128xf32, #tpu.memory_space<vmem>>
    %dma_wait3A_673 = arith.constant 0 : i32
    %dma_wait3A_674 = tpu.memref_slice %arg6[%add3A_582, %select_n3A_9, %dma_wait3A_673] : memref<26x16x128xf32, #tpu.memory_space<hbm>> -> memref<1x1x128xf32, #tpu.memory_space<hbm>>
    %dma_wait3A_675 = tpu.memref_squeeze %dma_wait3A_674 : memref<1x1x128xf32, #tpu.memory_space<hbm>> -> memref<128xf32, #tpu.memory_space<hbm>>
    tpu.wait_dma2 semaphore(%arg19 : memref<!tpu.dma_semaphore, #tpu.memory_space<semaphore_mem>>) src(%dma_wait3A_675 : memref<128xf32, #tpu.memory_space<hbm>>) dst(%dma_wait3A_672 : memref<128xf32, #tpu.memory_space<vmem>>)
    %scan3A_676 = arith.constant 0 : i32
    %scan3A_677 = arith.constant 0 : i32
    %scan3A_678 = arith.constant 256 : i32
    %scan3A_679 = arith.addi %scan3A_677, %scan3A_678 : i32
    %scan3A_680 = arith.constant 2 : i32
    %scan3A_681 = scf.for %scan3A_1719 = %scan3A_677 to %scan3A_679 step %scan3A_680 iter_args(%scan3A_1720 = %scan3A_676) -> (i32)  : i32 {
      %mul3A_1721 = arith.constant 16 : i32
      %mul3A_1722 = arith.muli %scan3A_1719, %mul3A_1721 : i32
      %add3A_1723 = arith.constant 0 : i32
      %add3A_1724 = arith.addi %add3A_1723, %mul3A_1722 : i32
      %mul3A_1725 = arith.constant 16 : i32
      %mul3A_1726 = arith.muli %scan3A_1719, %mul3A_1725 : i32
      %get3A = arith.index_cast %add3A_1724 : i32 to index
      %get3A_1727 = tpu.vector_load %arg13[%get3A] {strides = array<i32>} : memref<8192xi32, #tpu.memory_space<vmem>>, vector<16xi32>,
      %sub3A_1728 = arith.constant 49920 : i32
      %sub3A_1729 = vector.broadcast %sub3A_1728 : i32 to vector<16xi32>
      %sub3A_1730 = arith.subi %get3A_1727, %sub3A_1729 : vector<16xi32>
      %max3A = arith.constant 0 : i32
      %max3A_1731 = vector.broadcast %max3A : i32 to vector<16xi32>
      %max3A_1732 = arith.maxsi %sub3A_1730, %max3A_1731 : vector<16xi32>
      %add3A_1733 = arith.constant 96 : i32
      %add3A_1734 = vector.broadcast %add3A_1733 : i32 to vector<16xi32>
      %add3A_1735 = arith.addi %sub3A_1730, %add3A_1734 : vector<16xi32>
      %ge3A = arith.constant 50048 : i32
      %ge3A_1736 = vector.broadcast %ge3A : i32 to vector<16xi32>
      %ge3A_1737 = arith.cmpi sge, %sub3A_1730, %ge3A_1736 : vector<16xi32>
      %select_n3A_1738 = arith.select %ge3A_1737, %add3A_1735, %max3A_1732 : vector<16xi1>, vector<16xi32>
      %gather3A = tpu.vector_load_idx %arg12[%select_n3A_1738] : memref<50176xf32, #tpu.memory_space<vmem>>[vector<16xi32>], vector<16xf32>,
      %get3A_1739 = arith.index_cast %add3A_1724 : i32 to index
      %get3A_1740 = tpu.vector_load %arg14[%get3A_1739] {strides = array<i32>} : memref<8192xf32, #tpu.memory_space<vmem>>, vector<16xf32>,
      %mul3A_1741 = arith.mulf %gather3A, %get3A_1740 : vector<16xf32>
      %swap3A_1742 = arith.index_cast %mul3A_1726 : i32 to index
      %swap3A_1743 = tpu.vector_load %arg15[%swap3A_1742] {strides = array<i32>} : memref<4096xf32, #tpu.memory_space<vmem>>, vector<16xf32>,
      tpu.vector_store %arg15[%swap3A_1742], %mul3A_1741 {add = true, strides = array<i32>} : memref<4096xf32, #tpu.memory_space<vmem>>, vector<16xf32>,
      %mul3A_1744 = arith.mulf %mul3A_1741, %mul3A_1741 : vector<16xf32>
      %swap3A_1745 = arith.index_cast %mul3A_1726 : i32 to index
      %swap3A_1746 = tpu.vector_load %arg16[%swap3A_1745] {strides = array<i32>} : memref<4096xf32, #tpu.memory_space<vmem>>, vector<16xf32>,
      tpu.vector_store %arg16[%swap3A_1745], %mul3A_1744 {add = true, strides = array<i32>} : memref<4096xf32, #tpu.memory_space<vmem>>, vector<16xf32>,
      %scan3A_1747 = arith.constant 0 : i32
      %scan3A_1748 = arith.constant 1 : i32
      %scan3A_1749 = arith.addi %scan3A_1719, %scan3A_1748 : i32
      %mul3A_1750 = arith.constant 16 : i32
      %mul3A_1751 = arith.muli %scan3A_1749, %mul3A_1750 : i32
      %add3A_1752 = arith.constant 0 : i32
      %add3A_1753 = arith.addi %add3A_1752, %mul3A_1751 : i32
      %mul3A_1754 = arith.constant 16 : i32
      %mul3A_1755 = arith.muli %scan3A_1749, %mul3A_1754 : i32
      %get3A_1756 = arith.index_cast %add3A_1753 : i32 to index
      %get3A_1757 = tpu.vector_load %arg13[%get3A_1756] {strides = array<i32>} : memref<8192xi32, #tpu.memory_space<vmem>>, vector<16xi32>,
      %sub3A_1758 = arith.constant 49920 : i32
      %sub3A_1759 = vector.broadcast %sub3A_1758 : i32 to vector<16xi32>
      %sub3A_1760 = arith.subi %get3A_1757, %sub3A_1759 : vector<16xi32>
      %max3A_1761 = arith.constant 0 : i32
      %max3A_1762 = vector.broadcast %max3A_1761 : i32 to vector<16xi32>
      %max3A_1763 = arith.maxsi %sub3A_1760, %max3A_1762 : vector<16xi32>
      %add3A_1764 = arith.constant 96 : i32
      %add3A_1765 = vector.broadcast %add3A_1764 : i32 to vector<16xi32>
      %add3A_1766 = arith.addi %sub3A_1760, %add3A_1765 : vector<16xi32>
      %ge3A_1767 = arith.constant 50048 : i32
      %ge3A_1768 = vector.broadcast %ge3A_1767 : i32 to vector<16xi32>
      %ge3A_1769 = arith.cmpi sge, %sub3A_1760, %ge3A_1768 : vector<16xi32>
      %select_n3A_1770 = arith.select %ge3A_1769, %add3A_1766, %max3A_1763 : vector<16xi1>, vector<16xi32>
      %gather3A_1771 = tpu.vector_load_idx %arg12[%select_n3A_1770] : memref<50176xf32, #tpu.memory_space<vmem>>[vector<16xi32>], vector<16xf32>,
      %get3A_1772 = arith.index_cast %add3A_1753 : i32 to index
      %get3A_1773 = tpu.vector_load %arg14[%get3A_1772] {strides = array<i32>} : memref<8192xf32, #tpu.memory_space<vmem>>, vector<16xf32>,
      %mul3A_1774 = arith.mulf %gather3A_1771, %get3A_1773 : vector<16xf32>
      %swap3A_1775 = arith.index_cast %mul3A_1755 : i32 to index
      %swap3A_1776 = tpu.vector_load %arg15[%swap3A_1775] {strides = array<i32>} : memref<4096xf32, #tpu.memory_space<vmem>>, vector<16xf32>,
      tpu.vector_store %arg15[%swap3A_1775], %mul3A_1774 {add = true, strides = array<i32>} : memref<4096xf32, #tpu.memory_space<vmem>>, vector<16xf32>,
      %mul3A_1777 = arith.mulf %mul3A_1774, %mul3A_1774 : vector<16xf32>
      %swap3A_1778 = arith.index_cast %mul3A_1755 : i32 to index
      %swap3A_1779 = tpu.vector_load %arg16[%swap3A_1778] {strides = array<i32>} : memref<4096xf32, #tpu.memory_space<vmem>>, vector<16xf32>,
      tpu.vector_store %arg16[%swap3A_1778], %mul3A_1777 {add = true, strides = array<i32>} : memref<4096xf32, #tpu.memory_space<vmem>>, vector<16xf32>,
      %scan3A_1780 = arith.constant 0 : i32
      scf.yield %scan3A_1780 : i32
    }
    %scan3A_682 = arith.constant 256 : i32
    %dma_wait3A_683 = arith.constant 4096 : i32
    %dma_wait3A_684 = tpu.memref_slice %arg13[%dma_wait3A_683] : memref<8192xi32, #tpu.memory_space<vmem>> -> memref<4096xi32, #tpu.memory_space<vmem>>
    %dma_wait3A_685 = tpu.memref_slice %arg4[%mul3A_618] : memref<106496xi32, #tpu.memory_space<hbm>> -> memref<4096xi32, #tpu.memory_space<hbm>>
    %dma_wait3A_686 = arith.constant 4096 : i32
    %dma_wait3A_687 = tpu.memref_slice %arg13[%dma_wait3A_686] : memref<8192xi32, #tpu.memory_space<vmem>> -> memref<4096xi32, #tpu.memory_space<vmem>>
    %dma_wait3A_688 = tpu.memref_slice %arg4[%mul3A_618] : memref<106496xi32, #tpu.memory_space<hbm>> -> memref<4096xi32, #tpu.memory_space<hbm>>
    tpu.wait_dma2 semaphore(%arg20 : memref<!tpu.dma_semaphore, #tpu.memory_space<semaphore_mem>>) src(%dma_wait3A_688 : memref<4096xi32, #tpu.memory_space<hbm>>) dst(%dma_wait3A_687 : memref<4096xi32, #tpu.memory_space<vmem>>)
    %dma_wait3A_689 = arith.constant 4096 : i32
    %dma_wait3A_690 = tpu.memref_slice %arg14[%dma_wait3A_689] : memref<8192xf32, #tpu.memory_space<vmem>> -> memref<4096xf32, #tpu.memory_space<vmem>>
    %dma_wait3A_691 = arith.constant 0 : i32
    %dma_wait3A_692 = tpu.memref_slice %arg5[%add3A_616, %dma_wait3A_691] : memref<26x4096xf32, #tpu.memory_space<hbm>> -> memref<1x4096xf32, #tpu.memory_space<hbm>>
    %dma_wait3A_693 = tpu.memref_squeeze %dma_wait3A_692 : memref<1x4096xf32, #tpu.memory_space<hbm>> -> memref<4096xf32, #tpu.memory_space<hbm>>
    %dma_wait3A_694 = arith.constant 4096 : i32
    %dma_wait3A_695 = tpu.memref_slice %arg14[%dma_wait3A_694] : memref<8192xf32, #tpu.memory_space<vmem>> -> memref<4096xf32, #tpu.memory_space<vmem>>
    %dma_wait3A_696 = arith.constant 0 : i32
    %dma_wait3A_697 = tpu.memref_slice %arg5[%add3A_616, %dma_wait3A_696] : memref<26x4096xf32, #tpu.memory_space<hbm>> -> memref<1x4096xf32, #tpu.memory_space<hbm>>
    %dma_wait3A_698 = tpu.memref_squeeze %dma_wait3A_697 : memref<1x4096xf32, #tpu.memory_space<hbm>> -> memref<4096xf32, #tpu.memory_space<hbm>>
    tpu.wait_dma2 semaphore(%arg20 : memref<!tpu.dma_semaphore, #tpu.memory_space<semaphore_mem>>) src(%dma_wait3A_698 : memref<4096xf32, #tpu.memory_space<hbm>>) dst(%dma_wait3A_695 : memref<4096xf32, #tpu.memory_space<vmem>>)
    %mul3A_699 = arith.constant 13 : i32
    %mul3A_700 = arith.muli %select_n3A_30, %mul3A_699 : i32
    %add3A_701 = arith.constant 5 : i32
    %add3A_702 = arith.addi %mul3A_700, %add3A_701 : i32
    %dma_start3A_703 = arith.constant 128 : i32
    %dma_start3A_704 = tpu.memref_slice %arg12[%dma_start3A_703] : memref<50176xf32, #tpu.memory_space<vmem>> -> memref<49920xf32, #tpu.memory_space<vmem>>
    %dma_start3A_705 = arith.constant 50048 : i32
    %dma_start3A_706 = tpu.memref_slice %arg2[%add3A_702, %select_n3A_9, %dma_start3A_705] : memref<26x16x100000xf32, #tpu.memory_space<hbm>> -> memref<1x1x49920xf32, #tpu.memory_space<hbm>>
    %dma_start3A_707 = tpu.memref_squeeze %dma_start3A_706 : memref<1x1x49920xf32, #tpu.memory_space<hbm>> -> memref<49920xf32, #tpu.memory_space<hbm>>
    %dma_start3A_708 = arith.constant 128 : i32
    %dma_start3A_709 = tpu.memref_slice %arg12[%dma_start3A_708] : memref<50176xf32, #tpu.memory_space<vmem>> -> memref<49920xf32, #tpu.memory_space<vmem>>
    %dma_start3A_710 = arith.constant 50048 : i32
    %dma_start3A_711 = tpu.memref_slice %arg2[%add3A_702, %select_n3A_9, %dma_start3A_710] : memref<26x16x100000xf32, #tpu.memory_space<hbm>> -> memref<1x1x49920xf32, #tpu.memory_space<hbm>>
    %dma_start3A_712 = tpu.memref_squeeze %dma_start3A_711 : memref<1x1x49920xf32, #tpu.memory_space<hbm>> -> memref<49920xf32, #tpu.memory_space<hbm>>
    tpu.enqueue_dma source(%dma_start3A_712 : memref<49920xf32, #tpu.memory_space<hbm>>) target(%dma_start3A_709 : memref<49920xf32, #tpu.memory_space<vmem>>) target_semaphore(%arg19 : memref<!tpu.dma_semaphore, #tpu.memory_space<semaphore_mem>>)
    %dma_start3A_713 = arith.constant 50048 : i32
    %dma_start3A_714 = tpu.memref_slice %arg12[%dma_start3A_713] : memref<50176xf32, #tpu.memory_space<vmem>> -> memref<128xf32, #tpu.memory_space<vmem>>
    %dma_start3A_715 = arith.constant 0 : i32
    %dma_start3A_716 = tpu.memref_slice %arg6[%add3A_702, %select_n3A_9, %dma_start3A_715] : memref<26x16x128xf32, #tpu.memory_space<hbm>> -> memref<1x1x128xf32, #tpu.memory_space<hbm>>
    %dma_start3A_717 = tpu.memref_squeeze %dma_start3A_716 : memref<1x1x128xf32, #tpu.memory_space<hbm>> -> memref<128xf32, #tpu.memory_space<hbm>>
    %dma_start3A_718 = arith.constant 50048 : i32
    %dma_start3A_719 = tpu.memref_slice %arg12[%dma_start3A_718] : memref<50176xf32, #tpu.memory_space<vmem>> -> memref<128xf32, #tpu.memory_space<vmem>>
    %dma_start3A_720 = arith.constant 0 : i32
    %dma_start3A_721 = tpu.memref_slice %arg6[%add3A_702, %select_n3A_9, %dma_start3A_720] : memref<26x16x128xf32, #tpu.memory_space<hbm>> -> memref<1x1x128xf32, #tpu.memory_space<hbm>>
    %dma_start3A_722 = tpu.memref_squeeze %dma_start3A_721 : memref<1x1x128xf32, #tpu.memory_space<hbm>> -> memref<128xf32, #tpu.memory_space<hbm>>
    tpu.enqueue_dma source(%dma_start3A_722 : memref<128xf32, #tpu.memory_space<hbm>>) target(%dma_start3A_719 : memref<128xf32, #tpu.memory_space<vmem>>) target_semaphore(%arg19 : memref<!tpu.dma_semaphore, #tpu.memory_space<semaphore_mem>>)
    %dma_wait3A_723 = arith.constant 0 : i32
    %dma_wait3A_724 = tpu.memref_slice %arg11[%dma_wait3A_723] : memref<50064xf32, #tpu.memory_space<vmem>> -> memref<50048xf32, #tpu.memory_space<vmem>>
    %dma_wait3A_725 = arith.constant 0 : i32
    %dma_wait3A_726 = tpu.memref_slice %arg2[%add3A_645, %select_n3A_9, %dma_wait3A_725] : memref<26x16x100000xf32, #tpu.memory_space<hbm>> -> memref<1x1x50048xf32, #tpu.memory_space<hbm>>
    %dma_wait3A_727 = tpu.memref_squeeze %dma_wait3A_726 : memref<1x1x50048xf32, #tpu.memory_space<hbm>> -> memref<50048xf32, #tpu.memory_space<hbm>>
    %dma_wait3A_728 = arith.constant 0 : i32
    %dma_wait3A_729 = tpu.memref_slice %arg11[%dma_wait3A_728] : memref<50064xf32, #tpu.memory_space<vmem>> -> memref<50048xf32, #tpu.memory_space<vmem>>
    %dma_wait3A_730 = arith.constant 0 : i32
    %dma_wait3A_731 = tpu.memref_slice %arg2[%add3A_645, %select_n3A_9, %dma_wait3A_730] : memref<26x16x100000xf32, #tpu.memory_space<hbm>> -> memref<1x1x50048xf32, #tpu.memory_space<hbm>>
    %dma_wait3A_732 = tpu.memref_squeeze %dma_wait3A_731 : memref<1x1x50048xf32, #tpu.memory_space<hbm>> -> memref<50048xf32, #tpu.memory_space<hbm>>
    tpu.wait_dma2 semaphore(%arg18 : memref<!tpu.dma_semaphore, #tpu.memory_space<semaphore_mem>>) src(%dma_wait3A_732 : memref<50048xf32, #tpu.memory_space<hbm>>) dst(%dma_wait3A_729 : memref<50048xf32, #tpu.memory_space<vmem>>)
    %mul3A_733 = arith.constant 13 : i32
    %mul3A_734 = arith.muli %select_n3A_30, %mul3A_733 : i32
    %add3A_735 = arith.constant 6 : i32
    %add3A_736 = arith.addi %mul3A_734, %add3A_735 : i32
    %mul3A_737 = arith.constant 4096 : i32
    %mul3A_738 = arith.muli %add3A_736, %mul3A_737 : i32
    %dma_start3A_739 = arith.constant 0 : i32
    %dma_start3A_740 = tpu.memref_slice %arg13[%dma_start3A_739] : memref<8192xi32, #tpu.memory_space<vmem>> -> memref<4096xi32, #tpu.memory_space<vmem>>
    %dma_start3A_741 = tpu.memref_slice %arg4[%mul3A_738] : memref<106496xi32, #tpu.memory_space<hbm>> -> memref<4096xi32, #tpu.memory_space<hbm>>
    %dma_start3A_742 = arith.constant 0 : i32
    %dma_start3A_743 = tpu.memref_slice %arg13[%dma_start3A_742] : memref<8192xi32, #tpu.memory_space<vmem>> -> memref<4096xi32, #tpu.memory_space<vmem>>
    %dma_start3A_744 = tpu.memref_slice %arg4[%mul3A_738] : memref<106496xi32, #tpu.memory_space<hbm>> -> memref<4096xi32, #tpu.memory_space<hbm>>
    tpu.enqueue_dma source(%dma_start3A_744 : memref<4096xi32, #tpu.memory_space<hbm>>) target(%dma_start3A_743 : memref<4096xi32, #tpu.memory_space<vmem>>) target_semaphore(%arg20 : memref<!tpu.dma_semaphore, #tpu.memory_space<semaphore_mem>>)
    %dma_start3A_745 = arith.constant 0 : i32
    %dma_start3A_746 = tpu.memref_slice %arg14[%dma_start3A_745] : memref<8192xf32, #tpu.memory_space<vmem>> -> memref<4096xf32, #tpu.memory_space<vmem>>
    %dma_start3A_747 = arith.constant 0 : i32
    %dma_start3A_748 = tpu.memref_slice %arg5[%add3A_736, %dma_start3A_747] : memref<26x4096xf32, #tpu.memory_space<hbm>> -> memref<1x4096xf32, #tpu.memory_space<hbm>>
    %dma_start3A_749 = tpu.memref_squeeze %dma_start3A_748 : memref<1x4096xf32, #tpu.memory_space<hbm>> -> memref<4096xf32, #tpu.memory_space<hbm>>
    %dma_start3A_750 = arith.constant 0 : i32
    %dma_start3A_751 = tpu.memref_slice %arg14[%dma_start3A_750] : memref<8192xf32, #tpu.memory_space<vmem>> -> memref<4096xf32, #tpu.memory_space<vmem>>
    %dma_start3A_752 = arith.constant 0 : i32
    %dma_start3A_753 = tpu.memref_slice %arg5[%add3A_736, %dma_start3A_752] : memref<26x4096xf32, #tpu.memory_space<hbm>> -> memref<1x4096xf32, #tpu.memory_space<hbm>>
    %dma_start3A_754 = tpu.memref_squeeze %dma_start3A_753 : memref<1x4096xf32, #tpu.memory_space<hbm>> -> memref<4096xf32, #tpu.memory_space<hbm>>
    tpu.enqueue_dma source(%dma_start3A_754 : memref<4096xf32, #tpu.memory_space<hbm>>) target(%dma_start3A_751 : memref<4096xf32, #tpu.memory_space<vmem>>) target_semaphore(%arg20 : memref<!tpu.dma_semaphore, #tpu.memory_space<semaphore_mem>>)
    %scan3A_755 = arith.constant 0 : i32
    %scan3A_756 = arith.constant 0 : i32
    %scan3A_757 = arith.constant 256 : i32
    %scan3A_758 = arith.addi %scan3A_756, %scan3A_757 : i32
    %scan3A_759 = arith.constant 2 : i32
    %scan3A_760 = scf.for %scan3A_1719 = %scan3A_756 to %scan3A_758 step %scan3A_759 iter_args(%scan3A_1720 = %scan3A_755) -> (i32)  : i32 {
      %mul3A_1721 = arith.constant 16 : i32
      %mul3A_1722 = arith.muli %scan3A_1719, %mul3A_1721 : i32
      %add3A_1723 = arith.constant 4096 : i32
      %add3A_1724 = arith.addi %add3A_1723, %mul3A_1722 : i32
      %mul3A_1725 = arith.constant 16 : i32
      %mul3A_1726 = arith.muli %scan3A_1719, %mul3A_1725 : i32
      %get3A = arith.index_cast %add3A_1724 : i32 to index
      %get3A_1727 = tpu.vector_load %arg13[%get3A] {strides = array<i32>} : memref<8192xi32, #tpu.memory_space<vmem>>, vector<16xi32>,
      %min3A_1728 = arith.constant 50048 : i32
      %min3A_1729 = vector.broadcast %min3A_1728 : i32 to vector<16xi32>
      %min3A_1730 = arith.minsi %get3A_1727, %min3A_1729 : vector<16xi32>
      %gather3A = tpu.vector_load_idx %arg11[%min3A_1730] : memref<50064xf32, #tpu.memory_space<vmem>>[vector<16xi32>], vector<16xf32>,
      %get3A_1731 = arith.index_cast %add3A_1724 : i32 to index
      %get3A_1732 = tpu.vector_load %arg14[%get3A_1731] {strides = array<i32>} : memref<8192xf32, #tpu.memory_space<vmem>>, vector<16xf32>,
      %mul3A_1733 = arith.mulf %gather3A, %get3A_1732 : vector<16xf32>
      %swap3A_1734 = arith.index_cast %mul3A_1726 : i32 to index
      %swap3A_1735 = tpu.vector_load %arg15[%swap3A_1734] {strides = array<i32>} : memref<4096xf32, #tpu.memory_space<vmem>>, vector<16xf32>,
      tpu.vector_store %arg15[%swap3A_1734], %mul3A_1733 {add = true, strides = array<i32>} : memref<4096xf32, #tpu.memory_space<vmem>>, vector<16xf32>,
      %mul3A_1736 = arith.mulf %mul3A_1733, %mul3A_1733 : vector<16xf32>
      %swap3A_1737 = arith.index_cast %mul3A_1726 : i32 to index
      %swap3A_1738 = tpu.vector_load %arg16[%swap3A_1737] {strides = array<i32>} : memref<4096xf32, #tpu.memory_space<vmem>>, vector<16xf32>,
      tpu.vector_store %arg16[%swap3A_1737], %mul3A_1736 {add = true, strides = array<i32>} : memref<4096xf32, #tpu.memory_space<vmem>>, vector<16xf32>,
      %scan3A_1739 = arith.constant 0 : i32
      %scan3A_1740 = arith.constant 1 : i32
      %scan3A_1741 = arith.addi %scan3A_1719, %scan3A_1740 : i32
      %mul3A_1742 = arith.constant 16 : i32
      %mul3A_1743 = arith.muli %scan3A_1741, %mul3A_1742 : i32
      %add3A_1744 = arith.constant 4096 : i32
      %add3A_1745 = arith.addi %add3A_1744, %mul3A_1743 : i32
      %mul3A_1746 = arith.constant 16 : i32
      %mul3A_1747 = arith.muli %scan3A_1741, %mul3A_1746 : i32
      %get3A_1748 = arith.index_cast %add3A_1745 : i32 to index
      %get3A_1749 = tpu.vector_load %arg13[%get3A_1748] {strides = array<i32>} : memref<8192xi32, #tpu.memory_space<vmem>>, vector<16xi32>,
      %min3A_1750 = arith.constant 50048 : i32
      %min3A_1751 = vector.broadcast %min3A_1750 : i32 to vector<16xi32>
      %min3A_1752 = arith.minsi %get3A_1749, %min3A_1751 : vector<16xi32>
      %gather3A_1753 = tpu.vector_load_idx %arg11[%min3A_1752] : memref<50064xf32, #tpu.memory_space<vmem>>[vector<16xi32>], vector<16xf32>,
      %get3A_1754 = arith.index_cast %add3A_1745 : i32 to index
      %get3A_1755 = tpu.vector_load %arg14[%get3A_1754] {strides = array<i32>} : memref<8192xf32, #tpu.memory_space<vmem>>, vector<16xf32>,
      %mul3A_1756 = arith.mulf %gather3A_1753, %get3A_1755 : vector<16xf32>
      %swap3A_1757 = arith.index_cast %mul3A_1747 : i32 to index
      %swap3A_1758 = tpu.vector_load %arg15[%swap3A_1757] {strides = array<i32>} : memref<4096xf32, #tpu.memory_space<vmem>>, vector<16xf32>,
      tpu.vector_store %arg15[%swap3A_1757], %mul3A_1756 {add = true, strides = array<i32>} : memref<4096xf32, #tpu.memory_space<vmem>>, vector<16xf32>,
      %mul3A_1759 = arith.mulf %mul3A_1756, %mul3A_1756 : vector<16xf32>
      %swap3A_1760 = arith.index_cast %mul3A_1747 : i32 to index
      %swap3A_1761 = tpu.vector_load %arg16[%swap3A_1760] {strides = array<i32>} : memref<4096xf32, #tpu.memory_space<vmem>>, vector<16xf32>,
      tpu.vector_store %arg16[%swap3A_1760], %mul3A_1759 {add = true, strides = array<i32>} : memref<4096xf32, #tpu.memory_space<vmem>>, vector<16xf32>,
      %scan3A_1762 = arith.constant 0 : i32
      scf.yield %scan3A_1762 : i32
    }
    %scan3A_761 = arith.constant 256 : i32
    %mul3A_762 = arith.constant 13 : i32
    %mul3A_763 = arith.muli %select_n3A_30, %mul3A_762 : i32
    %add3A_764 = arith.constant 6 : i32
    %add3A_765 = arith.addi %mul3A_763, %add3A_764 : i32
    %dma_start3A_766 = arith.constant 0 : i32
    %dma_start3A_767 = tpu.memref_slice %arg11[%dma_start3A_766] : memref<50064xf32, #tpu.memory_space<vmem>> -> memref<50048xf32, #tpu.memory_space<vmem>>
    %dma_start3A_768 = arith.constant 0 : i32
    %dma_start3A_769 = tpu.memref_slice %arg2[%add3A_765, %select_n3A_9, %dma_start3A_768] : memref<26x16x100000xf32, #tpu.memory_space<hbm>> -> memref<1x1x50048xf32, #tpu.memory_space<hbm>>
    %dma_start3A_770 = tpu.memref_squeeze %dma_start3A_769 : memref<1x1x50048xf32, #tpu.memory_space<hbm>> -> memref<50048xf32, #tpu.memory_space<hbm>>
    %dma_start3A_771 = arith.constant 0 : i32
    %dma_start3A_772 = tpu.memref_slice %arg11[%dma_start3A_771] : memref<50064xf32, #tpu.memory_space<vmem>> -> memref<50048xf32, #tpu.memory_space<vmem>>
    %dma_start3A_773 = arith.constant 0 : i32
    %dma_start3A_774 = tpu.memref_slice %arg2[%add3A_765, %select_n3A_9, %dma_start3A_773] : memref<26x16x100000xf32, #tpu.memory_space<hbm>> -> memref<1x1x50048xf32, #tpu.memory_space<hbm>>
    %dma_start3A_775 = tpu.memref_squeeze %dma_start3A_774 : memref<1x1x50048xf32, #tpu.memory_space<hbm>> -> memref<50048xf32, #tpu.memory_space<hbm>>
    tpu.enqueue_dma source(%dma_start3A_775 : memref<50048xf32, #tpu.memory_space<hbm>>) target(%dma_start3A_772 : memref<50048xf32, #tpu.memory_space<vmem>>) target_semaphore(%arg18 : memref<!tpu.dma_semaphore, #tpu.memory_space<semaphore_mem>>)
    %dma_wait3A_776 = arith.constant 128 : i32
    %dma_wait3A_777 = tpu.memref_slice %arg12[%dma_wait3A_776] : memref<50176xf32, #tpu.memory_space<vmem>> -> memref<49920xf32, #tpu.memory_space<vmem>>
    %dma_wait3A_778 = arith.constant 50048 : i32
    %dma_wait3A_779 = tpu.memref_slice %arg2[%add3A_702, %select_n3A_9, %dma_wait3A_778] : memref<26x16x100000xf32, #tpu.memory_space<hbm>> -> memref<1x1x49920xf32, #tpu.memory_space<hbm>>
    %dma_wait3A_780 = tpu.memref_squeeze %dma_wait3A_779 : memref<1x1x49920xf32, #tpu.memory_space<hbm>> -> memref<49920xf32, #tpu.memory_space<hbm>>
    %dma_wait3A_781 = arith.constant 128 : i32
    %dma_wait3A_782 = tpu.memref_slice %arg12[%dma_wait3A_781] : memref<50176xf32, #tpu.memory_space<vmem>> -> memref<49920xf32, #tpu.memory_space<vmem>>
    %dma_wait3A_783 = arith.constant 50048 : i32
    %dma_wait3A_784 = tpu.memref_slice %arg2[%add3A_702, %select_n3A_9, %dma_wait3A_783] : memref<26x16x100000xf32, #tpu.memory_space<hbm>> -> memref<1x1x49920xf32, #tpu.memory_space<hbm>>
    %dma_wait3A_785 = tpu.memref_squeeze %dma_wait3A_784 : memref<1x1x49920xf32, #tpu.memory_space<hbm>> -> memref<49920xf32, #tpu.memory_space<hbm>>
    tpu.wait_dma2 semaphore(%arg19 : memref<!tpu.dma_semaphore, #tpu.memory_space<semaphore_mem>>) src(%dma_wait3A_785 : memref<49920xf32, #tpu.memory_space<hbm>>) dst(%dma_wait3A_782 : memref<49920xf32, #tpu.memory_space<vmem>>)
    %dma_wait3A_786 = arith.constant 50048 : i32
    %dma_wait3A_787 = tpu.memref_slice %arg12[%dma_wait3A_786] : memref<50176xf32, #tpu.memory_space<vmem>> -> memref<128xf32, #tpu.memory_space<vmem>>
    %dma_wait3A_788 = arith.constant 0 : i32
    %dma_wait3A_789 = tpu.memref_slice %arg6[%add3A_702, %select_n3A_9, %dma_wait3A_788] : memref<26x16x128xf32, #tpu.memory_space<hbm>> -> memref<1x1x128xf32, #tpu.memory_space<hbm>>
    %dma_wait3A_790 = tpu.memref_squeeze %dma_wait3A_789 : memref<1x1x128xf32, #tpu.memory_space<hbm>> -> memref<128xf32, #tpu.memory_space<hbm>>
    %dma_wait3A_791 = arith.constant 50048 : i32
    %dma_wait3A_792 = tpu.memref_slice %arg12[%dma_wait3A_791] : memref<50176xf32, #tpu.memory_space<vmem>> -> memref<128xf32, #tpu.memory_space<vmem>>
    %dma_wait3A_793 = arith.constant 0 : i32
    %dma_wait3A_794 = tpu.memref_slice %arg6[%add3A_702, %select_n3A_9, %dma_wait3A_793] : memref<26x16x128xf32, #tpu.memory_space<hbm>> -> memref<1x1x128xf32, #tpu.memory_space<hbm>>
    %dma_wait3A_795 = tpu.memref_squeeze %dma_wait3A_794 : memref<1x1x128xf32, #tpu.memory_space<hbm>> -> memref<128xf32, #tpu.memory_space<hbm>>
    tpu.wait_dma2 semaphore(%arg19 : memref<!tpu.dma_semaphore, #tpu.memory_space<semaphore_mem>>) src(%dma_wait3A_795 : memref<128xf32, #tpu.memory_space<hbm>>) dst(%dma_wait3A_792 : memref<128xf32, #tpu.memory_space<vmem>>)
    %scan3A_796 = arith.constant 0 : i32
    %scan3A_797 = arith.constant 0 : i32
    %scan3A_798 = arith.constant 256 : i32
    %scan3A_799 = arith.addi %scan3A_797, %scan3A_798 : i32
    %scan3A_800 = arith.constant 2 : i32
    %scan3A_801 = scf.for %scan3A_1719 = %scan3A_797 to %scan3A_799 step %scan3A_800 iter_args(%scan3A_1720 = %scan3A_796) -> (i32)  : i32 {
      %mul3A_1721 = arith.constant 16 : i32
      %mul3A_1722 = arith.muli %scan3A_1719, %mul3A_1721 : i32
      %add3A_1723 = arith.constant 4096 : i32
      %add3A_1724 = arith.addi %add3A_1723, %mul3A_1722 : i32
      %mul3A_1725 = arith.constant 16 : i32
      %mul3A_1726 = arith.muli %scan3A_1719, %mul3A_1725 : i32
      %get3A = arith.index_cast %add3A_1724 : i32 to index
      %get3A_1727 = tpu.vector_load %arg13[%get3A] {strides = array<i32>} : memref<8192xi32, #tpu.memory_space<vmem>>, vector<16xi32>,
      %sub3A_1728 = arith.constant 49920 : i32
      %sub3A_1729 = vector.broadcast %sub3A_1728 : i32 to vector<16xi32>
      %sub3A_1730 = arith.subi %get3A_1727, %sub3A_1729 : vector<16xi32>
      %max3A = arith.constant 0 : i32
      %max3A_1731 = vector.broadcast %max3A : i32 to vector<16xi32>
      %max3A_1732 = arith.maxsi %sub3A_1730, %max3A_1731 : vector<16xi32>
      %add3A_1733 = arith.constant 96 : i32
      %add3A_1734 = vector.broadcast %add3A_1733 : i32 to vector<16xi32>
      %add3A_1735 = arith.addi %sub3A_1730, %add3A_1734 : vector<16xi32>
      %ge3A = arith.constant 50048 : i32
      %ge3A_1736 = vector.broadcast %ge3A : i32 to vector<16xi32>
      %ge3A_1737 = arith.cmpi sge, %sub3A_1730, %ge3A_1736 : vector<16xi32>
      %select_n3A_1738 = arith.select %ge3A_1737, %add3A_1735, %max3A_1732 : vector<16xi1>, vector<16xi32>
      %gather3A = tpu.vector_load_idx %arg12[%select_n3A_1738] : memref<50176xf32, #tpu.memory_space<vmem>>[vector<16xi32>], vector<16xf32>,
      %get3A_1739 = arith.index_cast %add3A_1724 : i32 to index
      %get3A_1740 = tpu.vector_load %arg14[%get3A_1739] {strides = array<i32>} : memref<8192xf32, #tpu.memory_space<vmem>>, vector<16xf32>,
      %mul3A_1741 = arith.mulf %gather3A, %get3A_1740 : vector<16xf32>
      %swap3A_1742 = arith.index_cast %mul3A_1726 : i32 to index
      %swap3A_1743 = tpu.vector_load %arg15[%swap3A_1742] {strides = array<i32>} : memref<4096xf32, #tpu.memory_space<vmem>>, vector<16xf32>,
      tpu.vector_store %arg15[%swap3A_1742], %mul3A_1741 {add = true, strides = array<i32>} : memref<4096xf32, #tpu.memory_space<vmem>>, vector<16xf32>,
      %mul3A_1744 = arith.mulf %mul3A_1741, %mul3A_1741 : vector<16xf32>
      %swap3A_1745 = arith.index_cast %mul3A_1726 : i32 to index
      %swap3A_1746 = tpu.vector_load %arg16[%swap3A_1745] {strides = array<i32>} : memref<4096xf32, #tpu.memory_space<vmem>>, vector<16xf32>,
      tpu.vector_store %arg16[%swap3A_1745], %mul3A_1744 {add = true, strides = array<i32>} : memref<4096xf32, #tpu.memory_space<vmem>>, vector<16xf32>,
      %scan3A_1747 = arith.constant 0 : i32
      %scan3A_1748 = arith.constant 1 : i32
      %scan3A_1749 = arith.addi %scan3A_1719, %scan3A_1748 : i32
      %mul3A_1750 = arith.constant 16 : i32
      %mul3A_1751 = arith.muli %scan3A_1749, %mul3A_1750 : i32
      %add3A_1752 = arith.constant 4096 : i32
      %add3A_1753 = arith.addi %add3A_1752, %mul3A_1751 : i32
      %mul3A_1754 = arith.constant 16 : i32
      %mul3A_1755 = arith.muli %scan3A_1749, %mul3A_1754 : i32
      %get3A_1756 = arith.index_cast %add3A_1753 : i32 to index
      %get3A_1757 = tpu.vector_load %arg13[%get3A_1756] {strides = array<i32>} : memref<8192xi32, #tpu.memory_space<vmem>>, vector<16xi32>,
      %sub3A_1758 = arith.constant 49920 : i32
      %sub3A_1759 = vector.broadcast %sub3A_1758 : i32 to vector<16xi32>
      %sub3A_1760 = arith.subi %get3A_1757, %sub3A_1759 : vector<16xi32>
      %max3A_1761 = arith.constant 0 : i32
      %max3A_1762 = vector.broadcast %max3A_1761 : i32 to vector<16xi32>
      %max3A_1763 = arith.maxsi %sub3A_1760, %max3A_1762 : vector<16xi32>
      %add3A_1764 = arith.constant 96 : i32
      %add3A_1765 = vector.broadcast %add3A_1764 : i32 to vector<16xi32>
      %add3A_1766 = arith.addi %sub3A_1760, %add3A_1765 : vector<16xi32>
      %ge3A_1767 = arith.constant 50048 : i32
      %ge3A_1768 = vector.broadcast %ge3A_1767 : i32 to vector<16xi32>
      %ge3A_1769 = arith.cmpi sge, %sub3A_1760, %ge3A_1768 : vector<16xi32>
      %select_n3A_1770 = arith.select %ge3A_1769, %add3A_1766, %max3A_1763 : vector<16xi1>, vector<16xi32>
      %gather3A_1771 = tpu.vector_load_idx %arg12[%select_n3A_1770] : memref<50176xf32, #tpu.memory_space<vmem>>[vector<16xi32>], vector<16xf32>,
      %get3A_1772 = arith.index_cast %add3A_1753 : i32 to index
      %get3A_1773 = tpu.vector_load %arg14[%get3A_1772] {strides = array<i32>} : memref<8192xf32, #tpu.memory_space<vmem>>, vector<16xf32>,
      %mul3A_1774 = arith.mulf %gather3A_1771, %get3A_1773 : vector<16xf32>
      %swap3A_1775 = arith.index_cast %mul3A_1755 : i32 to index
      %swap3A_1776 = tpu.vector_load %arg15[%swap3A_1775] {strides = array<i32>} : memref<4096xf32, #tpu.memory_space<vmem>>, vector<16xf32>,
      tpu.vector_store %arg15[%swap3A_1775], %mul3A_1774 {add = true, strides = array<i32>} : memref<4096xf32, #tpu.memory_space<vmem>>, vector<16xf32>,
      %mul3A_1777 = arith.mulf %mul3A_1774, %mul3A_1774 : vector<16xf32>
      %swap3A_1778 = arith.index_cast %mul3A_1755 : i32 to index
      %swap3A_1779 = tpu.vector_load %arg16[%swap3A_1778] {strides = array<i32>} : memref<4096xf32, #tpu.memory_space<vmem>>, vector<16xf32>,
      tpu.vector_store %arg16[%swap3A_1778], %mul3A_1777 {add = true, strides = array<i32>} : memref<4096xf32, #tpu.memory_space<vmem>>, vector<16xf32>,
      %scan3A_1780 = arith.constant 0 : i32
      scf.yield %scan3A_1780 : i32
    }
    %scan3A_802 = arith.constant 256 : i32
    %dma_wait3A_803 = arith.constant 0 : i32
    %dma_wait3A_804 = tpu.memref_slice %arg13[%dma_wait3A_803] : memref<8192xi32, #tpu.memory_space<vmem>> -> memref<4096xi32, #tpu.memory_space<vmem>>
    %dma_wait3A_805 = tpu.memref_slice %arg4[%mul3A_738] : memref<106496xi32, #tpu.memory_space<hbm>> -> memref<4096xi32, #tpu.memory_space<hbm>>
    %dma_wait3A_806 = arith.constant 0 : i32
    %dma_wait3A_807 = tpu.memref_slice %arg13[%dma_wait3A_806] : memref<8192xi32, #tpu.memory_space<vmem>> -> memref<4096xi32, #tpu.memory_space<vmem>>
    %dma_wait3A_808 = tpu.memref_slice %arg4[%mul3A_738] : memref<106496xi32, #tpu.memory_space<hbm>> -> memref<4096xi32, #tpu.memory_space<hbm>>
    tpu.wait_dma2 semaphore(%arg20 : memref<!tpu.dma_semaphore, #tpu.memory_space<semaphore_mem>>) src(%dma_wait3A_808 : memref<4096xi32, #tpu.memory_space<hbm>>) dst(%dma_wait3A_807 : memref<4096xi32, #tpu.memory_space<vmem>>)
    %dma_wait3A_809 = arith.constant 0 : i32
    %dma_wait3A_810 = tpu.memref_slice %arg14[%dma_wait3A_809] : memref<8192xf32, #tpu.memory_space<vmem>> -> memref<4096xf32, #tpu.memory_space<vmem>>
    %dma_wait3A_811 = arith.constant 0 : i32
    %dma_wait3A_812 = tpu.memref_slice %arg5[%add3A_736, %dma_wait3A_811] : memref<26x4096xf32, #tpu.memory_space<hbm>> -> memref<1x4096xf32, #tpu.memory_space<hbm>>
    %dma_wait3A_813 = tpu.memref_squeeze %dma_wait3A_812 : memref<1x4096xf32, #tpu.memory_space<hbm>> -> memref<4096xf32, #tpu.memory_space<hbm>>
    %dma_wait3A_814 = arith.constant 0 : i32
    %dma_wait3A_815 = tpu.memref_slice %arg14[%dma_wait3A_814] : memref<8192xf32, #tpu.memory_space<vmem>> -> memref<4096xf32, #tpu.memory_space<vmem>>
    %dma_wait3A_816 = arith.constant 0 : i32
    %dma_wait3A_817 = tpu.memref_slice %arg5[%add3A_736, %dma_wait3A_816] : memref<26x4096xf32, #tpu.memory_space<hbm>> -> memref<1x4096xf32, #tpu.memory_space<hbm>>
    %dma_wait3A_818 = tpu.memref_squeeze %dma_wait3A_817 : memref<1x4096xf32, #tpu.memory_space<hbm>> -> memref<4096xf32, #tpu.memory_space<hbm>>
    tpu.wait_dma2 semaphore(%arg20 : memref<!tpu.dma_semaphore, #tpu.memory_space<semaphore_mem>>) src(%dma_wait3A_818 : memref<4096xf32, #tpu.memory_space<hbm>>) dst(%dma_wait3A_815 : memref<4096xf32, #tpu.memory_space<vmem>>)
    %mul3A_819 = arith.constant 13 : i32
    %mul3A_820 = arith.muli %select_n3A_30, %mul3A_819 : i32
    %add3A_821 = arith.constant 6 : i32
    %add3A_822 = arith.addi %mul3A_820, %add3A_821 : i32
    %dma_start3A_823 = arith.constant 128 : i32
    %dma_start3A_824 = tpu.memref_slice %arg12[%dma_start3A_823] : memref<50176xf32, #tpu.memory_space<vmem>> -> memref<49920xf32, #tpu.memory_space<vmem>>
    %dma_start3A_825 = arith.constant 50048 : i32
    %dma_start3A_826 = tpu.memref_slice %arg2[%add3A_822, %select_n3A_9, %dma_start3A_825] : memref<26x16x100000xf32, #tpu.memory_space<hbm>> -> memref<1x1x49920xf32, #tpu.memory_space<hbm>>
    %dma_start3A_827 = tpu.memref_squeeze %dma_start3A_826 : memref<1x1x49920xf32, #tpu.memory_space<hbm>> -> memref<49920xf32, #tpu.memory_space<hbm>>
    %dma_start3A_828 = arith.constant 128 : i32
    %dma_start3A_829 = tpu.memref_slice %arg12[%dma_start3A_828] : memref<50176xf32, #tpu.memory_space<vmem>> -> memref<49920xf32, #tpu.memory_space<vmem>>
    %dma_start3A_830 = arith.constant 50048 : i32
    %dma_start3A_831 = tpu.memref_slice %arg2[%add3A_822, %select_n3A_9, %dma_start3A_830] : memref<26x16x100000xf32, #tpu.memory_space<hbm>> -> memref<1x1x49920xf32, #tpu.memory_space<hbm>>
    %dma_start3A_832 = tpu.memref_squeeze %dma_start3A_831 : memref<1x1x49920xf32, #tpu.memory_space<hbm>> -> memref<49920xf32, #tpu.memory_space<hbm>>
    tpu.enqueue_dma source(%dma_start3A_832 : memref<49920xf32, #tpu.memory_space<hbm>>) target(%dma_start3A_829 : memref<49920xf32, #tpu.memory_space<vmem>>) target_semaphore(%arg19 : memref<!tpu.dma_semaphore, #tpu.memory_space<semaphore_mem>>)
    %dma_start3A_833 = arith.constant 50048 : i32
    %dma_start3A_834 = tpu.memref_slice %arg12[%dma_start3A_833] : memref<50176xf32, #tpu.memory_space<vmem>> -> memref<128xf32, #tpu.memory_space<vmem>>
    %dma_start3A_835 = arith.constant 0 : i32
    %dma_start3A_836 = tpu.memref_slice %arg6[%add3A_822, %select_n3A_9, %dma_start3A_835] : memref<26x16x128xf32, #tpu.memory_space<hbm>> -> memref<1x1x128xf32, #tpu.memory_space<hbm>>
    %dma_start3A_837 = tpu.memref_squeeze %dma_start3A_836 : memref<1x1x128xf32, #tpu.memory_space<hbm>> -> memref<128xf32, #tpu.memory_space<hbm>>
    %dma_start3A_838 = arith.constant 50048 : i32
    %dma_start3A_839 = tpu.memref_slice %arg12[%dma_start3A_838] : memref<50176xf32, #tpu.memory_space<vmem>> -> memref<128xf32, #tpu.memory_space<vmem>>
    %dma_start3A_840 = arith.constant 0 : i32
    %dma_start3A_841 = tpu.memref_slice %arg6[%add3A_822, %select_n3A_9, %dma_start3A_840] : memref<26x16x128xf32, #tpu.memory_space<hbm>> -> memref<1x1x128xf32, #tpu.memory_space<hbm>>
    %dma_start3A_842 = tpu.memref_squeeze %dma_start3A_841 : memref<1x1x128xf32, #tpu.memory_space<hbm>> -> memref<128xf32, #tpu.memory_space<hbm>>
    tpu.enqueue_dma source(%dma_start3A_842 : memref<128xf32, #tpu.memory_space<hbm>>) target(%dma_start3A_839 : memref<128xf32, #tpu.memory_space<vmem>>) target_semaphore(%arg19 : memref<!tpu.dma_semaphore, #tpu.memory_space<semaphore_mem>>)
    %dma_wait3A_843 = arith.constant 0 : i32
    %dma_wait3A_844 = tpu.memref_slice %arg11[%dma_wait3A_843] : memref<50064xf32, #tpu.memory_space<vmem>> -> memref<50048xf32, #tpu.memory_space<vmem>>
    %dma_wait3A_845 = arith.constant 0 : i32
    %dma_wait3A_846 = tpu.memref_slice %arg2[%add3A_765, %select_n3A_9, %dma_wait3A_845] : memref<26x16x100000xf32, #tpu.memory_space<hbm>> -> memref<1x1x50048xf32, #tpu.memory_space<hbm>>
    %dma_wait3A_847 = tpu.memref_squeeze %dma_wait3A_846 : memref<1x1x50048xf32, #tpu.memory_space<hbm>> -> memref<50048xf32, #tpu.memory_space<hbm>>
    %dma_wait3A_848 = arith.constant 0 : i32
    %dma_wait3A_849 = tpu.memref_slice %arg11[%dma_wait3A_848] : memref<50064xf32, #tpu.memory_space<vmem>> -> memref<50048xf32, #tpu.memory_space<vmem>>
    %dma_wait3A_850 = arith.constant 0 : i32
    %dma_wait3A_851 = tpu.memref_slice %arg2[%add3A_765, %select_n3A_9, %dma_wait3A_850] : memref<26x16x100000xf32, #tpu.memory_space<hbm>> -> memref<1x1x50048xf32, #tpu.memory_space<hbm>>
    %dma_wait3A_852 = tpu.memref_squeeze %dma_wait3A_851 : memref<1x1x50048xf32, #tpu.memory_space<hbm>> -> memref<50048xf32, #tpu.memory_space<hbm>>
    tpu.wait_dma2 semaphore(%arg18 : memref<!tpu.dma_semaphore, #tpu.memory_space<semaphore_mem>>) src(%dma_wait3A_852 : memref<50048xf32, #tpu.memory_space<hbm>>) dst(%dma_wait3A_849 : memref<50048xf32, #tpu.memory_space<vmem>>)
    %mul3A_853 = arith.constant 13 : i32
    %mul3A_854 = arith.muli %select_n3A_30, %mul3A_853 : i32
    %add3A_855 = arith.constant 7 : i32
    %add3A_856 = arith.addi %mul3A_854, %add3A_855 : i32
    %mul3A_857 = arith.constant 4096 : i32
    %mul3A_858 = arith.muli %add3A_856, %mul3A_857 : i32
    %dma_start3A_859 = arith.constant 4096 : i32
    %dma_start3A_860 = tpu.memref_slice %arg13[%dma_start3A_859] : memref<8192xi32, #tpu.memory_space<vmem>> -> memref<4096xi32, #tpu.memory_space<vmem>>
    %dma_start3A_861 = tpu.memref_slice %arg4[%mul3A_858] : memref<106496xi32, #tpu.memory_space<hbm>> -> memref<4096xi32, #tpu.memory_space<hbm>>
    %dma_start3A_862 = arith.constant 4096 : i32
    %dma_start3A_863 = tpu.memref_slice %arg13[%dma_start3A_862] : memref<8192xi32, #tpu.memory_space<vmem>> -> memref<4096xi32, #tpu.memory_space<vmem>>
    %dma_start3A_864 = tpu.memref_slice %arg4[%mul3A_858] : memref<106496xi32, #tpu.memory_space<hbm>> -> memref<4096xi32, #tpu.memory_space<hbm>>
    tpu.enqueue_dma source(%dma_start3A_864 : memref<4096xi32, #tpu.memory_space<hbm>>) target(%dma_start3A_863 : memref<4096xi32, #tpu.memory_space<vmem>>) target_semaphore(%arg20 : memref<!tpu.dma_semaphore, #tpu.memory_space<semaphore_mem>>)
    %dma_start3A_865 = arith.constant 4096 : i32
    %dma_start3A_866 = tpu.memref_slice %arg14[%dma_start3A_865] : memref<8192xf32, #tpu.memory_space<vmem>> -> memref<4096xf32, #tpu.memory_space<vmem>>
    %dma_start3A_867 = arith.constant 0 : i32
    %dma_start3A_868 = tpu.memref_slice %arg5[%add3A_856, %dma_start3A_867] : memref<26x4096xf32, #tpu.memory_space<hbm>> -> memref<1x4096xf32, #tpu.memory_space<hbm>>
    %dma_start3A_869 = tpu.memref_squeeze %dma_start3A_868 : memref<1x4096xf32, #tpu.memory_space<hbm>> -> memref<4096xf32, #tpu.memory_space<hbm>>
    %dma_start3A_870 = arith.constant 4096 : i32
    %dma_start3A_871 = tpu.memref_slice %arg14[%dma_start3A_870] : memref<8192xf32, #tpu.memory_space<vmem>> -> memref<4096xf32, #tpu.memory_space<vmem>>
    %dma_start3A_872 = arith.constant 0 : i32
    %dma_start3A_873 = tpu.memref_slice %arg5[%add3A_856, %dma_start3A_872] : memref<26x4096xf32, #tpu.memory_space<hbm>> -> memref<1x4096xf32, #tpu.memory_space<hbm>>
    %dma_start3A_874 = tpu.memref_squeeze %dma_start3A_873 : memref<1x4096xf32, #tpu.memory_space<hbm>> -> memref<4096xf32, #tpu.memory_space<hbm>>
    tpu.enqueue_dma source(%dma_start3A_874 : memref<4096xf32, #tpu.memory_space<hbm>>) target(%dma_start3A_871 : memref<4096xf32, #tpu.memory_space<vmem>>) target_semaphore(%arg20 : memref<!tpu.dma_semaphore, #tpu.memory_space<semaphore_mem>>)
    %scan3A_875 = arith.constant 0 : i32
    %scan3A_876 = arith.constant 0 : i32
    %scan3A_877 = arith.constant 256 : i32
    %scan3A_878 = arith.addi %scan3A_876, %scan3A_877 : i32
    %scan3A_879 = arith.constant 2 : i32
    %scan3A_880 = scf.for %scan3A_1719 = %scan3A_876 to %scan3A_878 step %scan3A_879 iter_args(%scan3A_1720 = %scan3A_875) -> (i32)  : i32 {
      %mul3A_1721 = arith.constant 16 : i32
      %mul3A_1722 = arith.muli %scan3A_1719, %mul3A_1721 : i32
      %add3A_1723 = arith.constant 0 : i32
      %add3A_1724 = arith.addi %add3A_1723, %mul3A_1722 : i32
      %mul3A_1725 = arith.constant 16 : i32
      %mul3A_1726 = arith.muli %scan3A_1719, %mul3A_1725 : i32
      %get3A = arith.index_cast %add3A_1724 : i32 to index
      %get3A_1727 = tpu.vector_load %arg13[%get3A] {strides = array<i32>} : memref<8192xi32, #tpu.memory_space<vmem>>, vector<16xi32>,
      %min3A_1728 = arith.constant 50048 : i32
      %min3A_1729 = vector.broadcast %min3A_1728 : i32 to vector<16xi32>
      %min3A_1730 = arith.minsi %get3A_1727, %min3A_1729 : vector<16xi32>
      %gather3A = tpu.vector_load_idx %arg11[%min3A_1730] : memref<50064xf32, #tpu.memory_space<vmem>>[vector<16xi32>], vector<16xf32>,
      %get3A_1731 = arith.index_cast %add3A_1724 : i32 to index
      %get3A_1732 = tpu.vector_load %arg14[%get3A_1731] {strides = array<i32>} : memref<8192xf32, #tpu.memory_space<vmem>>, vector<16xf32>,
      %mul3A_1733 = arith.mulf %gather3A, %get3A_1732 : vector<16xf32>
      %swap3A_1734 = arith.index_cast %mul3A_1726 : i32 to index
      %swap3A_1735 = tpu.vector_load %arg15[%swap3A_1734] {strides = array<i32>} : memref<4096xf32, #tpu.memory_space<vmem>>, vector<16xf32>,
      tpu.vector_store %arg15[%swap3A_1734], %mul3A_1733 {add = true, strides = array<i32>} : memref<4096xf32, #tpu.memory_space<vmem>>, vector<16xf32>,
      %mul3A_1736 = arith.mulf %mul3A_1733, %mul3A_1733 : vector<16xf32>
      %swap3A_1737 = arith.index_cast %mul3A_1726 : i32 to index
      %swap3A_1738 = tpu.vector_load %arg16[%swap3A_1737] {strides = array<i32>} : memref<4096xf32, #tpu.memory_space<vmem>>, vector<16xf32>,
      tpu.vector_store %arg16[%swap3A_1737], %mul3A_1736 {add = true, strides = array<i32>} : memref<4096xf32, #tpu.memory_space<vmem>>, vector<16xf32>,
      %scan3A_1739 = arith.constant 0 : i32
      %scan3A_1740 = arith.constant 1 : i32
      %scan3A_1741 = arith.addi %scan3A_1719, %scan3A_1740 : i32
      %mul3A_1742 = arith.constant 16 : i32
      %mul3A_1743 = arith.muli %scan3A_1741, %mul3A_1742 : i32
      %add3A_1744 = arith.constant 0 : i32
      %add3A_1745 = arith.addi %add3A_1744, %mul3A_1743 : i32
      %mul3A_1746 = arith.constant 16 : i32
      %mul3A_1747 = arith.muli %scan3A_1741, %mul3A_1746 : i32
      %get3A_1748 = arith.index_cast %add3A_1745 : i32 to index
      %get3A_1749 = tpu.vector_load %arg13[%get3A_1748] {strides = array<i32>} : memref<8192xi32, #tpu.memory_space<vmem>>, vector<16xi32>,
      %min3A_1750 = arith.constant 50048 : i32
      %min3A_1751 = vector.broadcast %min3A_1750 : i32 to vector<16xi32>
      %min3A_1752 = arith.minsi %get3A_1749, %min3A_1751 : vector<16xi32>
      %gather3A_1753 = tpu.vector_load_idx %arg11[%min3A_1752] : memref<50064xf32, #tpu.memory_space<vmem>>[vector<16xi32>], vector<16xf32>,
      %get3A_1754 = arith.index_cast %add3A_1745 : i32 to index
      %get3A_1755 = tpu.vector_load %arg14[%get3A_1754] {strides = array<i32>} : memref<8192xf32, #tpu.memory_space<vmem>>, vector<16xf32>,
      %mul3A_1756 = arith.mulf %gather3A_1753, %get3A_1755 : vector<16xf32>
      %swap3A_1757 = arith.index_cast %mul3A_1747 : i32 to index
      %swap3A_1758 = tpu.vector_load %arg15[%swap3A_1757] {strides = array<i32>} : memref<4096xf32, #tpu.memory_space<vmem>>, vector<16xf32>,
      tpu.vector_store %arg15[%swap3A_1757], %mul3A_1756 {add = true, strides = array<i32>} : memref<4096xf32, #tpu.memory_space<vmem>>, vector<16xf32>,
      %mul3A_1759 = arith.mulf %mul3A_1756, %mul3A_1756 : vector<16xf32>
      %swap3A_1760 = arith.index_cast %mul3A_1747 : i32 to index
      %swap3A_1761 = tpu.vector_load %arg16[%swap3A_1760] {strides = array<i32>} : memref<4096xf32, #tpu.memory_space<vmem>>, vector<16xf32>,
      tpu.vector_store %arg16[%swap3A_1760], %mul3A_1759 {add = true, strides = array<i32>} : memref<4096xf32, #tpu.memory_space<vmem>>, vector<16xf32>,
      %scan3A_1762 = arith.constant 0 : i32
      scf.yield %scan3A_1762 : i32
    }
    %scan3A_881 = arith.constant 256 : i32
    %mul3A_882 = arith.constant 13 : i32
    %mul3A_883 = arith.muli %select_n3A_30, %mul3A_882 : i32
    %add3A_884 = arith.constant 7 : i32
    %add3A_885 = arith.addi %mul3A_883, %add3A_884 : i32
    %dma_start3A_886 = arith.constant 0 : i32
    %dma_start3A_887 = tpu.memref_slice %arg11[%dma_start3A_886] : memref<50064xf32, #tpu.memory_space<vmem>> -> memref<50048xf32, #tpu.memory_space<vmem>>
    %dma_start3A_888 = arith.constant 0 : i32
    %dma_start3A_889 = tpu.memref_slice %arg2[%add3A_885, %select_n3A_9, %dma_start3A_888] : memref<26x16x100000xf32, #tpu.memory_space<hbm>> -> memref<1x1x50048xf32, #tpu.memory_space<hbm>>
    %dma_start3A_890 = tpu.memref_squeeze %dma_start3A_889 : memref<1x1x50048xf32, #tpu.memory_space<hbm>> -> memref<50048xf32, #tpu.memory_space<hbm>>
    %dma_start3A_891 = arith.constant 0 : i32
    %dma_start3A_892 = tpu.memref_slice %arg11[%dma_start3A_891] : memref<50064xf32, #tpu.memory_space<vmem>> -> memref<50048xf32, #tpu.memory_space<vmem>>
    %dma_start3A_893 = arith.constant 0 : i32
    %dma_start3A_894 = tpu.memref_slice %arg2[%add3A_885, %select_n3A_9, %dma_start3A_893] : memref<26x16x100000xf32, #tpu.memory_space<hbm>> -> memref<1x1x50048xf32, #tpu.memory_space<hbm>>
    %dma_start3A_895 = tpu.memref_squeeze %dma_start3A_894 : memref<1x1x50048xf32, #tpu.memory_space<hbm>> -> memref<50048xf32, #tpu.memory_space<hbm>>
    tpu.enqueue_dma source(%dma_start3A_895 : memref<50048xf32, #tpu.memory_space<hbm>>) target(%dma_start3A_892 : memref<50048xf32, #tpu.memory_space<vmem>>) target_semaphore(%arg18 : memref<!tpu.dma_semaphore, #tpu.memory_space<semaphore_mem>>)
    %dma_wait3A_896 = arith.constant 128 : i32
    %dma_wait3A_897 = tpu.memref_slice %arg12[%dma_wait3A_896] : memref<50176xf32, #tpu.memory_space<vmem>> -> memref<49920xf32, #tpu.memory_space<vmem>>
    %dma_wait3A_898 = arith.constant 50048 : i32
    %dma_wait3A_899 = tpu.memref_slice %arg2[%add3A_822, %select_n3A_9, %dma_wait3A_898] : memref<26x16x100000xf32, #tpu.memory_space<hbm>> -> memref<1x1x49920xf32, #tpu.memory_space<hbm>>
    %dma_wait3A_900 = tpu.memref_squeeze %dma_wait3A_899 : memref<1x1x49920xf32, #tpu.memory_space<hbm>> -> memref<49920xf32, #tpu.memory_space<hbm>>
    %dma_wait3A_901 = arith.constant 128 : i32
    %dma_wait3A_902 = tpu.memref_slice %arg12[%dma_wait3A_901] : memref<50176xf32, #tpu.memory_space<vmem>> -> memref<49920xf32, #tpu.memory_space<vmem>>
    %dma_wait3A_903 = arith.constant 50048 : i32
    %dma_wait3A_904 = tpu.memref_slice %arg2[%add3A_822, %select_n3A_9, %dma_wait3A_903] : memref<26x16x100000xf32, #tpu.memory_space<hbm>> -> memref<1x1x49920xf32, #tpu.memory_space<hbm>>
    %dma_wait3A_905 = tpu.memref_squeeze %dma_wait3A_904 : memref<1x1x49920xf32, #tpu.memory_space<hbm>> -> memref<49920xf32, #tpu.memory_space<hbm>>
    tpu.wait_dma2 semaphore(%arg19 : memref<!tpu.dma_semaphore, #tpu.memory_space<semaphore_mem>>) src(%dma_wait3A_905 : memref<49920xf32, #tpu.memory_space<hbm>>) dst(%dma_wait3A_902 : memref<49920xf32, #tpu.memory_space<vmem>>)
    %dma_wait3A_906 = arith.constant 50048 : i32
    %dma_wait3A_907 = tpu.memref_slice %arg12[%dma_wait3A_906] : memref<50176xf32, #tpu.memory_space<vmem>> -> memref<128xf32, #tpu.memory_space<vmem>>
    %dma_wait3A_908 = arith.constant 0 : i32
    %dma_wait3A_909 = tpu.memref_slice %arg6[%add3A_822, %select_n3A_9, %dma_wait3A_908] : memref<26x16x128xf32, #tpu.memory_space<hbm>> -> memref<1x1x128xf32, #tpu.memory_space<hbm>>
    %dma_wait3A_910 = tpu.memref_squeeze %dma_wait3A_909 : memref<1x1x128xf32, #tpu.memory_space<hbm>> -> memref<128xf32, #tpu.memory_space<hbm>>
    %dma_wait3A_911 = arith.constant 50048 : i32
    %dma_wait3A_912 = tpu.memref_slice %arg12[%dma_wait3A_911] : memref<50176xf32, #tpu.memory_space<vmem>> -> memref<128xf32, #tpu.memory_space<vmem>>
    %dma_wait3A_913 = arith.constant 0 : i32
    %dma_wait3A_914 = tpu.memref_slice %arg6[%add3A_822, %select_n3A_9, %dma_wait3A_913] : memref<26x16x128xf32, #tpu.memory_space<hbm>> -> memref<1x1x128xf32, #tpu.memory_space<hbm>>
    %dma_wait3A_915 = tpu.memref_squeeze %dma_wait3A_914 : memref<1x1x128xf32, #tpu.memory_space<hbm>> -> memref<128xf32, #tpu.memory_space<hbm>>
    tpu.wait_dma2 semaphore(%arg19 : memref<!tpu.dma_semaphore, #tpu.memory_space<semaphore_mem>>) src(%dma_wait3A_915 : memref<128xf32, #tpu.memory_space<hbm>>) dst(%dma_wait3A_912 : memref<128xf32, #tpu.memory_space<vmem>>)
    %scan3A_916 = arith.constant 0 : i32
    %scan3A_917 = arith.constant 0 : i32
    %scan3A_918 = arith.constant 256 : i32
    %scan3A_919 = arith.addi %scan3A_917, %scan3A_918 : i32
    %scan3A_920 = arith.constant 2 : i32
    %scan3A_921 = scf.for %scan3A_1719 = %scan3A_917 to %scan3A_919 step %scan3A_920 iter_args(%scan3A_1720 = %scan3A_916) -> (i32)  : i32 {
      %mul3A_1721 = arith.constant 16 : i32
      %mul3A_1722 = arith.muli %scan3A_1719, %mul3A_1721 : i32
      %add3A_1723 = arith.constant 0 : i32
      %add3A_1724 = arith.addi %add3A_1723, %mul3A_1722 : i32
      %mul3A_1725 = arith.constant 16 : i32
      %mul3A_1726 = arith.muli %scan3A_1719, %mul3A_1725 : i32
      %get3A = arith.index_cast %add3A_1724 : i32 to index
      %get3A_1727 = tpu.vector_load %arg13[%get3A] {strides = array<i32>} : memref<8192xi32, #tpu.memory_space<vmem>>, vector<16xi32>,
      %sub3A_1728 = arith.constant 49920 : i32
      %sub3A_1729 = vector.broadcast %sub3A_1728 : i32 to vector<16xi32>
      %sub3A_1730 = arith.subi %get3A_1727, %sub3A_1729 : vector<16xi32>
      %max3A = arith.constant 0 : i32
      %max3A_1731 = vector.broadcast %max3A : i32 to vector<16xi32>
      %max3A_1732 = arith.maxsi %sub3A_1730, %max3A_1731 : vector<16xi32>
      %add3A_1733 = arith.constant 96 : i32
      %add3A_1734 = vector.broadcast %add3A_1733 : i32 to vector<16xi32>
      %add3A_1735 = arith.addi %sub3A_1730, %add3A_1734 : vector<16xi32>
      %ge3A = arith.constant 50048 : i32
      %ge3A_1736 = vector.broadcast %ge3A : i32 to vector<16xi32>
      %ge3A_1737 = arith.cmpi sge, %sub3A_1730, %ge3A_1736 : vector<16xi32>
      %select_n3A_1738 = arith.select %ge3A_1737, %add3A_1735, %max3A_1732 : vector<16xi1>, vector<16xi32>
      %gather3A = tpu.vector_load_idx %arg12[%select_n3A_1738] : memref<50176xf32, #tpu.memory_space<vmem>>[vector<16xi32>], vector<16xf32>,
      %get3A_1739 = arith.index_cast %add3A_1724 : i32 to index
      %get3A_1740 = tpu.vector_load %arg14[%get3A_1739] {strides = array<i32>} : memref<8192xf32, #tpu.memory_space<vmem>>, vector<16xf32>,
      %mul3A_1741 = arith.mulf %gather3A, %get3A_1740 : vector<16xf32>
      %swap3A_1742 = arith.index_cast %mul3A_1726 : i32 to index
      %swap3A_1743 = tpu.vector_load %arg15[%swap3A_1742] {strides = array<i32>} : memref<4096xf32, #tpu.memory_space<vmem>>, vector<16xf32>,
      tpu.vector_store %arg15[%swap3A_1742], %mul3A_1741 {add = true, strides = array<i32>} : memref<4096xf32, #tpu.memory_space<vmem>>, vector<16xf32>,
      %mul3A_1744 = arith.mulf %mul3A_1741, %mul3A_1741 : vector<16xf32>
      %swap3A_1745 = arith.index_cast %mul3A_1726 : i32 to index
      %swap3A_1746 = tpu.vector_load %arg16[%swap3A_1745] {strides = array<i32>} : memref<4096xf32, #tpu.memory_space<vmem>>, vector<16xf32>,
      tpu.vector_store %arg16[%swap3A_1745], %mul3A_1744 {add = true, strides = array<i32>} : memref<4096xf32, #tpu.memory_space<vmem>>, vector<16xf32>,
      %scan3A_1747 = arith.constant 0 : i32
      %scan3A_1748 = arith.constant 1 : i32
      %scan3A_1749 = arith.addi %scan3A_1719, %scan3A_1748 : i32
      %mul3A_1750 = arith.constant 16 : i32
      %mul3A_1751 = arith.muli %scan3A_1749, %mul3A_1750 : i32
      %add3A_1752 = arith.constant 0 : i32
      %add3A_1753 = arith.addi %add3A_1752, %mul3A_1751 : i32
      %mul3A_1754 = arith.constant 16 : i32
      %mul3A_1755 = arith.muli %scan3A_1749, %mul3A_1754 : i32
      %get3A_1756 = arith.index_cast %add3A_1753 : i32 to index
      %get3A_1757 = tpu.vector_load %arg13[%get3A_1756] {strides = array<i32>} : memref<8192xi32, #tpu.memory_space<vmem>>, vector<16xi32>,
      %sub3A_1758 = arith.constant 49920 : i32
      %sub3A_1759 = vector.broadcast %sub3A_1758 : i32 to vector<16xi32>
      %sub3A_1760 = arith.subi %get3A_1757, %sub3A_1759 : vector<16xi32>
      %max3A_1761 = arith.constant 0 : i32
      %max3A_1762 = vector.broadcast %max3A_1761 : i32 to vector<16xi32>
      %max3A_1763 = arith.maxsi %sub3A_1760, %max3A_1762 : vector<16xi32>
      %add3A_1764 = arith.constant 96 : i32
      %add3A_1765 = vector.broadcast %add3A_1764 : i32 to vector<16xi32>
      %add3A_1766 = arith.addi %sub3A_1760, %add3A_1765 : vector<16xi32>
      %ge3A_1767 = arith.constant 50048 : i32
      %ge3A_1768 = vector.broadcast %ge3A_1767 : i32 to vector<16xi32>
      %ge3A_1769 = arith.cmpi sge, %sub3A_1760, %ge3A_1768 : vector<16xi32>
      %select_n3A_1770 = arith.select %ge3A_1769, %add3A_1766, %max3A_1763 : vector<16xi1>, vector<16xi32>
      %gather3A_1771 = tpu.vector_load_idx %arg12[%select_n3A_1770] : memref<50176xf32, #tpu.memory_space<vmem>>[vector<16xi32>], vector<16xf32>,
      %get3A_1772 = arith.index_cast %add3A_1753 : i32 to index
      %get3A_1773 = tpu.vector_load %arg14[%get3A_1772] {strides = array<i32>} : memref<8192xf32, #tpu.memory_space<vmem>>, vector<16xf32>,
      %mul3A_1774 = arith.mulf %gather3A_1771, %get3A_1773 : vector<16xf32>
      %swap3A_1775 = arith.index_cast %mul3A_1755 : i32 to index
      %swap3A_1776 = tpu.vector_load %arg15[%swap3A_1775] {strides = array<i32>} : memref<4096xf32, #tpu.memory_space<vmem>>, vector<16xf32>,
      tpu.vector_store %arg15[%swap3A_1775], %mul3A_1774 {add = true, strides = array<i32>} : memref<4096xf32, #tpu.memory_space<vmem>>, vector<16xf32>,
      %mul3A_1777 = arith.mulf %mul3A_1774, %mul3A_1774 : vector<16xf32>
      %swap3A_1778 = arith.index_cast %mul3A_1755 : i32 to index
      %swap3A_1779 = tpu.vector_load %arg16[%swap3A_1778] {strides = array<i32>} : memref<4096xf32, #tpu.memory_space<vmem>>, vector<16xf32>,
      tpu.vector_store %arg16[%swap3A_1778], %mul3A_1777 {add = true, strides = array<i32>} : memref<4096xf32, #tpu.memory_space<vmem>>, vector<16xf32>,
      %scan3A_1780 = arith.constant 0 : i32
      scf.yield %scan3A_1780 : i32
    }
    %scan3A_922 = arith.constant 256 : i32
    %dma_wait3A_923 = arith.constant 4096 : i32
    %dma_wait3A_924 = tpu.memref_slice %arg13[%dma_wait3A_923] : memref<8192xi32, #tpu.memory_space<vmem>> -> memref<4096xi32, #tpu.memory_space<vmem>>
    %dma_wait3A_925 = tpu.memref_slice %arg4[%mul3A_858] : memref<106496xi32, #tpu.memory_space<hbm>> -> memref<4096xi32, #tpu.memory_space<hbm>>
    %dma_wait3A_926 = arith.constant 4096 : i32
    %dma_wait3A_927 = tpu.memref_slice %arg13[%dma_wait3A_926] : memref<8192xi32, #tpu.memory_space<vmem>> -> memref<4096xi32, #tpu.memory_space<vmem>>
    %dma_wait3A_928 = tpu.memref_slice %arg4[%mul3A_858] : memref<106496xi32, #tpu.memory_space<hbm>> -> memref<4096xi32, #tpu.memory_space<hbm>>
    tpu.wait_dma2 semaphore(%arg20 : memref<!tpu.dma_semaphore, #tpu.memory_space<semaphore_mem>>) src(%dma_wait3A_928 : memref<4096xi32, #tpu.memory_space<hbm>>) dst(%dma_wait3A_927 : memref<4096xi32, #tpu.memory_space<vmem>>)
    %dma_wait3A_929 = arith.constant 4096 : i32
    %dma_wait3A_930 = tpu.memref_slice %arg14[%dma_wait3A_929] : memref<8192xf32, #tpu.memory_space<vmem>> -> memref<4096xf32, #tpu.memory_space<vmem>>
    %dma_wait3A_931 = arith.constant 0 : i32
    %dma_wait3A_932 = tpu.memref_slice %arg5[%add3A_856, %dma_wait3A_931] : memref<26x4096xf32, #tpu.memory_space<hbm>> -> memref<1x4096xf32, #tpu.memory_space<hbm>>
    %dma_wait3A_933 = tpu.memref_squeeze %dma_wait3A_932 : memref<1x4096xf32, #tpu.memory_space<hbm>> -> memref<4096xf32, #tpu.memory_space<hbm>>
    %dma_wait3A_934 = arith.constant 4096 : i32
    %dma_wait3A_935 = tpu.memref_slice %arg14[%dma_wait3A_934] : memref<8192xf32, #tpu.memory_space<vmem>> -> memref<4096xf32, #tpu.memory_space<vmem>>
    %dma_wait3A_936 = arith.constant 0 : i32
    %dma_wait3A_937 = tpu.memref_slice %arg5[%add3A_856, %dma_wait3A_936] : memref<26x4096xf32, #tpu.memory_space<hbm>> -> memref<1x4096xf32, #tpu.memory_space<hbm>>
    %dma_wait3A_938 = tpu.memref_squeeze %dma_wait3A_937 : memref<1x4096xf32, #tpu.memory_space<hbm>> -> memref<4096xf32, #tpu.memory_space<hbm>>
    tpu.wait_dma2 semaphore(%arg20 : memref<!tpu.dma_semaphore, #tpu.memory_space<semaphore_mem>>) src(%dma_wait3A_938 : memref<4096xf32, #tpu.memory_space<hbm>>) dst(%dma_wait3A_935 : memref<4096xf32, #tpu.memory_space<vmem>>)
    %mul3A_939 = arith.constant 13 : i32
    %mul3A_940 = arith.muli %select_n3A_30, %mul3A_939 : i32
    %add3A_941 = arith.constant 7 : i32
    %add3A_942 = arith.addi %mul3A_940, %add3A_941 : i32
    %dma_start3A_943 = arith.constant 128 : i32
    %dma_start3A_944 = tpu.memref_slice %arg12[%dma_start3A_943] : memref<50176xf32, #tpu.memory_space<vmem>> -> memref<49920xf32, #tpu.memory_space<vmem>>
    %dma_start3A_945 = arith.constant 50048 : i32
    %dma_start3A_946 = tpu.memref_slice %arg2[%add3A_942, %select_n3A_9, %dma_start3A_945] : memref<26x16x100000xf32, #tpu.memory_space<hbm>> -> memref<1x1x49920xf32, #tpu.memory_space<hbm>>
    %dma_start3A_947 = tpu.memref_squeeze %dma_start3A_946 : memref<1x1x49920xf32, #tpu.memory_space<hbm>> -> memref<49920xf32, #tpu.memory_space<hbm>>
    %dma_start3A_948 = arith.constant 128 : i32
    %dma_start3A_949 = tpu.memref_slice %arg12[%dma_start3A_948] : memref<50176xf32, #tpu.memory_space<vmem>> -> memref<49920xf32, #tpu.memory_space<vmem>>
    %dma_start3A_950 = arith.constant 50048 : i32
    %dma_start3A_951 = tpu.memref_slice %arg2[%add3A_942, %select_n3A_9, %dma_start3A_950] : memref<26x16x100000xf32, #tpu.memory_space<hbm>> -> memref<1x1x49920xf32, #tpu.memory_space<hbm>>
    %dma_start3A_952 = tpu.memref_squeeze %dma_start3A_951 : memref<1x1x49920xf32, #tpu.memory_space<hbm>> -> memref<49920xf32, #tpu.memory_space<hbm>>
    tpu.enqueue_dma source(%dma_start3A_952 : memref<49920xf32, #tpu.memory_space<hbm>>) target(%dma_start3A_949 : memref<49920xf32, #tpu.memory_space<vmem>>) target_semaphore(%arg19 : memref<!tpu.dma_semaphore, #tpu.memory_space<semaphore_mem>>)
    %dma_start3A_953 = arith.constant 50048 : i32
    %dma_start3A_954 = tpu.memref_slice %arg12[%dma_start3A_953] : memref<50176xf32, #tpu.memory_space<vmem>> -> memref<128xf32, #tpu.memory_space<vmem>>
    %dma_start3A_955 = arith.constant 0 : i32
    %dma_start3A_956 = tpu.memref_slice %arg6[%add3A_942, %select_n3A_9, %dma_start3A_955] : memref<26x16x128xf32, #tpu.memory_space<hbm>> -> memref<1x1x128xf32, #tpu.memory_space<hbm>>
    %dma_start3A_957 = tpu.memref_squeeze %dma_start3A_956 : memref<1x1x128xf32, #tpu.memory_space<hbm>> -> memref<128xf32, #tpu.memory_space<hbm>>
    %dma_start3A_958 = arith.constant 50048 : i32
    %dma_start3A_959 = tpu.memref_slice %arg12[%dma_start3A_958] : memref<50176xf32, #tpu.memory_space<vmem>> -> memref<128xf32, #tpu.memory_space<vmem>>
    %dma_start3A_960 = arith.constant 0 : i32
    %dma_start3A_961 = tpu.memref_slice %arg6[%add3A_942, %select_n3A_9, %dma_start3A_960] : memref<26x16x128xf32, #tpu.memory_space<hbm>> -> memref<1x1x128xf32, #tpu.memory_space<hbm>>
    %dma_start3A_962 = tpu.memref_squeeze %dma_start3A_961 : memref<1x1x128xf32, #tpu.memory_space<hbm>> -> memref<128xf32, #tpu.memory_space<hbm>>
    tpu.enqueue_dma source(%dma_start3A_962 : memref<128xf32, #tpu.memory_space<hbm>>) target(%dma_start3A_959 : memref<128xf32, #tpu.memory_space<vmem>>) target_semaphore(%arg19 : memref<!tpu.dma_semaphore, #tpu.memory_space<semaphore_mem>>)
    %dma_wait3A_963 = arith.constant 0 : i32
    %dma_wait3A_964 = tpu.memref_slice %arg11[%dma_wait3A_963] : memref<50064xf32, #tpu.memory_space<vmem>> -> memref<50048xf32, #tpu.memory_space<vmem>>
    %dma_wait3A_965 = arith.constant 0 : i32
    %dma_wait3A_966 = tpu.memref_slice %arg2[%add3A_885, %select_n3A_9, %dma_wait3A_965] : memref<26x16x100000xf32, #tpu.memory_space<hbm>> -> memref<1x1x50048xf32, #tpu.memory_space<hbm>>
    %dma_wait3A_967 = tpu.memref_squeeze %dma_wait3A_966 : memref<1x1x50048xf32, #tpu.memory_space<hbm>> -> memref<50048xf32, #tpu.memory_space<hbm>>
    %dma_wait3A_968 = arith.constant 0 : i32
    %dma_wait3A_969 = tpu.memref_slice %arg11[%dma_wait3A_968] : memref<50064xf32, #tpu.memory_space<vmem>> -> memref<50048xf32, #tpu.memory_space<vmem>>
    %dma_wait3A_970 = arith.constant 0 : i32
    %dma_wait3A_971 = tpu.memref_slice %arg2[%add3A_885, %select_n3A_9, %dma_wait3A_970] : memref<26x16x100000xf32, #tpu.memory_space<hbm>> -> memref<1x1x50048xf32, #tpu.memory_space<hbm>>
    %dma_wait3A_972 = tpu.memref_squeeze %dma_wait3A_971 : memref<1x1x50048xf32, #tpu.memory_space<hbm>> -> memref<50048xf32, #tpu.memory_space<hbm>>
    tpu.wait_dma2 semaphore(%arg18 : memref<!tpu.dma_semaphore, #tpu.memory_space<semaphore_mem>>) src(%dma_wait3A_972 : memref<50048xf32, #tpu.memory_space<hbm>>) dst(%dma_wait3A_969 : memref<50048xf32, #tpu.memory_space<vmem>>)
    %mul3A_973 = arith.constant 13 : i32
    %mul3A_974 = arith.muli %select_n3A_30, %mul3A_973 : i32
    %add3A_975 = arith.constant 8 : i32
    %add3A_976 = arith.addi %mul3A_974, %add3A_975 : i32
    %mul3A_977 = arith.constant 4096 : i32
    %mul3A_978 = arith.muli %add3A_976, %mul3A_977 : i32
    %dma_start3A_979 = arith.constant 0 : i32
    %dma_start3A_980 = tpu.memref_slice %arg13[%dma_start3A_979] : memref<8192xi32, #tpu.memory_space<vmem>> -> memref<4096xi32, #tpu.memory_space<vmem>>
    %dma_start3A_981 = tpu.memref_slice %arg4[%mul3A_978] : memref<106496xi32, #tpu.memory_space<hbm>> -> memref<4096xi32, #tpu.memory_space<hbm>>
    %dma_start3A_982 = arith.constant 0 : i32
    %dma_start3A_983 = tpu.memref_slice %arg13[%dma_start3A_982] : memref<8192xi32, #tpu.memory_space<vmem>> -> memref<4096xi32, #tpu.memory_space<vmem>>
    %dma_start3A_984 = tpu.memref_slice %arg4[%mul3A_978] : memref<106496xi32, #tpu.memory_space<hbm>> -> memref<4096xi32, #tpu.memory_space<hbm>>
    tpu.enqueue_dma source(%dma_start3A_984 : memref<4096xi32, #tpu.memory_space<hbm>>) target(%dma_start3A_983 : memref<4096xi32, #tpu.memory_space<vmem>>) target_semaphore(%arg20 : memref<!tpu.dma_semaphore, #tpu.memory_space<semaphore_mem>>)
    %dma_start3A_985 = arith.constant 0 : i32
    %dma_start3A_986 = tpu.memref_slice %arg14[%dma_start3A_985] : memref<8192xf32, #tpu.memory_space<vmem>> -> memref<4096xf32, #tpu.memory_space<vmem>>
    %dma_start3A_987 = arith.constant 0 : i32
    %dma_start3A_988 = tpu.memref_slice %arg5[%add3A_976, %dma_start3A_987] : memref<26x4096xf32, #tpu.memory_space<hbm>> -> memref<1x4096xf32, #tpu.memory_space<hbm>>
    %dma_start3A_989 = tpu.memref_squeeze %dma_start3A_988 : memref<1x4096xf32, #tpu.memory_space<hbm>> -> memref<4096xf32, #tpu.memory_space<hbm>>
    %dma_start3A_990 = arith.constant 0 : i32
    %dma_start3A_991 = tpu.memref_slice %arg14[%dma_start3A_990] : memref<8192xf32, #tpu.memory_space<vmem>> -> memref<4096xf32, #tpu.memory_space<vmem>>
    %dma_start3A_992 = arith.constant 0 : i32
    %dma_start3A_993 = tpu.memref_slice %arg5[%add3A_976, %dma_start3A_992] : memref<26x4096xf32, #tpu.memory_space<hbm>> -> memref<1x4096xf32, #tpu.memory_space<hbm>>
    %dma_start3A_994 = tpu.memref_squeeze %dma_start3A_993 : memref<1x4096xf32, #tpu.memory_space<hbm>> -> memref<4096xf32, #tpu.memory_space<hbm>>
    tpu.enqueue_dma source(%dma_start3A_994 : memref<4096xf32, #tpu.memory_space<hbm>>) target(%dma_start3A_991 : memref<4096xf32, #tpu.memory_space<vmem>>) target_semaphore(%arg20 : memref<!tpu.dma_semaphore, #tpu.memory_space<semaphore_mem>>)
    %scan3A_995 = arith.constant 0 : i32
    %scan3A_996 = arith.constant 0 : i32
    %scan3A_997 = arith.constant 256 : i32
    %scan3A_998 = arith.addi %scan3A_996, %scan3A_997 : i32
    %scan3A_999 = arith.constant 2 : i32
    %scan3A_1000 = scf.for %scan3A_1719 = %scan3A_996 to %scan3A_998 step %scan3A_999 iter_args(%scan3A_1720 = %scan3A_995) -> (i32)  : i32 {
      %mul3A_1721 = arith.constant 16 : i32
      %mul3A_1722 = arith.muli %scan3A_1719, %mul3A_1721 : i32
      %add3A_1723 = arith.constant 4096 : i32
      %add3A_1724 = arith.addi %add3A_1723, %mul3A_1722 : i32
      %mul3A_1725 = arith.constant 16 : i32
      %mul3A_1726 = arith.muli %scan3A_1719, %mul3A_1725 : i32
      %get3A = arith.index_cast %add3A_1724 : i32 to index
      %get3A_1727 = tpu.vector_load %arg13[%get3A] {strides = array<i32>} : memref<8192xi32, #tpu.memory_space<vmem>>, vector<16xi32>,
      %min3A_1728 = arith.constant 50048 : i32
      %min3A_1729 = vector.broadcast %min3A_1728 : i32 to vector<16xi32>
      %min3A_1730 = arith.minsi %get3A_1727, %min3A_1729 : vector<16xi32>
      %gather3A = tpu.vector_load_idx %arg11[%min3A_1730] : memref<50064xf32, #tpu.memory_space<vmem>>[vector<16xi32>], vector<16xf32>,
      %get3A_1731 = arith.index_cast %add3A_1724 : i32 to index
      %get3A_1732 = tpu.vector_load %arg14[%get3A_1731] {strides = array<i32>} : memref<8192xf32, #tpu.memory_space<vmem>>, vector<16xf32>,
      %mul3A_1733 = arith.mulf %gather3A, %get3A_1732 : vector<16xf32>
      %swap3A_1734 = arith.index_cast %mul3A_1726 : i32 to index
      %swap3A_1735 = tpu.vector_load %arg15[%swap3A_1734] {strides = array<i32>} : memref<4096xf32, #tpu.memory_space<vmem>>, vector<16xf32>,
      tpu.vector_store %arg15[%swap3A_1734], %mul3A_1733 {add = true, strides = array<i32>} : memref<4096xf32, #tpu.memory_space<vmem>>, vector<16xf32>,
      %mul3A_1736 = arith.mulf %mul3A_1733, %mul3A_1733 : vector<16xf32>
      %swap3A_1737 = arith.index_cast %mul3A_1726 : i32 to index
      %swap3A_1738 = tpu.vector_load %arg16[%swap3A_1737] {strides = array<i32>} : memref<4096xf32, #tpu.memory_space<vmem>>, vector<16xf32>,
      tpu.vector_store %arg16[%swap3A_1737], %mul3A_1736 {add = true, strides = array<i32>} : memref<4096xf32, #tpu.memory_space<vmem>>, vector<16xf32>,
      %scan3A_1739 = arith.constant 0 : i32
      %scan3A_1740 = arith.constant 1 : i32
      %scan3A_1741 = arith.addi %scan3A_1719, %scan3A_1740 : i32
      %mul3A_1742 = arith.constant 16 : i32
      %mul3A_1743 = arith.muli %scan3A_1741, %mul3A_1742 : i32
      %add3A_1744 = arith.constant 4096 : i32
      %add3A_1745 = arith.addi %add3A_1744, %mul3A_1743 : i32
      %mul3A_1746 = arith.constant 16 : i32
      %mul3A_1747 = arith.muli %scan3A_1741, %mul3A_1746 : i32
      %get3A_1748 = arith.index_cast %add3A_1745 : i32 to index
      %get3A_1749 = tpu.vector_load %arg13[%get3A_1748] {strides = array<i32>} : memref<8192xi32, #tpu.memory_space<vmem>>, vector<16xi32>,
      %min3A_1750 = arith.constant 50048 : i32
      %min3A_1751 = vector.broadcast %min3A_1750 : i32 to vector<16xi32>
      %min3A_1752 = arith.minsi %get3A_1749, %min3A_1751 : vector<16xi32>
      %gather3A_1753 = tpu.vector_load_idx %arg11[%min3A_1752] : memref<50064xf32, #tpu.memory_space<vmem>>[vector<16xi32>], vector<16xf32>,
      %get3A_1754 = arith.index_cast %add3A_1745 : i32 to index
      %get3A_1755 = tpu.vector_load %arg14[%get3A_1754] {strides = array<i32>} : memref<8192xf32, #tpu.memory_space<vmem>>, vector<16xf32>,
      %mul3A_1756 = arith.mulf %gather3A_1753, %get3A_1755 : vector<16xf32>
      %swap3A_1757 = arith.index_cast %mul3A_1747 : i32 to index
      %swap3A_1758 = tpu.vector_load %arg15[%swap3A_1757] {strides = array<i32>} : memref<4096xf32, #tpu.memory_space<vmem>>, vector<16xf32>,
      tpu.vector_store %arg15[%swap3A_1757], %mul3A_1756 {add = true, strides = array<i32>} : memref<4096xf32, #tpu.memory_space<vmem>>, vector<16xf32>,
      %mul3A_1759 = arith.mulf %mul3A_1756, %mul3A_1756 : vector<16xf32>
      %swap3A_1760 = arith.index_cast %mul3A_1747 : i32 to index
      %swap3A_1761 = tpu.vector_load %arg16[%swap3A_1760] {strides = array<i32>} : memref<4096xf32, #tpu.memory_space<vmem>>, vector<16xf32>,
      tpu.vector_store %arg16[%swap3A_1760], %mul3A_1759 {add = true, strides = array<i32>} : memref<4096xf32, #tpu.memory_space<vmem>>, vector<16xf32>,
      %scan3A_1762 = arith.constant 0 : i32
      scf.yield %scan3A_1762 : i32
    }
    %scan3A_1001 = arith.constant 256 : i32
    %mul3A_1002 = arith.constant 13 : i32
    %mul3A_1003 = arith.muli %select_n3A_30, %mul3A_1002 : i32
    %add3A_1004 = arith.constant 8 : i32
    %add3A_1005 = arith.addi %mul3A_1003, %add3A_1004 : i32
    %dma_start3A_1006 = arith.constant 0 : i32
    %dma_start3A_1007 = tpu.memref_slice %arg11[%dma_start3A_1006] : memref<50064xf32, #tpu.memory_space<vmem>> -> memref<50048xf32, #tpu.memory_space<vmem>>
    %dma_start3A_1008 = arith.constant 0 : i32
    %dma_start3A_1009 = tpu.memref_slice %arg2[%add3A_1005, %select_n3A_9, %dma_start3A_1008] : memref<26x16x100000xf32, #tpu.memory_space<hbm>> -> memref<1x1x50048xf32, #tpu.memory_space<hbm>>
    %dma_start3A_1010 = tpu.memref_squeeze %dma_start3A_1009 : memref<1x1x50048xf32, #tpu.memory_space<hbm>> -> memref<50048xf32, #tpu.memory_space<hbm>>
    %dma_start3A_1011 = arith.constant 0 : i32
    %dma_start3A_1012 = tpu.memref_slice %arg11[%dma_start3A_1011] : memref<50064xf32, #tpu.memory_space<vmem>> -> memref<50048xf32, #tpu.memory_space<vmem>>
    %dma_start3A_1013 = arith.constant 0 : i32
    %dma_start3A_1014 = tpu.memref_slice %arg2[%add3A_1005, %select_n3A_9, %dma_start3A_1013] : memref<26x16x100000xf32, #tpu.memory_space<hbm>> -> memref<1x1x50048xf32, #tpu.memory_space<hbm>>
    %dma_start3A_1015 = tpu.memref_squeeze %dma_start3A_1014 : memref<1x1x50048xf32, #tpu.memory_space<hbm>> -> memref<50048xf32, #tpu.memory_space<hbm>>
    tpu.enqueue_dma source(%dma_start3A_1015 : memref<50048xf32, #tpu.memory_space<hbm>>) target(%dma_start3A_1012 : memref<50048xf32, #tpu.memory_space<vmem>>) target_semaphore(%arg18 : memref<!tpu.dma_semaphore, #tpu.memory_space<semaphore_mem>>)
    %dma_wait3A_1016 = arith.constant 128 : i32
    %dma_wait3A_1017 = tpu.memref_slice %arg12[%dma_wait3A_1016] : memref<50176xf32, #tpu.memory_space<vmem>> -> memref<49920xf32, #tpu.memory_space<vmem>>
    %dma_wait3A_1018 = arith.constant 50048 : i32
    %dma_wait3A_1019 = tpu.memref_slice %arg2[%add3A_942, %select_n3A_9, %dma_wait3A_1018] : memref<26x16x100000xf32, #tpu.memory_space<hbm>> -> memref<1x1x49920xf32, #tpu.memory_space<hbm>>
    %dma_wait3A_1020 = tpu.memref_squeeze %dma_wait3A_1019 : memref<1x1x49920xf32, #tpu.memory_space<hbm>> -> memref<49920xf32, #tpu.memory_space<hbm>>
    %dma_wait3A_1021 = arith.constant 128 : i32
    %dma_wait3A_1022 = tpu.memref_slice %arg12[%dma_wait3A_1021] : memref<50176xf32, #tpu.memory_space<vmem>> -> memref<49920xf32, #tpu.memory_space<vmem>>
    %dma_wait3A_1023 = arith.constant 50048 : i32
    %dma_wait3A_1024 = tpu.memref_slice %arg2[%add3A_942, %select_n3A_9, %dma_wait3A_1023] : memref<26x16x100000xf32, #tpu.memory_space<hbm>> -> memref<1x1x49920xf32, #tpu.memory_space<hbm>>
    %dma_wait3A_1025 = tpu.memref_squeeze %dma_wait3A_1024 : memref<1x1x49920xf32, #tpu.memory_space<hbm>> -> memref<49920xf32, #tpu.memory_space<hbm>>
    tpu.wait_dma2 semaphore(%arg19 : memref<!tpu.dma_semaphore, #tpu.memory_space<semaphore_mem>>) src(%dma_wait3A_1025 : memref<49920xf32, #tpu.memory_space<hbm>>) dst(%dma_wait3A_1022 : memref<49920xf32, #tpu.memory_space<vmem>>)
    %dma_wait3A_1026 = arith.constant 50048 : i32
    %dma_wait3A_1027 = tpu.memref_slice %arg12[%dma_wait3A_1026] : memref<50176xf32, #tpu.memory_space<vmem>> -> memref<128xf32, #tpu.memory_space<vmem>>
    %dma_wait3A_1028 = arith.constant 0 : i32
    %dma_wait3A_1029 = tpu.memref_slice %arg6[%add3A_942, %select_n3A_9, %dma_wait3A_1028] : memref<26x16x128xf32, #tpu.memory_space<hbm>> -> memref<1x1x128xf32, #tpu.memory_space<hbm>>
    %dma_wait3A_1030 = tpu.memref_squeeze %dma_wait3A_1029 : memref<1x1x128xf32, #tpu.memory_space<hbm>> -> memref<128xf32, #tpu.memory_space<hbm>>
    %dma_wait3A_1031 = arith.constant 50048 : i32
    %dma_wait3A_1032 = tpu.memref_slice %arg12[%dma_wait3A_1031] : memref<50176xf32, #tpu.memory_space<vmem>> -> memref<128xf32, #tpu.memory_space<vmem>>
    %dma_wait3A_1033 = arith.constant 0 : i32
    %dma_wait3A_1034 = tpu.memref_slice %arg6[%add3A_942, %select_n3A_9, %dma_wait3A_1033] : memref<26x16x128xf32, #tpu.memory_space<hbm>> -> memref<1x1x128xf32, #tpu.memory_space<hbm>>
    %dma_wait3A_1035 = tpu.memref_squeeze %dma_wait3A_1034 : memref<1x1x128xf32, #tpu.memory_space<hbm>> -> memref<128xf32, #tpu.memory_space<hbm>>
    tpu.wait_dma2 semaphore(%arg19 : memref<!tpu.dma_semaphore, #tpu.memory_space<semaphore_mem>>) src(%dma_wait3A_1035 : memref<128xf32, #tpu.memory_space<hbm>>) dst(%dma_wait3A_1032 : memref<128xf32, #tpu.memory_space<vmem>>)
    %scan3A_1036 = arith.constant 0 : i32
    %scan3A_1037 = arith.constant 0 : i32
    %scan3A_1038 = arith.constant 256 : i32
    %scan3A_1039 = arith.addi %scan3A_1037, %scan3A_1038 : i32
    %scan3A_1040 = arith.constant 2 : i32
    %scan3A_1041 = scf.for %scan3A_1719 = %scan3A_1037 to %scan3A_1039 step %scan3A_1040 iter_args(%scan3A_1720 = %scan3A_1036) -> (i32)  : i32 {
      %mul3A_1721 = arith.constant 16 : i32
      %mul3A_1722 = arith.muli %scan3A_1719, %mul3A_1721 : i32
      %add3A_1723 = arith.constant 4096 : i32
      %add3A_1724 = arith.addi %add3A_1723, %mul3A_1722 : i32
      %mul3A_1725 = arith.constant 16 : i32
      %mul3A_1726 = arith.muli %scan3A_1719, %mul3A_1725 : i32
      %get3A = arith.index_cast %add3A_1724 : i32 to index
      %get3A_1727 = tpu.vector_load %arg13[%get3A] {strides = array<i32>} : memref<8192xi32, #tpu.memory_space<vmem>>, vector<16xi32>,
      %sub3A_1728 = arith.constant 49920 : i32
      %sub3A_1729 = vector.broadcast %sub3A_1728 : i32 to vector<16xi32>
      %sub3A_1730 = arith.subi %get3A_1727, %sub3A_1729 : vector<16xi32>
      %max3A = arith.constant 0 : i32
      %max3A_1731 = vector.broadcast %max3A : i32 to vector<16xi32>
      %max3A_1732 = arith.maxsi %sub3A_1730, %max3A_1731 : vector<16xi32>
      %add3A_1733 = arith.constant 96 : i32
      %add3A_1734 = vector.broadcast %add3A_1733 : i32 to vector<16xi32>
      %add3A_1735 = arith.addi %sub3A_1730, %add3A_1734 : vector<16xi32>
      %ge3A = arith.constant 50048 : i32
      %ge3A_1736 = vector.broadcast %ge3A : i32 to vector<16xi32>
      %ge3A_1737 = arith.cmpi sge, %sub3A_1730, %ge3A_1736 : vector<16xi32>
      %select_n3A_1738 = arith.select %ge3A_1737, %add3A_1735, %max3A_1732 : vector<16xi1>, vector<16xi32>
      %gather3A = tpu.vector_load_idx %arg12[%select_n3A_1738] : memref<50176xf32, #tpu.memory_space<vmem>>[vector<16xi32>], vector<16xf32>,
      %get3A_1739 = arith.index_cast %add3A_1724 : i32 to index
      %get3A_1740 = tpu.vector_load %arg14[%get3A_1739] {strides = array<i32>} : memref<8192xf32, #tpu.memory_space<vmem>>, vector<16xf32>,
      %mul3A_1741 = arith.mulf %gather3A, %get3A_1740 : vector<16xf32>
      %swap3A_1742 = arith.index_cast %mul3A_1726 : i32 to index
      %swap3A_1743 = tpu.vector_load %arg15[%swap3A_1742] {strides = array<i32>} : memref<4096xf32, #tpu.memory_space<vmem>>, vector<16xf32>,
      tpu.vector_store %arg15[%swap3A_1742], %mul3A_1741 {add = true, strides = array<i32>} : memref<4096xf32, #tpu.memory_space<vmem>>, vector<16xf32>,
      %mul3A_1744 = arith.mulf %mul3A_1741, %mul3A_1741 : vector<16xf32>
      %swap3A_1745 = arith.index_cast %mul3A_1726 : i32 to index
      %swap3A_1746 = tpu.vector_load %arg16[%swap3A_1745] {strides = array<i32>} : memref<4096xf32, #tpu.memory_space<vmem>>, vector<16xf32>,
      tpu.vector_store %arg16[%swap3A_1745], %mul3A_1744 {add = true, strides = array<i32>} : memref<4096xf32, #tpu.memory_space<vmem>>, vector<16xf32>,
      %scan3A_1747 = arith.constant 0 : i32
      %scan3A_1748 = arith.constant 1 : i32
      %scan3A_1749 = arith.addi %scan3A_1719, %scan3A_1748 : i32
      %mul3A_1750 = arith.constant 16 : i32
      %mul3A_1751 = arith.muli %scan3A_1749, %mul3A_1750 : i32
      %add3A_1752 = arith.constant 4096 : i32
      %add3A_1753 = arith.addi %add3A_1752, %mul3A_1751 : i32
      %mul3A_1754 = arith.constant 16 : i32
      %mul3A_1755 = arith.muli %scan3A_1749, %mul3A_1754 : i32
      %get3A_1756 = arith.index_cast %add3A_1753 : i32 to index
      %get3A_1757 = tpu.vector_load %arg13[%get3A_1756] {strides = array<i32>} : memref<8192xi32, #tpu.memory_space<vmem>>, vector<16xi32>,
      %sub3A_1758 = arith.constant 49920 : i32
      %sub3A_1759 = vector.broadcast %sub3A_1758 : i32 to vector<16xi32>
      %sub3A_1760 = arith.subi %get3A_1757, %sub3A_1759 : vector<16xi32>
      %max3A_1761 = arith.constant 0 : i32
      %max3A_1762 = vector.broadcast %max3A_1761 : i32 to vector<16xi32>
      %max3A_1763 = arith.maxsi %sub3A_1760, %max3A_1762 : vector<16xi32>
      %add3A_1764 = arith.constant 96 : i32
      %add3A_1765 = vector.broadcast %add3A_1764 : i32 to vector<16xi32>
      %add3A_1766 = arith.addi %sub3A_1760, %add3A_1765 : vector<16xi32>
      %ge3A_1767 = arith.constant 50048 : i32
      %ge3A_1768 = vector.broadcast %ge3A_1767 : i32 to vector<16xi32>
      %ge3A_1769 = arith.cmpi sge, %sub3A_1760, %ge3A_1768 : vector<16xi32>
      %select_n3A_1770 = arith.select %ge3A_1769, %add3A_1766, %max3A_1763 : vector<16xi1>, vector<16xi32>
      %gather3A_1771 = tpu.vector_load_idx %arg12[%select_n3A_1770] : memref<50176xf32, #tpu.memory_space<vmem>>[vector<16xi32>], vector<16xf32>,
      %get3A_1772 = arith.index_cast %add3A_1753 : i32 to index
      %get3A_1773 = tpu.vector_load %arg14[%get3A_1772] {strides = array<i32>} : memref<8192xf32, #tpu.memory_space<vmem>>, vector<16xf32>,
      %mul3A_1774 = arith.mulf %gather3A_1771, %get3A_1773 : vector<16xf32>
      %swap3A_1775 = arith.index_cast %mul3A_1755 : i32 to index
      %swap3A_1776 = tpu.vector_load %arg15[%swap3A_1775] {strides = array<i32>} : memref<4096xf32, #tpu.memory_space<vmem>>, vector<16xf32>,
      tpu.vector_store %arg15[%swap3A_1775], %mul3A_1774 {add = true, strides = array<i32>} : memref<4096xf32, #tpu.memory_space<vmem>>, vector<16xf32>,
      %mul3A_1777 = arith.mulf %mul3A_1774, %mul3A_1774 : vector<16xf32>
      %swap3A_1778 = arith.index_cast %mul3A_1755 : i32 to index
      %swap3A_1779 = tpu.vector_load %arg16[%swap3A_1778] {strides = array<i32>} : memref<4096xf32, #tpu.memory_space<vmem>>, vector<16xf32>,
      tpu.vector_store %arg16[%swap3A_1778], %mul3A_1777 {add = true, strides = array<i32>} : memref<4096xf32, #tpu.memory_space<vmem>>, vector<16xf32>,
      %scan3A_1780 = arith.constant 0 : i32
      scf.yield %scan3A_1780 : i32
    }
    %scan3A_1042 = arith.constant 256 : i32
    %dma_wait3A_1043 = arith.constant 0 : i32
    %dma_wait3A_1044 = tpu.memref_slice %arg13[%dma_wait3A_1043] : memref<8192xi32, #tpu.memory_space<vmem>> -> memref<4096xi32, #tpu.memory_space<vmem>>
    %dma_wait3A_1045 = tpu.memref_slice %arg4[%mul3A_978] : memref<106496xi32, #tpu.memory_space<hbm>> -> memref<4096xi32, #tpu.memory_space<hbm>>
    %dma_wait3A_1046 = arith.constant 0 : i32
    %dma_wait3A_1047 = tpu.memref_slice %arg13[%dma_wait3A_1046] : memref<8192xi32, #tpu.memory_space<vmem>> -> memref<4096xi32, #tpu.memory_space<vmem>>
    %dma_wait3A_1048 = tpu.memref_slice %arg4[%mul3A_978] : memref<106496xi32, #tpu.memory_space<hbm>> -> memref<4096xi32, #tpu.memory_space<hbm>>
    tpu.wait_dma2 semaphore(%arg20 : memref<!tpu.dma_semaphore, #tpu.memory_space<semaphore_mem>>) src(%dma_wait3A_1048 : memref<4096xi32, #tpu.memory_space<hbm>>) dst(%dma_wait3A_1047 : memref<4096xi32, #tpu.memory_space<vmem>>)
    %dma_wait3A_1049 = arith.constant 0 : i32
    %dma_wait3A_1050 = tpu.memref_slice %arg14[%dma_wait3A_1049] : memref<8192xf32, #tpu.memory_space<vmem>> -> memref<4096xf32, #tpu.memory_space<vmem>>
    %dma_wait3A_1051 = arith.constant 0 : i32
    %dma_wait3A_1052 = tpu.memref_slice %arg5[%add3A_976, %dma_wait3A_1051] : memref<26x4096xf32, #tpu.memory_space<hbm>> -> memref<1x4096xf32, #tpu.memory_space<hbm>>
    %dma_wait3A_1053 = tpu.memref_squeeze %dma_wait3A_1052 : memref<1x4096xf32, #tpu.memory_space<hbm>> -> memref<4096xf32, #tpu.memory_space<hbm>>
    %dma_wait3A_1054 = arith.constant 0 : i32
    %dma_wait3A_1055 = tpu.memref_slice %arg14[%dma_wait3A_1054] : memref<8192xf32, #tpu.memory_space<vmem>> -> memref<4096xf32, #tpu.memory_space<vmem>>
    %dma_wait3A_1056 = arith.constant 0 : i32
    %dma_wait3A_1057 = tpu.memref_slice %arg5[%add3A_976, %dma_wait3A_1056] : memref<26x4096xf32, #tpu.memory_space<hbm>> -> memref<1x4096xf32, #tpu.memory_space<hbm>>
    %dma_wait3A_1058 = tpu.memref_squeeze %dma_wait3A_1057 : memref<1x4096xf32, #tpu.memory_space<hbm>> -> memref<4096xf32, #tpu.memory_space<hbm>>
    tpu.wait_dma2 semaphore(%arg20 : memref<!tpu.dma_semaphore, #tpu.memory_space<semaphore_mem>>) src(%dma_wait3A_1058 : memref<4096xf32, #tpu.memory_space<hbm>>) dst(%dma_wait3A_1055 : memref<4096xf32, #tpu.memory_space<vmem>>)
    %mul3A_1059 = arith.constant 13 : i32
    %mul3A_1060 = arith.muli %select_n3A_30, %mul3A_1059 : i32
    %add3A_1061 = arith.constant 8 : i32
    %add3A_1062 = arith.addi %mul3A_1060, %add3A_1061 : i32
    %dma_start3A_1063 = arith.constant 128 : i32
    %dma_start3A_1064 = tpu.memref_slice %arg12[%dma_start3A_1063] : memref<50176xf32, #tpu.memory_space<vmem>> -> memref<49920xf32, #tpu.memory_space<vmem>>
    %dma_start3A_1065 = arith.constant 50048 : i32
    %dma_start3A_1066 = tpu.memref_slice %arg2[%add3A_1062, %select_n3A_9, %dma_start3A_1065] : memref<26x16x100000xf32, #tpu.memory_space<hbm>> -> memref<1x1x49920xf32, #tpu.memory_space<hbm>>
    %dma_start3A_1067 = tpu.memref_squeeze %dma_start3A_1066 : memref<1x1x49920xf32, #tpu.memory_space<hbm>> -> memref<49920xf32, #tpu.memory_space<hbm>>
    %dma_start3A_1068 = arith.constant 128 : i32
    %dma_start3A_1069 = tpu.memref_slice %arg12[%dma_start3A_1068] : memref<50176xf32, #tpu.memory_space<vmem>> -> memref<49920xf32, #tpu.memory_space<vmem>>
    %dma_start3A_1070 = arith.constant 50048 : i32
    %dma_start3A_1071 = tpu.memref_slice %arg2[%add3A_1062, %select_n3A_9, %dma_start3A_1070] : memref<26x16x100000xf32, #tpu.memory_space<hbm>> -> memref<1x1x49920xf32, #tpu.memory_space<hbm>>
    %dma_start3A_1072 = tpu.memref_squeeze %dma_start3A_1071 : memref<1x1x49920xf32, #tpu.memory_space<hbm>> -> memref<49920xf32, #tpu.memory_space<hbm>>
    tpu.enqueue_dma source(%dma_start3A_1072 : memref<49920xf32, #tpu.memory_space<hbm>>) target(%dma_start3A_1069 : memref<49920xf32, #tpu.memory_space<vmem>>) target_semaphore(%arg19 : memref<!tpu.dma_semaphore, #tpu.memory_space<semaphore_mem>>)
    %dma_start3A_1073 = arith.constant 50048 : i32
    %dma_start3A_1074 = tpu.memref_slice %arg12[%dma_start3A_1073] : memref<50176xf32, #tpu.memory_space<vmem>> -> memref<128xf32, #tpu.memory_space<vmem>>
    %dma_start3A_1075 = arith.constant 0 : i32
    %dma_start3A_1076 = tpu.memref_slice %arg6[%add3A_1062, %select_n3A_9, %dma_start3A_1075] : memref<26x16x128xf32, #tpu.memory_space<hbm>> -> memref<1x1x128xf32, #tpu.memory_space<hbm>>
    %dma_start3A_1077 = tpu.memref_squeeze %dma_start3A_1076 : memref<1x1x128xf32, #tpu.memory_space<hbm>> -> memref<128xf32, #tpu.memory_space<hbm>>
    %dma_start3A_1078 = arith.constant 50048 : i32
    %dma_start3A_1079 = tpu.memref_slice %arg12[%dma_start3A_1078] : memref<50176xf32, #tpu.memory_space<vmem>> -> memref<128xf32, #tpu.memory_space<vmem>>
    %dma_start3A_1080 = arith.constant 0 : i32
    %dma_start3A_1081 = tpu.memref_slice %arg6[%add3A_1062, %select_n3A_9, %dma_start3A_1080] : memref<26x16x128xf32, #tpu.memory_space<hbm>> -> memref<1x1x128xf32, #tpu.memory_space<hbm>>
    %dma_start3A_1082 = tpu.memref_squeeze %dma_start3A_1081 : memref<1x1x128xf32, #tpu.memory_space<hbm>> -> memref<128xf32, #tpu.memory_space<hbm>>
    tpu.enqueue_dma source(%dma_start3A_1082 : memref<128xf32, #tpu.memory_space<hbm>>) target(%dma_start3A_1079 : memref<128xf32, #tpu.memory_space<vmem>>) target_semaphore(%arg19 : memref<!tpu.dma_semaphore, #tpu.memory_space<semaphore_mem>>)
    %dma_wait3A_1083 = arith.constant 0 : i32
    %dma_wait3A_1084 = tpu.memref_slice %arg11[%dma_wait3A_1083] : memref<50064xf32, #tpu.memory_space<vmem>> -> memref<50048xf32, #tpu.memory_space<vmem>>
    %dma_wait3A_1085 = arith.constant 0 : i32
    %dma_wait3A_1086 = tpu.memref_slice %arg2[%add3A_1005, %select_n3A_9, %dma_wait3A_1085] : memref<26x16x100000xf32, #tpu.memory_space<hbm>> -> memref<1x1x50048xf32, #tpu.memory_space<hbm>>
    %dma_wait3A_1087 = tpu.memref_squeeze %dma_wait3A_1086 : memref<1x1x50048xf32, #tpu.memory_space<hbm>> -> memref<50048xf32, #tpu.memory_space<hbm>>
    %dma_wait3A_1088 = arith.constant 0 : i32
    %dma_wait3A_1089 = tpu.memref_slice %arg11[%dma_wait3A_1088] : memref<50064xf32, #tpu.memory_space<vmem>> -> memref<50048xf32, #tpu.memory_space<vmem>>
    %dma_wait3A_1090 = arith.constant 0 : i32
    %dma_wait3A_1091 = tpu.memref_slice %arg2[%add3A_1005, %select_n3A_9, %dma_wait3A_1090] : memref<26x16x100000xf32, #tpu.memory_space<hbm>> -> memref<1x1x50048xf32, #tpu.memory_space<hbm>>
    %dma_wait3A_1092 = tpu.memref_squeeze %dma_wait3A_1091 : memref<1x1x50048xf32, #tpu.memory_space<hbm>> -> memref<50048xf32, #tpu.memory_space<hbm>>
    tpu.wait_dma2 semaphore(%arg18 : memref<!tpu.dma_semaphore, #tpu.memory_space<semaphore_mem>>) src(%dma_wait3A_1092 : memref<50048xf32, #tpu.memory_space<hbm>>) dst(%dma_wait3A_1089 : memref<50048xf32, #tpu.memory_space<vmem>>)
    %mul3A_1093 = arith.constant 13 : i32
    %mul3A_1094 = arith.muli %select_n3A_30, %mul3A_1093 : i32
    %add3A_1095 = arith.constant 9 : i32
    %add3A_1096 = arith.addi %mul3A_1094, %add3A_1095 : i32
    %mul3A_1097 = arith.constant 4096 : i32
    %mul3A_1098 = arith.muli %add3A_1096, %mul3A_1097 : i32
    %dma_start3A_1099 = arith.constant 4096 : i32
    %dma_start3A_1100 = tpu.memref_slice %arg13[%dma_start3A_1099] : memref<8192xi32, #tpu.memory_space<vmem>> -> memref<4096xi32, #tpu.memory_space<vmem>>
    %dma_start3A_1101 = tpu.memref_slice %arg4[%mul3A_1098] : memref<106496xi32, #tpu.memory_space<hbm>> -> memref<4096xi32, #tpu.memory_space<hbm>>
    %dma_start3A_1102 = arith.constant 4096 : i32
    %dma_start3A_1103 = tpu.memref_slice %arg13[%dma_start3A_1102] : memref<8192xi32, #tpu.memory_space<vmem>> -> memref<4096xi32, #tpu.memory_space<vmem>>
    %dma_start3A_1104 = tpu.memref_slice %arg4[%mul3A_1098] : memref<106496xi32, #tpu.memory_space<hbm>> -> memref<4096xi32, #tpu.memory_space<hbm>>
    tpu.enqueue_dma source(%dma_start3A_1104 : memref<4096xi32, #tpu.memory_space<hbm>>) target(%dma_start3A_1103 : memref<4096xi32, #tpu.memory_space<vmem>>) target_semaphore(%arg20 : memref<!tpu.dma_semaphore, #tpu.memory_space<semaphore_mem>>)
    %dma_start3A_1105 = arith.constant 4096 : i32
    %dma_start3A_1106 = tpu.memref_slice %arg14[%dma_start3A_1105] : memref<8192xf32, #tpu.memory_space<vmem>> -> memref<4096xf32, #tpu.memory_space<vmem>>
    %dma_start3A_1107 = arith.constant 0 : i32
    %dma_start3A_1108 = tpu.memref_slice %arg5[%add3A_1096, %dma_start3A_1107] : memref<26x4096xf32, #tpu.memory_space<hbm>> -> memref<1x4096xf32, #tpu.memory_space<hbm>>
    %dma_start3A_1109 = tpu.memref_squeeze %dma_start3A_1108 : memref<1x4096xf32, #tpu.memory_space<hbm>> -> memref<4096xf32, #tpu.memory_space<hbm>>
    %dma_start3A_1110 = arith.constant 4096 : i32
    %dma_start3A_1111 = tpu.memref_slice %arg14[%dma_start3A_1110] : memref<8192xf32, #tpu.memory_space<vmem>> -> memref<4096xf32, #tpu.memory_space<vmem>>
    %dma_start3A_1112 = arith.constant 0 : i32
    %dma_start3A_1113 = tpu.memref_slice %arg5[%add3A_1096, %dma_start3A_1112] : memref<26x4096xf32, #tpu.memory_space<hbm>> -> memref<1x4096xf32, #tpu.memory_space<hbm>>
    %dma_start3A_1114 = tpu.memref_squeeze %dma_start3A_1113 : memref<1x4096xf32, #tpu.memory_space<hbm>> -> memref<4096xf32, #tpu.memory_space<hbm>>
    tpu.enqueue_dma source(%dma_start3A_1114 : memref<4096xf32, #tpu.memory_space<hbm>>) target(%dma_start3A_1111 : memref<4096xf32, #tpu.memory_space<vmem>>) target_semaphore(%arg20 : memref<!tpu.dma_semaphore, #tpu.memory_space<semaphore_mem>>)
    %scan3A_1115 = arith.constant 0 : i32
    %scan3A_1116 = arith.constant 0 : i32
    %scan3A_1117 = arith.constant 256 : i32
    %scan3A_1118 = arith.addi %scan3A_1116, %scan3A_1117 : i32
    %scan3A_1119 = arith.constant 2 : i32
    %scan3A_1120 = scf.for %scan3A_1719 = %scan3A_1116 to %scan3A_1118 step %scan3A_1119 iter_args(%scan3A_1720 = %scan3A_1115) -> (i32)  : i32 {
      %mul3A_1721 = arith.constant 16 : i32
      %mul3A_1722 = arith.muli %scan3A_1719, %mul3A_1721 : i32
      %add3A_1723 = arith.constant 0 : i32
      %add3A_1724 = arith.addi %add3A_1723, %mul3A_1722 : i32
      %mul3A_1725 = arith.constant 16 : i32
      %mul3A_1726 = arith.muli %scan3A_1719, %mul3A_1725 : i32
      %get3A = arith.index_cast %add3A_1724 : i32 to index
      %get3A_1727 = tpu.vector_load %arg13[%get3A] {strides = array<i32>} : memref<8192xi32, #tpu.memory_space<vmem>>, vector<16xi32>,
      %min3A_1728 = arith.constant 50048 : i32
      %min3A_1729 = vector.broadcast %min3A_1728 : i32 to vector<16xi32>
      %min3A_1730 = arith.minsi %get3A_1727, %min3A_1729 : vector<16xi32>
      %gather3A = tpu.vector_load_idx %arg11[%min3A_1730] : memref<50064xf32, #tpu.memory_space<vmem>>[vector<16xi32>], vector<16xf32>,
      %get3A_1731 = arith.index_cast %add3A_1724 : i32 to index
      %get3A_1732 = tpu.vector_load %arg14[%get3A_1731] {strides = array<i32>} : memref<8192xf32, #tpu.memory_space<vmem>>, vector<16xf32>,
      %mul3A_1733 = arith.mulf %gather3A, %get3A_1732 : vector<16xf32>
      %swap3A_1734 = arith.index_cast %mul3A_1726 : i32 to index
      %swap3A_1735 = tpu.vector_load %arg15[%swap3A_1734] {strides = array<i32>} : memref<4096xf32, #tpu.memory_space<vmem>>, vector<16xf32>,
      tpu.vector_store %arg15[%swap3A_1734], %mul3A_1733 {add = true, strides = array<i32>} : memref<4096xf32, #tpu.memory_space<vmem>>, vector<16xf32>,
      %mul3A_1736 = arith.mulf %mul3A_1733, %mul3A_1733 : vector<16xf32>
      %swap3A_1737 = arith.index_cast %mul3A_1726 : i32 to index
      %swap3A_1738 = tpu.vector_load %arg16[%swap3A_1737] {strides = array<i32>} : memref<4096xf32, #tpu.memory_space<vmem>>, vector<16xf32>,
      tpu.vector_store %arg16[%swap3A_1737], %mul3A_1736 {add = true, strides = array<i32>} : memref<4096xf32, #tpu.memory_space<vmem>>, vector<16xf32>,
      %scan3A_1739 = arith.constant 0 : i32
      %scan3A_1740 = arith.constant 1 : i32
      %scan3A_1741 = arith.addi %scan3A_1719, %scan3A_1740 : i32
      %mul3A_1742 = arith.constant 16 : i32
      %mul3A_1743 = arith.muli %scan3A_1741, %mul3A_1742 : i32
      %add3A_1744 = arith.constant 0 : i32
      %add3A_1745 = arith.addi %add3A_1744, %mul3A_1743 : i32
      %mul3A_1746 = arith.constant 16 : i32
      %mul3A_1747 = arith.muli %scan3A_1741, %mul3A_1746 : i32
      %get3A_1748 = arith.index_cast %add3A_1745 : i32 to index
      %get3A_1749 = tpu.vector_load %arg13[%get3A_1748] {strides = array<i32>} : memref<8192xi32, #tpu.memory_space<vmem>>, vector<16xi32>,
      %min3A_1750 = arith.constant 50048 : i32
      %min3A_1751 = vector.broadcast %min3A_1750 : i32 to vector<16xi32>
      %min3A_1752 = arith.minsi %get3A_1749, %min3A_1751 : vector<16xi32>
      %gather3A_1753 = tpu.vector_load_idx %arg11[%min3A_1752] : memref<50064xf32, #tpu.memory_space<vmem>>[vector<16xi32>], vector<16xf32>,
      %get3A_1754 = arith.index_cast %add3A_1745 : i32 to index
      %get3A_1755 = tpu.vector_load %arg14[%get3A_1754] {strides = array<i32>} : memref<8192xf32, #tpu.memory_space<vmem>>, vector<16xf32>,
      %mul3A_1756 = arith.mulf %gather3A_1753, %get3A_1755 : vector<16xf32>
      %swap3A_1757 = arith.index_cast %mul3A_1747 : i32 to index
      %swap3A_1758 = tpu.vector_load %arg15[%swap3A_1757] {strides = array<i32>} : memref<4096xf32, #tpu.memory_space<vmem>>, vector<16xf32>,
      tpu.vector_store %arg15[%swap3A_1757], %mul3A_1756 {add = true, strides = array<i32>} : memref<4096xf32, #tpu.memory_space<vmem>>, vector<16xf32>,
      %mul3A_1759 = arith.mulf %mul3A_1756, %mul3A_1756 : vector<16xf32>
      %swap3A_1760 = arith.index_cast %mul3A_1747 : i32 to index
      %swap3A_1761 = tpu.vector_load %arg16[%swap3A_1760] {strides = array<i32>} : memref<4096xf32, #tpu.memory_space<vmem>>, vector<16xf32>,
      tpu.vector_store %arg16[%swap3A_1760], %mul3A_1759 {add = true, strides = array<i32>} : memref<4096xf32, #tpu.memory_space<vmem>>, vector<16xf32>,
      %scan3A_1762 = arith.constant 0 : i32
      scf.yield %scan3A_1762 : i32
    }
    %scan3A_1121 = arith.constant 256 : i32
    %mul3A_1122 = arith.constant 13 : i32
    %mul3A_1123 = arith.muli %select_n3A_30, %mul3A_1122 : i32
    %add3A_1124 = arith.constant 9 : i32
    %add3A_1125 = arith.addi %mul3A_1123, %add3A_1124 : i32
    %dma_start3A_1126 = arith.constant 0 : i32
    %dma_start3A_1127 = tpu.memref_slice %arg11[%dma_start3A_1126] : memref<50064xf32, #tpu.memory_space<vmem>> -> memref<50048xf32, #tpu.memory_space<vmem>>
    %dma_start3A_1128 = arith.constant 0 : i32
    %dma_start3A_1129 = tpu.memref_slice %arg2[%add3A_1125, %select_n3A_9, %dma_start3A_1128] : memref<26x16x100000xf32, #tpu.memory_space<hbm>> -> memref<1x1x50048xf32, #tpu.memory_space<hbm>>
    %dma_start3A_1130 = tpu.memref_squeeze %dma_start3A_1129 : memref<1x1x50048xf32, #tpu.memory_space<hbm>> -> memref<50048xf32, #tpu.memory_space<hbm>>
    %dma_start3A_1131 = arith.constant 0 : i32
    %dma_start3A_1132 = tpu.memref_slice %arg11[%dma_start3A_1131] : memref<50064xf32, #tpu.memory_space<vmem>> -> memref<50048xf32, #tpu.memory_space<vmem>>
    %dma_start3A_1133 = arith.constant 0 : i32
    %dma_start3A_1134 = tpu.memref_slice %arg2[%add3A_1125, %select_n3A_9, %dma_start3A_1133] : memref<26x16x100000xf32, #tpu.memory_space<hbm>> -> memref<1x1x50048xf32, #tpu.memory_space<hbm>>
    %dma_start3A_1135 = tpu.memref_squeeze %dma_start3A_1134 : memref<1x1x50048xf32, #tpu.memory_space<hbm>> -> memref<50048xf32, #tpu.memory_space<hbm>>
    tpu.enqueue_dma source(%dma_start3A_1135 : memref<50048xf32, #tpu.memory_space<hbm>>) target(%dma_start3A_1132 : memref<50048xf32, #tpu.memory_space<vmem>>) target_semaphore(%arg18 : memref<!tpu.dma_semaphore, #tpu.memory_space<semaphore_mem>>)
    %dma_wait3A_1136 = arith.constant 128 : i32
    %dma_wait3A_1137 = tpu.memref_slice %arg12[%dma_wait3A_1136] : memref<50176xf32, #tpu.memory_space<vmem>> -> memref<49920xf32, #tpu.memory_space<vmem>>
    %dma_wait3A_1138 = arith.constant 50048 : i32
    %dma_wait3A_1139 = tpu.memref_slice %arg2[%add3A_1062, %select_n3A_9, %dma_wait3A_1138] : memref<26x16x100000xf32, #tpu.memory_space<hbm>> -> memref<1x1x49920xf32, #tpu.memory_space<hbm>>
    %dma_wait3A_1140 = tpu.memref_squeeze %dma_wait3A_1139 : memref<1x1x49920xf32, #tpu.memory_space<hbm>> -> memref<49920xf32, #tpu.memory_space<hbm>>
    %dma_wait3A_1141 = arith.constant 128 : i32
    %dma_wait3A_1142 = tpu.memref_slice %arg12[%dma_wait3A_1141] : memref<50176xf32, #tpu.memory_space<vmem>> -> memref<49920xf32, #tpu.memory_space<vmem>>
    %dma_wait3A_1143 = arith.constant 50048 : i32
    %dma_wait3A_1144 = tpu.memref_slice %arg2[%add3A_1062, %select_n3A_9, %dma_wait3A_1143] : memref<26x16x100000xf32, #tpu.memory_space<hbm>> -> memref<1x1x49920xf32, #tpu.memory_space<hbm>>
    %dma_wait3A_1145 = tpu.memref_squeeze %dma_wait3A_1144 : memref<1x1x49920xf32, #tpu.memory_space<hbm>> -> memref<49920xf32, #tpu.memory_space<hbm>>
    tpu.wait_dma2 semaphore(%arg19 : memref<!tpu.dma_semaphore, #tpu.memory_space<semaphore_mem>>) src(%dma_wait3A_1145 : memref<49920xf32, #tpu.memory_space<hbm>>) dst(%dma_wait3A_1142 : memref<49920xf32, #tpu.memory_space<vmem>>)
    %dma_wait3A_1146 = arith.constant 50048 : i32
    %dma_wait3A_1147 = tpu.memref_slice %arg12[%dma_wait3A_1146] : memref<50176xf32, #tpu.memory_space<vmem>> -> memref<128xf32, #tpu.memory_space<vmem>>
    %dma_wait3A_1148 = arith.constant 0 : i32
    %dma_wait3A_1149 = tpu.memref_slice %arg6[%add3A_1062, %select_n3A_9, %dma_wait3A_1148] : memref<26x16x128xf32, #tpu.memory_space<hbm>> -> memref<1x1x128xf32, #tpu.memory_space<hbm>>
    %dma_wait3A_1150 = tpu.memref_squeeze %dma_wait3A_1149 : memref<1x1x128xf32, #tpu.memory_space<hbm>> -> memref<128xf32, #tpu.memory_space<hbm>>
    %dma_wait3A_1151 = arith.constant 50048 : i32
    %dma_wait3A_1152 = tpu.memref_slice %arg12[%dma_wait3A_1151] : memref<50176xf32, #tpu.memory_space<vmem>> -> memref<128xf32, #tpu.memory_space<vmem>>
    %dma_wait3A_1153 = arith.constant 0 : i32
    %dma_wait3A_1154 = tpu.memref_slice %arg6[%add3A_1062, %select_n3A_9, %dma_wait3A_1153] : memref<26x16x128xf32, #tpu.memory_space<hbm>> -> memref<1x1x128xf32, #tpu.memory_space<hbm>>
    %dma_wait3A_1155 = tpu.memref_squeeze %dma_wait3A_1154 : memref<1x1x128xf32, #tpu.memory_space<hbm>> -> memref<128xf32, #tpu.memory_space<hbm>>
    tpu.wait_dma2 semaphore(%arg19 : memref<!tpu.dma_semaphore, #tpu.memory_space<semaphore_mem>>) src(%dma_wait3A_1155 : memref<128xf32, #tpu.memory_space<hbm>>) dst(%dma_wait3A_1152 : memref<128xf32, #tpu.memory_space<vmem>>)
    %scan3A_1156 = arith.constant 0 : i32
    %scan3A_1157 = arith.constant 0 : i32
    %scan3A_1158 = arith.constant 256 : i32
    %scan3A_1159 = arith.addi %scan3A_1157, %scan3A_1158 : i32
    %scan3A_1160 = arith.constant 2 : i32
    %scan3A_1161 = scf.for %scan3A_1719 = %scan3A_1157 to %scan3A_1159 step %scan3A_1160 iter_args(%scan3A_1720 = %scan3A_1156) -> (i32)  : i32 {
      %mul3A_1721 = arith.constant 16 : i32
      %mul3A_1722 = arith.muli %scan3A_1719, %mul3A_1721 : i32
      %add3A_1723 = arith.constant 0 : i32
      %add3A_1724 = arith.addi %add3A_1723, %mul3A_1722 : i32
      %mul3A_1725 = arith.constant 16 : i32
      %mul3A_1726 = arith.muli %scan3A_1719, %mul3A_1725 : i32
      %get3A = arith.index_cast %add3A_1724 : i32 to index
      %get3A_1727 = tpu.vector_load %arg13[%get3A] {strides = array<i32>} : memref<8192xi32, #tpu.memory_space<vmem>>, vector<16xi32>,
      %sub3A_1728 = arith.constant 49920 : i32
      %sub3A_1729 = vector.broadcast %sub3A_1728 : i32 to vector<16xi32>
      %sub3A_1730 = arith.subi %get3A_1727, %sub3A_1729 : vector<16xi32>
      %max3A = arith.constant 0 : i32
      %max3A_1731 = vector.broadcast %max3A : i32 to vector<16xi32>
      %max3A_1732 = arith.maxsi %sub3A_1730, %max3A_1731 : vector<16xi32>
      %add3A_1733 = arith.constant 96 : i32
      %add3A_1734 = vector.broadcast %add3A_1733 : i32 to vector<16xi32>
      %add3A_1735 = arith.addi %sub3A_1730, %add3A_1734 : vector<16xi32>
      %ge3A = arith.constant 50048 : i32
      %ge3A_1736 = vector.broadcast %ge3A : i32 to vector<16xi32>
      %ge3A_1737 = arith.cmpi sge, %sub3A_1730, %ge3A_1736 : vector<16xi32>
      %select_n3A_1738 = arith.select %ge3A_1737, %add3A_1735, %max3A_1732 : vector<16xi1>, vector<16xi32>
      %gather3A = tpu.vector_load_idx %arg12[%select_n3A_1738] : memref<50176xf32, #tpu.memory_space<vmem>>[vector<16xi32>], vector<16xf32>,
      %get3A_1739 = arith.index_cast %add3A_1724 : i32 to index
      %get3A_1740 = tpu.vector_load %arg14[%get3A_1739] {strides = array<i32>} : memref<8192xf32, #tpu.memory_space<vmem>>, vector<16xf32>,
      %mul3A_1741 = arith.mulf %gather3A, %get3A_1740 : vector<16xf32>
      %swap3A_1742 = arith.index_cast %mul3A_1726 : i32 to index
      %swap3A_1743 = tpu.vector_load %arg15[%swap3A_1742] {strides = array<i32>} : memref<4096xf32, #tpu.memory_space<vmem>>, vector<16xf32>,
      tpu.vector_store %arg15[%swap3A_1742], %mul3A_1741 {add = true, strides = array<i32>} : memref<4096xf32, #tpu.memory_space<vmem>>, vector<16xf32>,
      %mul3A_1744 = arith.mulf %mul3A_1741, %mul3A_1741 : vector<16xf32>
      %swap3A_1745 = arith.index_cast %mul3A_1726 : i32 to index
      %swap3A_1746 = tpu.vector_load %arg16[%swap3A_1745] {strides = array<i32>} : memref<4096xf32, #tpu.memory_space<vmem>>, vector<16xf32>,
      tpu.vector_store %arg16[%swap3A_1745], %mul3A_1744 {add = true, strides = array<i32>} : memref<4096xf32, #tpu.memory_space<vmem>>, vector<16xf32>,
      %scan3A_1747 = arith.constant 0 : i32
      %scan3A_1748 = arith.constant 1 : i32
      %scan3A_1749 = arith.addi %scan3A_1719, %scan3A_1748 : i32
      %mul3A_1750 = arith.constant 16 : i32
      %mul3A_1751 = arith.muli %scan3A_1749, %mul3A_1750 : i32
      %add3A_1752 = arith.constant 0 : i32
      %add3A_1753 = arith.addi %add3A_1752, %mul3A_1751 : i32
      %mul3A_1754 = arith.constant 16 : i32
      %mul3A_1755 = arith.muli %scan3A_1749, %mul3A_1754 : i32
      %get3A_1756 = arith.index_cast %add3A_1753 : i32 to index
      %get3A_1757 = tpu.vector_load %arg13[%get3A_1756] {strides = array<i32>} : memref<8192xi32, #tpu.memory_space<vmem>>, vector<16xi32>,
      %sub3A_1758 = arith.constant 49920 : i32
      %sub3A_1759 = vector.broadcast %sub3A_1758 : i32 to vector<16xi32>
      %sub3A_1760 = arith.subi %get3A_1757, %sub3A_1759 : vector<16xi32>
      %max3A_1761 = arith.constant 0 : i32
      %max3A_1762 = vector.broadcast %max3A_1761 : i32 to vector<16xi32>
      %max3A_1763 = arith.maxsi %sub3A_1760, %max3A_1762 : vector<16xi32>
      %add3A_1764 = arith.constant 96 : i32
      %add3A_1765 = vector.broadcast %add3A_1764 : i32 to vector<16xi32>
      %add3A_1766 = arith.addi %sub3A_1760, %add3A_1765 : vector<16xi32>
      %ge3A_1767 = arith.constant 50048 : i32
      %ge3A_1768 = vector.broadcast %ge3A_1767 : i32 to vector<16xi32>
      %ge3A_1769 = arith.cmpi sge, %sub3A_1760, %ge3A_1768 : vector<16xi32>
      %select_n3A_1770 = arith.select %ge3A_1769, %add3A_1766, %max3A_1763 : vector<16xi1>, vector<16xi32>
      %gather3A_1771 = tpu.vector_load_idx %arg12[%select_n3A_1770] : memref<50176xf32, #tpu.memory_space<vmem>>[vector<16xi32>], vector<16xf32>,
      %get3A_1772 = arith.index_cast %add3A_1753 : i32 to index
      %get3A_1773 = tpu.vector_load %arg14[%get3A_1772] {strides = array<i32>} : memref<8192xf32, #tpu.memory_space<vmem>>, vector<16xf32>,
      %mul3A_1774 = arith.mulf %gather3A_1771, %get3A_1773 : vector<16xf32>
      %swap3A_1775 = arith.index_cast %mul3A_1755 : i32 to index
      %swap3A_1776 = tpu.vector_load %arg15[%swap3A_1775] {strides = array<i32>} : memref<4096xf32, #tpu.memory_space<vmem>>, vector<16xf32>,
      tpu.vector_store %arg15[%swap3A_1775], %mul3A_1774 {add = true, strides = array<i32>} : memref<4096xf32, #tpu.memory_space<vmem>>, vector<16xf32>,
      %mul3A_1777 = arith.mulf %mul3A_1774, %mul3A_1774 : vector<16xf32>
      %swap3A_1778 = arith.index_cast %mul3A_1755 : i32 to index
      %swap3A_1779 = tpu.vector_load %arg16[%swap3A_1778] {strides = array<i32>} : memref<4096xf32, #tpu.memory_space<vmem>>, vector<16xf32>,
      tpu.vector_store %arg16[%swap3A_1778], %mul3A_1777 {add = true, strides = array<i32>} : memref<4096xf32, #tpu.memory_space<vmem>>, vector<16xf32>,
      %scan3A_1780 = arith.constant 0 : i32
      scf.yield %scan3A_1780 : i32
    }
    %scan3A_1162 = arith.constant 256 : i32
    %dma_wait3A_1163 = arith.constant 4096 : i32
    %dma_wait3A_1164 = tpu.memref_slice %arg13[%dma_wait3A_1163] : memref<8192xi32, #tpu.memory_space<vmem>> -> memref<4096xi32, #tpu.memory_space<vmem>>
    %dma_wait3A_1165 = tpu.memref_slice %arg4[%mul3A_1098] : memref<106496xi32, #tpu.memory_space<hbm>> -> memref<4096xi32, #tpu.memory_space<hbm>>
    %dma_wait3A_1166 = arith.constant 4096 : i32
    %dma_wait3A_1167 = tpu.memref_slice %arg13[%dma_wait3A_1166] : memref<8192xi32, #tpu.memory_space<vmem>> -> memref<4096xi32, #tpu.memory_space<vmem>>
    %dma_wait3A_1168 = tpu.memref_slice %arg4[%mul3A_1098] : memref<106496xi32, #tpu.memory_space<hbm>> -> memref<4096xi32, #tpu.memory_space<hbm>>
    tpu.wait_dma2 semaphore(%arg20 : memref<!tpu.dma_semaphore, #tpu.memory_space<semaphore_mem>>) src(%dma_wait3A_1168 : memref<4096xi32, #tpu.memory_space<hbm>>) dst(%dma_wait3A_1167 : memref<4096xi32, #tpu.memory_space<vmem>>)
    %dma_wait3A_1169 = arith.constant 4096 : i32
    %dma_wait3A_1170 = tpu.memref_slice %arg14[%dma_wait3A_1169] : memref<8192xf32, #tpu.memory_space<vmem>> -> memref<4096xf32, #tpu.memory_space<vmem>>
    %dma_wait3A_1171 = arith.constant 0 : i32
    %dma_wait3A_1172 = tpu.memref_slice %arg5[%add3A_1096, %dma_wait3A_1171] : memref<26x4096xf32, #tpu.memory_space<hbm>> -> memref<1x4096xf32, #tpu.memory_space<hbm>>
    %dma_wait3A_1173 = tpu.memref_squeeze %dma_wait3A_1172 : memref<1x4096xf32, #tpu.memory_space<hbm>> -> memref<4096xf32, #tpu.memory_space<hbm>>
    %dma_wait3A_1174 = arith.constant 4096 : i32
    %dma_wait3A_1175 = tpu.memref_slice %arg14[%dma_wait3A_1174] : memref<8192xf32, #tpu.memory_space<vmem>> -> memref<4096xf32, #tpu.memory_space<vmem>>
    %dma_wait3A_1176 = arith.constant 0 : i32
    %dma_wait3A_1177 = tpu.memref_slice %arg5[%add3A_1096, %dma_wait3A_1176] : memref<26x4096xf32, #tpu.memory_space<hbm>> -> memref<1x4096xf32, #tpu.memory_space<hbm>>
    %dma_wait3A_1178 = tpu.memref_squeeze %dma_wait3A_1177 : memref<1x4096xf32, #tpu.memory_space<hbm>> -> memref<4096xf32, #tpu.memory_space<hbm>>
    tpu.wait_dma2 semaphore(%arg20 : memref<!tpu.dma_semaphore, #tpu.memory_space<semaphore_mem>>) src(%dma_wait3A_1178 : memref<4096xf32, #tpu.memory_space<hbm>>) dst(%dma_wait3A_1175 : memref<4096xf32, #tpu.memory_space<vmem>>)
    %mul3A_1179 = arith.constant 13 : i32
    %mul3A_1180 = arith.muli %select_n3A_30, %mul3A_1179 : i32
    %add3A_1181 = arith.constant 9 : i32
    %add3A_1182 = arith.addi %mul3A_1180, %add3A_1181 : i32
    %dma_start3A_1183 = arith.constant 128 : i32
    %dma_start3A_1184 = tpu.memref_slice %arg12[%dma_start3A_1183] : memref<50176xf32, #tpu.memory_space<vmem>> -> memref<49920xf32, #tpu.memory_space<vmem>>
    %dma_start3A_1185 = arith.constant 50048 : i32
    %dma_start3A_1186 = tpu.memref_slice %arg2[%add3A_1182, %select_n3A_9, %dma_start3A_1185] : memref<26x16x100000xf32, #tpu.memory_space<hbm>> -> memref<1x1x49920xf32, #tpu.memory_space<hbm>>
    %dma_start3A_1187 = tpu.memref_squeeze %dma_start3A_1186 : memref<1x1x49920xf32, #tpu.memory_space<hbm>> -> memref<49920xf32, #tpu.memory_space<hbm>>
    %dma_start3A_1188 = arith.constant 128 : i32
    %dma_start3A_1189 = tpu.memref_slice %arg12[%dma_start3A_1188] : memref<50176xf32, #tpu.memory_space<vmem>> -> memref<49920xf32, #tpu.memory_space<vmem>>
    %dma_start3A_1190 = arith.constant 50048 : i32
    %dma_start3A_1191 = tpu.memref_slice %arg2[%add3A_1182, %select_n3A_9, %dma_start3A_1190] : memref<26x16x100000xf32, #tpu.memory_space<hbm>> -> memref<1x1x49920xf32, #tpu.memory_space<hbm>>
    %dma_start3A_1192 = tpu.memref_squeeze %dma_start3A_1191 : memref<1x1x49920xf32, #tpu.memory_space<hbm>> -> memref<49920xf32, #tpu.memory_space<hbm>>
    tpu.enqueue_dma source(%dma_start3A_1192 : memref<49920xf32, #tpu.memory_space<hbm>>) target(%dma_start3A_1189 : memref<49920xf32, #tpu.memory_space<vmem>>) target_semaphore(%arg19 : memref<!tpu.dma_semaphore, #tpu.memory_space<semaphore_mem>>)
    %dma_start3A_1193 = arith.constant 50048 : i32
    %dma_start3A_1194 = tpu.memref_slice %arg12[%dma_start3A_1193] : memref<50176xf32, #tpu.memory_space<vmem>> -> memref<128xf32, #tpu.memory_space<vmem>>
    %dma_start3A_1195 = arith.constant 0 : i32
    %dma_start3A_1196 = tpu.memref_slice %arg6[%add3A_1182, %select_n3A_9, %dma_start3A_1195] : memref<26x16x128xf32, #tpu.memory_space<hbm>> -> memref<1x1x128xf32, #tpu.memory_space<hbm>>
    %dma_start3A_1197 = tpu.memref_squeeze %dma_start3A_1196 : memref<1x1x128xf32, #tpu.memory_space<hbm>> -> memref<128xf32, #tpu.memory_space<hbm>>
    %dma_start3A_1198 = arith.constant 50048 : i32
    %dma_start3A_1199 = tpu.memref_slice %arg12[%dma_start3A_1198] : memref<50176xf32, #tpu.memory_space<vmem>> -> memref<128xf32, #tpu.memory_space<vmem>>
    %dma_start3A_1200 = arith.constant 0 : i32
    %dma_start3A_1201 = tpu.memref_slice %arg6[%add3A_1182, %select_n3A_9, %dma_start3A_1200] : memref<26x16x128xf32, #tpu.memory_space<hbm>> -> memref<1x1x128xf32, #tpu.memory_space<hbm>>
    %dma_start3A_1202 = tpu.memref_squeeze %dma_start3A_1201 : memref<1x1x128xf32, #tpu.memory_space<hbm>> -> memref<128xf32, #tpu.memory_space<hbm>>
    tpu.enqueue_dma source(%dma_start3A_1202 : memref<128xf32, #tpu.memory_space<hbm>>) target(%dma_start3A_1199 : memref<128xf32, #tpu.memory_space<vmem>>) target_semaphore(%arg19 : memref<!tpu.dma_semaphore, #tpu.memory_space<semaphore_mem>>)
    %dma_wait3A_1203 = arith.constant 0 : i32
    %dma_wait3A_1204 = tpu.memref_slice %arg11[%dma_wait3A_1203] : memref<50064xf32, #tpu.memory_space<vmem>> -> memref<50048xf32, #tpu.memory_space<vmem>>
    %dma_wait3A_1205 = arith.constant 0 : i32
    %dma_wait3A_1206 = tpu.memref_slice %arg2[%add3A_1125, %select_n3A_9, %dma_wait3A_1205] : memref<26x16x100000xf32, #tpu.memory_space<hbm>> -> memref<1x1x50048xf32, #tpu.memory_space<hbm>>
    %dma_wait3A_1207 = tpu.memref_squeeze %dma_wait3A_1206 : memref<1x1x50048xf32, #tpu.memory_space<hbm>> -> memref<50048xf32, #tpu.memory_space<hbm>>
    %dma_wait3A_1208 = arith.constant 0 : i32
    %dma_wait3A_1209 = tpu.memref_slice %arg11[%dma_wait3A_1208] : memref<50064xf32, #tpu.memory_space<vmem>> -> memref<50048xf32, #tpu.memory_space<vmem>>
    %dma_wait3A_1210 = arith.constant 0 : i32
    %dma_wait3A_1211 = tpu.memref_slice %arg2[%add3A_1125, %select_n3A_9, %dma_wait3A_1210] : memref<26x16x100000xf32, #tpu.memory_space<hbm>> -> memref<1x1x50048xf32, #tpu.memory_space<hbm>>
    %dma_wait3A_1212 = tpu.memref_squeeze %dma_wait3A_1211 : memref<1x1x50048xf32, #tpu.memory_space<hbm>> -> memref<50048xf32, #tpu.memory_space<hbm>>
    tpu.wait_dma2 semaphore(%arg18 : memref<!tpu.dma_semaphore, #tpu.memory_space<semaphore_mem>>) src(%dma_wait3A_1212 : memref<50048xf32, #tpu.memory_space<hbm>>) dst(%dma_wait3A_1209 : memref<50048xf32, #tpu.memory_space<vmem>>)
    %mul3A_1213 = arith.constant 13 : i32
    %mul3A_1214 = arith.muli %select_n3A_30, %mul3A_1213 : i32
    %add3A_1215 = arith.constant 10 : i32
    %add3A_1216 = arith.addi %mul3A_1214, %add3A_1215 : i32
    %mul3A_1217 = arith.constant 4096 : i32
    %mul3A_1218 = arith.muli %add3A_1216, %mul3A_1217 : i32
    %dma_start3A_1219 = arith.constant 0 : i32
    %dma_start3A_1220 = tpu.memref_slice %arg13[%dma_start3A_1219] : memref<8192xi32, #tpu.memory_space<vmem>> -> memref<4096xi32, #tpu.memory_space<vmem>>
    %dma_start3A_1221 = tpu.memref_slice %arg4[%mul3A_1218] : memref<106496xi32, #tpu.memory_space<hbm>> -> memref<4096xi32, #tpu.memory_space<hbm>>
    %dma_start3A_1222 = arith.constant 0 : i32
    %dma_start3A_1223 = tpu.memref_slice %arg13[%dma_start3A_1222] : memref<8192xi32, #tpu.memory_space<vmem>> -> memref<4096xi32, #tpu.memory_space<vmem>>
    %dma_start3A_1224 = tpu.memref_slice %arg4[%mul3A_1218] : memref<106496xi32, #tpu.memory_space<hbm>> -> memref<4096xi32, #tpu.memory_space<hbm>>
    tpu.enqueue_dma source(%dma_start3A_1224 : memref<4096xi32, #tpu.memory_space<hbm>>) target(%dma_start3A_1223 : memref<4096xi32, #tpu.memory_space<vmem>>) target_semaphore(%arg20 : memref<!tpu.dma_semaphore, #tpu.memory_space<semaphore_mem>>)
    %dma_start3A_1225 = arith.constant 0 : i32
    %dma_start3A_1226 = tpu.memref_slice %arg14[%dma_start3A_1225] : memref<8192xf32, #tpu.memory_space<vmem>> -> memref<4096xf32, #tpu.memory_space<vmem>>
    %dma_start3A_1227 = arith.constant 0 : i32
    %dma_start3A_1228 = tpu.memref_slice %arg5[%add3A_1216, %dma_start3A_1227] : memref<26x4096xf32, #tpu.memory_space<hbm>> -> memref<1x4096xf32, #tpu.memory_space<hbm>>
    %dma_start3A_1229 = tpu.memref_squeeze %dma_start3A_1228 : memref<1x4096xf32, #tpu.memory_space<hbm>> -> memref<4096xf32, #tpu.memory_space<hbm>>
    %dma_start3A_1230 = arith.constant 0 : i32
    %dma_start3A_1231 = tpu.memref_slice %arg14[%dma_start3A_1230] : memref<8192xf32, #tpu.memory_space<vmem>> -> memref<4096xf32, #tpu.memory_space<vmem>>
    %dma_start3A_1232 = arith.constant 0 : i32
    %dma_start3A_1233 = tpu.memref_slice %arg5[%add3A_1216, %dma_start3A_1232] : memref<26x4096xf32, #tpu.memory_space<hbm>> -> memref<1x4096xf32, #tpu.memory_space<hbm>>
    %dma_start3A_1234 = tpu.memref_squeeze %dma_start3A_1233 : memref<1x4096xf32, #tpu.memory_space<hbm>> -> memref<4096xf32, #tpu.memory_space<hbm>>
    tpu.enqueue_dma source(%dma_start3A_1234 : memref<4096xf32, #tpu.memory_space<hbm>>) target(%dma_start3A_1231 : memref<4096xf32, #tpu.memory_space<vmem>>) target_semaphore(%arg20 : memref<!tpu.dma_semaphore, #tpu.memory_space<semaphore_mem>>)
    %scan3A_1235 = arith.constant 0 : i32
    %scan3A_1236 = arith.constant 0 : i32
    %scan3A_1237 = arith.constant 256 : i32
    %scan3A_1238 = arith.addi %scan3A_1236, %scan3A_1237 : i32
    %scan3A_1239 = arith.constant 2 : i32
    %scan3A_1240 = scf.for %scan3A_1719 = %scan3A_1236 to %scan3A_1238 step %scan3A_1239 iter_args(%scan3A_1720 = %scan3A_1235) -> (i32)  : i32 {
      %mul3A_1721 = arith.constant 16 : i32
      %mul3A_1722 = arith.muli %scan3A_1719, %mul3A_1721 : i32
      %add3A_1723 = arith.constant 4096 : i32
      %add3A_1724 = arith.addi %add3A_1723, %mul3A_1722 : i32
      %mul3A_1725 = arith.constant 16 : i32
      %mul3A_1726 = arith.muli %scan3A_1719, %mul3A_1725 : i32
      %get3A = arith.index_cast %add3A_1724 : i32 to index
      %get3A_1727 = tpu.vector_load %arg13[%get3A] {strides = array<i32>} : memref<8192xi32, #tpu.memory_space<vmem>>, vector<16xi32>,
      %min3A_1728 = arith.constant 50048 : i32
      %min3A_1729 = vector.broadcast %min3A_1728 : i32 to vector<16xi32>
      %min3A_1730 = arith.minsi %get3A_1727, %min3A_1729 : vector<16xi32>
      %gather3A = tpu.vector_load_idx %arg11[%min3A_1730] : memref<50064xf32, #tpu.memory_space<vmem>>[vector<16xi32>], vector<16xf32>,
      %get3A_1731 = arith.index_cast %add3A_1724 : i32 to index
      %get3A_1732 = tpu.vector_load %arg14[%get3A_1731] {strides = array<i32>} : memref<8192xf32, #tpu.memory_space<vmem>>, vector<16xf32>,
      %mul3A_1733 = arith.mulf %gather3A, %get3A_1732 : vector<16xf32>
      %swap3A_1734 = arith.index_cast %mul3A_1726 : i32 to index
      %swap3A_1735 = tpu.vector_load %arg15[%swap3A_1734] {strides = array<i32>} : memref<4096xf32, #tpu.memory_space<vmem>>, vector<16xf32>,
      tpu.vector_store %arg15[%swap3A_1734], %mul3A_1733 {add = true, strides = array<i32>} : memref<4096xf32, #tpu.memory_space<vmem>>, vector<16xf32>,
      %mul3A_1736 = arith.mulf %mul3A_1733, %mul3A_1733 : vector<16xf32>
      %swap3A_1737 = arith.index_cast %mul3A_1726 : i32 to index
      %swap3A_1738 = tpu.vector_load %arg16[%swap3A_1737] {strides = array<i32>} : memref<4096xf32, #tpu.memory_space<vmem>>, vector<16xf32>,
      tpu.vector_store %arg16[%swap3A_1737], %mul3A_1736 {add = true, strides = array<i32>} : memref<4096xf32, #tpu.memory_space<vmem>>, vector<16xf32>,
      %scan3A_1739 = arith.constant 0 : i32
      %scan3A_1740 = arith.constant 1 : i32
      %scan3A_1741 = arith.addi %scan3A_1719, %scan3A_1740 : i32
      %mul3A_1742 = arith.constant 16 : i32
      %mul3A_1743 = arith.muli %scan3A_1741, %mul3A_1742 : i32
      %add3A_1744 = arith.constant 4096 : i32
      %add3A_1745 = arith.addi %add3A_1744, %mul3A_1743 : i32
      %mul3A_1746 = arith.constant 16 : i32
      %mul3A_1747 = arith.muli %scan3A_1741, %mul3A_1746 : i32
      %get3A_1748 = arith.index_cast %add3A_1745 : i32 to index
      %get3A_1749 = tpu.vector_load %arg13[%get3A_1748] {strides = array<i32>} : memref<8192xi32, #tpu.memory_space<vmem>>, vector<16xi32>,
      %min3A_1750 = arith.constant 50048 : i32
      %min3A_1751 = vector.broadcast %min3A_1750 : i32 to vector<16xi32>
      %min3A_1752 = arith.minsi %get3A_1749, %min3A_1751 : vector<16xi32>
      %gather3A_1753 = tpu.vector_load_idx %arg11[%min3A_1752] : memref<50064xf32, #tpu.memory_space<vmem>>[vector<16xi32>], vector<16xf32>,
      %get3A_1754 = arith.index_cast %add3A_1745 : i32 to index
      %get3A_1755 = tpu.vector_load %arg14[%get3A_1754] {strides = array<i32>} : memref<8192xf32, #tpu.memory_space<vmem>>, vector<16xf32>,
      %mul3A_1756 = arith.mulf %gather3A_1753, %get3A_1755 : vector<16xf32>
      %swap3A_1757 = arith.index_cast %mul3A_1747 : i32 to index
      %swap3A_1758 = tpu.vector_load %arg15[%swap3A_1757] {strides = array<i32>} : memref<4096xf32, #tpu.memory_space<vmem>>, vector<16xf32>,
      tpu.vector_store %arg15[%swap3A_1757], %mul3A_1756 {add = true, strides = array<i32>} : memref<4096xf32, #tpu.memory_space<vmem>>, vector<16xf32>,
      %mul3A_1759 = arith.mulf %mul3A_1756, %mul3A_1756 : vector<16xf32>
      %swap3A_1760 = arith.index_cast %mul3A_1747 : i32 to index
      %swap3A_1761 = tpu.vector_load %arg16[%swap3A_1760] {strides = array<i32>} : memref<4096xf32, #tpu.memory_space<vmem>>, vector<16xf32>,
      tpu.vector_store %arg16[%swap3A_1760], %mul3A_1759 {add = true, strides = array<i32>} : memref<4096xf32, #tpu.memory_space<vmem>>, vector<16xf32>,
      %scan3A_1762 = arith.constant 0 : i32
      scf.yield %scan3A_1762 : i32
    }
    %scan3A_1241 = arith.constant 256 : i32
    %mul3A_1242 = arith.constant 13 : i32
    %mul3A_1243 = arith.muli %select_n3A_30, %mul3A_1242 : i32
    %add3A_1244 = arith.constant 10 : i32
    %add3A_1245 = arith.addi %mul3A_1243, %add3A_1244 : i32
    %dma_start3A_1246 = arith.constant 0 : i32
    %dma_start3A_1247 = tpu.memref_slice %arg11[%dma_start3A_1246] : memref<50064xf32, #tpu.memory_space<vmem>> -> memref<50048xf32, #tpu.memory_space<vmem>>
    %dma_start3A_1248 = arith.constant 0 : i32
    %dma_start3A_1249 = tpu.memref_slice %arg2[%add3A_1245, %select_n3A_9, %dma_start3A_1248] : memref<26x16x100000xf32, #tpu.memory_space<hbm>> -> memref<1x1x50048xf32, #tpu.memory_space<hbm>>
    %dma_start3A_1250 = tpu.memref_squeeze %dma_start3A_1249 : memref<1x1x50048xf32, #tpu.memory_space<hbm>> -> memref<50048xf32, #tpu.memory_space<hbm>>
    %dma_start3A_1251 = arith.constant 0 : i32
    %dma_start3A_1252 = tpu.memref_slice %arg11[%dma_start3A_1251] : memref<50064xf32, #tpu.memory_space<vmem>> -> memref<50048xf32, #tpu.memory_space<vmem>>
    %dma_start3A_1253 = arith.constant 0 : i32
    %dma_start3A_1254 = tpu.memref_slice %arg2[%add3A_1245, %select_n3A_9, %dma_start3A_1253] : memref<26x16x100000xf32, #tpu.memory_space<hbm>> -> memref<1x1x50048xf32, #tpu.memory_space<hbm>>
    %dma_start3A_1255 = tpu.memref_squeeze %dma_start3A_1254 : memref<1x1x50048xf32, #tpu.memory_space<hbm>> -> memref<50048xf32, #tpu.memory_space<hbm>>
    tpu.enqueue_dma source(%dma_start3A_1255 : memref<50048xf32, #tpu.memory_space<hbm>>) target(%dma_start3A_1252 : memref<50048xf32, #tpu.memory_space<vmem>>) target_semaphore(%arg18 : memref<!tpu.dma_semaphore, #tpu.memory_space<semaphore_mem>>)
    %dma_wait3A_1256 = arith.constant 128 : i32
    %dma_wait3A_1257 = tpu.memref_slice %arg12[%dma_wait3A_1256] : memref<50176xf32, #tpu.memory_space<vmem>> -> memref<49920xf32, #tpu.memory_space<vmem>>
    %dma_wait3A_1258 = arith.constant 50048 : i32
    %dma_wait3A_1259 = tpu.memref_slice %arg2[%add3A_1182, %select_n3A_9, %dma_wait3A_1258] : memref<26x16x100000xf32, #tpu.memory_space<hbm>> -> memref<1x1x49920xf32, #tpu.memory_space<hbm>>
    %dma_wait3A_1260 = tpu.memref_squeeze %dma_wait3A_1259 : memref<1x1x49920xf32, #tpu.memory_space<hbm>> -> memref<49920xf32, #tpu.memory_space<hbm>>
    %dma_wait3A_1261 = arith.constant 128 : i32
    %dma_wait3A_1262 = tpu.memref_slice %arg12[%dma_wait3A_1261] : memref<50176xf32, #tpu.memory_space<vmem>> -> memref<49920xf32, #tpu.memory_space<vmem>>
    %dma_wait3A_1263 = arith.constant 50048 : i32
    %dma_wait3A_1264 = tpu.memref_slice %arg2[%add3A_1182, %select_n3A_9, %dma_wait3A_1263] : memref<26x16x100000xf32, #tpu.memory_space<hbm>> -> memref<1x1x49920xf32, #tpu.memory_space<hbm>>
    %dma_wait3A_1265 = tpu.memref_squeeze %dma_wait3A_1264 : memref<1x1x49920xf32, #tpu.memory_space<hbm>> -> memref<49920xf32, #tpu.memory_space<hbm>>
    tpu.wait_dma2 semaphore(%arg19 : memref<!tpu.dma_semaphore, #tpu.memory_space<semaphore_mem>>) src(%dma_wait3A_1265 : memref<49920xf32, #tpu.memory_space<hbm>>) dst(%dma_wait3A_1262 : memref<49920xf32, #tpu.memory_space<vmem>>)
    %dma_wait3A_1266 = arith.constant 50048 : i32
    %dma_wait3A_1267 = tpu.memref_slice %arg12[%dma_wait3A_1266] : memref<50176xf32, #tpu.memory_space<vmem>> -> memref<128xf32, #tpu.memory_space<vmem>>
    %dma_wait3A_1268 = arith.constant 0 : i32
    %dma_wait3A_1269 = tpu.memref_slice %arg6[%add3A_1182, %select_n3A_9, %dma_wait3A_1268] : memref<26x16x128xf32, #tpu.memory_space<hbm>> -> memref<1x1x128xf32, #tpu.memory_space<hbm>>
    %dma_wait3A_1270 = tpu.memref_squeeze %dma_wait3A_1269 : memref<1x1x128xf32, #tpu.memory_space<hbm>> -> memref<128xf32, #tpu.memory_space<hbm>>
    %dma_wait3A_1271 = arith.constant 50048 : i32
    %dma_wait3A_1272 = tpu.memref_slice %arg12[%dma_wait3A_1271] : memref<50176xf32, #tpu.memory_space<vmem>> -> memref<128xf32, #tpu.memory_space<vmem>>
    %dma_wait3A_1273 = arith.constant 0 : i32
    %dma_wait3A_1274 = tpu.memref_slice %arg6[%add3A_1182, %select_n3A_9, %dma_wait3A_1273] : memref<26x16x128xf32, #tpu.memory_space<hbm>> -> memref<1x1x128xf32, #tpu.memory_space<hbm>>
    %dma_wait3A_1275 = tpu.memref_squeeze %dma_wait3A_1274 : memref<1x1x128xf32, #tpu.memory_space<hbm>> -> memref<128xf32, #tpu.memory_space<hbm>>
    tpu.wait_dma2 semaphore(%arg19 : memref<!tpu.dma_semaphore, #tpu.memory_space<semaphore_mem>>) src(%dma_wait3A_1275 : memref<128xf32, #tpu.memory_space<hbm>>) dst(%dma_wait3A_1272 : memref<128xf32, #tpu.memory_space<vmem>>)
    %scan3A_1276 = arith.constant 0 : i32
    %scan3A_1277 = arith.constant 0 : i32
    %scan3A_1278 = arith.constant 256 : i32
    %scan3A_1279 = arith.addi %scan3A_1277, %scan3A_1278 : i32
    %scan3A_1280 = arith.constant 2 : i32
    %scan3A_1281 = scf.for %scan3A_1719 = %scan3A_1277 to %scan3A_1279 step %scan3A_1280 iter_args(%scan3A_1720 = %scan3A_1276) -> (i32)  : i32 {
      %mul3A_1721 = arith.constant 16 : i32
      %mul3A_1722 = arith.muli %scan3A_1719, %mul3A_1721 : i32
      %add3A_1723 = arith.constant 4096 : i32
      %add3A_1724 = arith.addi %add3A_1723, %mul3A_1722 : i32
      %mul3A_1725 = arith.constant 16 : i32
      %mul3A_1726 = arith.muli %scan3A_1719, %mul3A_1725 : i32
      %get3A = arith.index_cast %add3A_1724 : i32 to index
      %get3A_1727 = tpu.vector_load %arg13[%get3A] {strides = array<i32>} : memref<8192xi32, #tpu.memory_space<vmem>>, vector<16xi32>,
      %sub3A_1728 = arith.constant 49920 : i32
      %sub3A_1729 = vector.broadcast %sub3A_1728 : i32 to vector<16xi32>
      %sub3A_1730 = arith.subi %get3A_1727, %sub3A_1729 : vector<16xi32>
      %max3A = arith.constant 0 : i32
      %max3A_1731 = vector.broadcast %max3A : i32 to vector<16xi32>
      %max3A_1732 = arith.maxsi %sub3A_1730, %max3A_1731 : vector<16xi32>
      %add3A_1733 = arith.constant 96 : i32
      %add3A_1734 = vector.broadcast %add3A_1733 : i32 to vector<16xi32>
      %add3A_1735 = arith.addi %sub3A_1730, %add3A_1734 : vector<16xi32>
      %ge3A = arith.constant 50048 : i32
      %ge3A_1736 = vector.broadcast %ge3A : i32 to vector<16xi32>
      %ge3A_1737 = arith.cmpi sge, %sub3A_1730, %ge3A_1736 : vector<16xi32>
      %select_n3A_1738 = arith.select %ge3A_1737, %add3A_1735, %max3A_1732 : vector<16xi1>, vector<16xi32>
      %gather3A = tpu.vector_load_idx %arg12[%select_n3A_1738] : memref<50176xf32, #tpu.memory_space<vmem>>[vector<16xi32>], vector<16xf32>,
      %get3A_1739 = arith.index_cast %add3A_1724 : i32 to index
      %get3A_1740 = tpu.vector_load %arg14[%get3A_1739] {strides = array<i32>} : memref<8192xf32, #tpu.memory_space<vmem>>, vector<16xf32>,
      %mul3A_1741 = arith.mulf %gather3A, %get3A_1740 : vector<16xf32>
      %swap3A_1742 = arith.index_cast %mul3A_1726 : i32 to index
      %swap3A_1743 = tpu.vector_load %arg15[%swap3A_1742] {strides = array<i32>} : memref<4096xf32, #tpu.memory_space<vmem>>, vector<16xf32>,
      tpu.vector_store %arg15[%swap3A_1742], %mul3A_1741 {add = true, strides = array<i32>} : memref<4096xf32, #tpu.memory_space<vmem>>, vector<16xf32>,
      %mul3A_1744 = arith.mulf %mul3A_1741, %mul3A_1741 : vector<16xf32>
      %swap3A_1745 = arith.index_cast %mul3A_1726 : i32 to index
      %swap3A_1746 = tpu.vector_load %arg16[%swap3A_1745] {strides = array<i32>} : memref<4096xf32, #tpu.memory_space<vmem>>, vector<16xf32>,
      tpu.vector_store %arg16[%swap3A_1745], %mul3A_1744 {add = true, strides = array<i32>} : memref<4096xf32, #tpu.memory_space<vmem>>, vector<16xf32>,
      %scan3A_1747 = arith.constant 0 : i32
      %scan3A_1748 = arith.constant 1 : i32
      %scan3A_1749 = arith.addi %scan3A_1719, %scan3A_1748 : i32
      %mul3A_1750 = arith.constant 16 : i32
      %mul3A_1751 = arith.muli %scan3A_1749, %mul3A_1750 : i32
      %add3A_1752 = arith.constant 4096 : i32
      %add3A_1753 = arith.addi %add3A_1752, %mul3A_1751 : i32
      %mul3A_1754 = arith.constant 16 : i32
      %mul3A_1755 = arith.muli %scan3A_1749, %mul3A_1754 : i32
      %get3A_1756 = arith.index_cast %add3A_1753 : i32 to index
      %get3A_1757 = tpu.vector_load %arg13[%get3A_1756] {strides = array<i32>} : memref<8192xi32, #tpu.memory_space<vmem>>, vector<16xi32>,
      %sub3A_1758 = arith.constant 49920 : i32
      %sub3A_1759 = vector.broadcast %sub3A_1758 : i32 to vector<16xi32>
      %sub3A_1760 = arith.subi %get3A_1757, %sub3A_1759 : vector<16xi32>
      %max3A_1761 = arith.constant 0 : i32
      %max3A_1762 = vector.broadcast %max3A_1761 : i32 to vector<16xi32>
      %max3A_1763 = arith.maxsi %sub3A_1760, %max3A_1762 : vector<16xi32>
      %add3A_1764 = arith.constant 96 : i32
      %add3A_1765 = vector.broadcast %add3A_1764 : i32 to vector<16xi32>
      %add3A_1766 = arith.addi %sub3A_1760, %add3A_1765 : vector<16xi32>
      %ge3A_1767 = arith.constant 50048 : i32
      %ge3A_1768 = vector.broadcast %ge3A_1767 : i32 to vector<16xi32>
      %ge3A_1769 = arith.cmpi sge, %sub3A_1760, %ge3A_1768 : vector<16xi32>
      %select_n3A_1770 = arith.select %ge3A_1769, %add3A_1766, %max3A_1763 : vector<16xi1>, vector<16xi32>
      %gather3A_1771 = tpu.vector_load_idx %arg12[%select_n3A_1770] : memref<50176xf32, #tpu.memory_space<vmem>>[vector<16xi32>], vector<16xf32>,
      %get3A_1772 = arith.index_cast %add3A_1753 : i32 to index
      %get3A_1773 = tpu.vector_load %arg14[%get3A_1772] {strides = array<i32>} : memref<8192xf32, #tpu.memory_space<vmem>>, vector<16xf32>,
      %mul3A_1774 = arith.mulf %gather3A_1771, %get3A_1773 : vector<16xf32>
      %swap3A_1775 = arith.index_cast %mul3A_1755 : i32 to index
      %swap3A_1776 = tpu.vector_load %arg15[%swap3A_1775] {strides = array<i32>} : memref<4096xf32, #tpu.memory_space<vmem>>, vector<16xf32>,
      tpu.vector_store %arg15[%swap3A_1775], %mul3A_1774 {add = true, strides = array<i32>} : memref<4096xf32, #tpu.memory_space<vmem>>, vector<16xf32>,
      %mul3A_1777 = arith.mulf %mul3A_1774, %mul3A_1774 : vector<16xf32>
      %swap3A_1778 = arith.index_cast %mul3A_1755 : i32 to index
      %swap3A_1779 = tpu.vector_load %arg16[%swap3A_1778] {strides = array<i32>} : memref<4096xf32, #tpu.memory_space<vmem>>, vector<16xf32>,
      tpu.vector_store %arg16[%swap3A_1778], %mul3A_1777 {add = true, strides = array<i32>} : memref<4096xf32, #tpu.memory_space<vmem>>, vector<16xf32>,
      %scan3A_1780 = arith.constant 0 : i32
      scf.yield %scan3A_1780 : i32
    }
    %scan3A_1282 = arith.constant 256 : i32
    %dma_wait3A_1283 = arith.constant 0 : i32
    %dma_wait3A_1284 = tpu.memref_slice %arg13[%dma_wait3A_1283] : memref<8192xi32, #tpu.memory_space<vmem>> -> memref<4096xi32, #tpu.memory_space<vmem>>
    %dma_wait3A_1285 = tpu.memref_slice %arg4[%mul3A_1218] : memref<106496xi32, #tpu.memory_space<hbm>> -> memref<4096xi32, #tpu.memory_space<hbm>>
    %dma_wait3A_1286 = arith.constant 0 : i32
    %dma_wait3A_1287 = tpu.memref_slice %arg13[%dma_wait3A_1286] : memref<8192xi32, #tpu.memory_space<vmem>> -> memref<4096xi32, #tpu.memory_space<vmem>>
    %dma_wait3A_1288 = tpu.memref_slice %arg4[%mul3A_1218] : memref<106496xi32, #tpu.memory_space<hbm>> -> memref<4096xi32, #tpu.memory_space<hbm>>
    tpu.wait_dma2 semaphore(%arg20 : memref<!tpu.dma_semaphore, #tpu.memory_space<semaphore_mem>>) src(%dma_wait3A_1288 : memref<4096xi32, #tpu.memory_space<hbm>>) dst(%dma_wait3A_1287 : memref<4096xi32, #tpu.memory_space<vmem>>)
    %dma_wait3A_1289 = arith.constant 0 : i32
    %dma_wait3A_1290 = tpu.memref_slice %arg14[%dma_wait3A_1289] : memref<8192xf32, #tpu.memory_space<vmem>> -> memref<4096xf32, #tpu.memory_space<vmem>>
    %dma_wait3A_1291 = arith.constant 0 : i32
    %dma_wait3A_1292 = tpu.memref_slice %arg5[%add3A_1216, %dma_wait3A_1291] : memref<26x4096xf32, #tpu.memory_space<hbm>> -> memref<1x4096xf32, #tpu.memory_space<hbm>>
    %dma_wait3A_1293 = tpu.memref_squeeze %dma_wait3A_1292 : memref<1x4096xf32, #tpu.memory_space<hbm>> -> memref<4096xf32, #tpu.memory_space<hbm>>
    %dma_wait3A_1294 = arith.constant 0 : i32
    %dma_wait3A_1295 = tpu.memref_slice %arg14[%dma_wait3A_1294] : memref<8192xf32, #tpu.memory_space<vmem>> -> memref<4096xf32, #tpu.memory_space<vmem>>
    %dma_wait3A_1296 = arith.constant 0 : i32
    %dma_wait3A_1297 = tpu.memref_slice %arg5[%add3A_1216, %dma_wait3A_1296] : memref<26x4096xf32, #tpu.memory_space<hbm>> -> memref<1x4096xf32, #tpu.memory_space<hbm>>
    %dma_wait3A_1298 = tpu.memref_squeeze %dma_wait3A_1297 : memref<1x4096xf32, #tpu.memory_space<hbm>> -> memref<4096xf32, #tpu.memory_space<hbm>>
    tpu.wait_dma2 semaphore(%arg20 : memref<!tpu.dma_semaphore, #tpu.memory_space<semaphore_mem>>) src(%dma_wait3A_1298 : memref<4096xf32, #tpu.memory_space<hbm>>) dst(%dma_wait3A_1295 : memref<4096xf32, #tpu.memory_space<vmem>>)
    %mul3A_1299 = arith.constant 13 : i32
    %mul3A_1300 = arith.muli %select_n3A_30, %mul3A_1299 : i32
    %add3A_1301 = arith.constant 10 : i32
    %add3A_1302 = arith.addi %mul3A_1300, %add3A_1301 : i32
    %dma_start3A_1303 = arith.constant 128 : i32
    %dma_start3A_1304 = tpu.memref_slice %arg12[%dma_start3A_1303] : memref<50176xf32, #tpu.memory_space<vmem>> -> memref<49920xf32, #tpu.memory_space<vmem>>
    %dma_start3A_1305 = arith.constant 50048 : i32
    %dma_start3A_1306 = tpu.memref_slice %arg2[%add3A_1302, %select_n3A_9, %dma_start3A_1305] : memref<26x16x100000xf32, #tpu.memory_space<hbm>> -> memref<1x1x49920xf32, #tpu.memory_space<hbm>>
    %dma_start3A_1307 = tpu.memref_squeeze %dma_start3A_1306 : memref<1x1x49920xf32, #tpu.memory_space<hbm>> -> memref<49920xf32, #tpu.memory_space<hbm>>
    %dma_start3A_1308 = arith.constant 128 : i32
    %dma_start3A_1309 = tpu.memref_slice %arg12[%dma_start3A_1308] : memref<50176xf32, #tpu.memory_space<vmem>> -> memref<49920xf32, #tpu.memory_space<vmem>>
    %dma_start3A_1310 = arith.constant 50048 : i32
    %dma_start3A_1311 = tpu.memref_slice %arg2[%add3A_1302, %select_n3A_9, %dma_start3A_1310] : memref<26x16x100000xf32, #tpu.memory_space<hbm>> -> memref<1x1x49920xf32, #tpu.memory_space<hbm>>
    %dma_start3A_1312 = tpu.memref_squeeze %dma_start3A_1311 : memref<1x1x49920xf32, #tpu.memory_space<hbm>> -> memref<49920xf32, #tpu.memory_space<hbm>>
    tpu.enqueue_dma source(%dma_start3A_1312 : memref<49920xf32, #tpu.memory_space<hbm>>) target(%dma_start3A_1309 : memref<49920xf32, #tpu.memory_space<vmem>>) target_semaphore(%arg19 : memref<!tpu.dma_semaphore, #tpu.memory_space<semaphore_mem>>)
    %dma_start3A_1313 = arith.constant 50048 : i32
    %dma_start3A_1314 = tpu.memref_slice %arg12[%dma_start3A_1313] : memref<50176xf32, #tpu.memory_space<vmem>> -> memref<128xf32, #tpu.memory_space<vmem>>
    %dma_start3A_1315 = arith.constant 0 : i32
    %dma_start3A_1316 = tpu.memref_slice %arg6[%add3A_1302, %select_n3A_9, %dma_start3A_1315] : memref<26x16x128xf32, #tpu.memory_space<hbm>> -> memref<1x1x128xf32, #tpu.memory_space<hbm>>
    %dma_start3A_1317 = tpu.memref_squeeze %dma_start3A_1316 : memref<1x1x128xf32, #tpu.memory_space<hbm>> -> memref<128xf32, #tpu.memory_space<hbm>>
    %dma_start3A_1318 = arith.constant 50048 : i32
    %dma_start3A_1319 = tpu.memref_slice %arg12[%dma_start3A_1318] : memref<50176xf32, #tpu.memory_space<vmem>> -> memref<128xf32, #tpu.memory_space<vmem>>
    %dma_start3A_1320 = arith.constant 0 : i32
    %dma_start3A_1321 = tpu.memref_slice %arg6[%add3A_1302, %select_n3A_9, %dma_start3A_1320] : memref<26x16x128xf32, #tpu.memory_space<hbm>> -> memref<1x1x128xf32, #tpu.memory_space<hbm>>
    %dma_start3A_1322 = tpu.memref_squeeze %dma_start3A_1321 : memref<1x1x128xf32, #tpu.memory_space<hbm>> -> memref<128xf32, #tpu.memory_space<hbm>>
    tpu.enqueue_dma source(%dma_start3A_1322 : memref<128xf32, #tpu.memory_space<hbm>>) target(%dma_start3A_1319 : memref<128xf32, #tpu.memory_space<vmem>>) target_semaphore(%arg19 : memref<!tpu.dma_semaphore, #tpu.memory_space<semaphore_mem>>)
    %dma_wait3A_1323 = arith.constant 0 : i32
    %dma_wait3A_1324 = tpu.memref_slice %arg11[%dma_wait3A_1323] : memref<50064xf32, #tpu.memory_space<vmem>> -> memref<50048xf32, #tpu.memory_space<vmem>>
    %dma_wait3A_1325 = arith.constant 0 : i32
    %dma_wait3A_1326 = tpu.memref_slice %arg2[%add3A_1245, %select_n3A_9, %dma_wait3A_1325] : memref<26x16x100000xf32, #tpu.memory_space<hbm>> -> memref<1x1x50048xf32, #tpu.memory_space<hbm>>
    %dma_wait3A_1327 = tpu.memref_squeeze %dma_wait3A_1326 : memref<1x1x50048xf32, #tpu.memory_space<hbm>> -> memref<50048xf32, #tpu.memory_space<hbm>>
    %dma_wait3A_1328 = arith.constant 0 : i32
    %dma_wait3A_1329 = tpu.memref_slice %arg11[%dma_wait3A_1328] : memref<50064xf32, #tpu.memory_space<vmem>> -> memref<50048xf32, #tpu.memory_space<vmem>>
    %dma_wait3A_1330 = arith.constant 0 : i32
    %dma_wait3A_1331 = tpu.memref_slice %arg2[%add3A_1245, %select_n3A_9, %dma_wait3A_1330] : memref<26x16x100000xf32, #tpu.memory_space<hbm>> -> memref<1x1x50048xf32, #tpu.memory_space<hbm>>
    %dma_wait3A_1332 = tpu.memref_squeeze %dma_wait3A_1331 : memref<1x1x50048xf32, #tpu.memory_space<hbm>> -> memref<50048xf32, #tpu.memory_space<hbm>>
    tpu.wait_dma2 semaphore(%arg18 : memref<!tpu.dma_semaphore, #tpu.memory_space<semaphore_mem>>) src(%dma_wait3A_1332 : memref<50048xf32, #tpu.memory_space<hbm>>) dst(%dma_wait3A_1329 : memref<50048xf32, #tpu.memory_space<vmem>>)
    %mul3A_1333 = arith.constant 13 : i32
    %mul3A_1334 = arith.muli %select_n3A_30, %mul3A_1333 : i32
    %add3A_1335 = arith.constant 11 : i32
    %add3A_1336 = arith.addi %mul3A_1334, %add3A_1335 : i32
    %mul3A_1337 = arith.constant 4096 : i32
    %mul3A_1338 = arith.muli %add3A_1336, %mul3A_1337 : i32
    %dma_start3A_1339 = arith.constant 4096 : i32
    %dma_start3A_1340 = tpu.memref_slice %arg13[%dma_start3A_1339] : memref<8192xi32, #tpu.memory_space<vmem>> -> memref<4096xi32, #tpu.memory_space<vmem>>
    %dma_start3A_1341 = tpu.memref_slice %arg4[%mul3A_1338] : memref<106496xi32, #tpu.memory_space<hbm>> -> memref<4096xi32, #tpu.memory_space<hbm>>
    %dma_start3A_1342 = arith.constant 4096 : i32
    %dma_start3A_1343 = tpu.memref_slice %arg13[%dma_start3A_1342] : memref<8192xi32, #tpu.memory_space<vmem>> -> memref<4096xi32, #tpu.memory_space<vmem>>
    %dma_start3A_1344 = tpu.memref_slice %arg4[%mul3A_1338] : memref<106496xi32, #tpu.memory_space<hbm>> -> memref<4096xi32, #tpu.memory_space<hbm>>
    tpu.enqueue_dma source(%dma_start3A_1344 : memref<4096xi32, #tpu.memory_space<hbm>>) target(%dma_start3A_1343 : memref<4096xi32, #tpu.memory_space<vmem>>) target_semaphore(%arg20 : memref<!tpu.dma_semaphore, #tpu.memory_space<semaphore_mem>>)
    %dma_start3A_1345 = arith.constant 4096 : i32
    %dma_start3A_1346 = tpu.memref_slice %arg14[%dma_start3A_1345] : memref<8192xf32, #tpu.memory_space<vmem>> -> memref<4096xf32, #tpu.memory_space<vmem>>
    %dma_start3A_1347 = arith.constant 0 : i32
    %dma_start3A_1348 = tpu.memref_slice %arg5[%add3A_1336, %dma_start3A_1347] : memref<26x4096xf32, #tpu.memory_space<hbm>> -> memref<1x4096xf32, #tpu.memory_space<hbm>>
    %dma_start3A_1349 = tpu.memref_squeeze %dma_start3A_1348 : memref<1x4096xf32, #tpu.memory_space<hbm>> -> memref<4096xf32, #tpu.memory_space<hbm>>
    %dma_start3A_1350 = arith.constant 4096 : i32
    %dma_start3A_1351 = tpu.memref_slice %arg14[%dma_start3A_1350] : memref<8192xf32, #tpu.memory_space<vmem>> -> memref<4096xf32, #tpu.memory_space<vmem>>
    %dma_start3A_1352 = arith.constant 0 : i32
    %dma_start3A_1353 = tpu.memref_slice %arg5[%add3A_1336, %dma_start3A_1352] : memref<26x4096xf32, #tpu.memory_space<hbm>> -> memref<1x4096xf32, #tpu.memory_space<hbm>>
    %dma_start3A_1354 = tpu.memref_squeeze %dma_start3A_1353 : memref<1x4096xf32, #tpu.memory_space<hbm>> -> memref<4096xf32, #tpu.memory_space<hbm>>
    tpu.enqueue_dma source(%dma_start3A_1354 : memref<4096xf32, #tpu.memory_space<hbm>>) target(%dma_start3A_1351 : memref<4096xf32, #tpu.memory_space<vmem>>) target_semaphore(%arg20 : memref<!tpu.dma_semaphore, #tpu.memory_space<semaphore_mem>>)
    %scan3A_1355 = arith.constant 0 : i32
    %scan3A_1356 = arith.constant 0 : i32
    %scan3A_1357 = arith.constant 256 : i32
    %scan3A_1358 = arith.addi %scan3A_1356, %scan3A_1357 : i32
    %scan3A_1359 = arith.constant 2 : i32
    %scan3A_1360 = scf.for %scan3A_1719 = %scan3A_1356 to %scan3A_1358 step %scan3A_1359 iter_args(%scan3A_1720 = %scan3A_1355) -> (i32)  : i32 {
      %mul3A_1721 = arith.constant 16 : i32
      %mul3A_1722 = arith.muli %scan3A_1719, %mul3A_1721 : i32
      %add3A_1723 = arith.constant 0 : i32
      %add3A_1724 = arith.addi %add3A_1723, %mul3A_1722 : i32
      %mul3A_1725 = arith.constant 16 : i32
      %mul3A_1726 = arith.muli %scan3A_1719, %mul3A_1725 : i32
      %get3A = arith.index_cast %add3A_1724 : i32 to index
      %get3A_1727 = tpu.vector_load %arg13[%get3A] {strides = array<i32>} : memref<8192xi32, #tpu.memory_space<vmem>>, vector<16xi32>,
      %min3A_1728 = arith.constant 50048 : i32
      %min3A_1729 = vector.broadcast %min3A_1728 : i32 to vector<16xi32>
      %min3A_1730 = arith.minsi %get3A_1727, %min3A_1729 : vector<16xi32>
      %gather3A = tpu.vector_load_idx %arg11[%min3A_1730] : memref<50064xf32, #tpu.memory_space<vmem>>[vector<16xi32>], vector<16xf32>,
      %get3A_1731 = arith.index_cast %add3A_1724 : i32 to index
      %get3A_1732 = tpu.vector_load %arg14[%get3A_1731] {strides = array<i32>} : memref<8192xf32, #tpu.memory_space<vmem>>, vector<16xf32>,
      %mul3A_1733 = arith.mulf %gather3A, %get3A_1732 : vector<16xf32>
      %swap3A_1734 = arith.index_cast %mul3A_1726 : i32 to index
      %swap3A_1735 = tpu.vector_load %arg15[%swap3A_1734] {strides = array<i32>} : memref<4096xf32, #tpu.memory_space<vmem>>, vector<16xf32>,
      tpu.vector_store %arg15[%swap3A_1734], %mul3A_1733 {add = true, strides = array<i32>} : memref<4096xf32, #tpu.memory_space<vmem>>, vector<16xf32>,
      %mul3A_1736 = arith.mulf %mul3A_1733, %mul3A_1733 : vector<16xf32>
      %swap3A_1737 = arith.index_cast %mul3A_1726 : i32 to index
      %swap3A_1738 = tpu.vector_load %arg16[%swap3A_1737] {strides = array<i32>} : memref<4096xf32, #tpu.memory_space<vmem>>, vector<16xf32>,
      tpu.vector_store %arg16[%swap3A_1737], %mul3A_1736 {add = true, strides = array<i32>} : memref<4096xf32, #tpu.memory_space<vmem>>, vector<16xf32>,
      %scan3A_1739 = arith.constant 0 : i32
      %scan3A_1740 = arith.constant 1 : i32
      %scan3A_1741 = arith.addi %scan3A_1719, %scan3A_1740 : i32
      %mul3A_1742 = arith.constant 16 : i32
      %mul3A_1743 = arith.muli %scan3A_1741, %mul3A_1742 : i32
      %add3A_1744 = arith.constant 0 : i32
      %add3A_1745 = arith.addi %add3A_1744, %mul3A_1743 : i32
      %mul3A_1746 = arith.constant 16 : i32
      %mul3A_1747 = arith.muli %scan3A_1741, %mul3A_1746 : i32
      %get3A_1748 = arith.index_cast %add3A_1745 : i32 to index
      %get3A_1749 = tpu.vector_load %arg13[%get3A_1748] {strides = array<i32>} : memref<8192xi32, #tpu.memory_space<vmem>>, vector<16xi32>,
      %min3A_1750 = arith.constant 50048 : i32
      %min3A_1751 = vector.broadcast %min3A_1750 : i32 to vector<16xi32>
      %min3A_1752 = arith.minsi %get3A_1749, %min3A_1751 : vector<16xi32>
      %gather3A_1753 = tpu.vector_load_idx %arg11[%min3A_1752] : memref<50064xf32, #tpu.memory_space<vmem>>[vector<16xi32>], vector<16xf32>,
      %get3A_1754 = arith.index_cast %add3A_1745 : i32 to index
      %get3A_1755 = tpu.vector_load %arg14[%get3A_1754] {strides = array<i32>} : memref<8192xf32, #tpu.memory_space<vmem>>, vector<16xf32>,
      %mul3A_1756 = arith.mulf %gather3A_1753, %get3A_1755 : vector<16xf32>
      %swap3A_1757 = arith.index_cast %mul3A_1747 : i32 to index
      %swap3A_1758 = tpu.vector_load %arg15[%swap3A_1757] {strides = array<i32>} : memref<4096xf32, #tpu.memory_space<vmem>>, vector<16xf32>,
      tpu.vector_store %arg15[%swap3A_1757], %mul3A_1756 {add = true, strides = array<i32>} : memref<4096xf32, #tpu.memory_space<vmem>>, vector<16xf32>,
      %mul3A_1759 = arith.mulf %mul3A_1756, %mul3A_1756 : vector<16xf32>
      %swap3A_1760 = arith.index_cast %mul3A_1747 : i32 to index
      %swap3A_1761 = tpu.vector_load %arg16[%swap3A_1760] {strides = array<i32>} : memref<4096xf32, #tpu.memory_space<vmem>>, vector<16xf32>,
      tpu.vector_store %arg16[%swap3A_1760], %mul3A_1759 {add = true, strides = array<i32>} : memref<4096xf32, #tpu.memory_space<vmem>>, vector<16xf32>,
      %scan3A_1762 = arith.constant 0 : i32
      scf.yield %scan3A_1762 : i32
    }
    %scan3A_1361 = arith.constant 256 : i32
    %mul3A_1362 = arith.constant 13 : i32
    %mul3A_1363 = arith.muli %select_n3A_30, %mul3A_1362 : i32
    %add3A_1364 = arith.constant 11 : i32
    %add3A_1365 = arith.addi %mul3A_1363, %add3A_1364 : i32
    %dma_start3A_1366 = arith.constant 0 : i32
    %dma_start3A_1367 = tpu.memref_slice %arg11[%dma_start3A_1366] : memref<50064xf32, #tpu.memory_space<vmem>> -> memref<50048xf32, #tpu.memory_space<vmem>>
    %dma_start3A_1368 = arith.constant 0 : i32
    %dma_start3A_1369 = tpu.memref_slice %arg2[%add3A_1365, %select_n3A_9, %dma_start3A_1368] : memref<26x16x100000xf32, #tpu.memory_space<hbm>> -> memref<1x1x50048xf32, #tpu.memory_space<hbm>>
    %dma_start3A_1370 = tpu.memref_squeeze %dma_start3A_1369 : memref<1x1x50048xf32, #tpu.memory_space<hbm>> -> memref<50048xf32, #tpu.memory_space<hbm>>
    %dma_start3A_1371 = arith.constant 0 : i32
    %dma_start3A_1372 = tpu.memref_slice %arg11[%dma_start3A_1371] : memref<50064xf32, #tpu.memory_space<vmem>> -> memref<50048xf32, #tpu.memory_space<vmem>>
    %dma_start3A_1373 = arith.constant 0 : i32
    %dma_start3A_1374 = tpu.memref_slice %arg2[%add3A_1365, %select_n3A_9, %dma_start3A_1373] : memref<26x16x100000xf32, #tpu.memory_space<hbm>> -> memref<1x1x50048xf32, #tpu.memory_space<hbm>>
    %dma_start3A_1375 = tpu.memref_squeeze %dma_start3A_1374 : memref<1x1x50048xf32, #tpu.memory_space<hbm>> -> memref<50048xf32, #tpu.memory_space<hbm>>
    tpu.enqueue_dma source(%dma_start3A_1375 : memref<50048xf32, #tpu.memory_space<hbm>>) target(%dma_start3A_1372 : memref<50048xf32, #tpu.memory_space<vmem>>) target_semaphore(%arg18 : memref<!tpu.dma_semaphore, #tpu.memory_space<semaphore_mem>>)
    %dma_wait3A_1376 = arith.constant 128 : i32
    %dma_wait3A_1377 = tpu.memref_slice %arg12[%dma_wait3A_1376] : memref<50176xf32, #tpu.memory_space<vmem>> -> memref<49920xf32, #tpu.memory_space<vmem>>
    %dma_wait3A_1378 = arith.constant 50048 : i32
    %dma_wait3A_1379 = tpu.memref_slice %arg2[%add3A_1302, %select_n3A_9, %dma_wait3A_1378] : memref<26x16x100000xf32, #tpu.memory_space<hbm>> -> memref<1x1x49920xf32, #tpu.memory_space<hbm>>
    %dma_wait3A_1380 = tpu.memref_squeeze %dma_wait3A_1379 : memref<1x1x49920xf32, #tpu.memory_space<hbm>> -> memref<49920xf32, #tpu.memory_space<hbm>>
    %dma_wait3A_1381 = arith.constant 128 : i32
    %dma_wait3A_1382 = tpu.memref_slice %arg12[%dma_wait3A_1381] : memref<50176xf32, #tpu.memory_space<vmem>> -> memref<49920xf32, #tpu.memory_space<vmem>>
    %dma_wait3A_1383 = arith.constant 50048 : i32
    %dma_wait3A_1384 = tpu.memref_slice %arg2[%add3A_1302, %select_n3A_9, %dma_wait3A_1383] : memref<26x16x100000xf32, #tpu.memory_space<hbm>> -> memref<1x1x49920xf32, #tpu.memory_space<hbm>>
    %dma_wait3A_1385 = tpu.memref_squeeze %dma_wait3A_1384 : memref<1x1x49920xf32, #tpu.memory_space<hbm>> -> memref<49920xf32, #tpu.memory_space<hbm>>
    tpu.wait_dma2 semaphore(%arg19 : memref<!tpu.dma_semaphore, #tpu.memory_space<semaphore_mem>>) src(%dma_wait3A_1385 : memref<49920xf32, #tpu.memory_space<hbm>>) dst(%dma_wait3A_1382 : memref<49920xf32, #tpu.memory_space<vmem>>)
    %dma_wait3A_1386 = arith.constant 50048 : i32
    %dma_wait3A_1387 = tpu.memref_slice %arg12[%dma_wait3A_1386] : memref<50176xf32, #tpu.memory_space<vmem>> -> memref<128xf32, #tpu.memory_space<vmem>>
    %dma_wait3A_1388 = arith.constant 0 : i32
    %dma_wait3A_1389 = tpu.memref_slice %arg6[%add3A_1302, %select_n3A_9, %dma_wait3A_1388] : memref<26x16x128xf32, #tpu.memory_space<hbm>> -> memref<1x1x128xf32, #tpu.memory_space<hbm>>
    %dma_wait3A_1390 = tpu.memref_squeeze %dma_wait3A_1389 : memref<1x1x128xf32, #tpu.memory_space<hbm>> -> memref<128xf32, #tpu.memory_space<hbm>>
    %dma_wait3A_1391 = arith.constant 50048 : i32
    %dma_wait3A_1392 = tpu.memref_slice %arg12[%dma_wait3A_1391] : memref<50176xf32, #tpu.memory_space<vmem>> -> memref<128xf32, #tpu.memory_space<vmem>>
    %dma_wait3A_1393 = arith.constant 0 : i32
    %dma_wait3A_1394 = tpu.memref_slice %arg6[%add3A_1302, %select_n3A_9, %dma_wait3A_1393] : memref<26x16x128xf32, #tpu.memory_space<hbm>> -> memref<1x1x128xf32, #tpu.memory_space<hbm>>
    %dma_wait3A_1395 = tpu.memref_squeeze %dma_wait3A_1394 : memref<1x1x128xf32, #tpu.memory_space<hbm>> -> memref<128xf32, #tpu.memory_space<hbm>>
    tpu.wait_dma2 semaphore(%arg19 : memref<!tpu.dma_semaphore, #tpu.memory_space<semaphore_mem>>) src(%dma_wait3A_1395 : memref<128xf32, #tpu.memory_space<hbm>>) dst(%dma_wait3A_1392 : memref<128xf32, #tpu.memory_space<vmem>>)
    %scan3A_1396 = arith.constant 0 : i32
    %scan3A_1397 = arith.constant 0 : i32
    %scan3A_1398 = arith.constant 256 : i32
    %scan3A_1399 = arith.addi %scan3A_1397, %scan3A_1398 : i32
    %scan3A_1400 = arith.constant 2 : i32
    %scan3A_1401 = scf.for %scan3A_1719 = %scan3A_1397 to %scan3A_1399 step %scan3A_1400 iter_args(%scan3A_1720 = %scan3A_1396) -> (i32)  : i32 {
      %mul3A_1721 = arith.constant 16 : i32
      %mul3A_1722 = arith.muli %scan3A_1719, %mul3A_1721 : i32
      %add3A_1723 = arith.constant 0 : i32
      %add3A_1724 = arith.addi %add3A_1723, %mul3A_1722 : i32
      %mul3A_1725 = arith.constant 16 : i32
      %mul3A_1726 = arith.muli %scan3A_1719, %mul3A_1725 : i32
      %get3A = arith.index_cast %add3A_1724 : i32 to index
      %get3A_1727 = tpu.vector_load %arg13[%get3A] {strides = array<i32>} : memref<8192xi32, #tpu.memory_space<vmem>>, vector<16xi32>,
      %sub3A_1728 = arith.constant 49920 : i32
      %sub3A_1729 = vector.broadcast %sub3A_1728 : i32 to vector<16xi32>
      %sub3A_1730 = arith.subi %get3A_1727, %sub3A_1729 : vector<16xi32>
      %max3A = arith.constant 0 : i32
      %max3A_1731 = vector.broadcast %max3A : i32 to vector<16xi32>
      %max3A_1732 = arith.maxsi %sub3A_1730, %max3A_1731 : vector<16xi32>
      %add3A_1733 = arith.constant 96 : i32
      %add3A_1734 = vector.broadcast %add3A_1733 : i32 to vector<16xi32>
      %add3A_1735 = arith.addi %sub3A_1730, %add3A_1734 : vector<16xi32>
      %ge3A = arith.constant 50048 : i32
      %ge3A_1736 = vector.broadcast %ge3A : i32 to vector<16xi32>
      %ge3A_1737 = arith.cmpi sge, %sub3A_1730, %ge3A_1736 : vector<16xi32>
      %select_n3A_1738 = arith.select %ge3A_1737, %add3A_1735, %max3A_1732 : vector<16xi1>, vector<16xi32>
      %gather3A = tpu.vector_load_idx %arg12[%select_n3A_1738] : memref<50176xf32, #tpu.memory_space<vmem>>[vector<16xi32>], vector<16xf32>,
      %get3A_1739 = arith.index_cast %add3A_1724 : i32 to index
      %get3A_1740 = tpu.vector_load %arg14[%get3A_1739] {strides = array<i32>} : memref<8192xf32, #tpu.memory_space<vmem>>, vector<16xf32>,
      %mul3A_1741 = arith.mulf %gather3A, %get3A_1740 : vector<16xf32>
      %swap3A_1742 = arith.index_cast %mul3A_1726 : i32 to index
      %swap3A_1743 = tpu.vector_load %arg15[%swap3A_1742] {strides = array<i32>} : memref<4096xf32, #tpu.memory_space<vmem>>, vector<16xf32>,
      tpu.vector_store %arg15[%swap3A_1742], %mul3A_1741 {add = true, strides = array<i32>} : memref<4096xf32, #tpu.memory_space<vmem>>, vector<16xf32>,
      %mul3A_1744 = arith.mulf %mul3A_1741, %mul3A_1741 : vector<16xf32>
      %swap3A_1745 = arith.index_cast %mul3A_1726 : i32 to index
      %swap3A_1746 = tpu.vector_load %arg16[%swap3A_1745] {strides = array<i32>} : memref<4096xf32, #tpu.memory_space<vmem>>, vector<16xf32>,
      tpu.vector_store %arg16[%swap3A_1745], %mul3A_1744 {add = true, strides = array<i32>} : memref<4096xf32, #tpu.memory_space<vmem>>, vector<16xf32>,
      %scan3A_1747 = arith.constant 0 : i32
      %scan3A_1748 = arith.constant 1 : i32
      %scan3A_1749 = arith.addi %scan3A_1719, %scan3A_1748 : i32
      %mul3A_1750 = arith.constant 16 : i32
      %mul3A_1751 = arith.muli %scan3A_1749, %mul3A_1750 : i32
      %add3A_1752 = arith.constant 0 : i32
      %add3A_1753 = arith.addi %add3A_1752, %mul3A_1751 : i32
      %mul3A_1754 = arith.constant 16 : i32
      %mul3A_1755 = arith.muli %scan3A_1749, %mul3A_1754 : i32
      %get3A_1756 = arith.index_cast %add3A_1753 : i32 to index
      %get3A_1757 = tpu.vector_load %arg13[%get3A_1756] {strides = array<i32>} : memref<8192xi32, #tpu.memory_space<vmem>>, vector<16xi32>,
      %sub3A_1758 = arith.constant 49920 : i32
      %sub3A_1759 = vector.broadcast %sub3A_1758 : i32 to vector<16xi32>
      %sub3A_1760 = arith.subi %get3A_1757, %sub3A_1759 : vector<16xi32>
      %max3A_1761 = arith.constant 0 : i32
      %max3A_1762 = vector.broadcast %max3A_1761 : i32 to vector<16xi32>
      %max3A_1763 = arith.maxsi %sub3A_1760, %max3A_1762 : vector<16xi32>
      %add3A_1764 = arith.constant 96 : i32
      %add3A_1765 = vector.broadcast %add3A_1764 : i32 to vector<16xi32>
      %add3A_1766 = arith.addi %sub3A_1760, %add3A_1765 : vector<16xi32>
      %ge3A_1767 = arith.constant 50048 : i32
      %ge3A_1768 = vector.broadcast %ge3A_1767 : i32 to vector<16xi32>
      %ge3A_1769 = arith.cmpi sge, %sub3A_1760, %ge3A_1768 : vector<16xi32>
      %select_n3A_1770 = arith.select %ge3A_1769, %add3A_1766, %max3A_1763 : vector<16xi1>, vector<16xi32>
      %gather3A_1771 = tpu.vector_load_idx %arg12[%select_n3A_1770] : memref<50176xf32, #tpu.memory_space<vmem>>[vector<16xi32>], vector<16xf32>,
      %get3A_1772 = arith.index_cast %add3A_1753 : i32 to index
      %get3A_1773 = tpu.vector_load %arg14[%get3A_1772] {strides = array<i32>} : memref<8192xf32, #tpu.memory_space<vmem>>, vector<16xf32>,
      %mul3A_1774 = arith.mulf %gather3A_1771, %get3A_1773 : vector<16xf32>
      %swap3A_1775 = arith.index_cast %mul3A_1755 : i32 to index
      %swap3A_1776 = tpu.vector_load %arg15[%swap3A_1775] {strides = array<i32>} : memref<4096xf32, #tpu.memory_space<vmem>>, vector<16xf32>,
      tpu.vector_store %arg15[%swap3A_1775], %mul3A_1774 {add = true, strides = array<i32>} : memref<4096xf32, #tpu.memory_space<vmem>>, vector<16xf32>,
      %mul3A_1777 = arith.mulf %mul3A_1774, %mul3A_1774 : vector<16xf32>
      %swap3A_1778 = arith.index_cast %mul3A_1755 : i32 to index
      %swap3A_1779 = tpu.vector_load %arg16[%swap3A_1778] {strides = array<i32>} : memref<4096xf32, #tpu.memory_space<vmem>>, vector<16xf32>,
      tpu.vector_store %arg16[%swap3A_1778], %mul3A_1777 {add = true, strides = array<i32>} : memref<4096xf32, #tpu.memory_space<vmem>>, vector<16xf32>,
      %scan3A_1780 = arith.constant 0 : i32
      scf.yield %scan3A_1780 : i32
    }
    %scan3A_1402 = arith.constant 256 : i32
    %dma_wait3A_1403 = arith.constant 4096 : i32
    %dma_wait3A_1404 = tpu.memref_slice %arg13[%dma_wait3A_1403] : memref<8192xi32, #tpu.memory_space<vmem>> -> memref<4096xi32, #tpu.memory_space<vmem>>
    %dma_wait3A_1405 = tpu.memref_slice %arg4[%mul3A_1338] : memref<106496xi32, #tpu.memory_space<hbm>> -> memref<4096xi32, #tpu.memory_space<hbm>>
    %dma_wait3A_1406 = arith.constant 4096 : i32
    %dma_wait3A_1407 = tpu.memref_slice %arg13[%dma_wait3A_1406] : memref<8192xi32, #tpu.memory_space<vmem>> -> memref<4096xi32, #tpu.memory_space<vmem>>
    %dma_wait3A_1408 = tpu.memref_slice %arg4[%mul3A_1338] : memref<106496xi32, #tpu.memory_space<hbm>> -> memref<4096xi32, #tpu.memory_space<hbm>>
    tpu.wait_dma2 semaphore(%arg20 : memref<!tpu.dma_semaphore, #tpu.memory_space<semaphore_mem>>) src(%dma_wait3A_1408 : memref<4096xi32, #tpu.memory_space<hbm>>) dst(%dma_wait3A_1407 : memref<4096xi32, #tpu.memory_space<vmem>>)
    %dma_wait3A_1409 = arith.constant 4096 : i32
    %dma_wait3A_1410 = tpu.memref_slice %arg14[%dma_wait3A_1409] : memref<8192xf32, #tpu.memory_space<vmem>> -> memref<4096xf32, #tpu.memory_space<vmem>>
    %dma_wait3A_1411 = arith.constant 0 : i32
    %dma_wait3A_1412 = tpu.memref_slice %arg5[%add3A_1336, %dma_wait3A_1411] : memref<26x4096xf32, #tpu.memory_space<hbm>> -> memref<1x4096xf32, #tpu.memory_space<hbm>>
    %dma_wait3A_1413 = tpu.memref_squeeze %dma_wait3A_1412 : memref<1x4096xf32, #tpu.memory_space<hbm>> -> memref<4096xf32, #tpu.memory_space<hbm>>
    %dma_wait3A_1414 = arith.constant 4096 : i32
    %dma_wait3A_1415 = tpu.memref_slice %arg14[%dma_wait3A_1414] : memref<8192xf32, #tpu.memory_space<vmem>> -> memref<4096xf32, #tpu.memory_space<vmem>>
    %dma_wait3A_1416 = arith.constant 0 : i32
    %dma_wait3A_1417 = tpu.memref_slice %arg5[%add3A_1336, %dma_wait3A_1416] : memref<26x4096xf32, #tpu.memory_space<hbm>> -> memref<1x4096xf32, #tpu.memory_space<hbm>>
    %dma_wait3A_1418 = tpu.memref_squeeze %dma_wait3A_1417 : memref<1x4096xf32, #tpu.memory_space<hbm>> -> memref<4096xf32, #tpu.memory_space<hbm>>
    tpu.wait_dma2 semaphore(%arg20 : memref<!tpu.dma_semaphore, #tpu.memory_space<semaphore_mem>>) src(%dma_wait3A_1418 : memref<4096xf32, #tpu.memory_space<hbm>>) dst(%dma_wait3A_1415 : memref<4096xf32, #tpu.memory_space<vmem>>)
    %mul3A_1419 = arith.constant 13 : i32
    %mul3A_1420 = arith.muli %select_n3A_30, %mul3A_1419 : i32
    %add3A_1421 = arith.constant 11 : i32
    %add3A_1422 = arith.addi %mul3A_1420, %add3A_1421 : i32
    %dma_start3A_1423 = arith.constant 128 : i32
    %dma_start3A_1424 = tpu.memref_slice %arg12[%dma_start3A_1423] : memref<50176xf32, #tpu.memory_space<vmem>> -> memref<49920xf32, #tpu.memory_space<vmem>>
    %dma_start3A_1425 = arith.constant 50048 : i32
    %dma_start3A_1426 = tpu.memref_slice %arg2[%add3A_1422, %select_n3A_9, %dma_start3A_1425] : memref<26x16x100000xf32, #tpu.memory_space<hbm>> -> memref<1x1x49920xf32, #tpu.memory_space<hbm>>
    %dma_start3A_1427 = tpu.memref_squeeze %dma_start3A_1426 : memref<1x1x49920xf32, #tpu.memory_space<hbm>> -> memref<49920xf32, #tpu.memory_space<hbm>>
    %dma_start3A_1428 = arith.constant 128 : i32
    %dma_start3A_1429 = tpu.memref_slice %arg12[%dma_start3A_1428] : memref<50176xf32, #tpu.memory_space<vmem>> -> memref<49920xf32, #tpu.memory_space<vmem>>
    %dma_start3A_1430 = arith.constant 50048 : i32
    %dma_start3A_1431 = tpu.memref_slice %arg2[%add3A_1422, %select_n3A_9, %dma_start3A_1430] : memref<26x16x100000xf32, #tpu.memory_space<hbm>> -> memref<1x1x49920xf32, #tpu.memory_space<hbm>>
    %dma_start3A_1432 = tpu.memref_squeeze %dma_start3A_1431 : memref<1x1x49920xf32, #tpu.memory_space<hbm>> -> memref<49920xf32, #tpu.memory_space<hbm>>
    tpu.enqueue_dma source(%dma_start3A_1432 : memref<49920xf32, #tpu.memory_space<hbm>>) target(%dma_start3A_1429 : memref<49920xf32, #tpu.memory_space<vmem>>) target_semaphore(%arg19 : memref<!tpu.dma_semaphore, #tpu.memory_space<semaphore_mem>>)
    %dma_start3A_1433 = arith.constant 50048 : i32
    %dma_start3A_1434 = tpu.memref_slice %arg12[%dma_start3A_1433] : memref<50176xf32, #tpu.memory_space<vmem>> -> memref<128xf32, #tpu.memory_space<vmem>>
    %dma_start3A_1435 = arith.constant 0 : i32
    %dma_start3A_1436 = tpu.memref_slice %arg6[%add3A_1422, %select_n3A_9, %dma_start3A_1435] : memref<26x16x128xf32, #tpu.memory_space<hbm>> -> memref<1x1x128xf32, #tpu.memory_space<hbm>>
    %dma_start3A_1437 = tpu.memref_squeeze %dma_start3A_1436 : memref<1x1x128xf32, #tpu.memory_space<hbm>> -> memref<128xf32, #tpu.memory_space<hbm>>
    %dma_start3A_1438 = arith.constant 50048 : i32
    %dma_start3A_1439 = tpu.memref_slice %arg12[%dma_start3A_1438] : memref<50176xf32, #tpu.memory_space<vmem>> -> memref<128xf32, #tpu.memory_space<vmem>>
    %dma_start3A_1440 = arith.constant 0 : i32
    %dma_start3A_1441 = tpu.memref_slice %arg6[%add3A_1422, %select_n3A_9, %dma_start3A_1440] : memref<26x16x128xf32, #tpu.memory_space<hbm>> -> memref<1x1x128xf32, #tpu.memory_space<hbm>>
    %dma_start3A_1442 = tpu.memref_squeeze %dma_start3A_1441 : memref<1x1x128xf32, #tpu.memory_space<hbm>> -> memref<128xf32, #tpu.memory_space<hbm>>
    tpu.enqueue_dma source(%dma_start3A_1442 : memref<128xf32, #tpu.memory_space<hbm>>) target(%dma_start3A_1439 : memref<128xf32, #tpu.memory_space<vmem>>) target_semaphore(%arg19 : memref<!tpu.dma_semaphore, #tpu.memory_space<semaphore_mem>>)
    %dma_wait3A_1443 = arith.constant 0 : i32
    %dma_wait3A_1444 = tpu.memref_slice %arg11[%dma_wait3A_1443] : memref<50064xf32, #tpu.memory_space<vmem>> -> memref<50048xf32, #tpu.memory_space<vmem>>
    %dma_wait3A_1445 = arith.constant 0 : i32
    %dma_wait3A_1446 = tpu.memref_slice %arg2[%add3A_1365, %select_n3A_9, %dma_wait3A_1445] : memref<26x16x100000xf32, #tpu.memory_space<hbm>> -> memref<1x1x50048xf32, #tpu.memory_space<hbm>>
    %dma_wait3A_1447 = tpu.memref_squeeze %dma_wait3A_1446 : memref<1x1x50048xf32, #tpu.memory_space<hbm>> -> memref<50048xf32, #tpu.memory_space<hbm>>
    %dma_wait3A_1448 = arith.constant 0 : i32
    %dma_wait3A_1449 = tpu.memref_slice %arg11[%dma_wait3A_1448] : memref<50064xf32, #tpu.memory_space<vmem>> -> memref<50048xf32, #tpu.memory_space<vmem>>
    %dma_wait3A_1450 = arith.constant 0 : i32
    %dma_wait3A_1451 = tpu.memref_slice %arg2[%add3A_1365, %select_n3A_9, %dma_wait3A_1450] : memref<26x16x100000xf32, #tpu.memory_space<hbm>> -> memref<1x1x50048xf32, #tpu.memory_space<hbm>>
    %dma_wait3A_1452 = tpu.memref_squeeze %dma_wait3A_1451 : memref<1x1x50048xf32, #tpu.memory_space<hbm>> -> memref<50048xf32, #tpu.memory_space<hbm>>
    tpu.wait_dma2 semaphore(%arg18 : memref<!tpu.dma_semaphore, #tpu.memory_space<semaphore_mem>>) src(%dma_wait3A_1452 : memref<50048xf32, #tpu.memory_space<hbm>>) dst(%dma_wait3A_1449 : memref<50048xf32, #tpu.memory_space<vmem>>)
    %mul3A_1453 = arith.constant 13 : i32
    %mul3A_1454 = arith.muli %select_n3A_30, %mul3A_1453 : i32
    %add3A_1455 = arith.constant 12 : i32
    %add3A_1456 = arith.addi %mul3A_1454, %add3A_1455 : i32
    %mul3A_1457 = arith.constant 4096 : i32
    %mul3A_1458 = arith.muli %add3A_1456, %mul3A_1457 : i32
    %dma_start3A_1459 = arith.constant 0 : i32
    %dma_start3A_1460 = tpu.memref_slice %arg13[%dma_start3A_1459] : memref<8192xi32, #tpu.memory_space<vmem>> -> memref<4096xi32, #tpu.memory_space<vmem>>
    %dma_start3A_1461 = tpu.memref_slice %arg4[%mul3A_1458] : memref<106496xi32, #tpu.memory_space<hbm>> -> memref<4096xi32, #tpu.memory_space<hbm>>
    %dma_start3A_1462 = arith.constant 0 : i32
    %dma_start3A_1463 = tpu.memref_slice %arg13[%dma_start3A_1462] : memref<8192xi32, #tpu.memory_space<vmem>> -> memref<4096xi32, #tpu.memory_space<vmem>>
    %dma_start3A_1464 = tpu.memref_slice %arg4[%mul3A_1458] : memref<106496xi32, #tpu.memory_space<hbm>> -> memref<4096xi32, #tpu.memory_space<hbm>>
    tpu.enqueue_dma source(%dma_start3A_1464 : memref<4096xi32, #tpu.memory_space<hbm>>) target(%dma_start3A_1463 : memref<4096xi32, #tpu.memory_space<vmem>>) target_semaphore(%arg20 : memref<!tpu.dma_semaphore, #tpu.memory_space<semaphore_mem>>)
    %dma_start3A_1465 = arith.constant 0 : i32
    %dma_start3A_1466 = tpu.memref_slice %arg14[%dma_start3A_1465] : memref<8192xf32, #tpu.memory_space<vmem>> -> memref<4096xf32, #tpu.memory_space<vmem>>
    %dma_start3A_1467 = arith.constant 0 : i32
    %dma_start3A_1468 = tpu.memref_slice %arg5[%add3A_1456, %dma_start3A_1467] : memref<26x4096xf32, #tpu.memory_space<hbm>> -> memref<1x4096xf32, #tpu.memory_space<hbm>>
    %dma_start3A_1469 = tpu.memref_squeeze %dma_start3A_1468 : memref<1x4096xf32, #tpu.memory_space<hbm>> -> memref<4096xf32, #tpu.memory_space<hbm>>
    %dma_start3A_1470 = arith.constant 0 : i32
    %dma_start3A_1471 = tpu.memref_slice %arg14[%dma_start3A_1470] : memref<8192xf32, #tpu.memory_space<vmem>> -> memref<4096xf32, #tpu.memory_space<vmem>>
    %dma_start3A_1472 = arith.constant 0 : i32
    %dma_start3A_1473 = tpu.memref_slice %arg5[%add3A_1456, %dma_start3A_1472] : memref<26x4096xf32, #tpu.memory_space<hbm>> -> memref<1x4096xf32, #tpu.memory_space<hbm>>
    %dma_start3A_1474 = tpu.memref_squeeze %dma_start3A_1473 : memref<1x4096xf32, #tpu.memory_space<hbm>> -> memref<4096xf32, #tpu.memory_space<hbm>>
    tpu.enqueue_dma source(%dma_start3A_1474 : memref<4096xf32, #tpu.memory_space<hbm>>) target(%dma_start3A_1471 : memref<4096xf32, #tpu.memory_space<vmem>>) target_semaphore(%arg20 : memref<!tpu.dma_semaphore, #tpu.memory_space<semaphore_mem>>)
    %scan3A_1475 = arith.constant 0 : i32
    %scan3A_1476 = arith.constant 0 : i32
    %scan3A_1477 = arith.constant 256 : i32
    %scan3A_1478 = arith.addi %scan3A_1476, %scan3A_1477 : i32
    %scan3A_1479 = arith.constant 2 : i32
    %scan3A_1480 = scf.for %scan3A_1719 = %scan3A_1476 to %scan3A_1478 step %scan3A_1479 iter_args(%scan3A_1720 = %scan3A_1475) -> (i32)  : i32 {
      %mul3A_1721 = arith.constant 16 : i32
      %mul3A_1722 = arith.muli %scan3A_1719, %mul3A_1721 : i32
      %add3A_1723 = arith.constant 4096 : i32
      %add3A_1724 = arith.addi %add3A_1723, %mul3A_1722 : i32
      %mul3A_1725 = arith.constant 16 : i32
      %mul3A_1726 = arith.muli %scan3A_1719, %mul3A_1725 : i32
      %get3A = arith.index_cast %add3A_1724 : i32 to index
      %get3A_1727 = tpu.vector_load %arg13[%get3A] {strides = array<i32>} : memref<8192xi32, #tpu.memory_space<vmem>>, vector<16xi32>,
      %min3A_1728 = arith.constant 50048 : i32
      %min3A_1729 = vector.broadcast %min3A_1728 : i32 to vector<16xi32>
      %min3A_1730 = arith.minsi %get3A_1727, %min3A_1729 : vector<16xi32>
      %gather3A = tpu.vector_load_idx %arg11[%min3A_1730] : memref<50064xf32, #tpu.memory_space<vmem>>[vector<16xi32>], vector<16xf32>,
      %get3A_1731 = arith.index_cast %add3A_1724 : i32 to index
      %get3A_1732 = tpu.vector_load %arg14[%get3A_1731] {strides = array<i32>} : memref<8192xf32, #tpu.memory_space<vmem>>, vector<16xf32>,
      %mul3A_1733 = arith.mulf %gather3A, %get3A_1732 : vector<16xf32>
      %swap3A_1734 = arith.index_cast %mul3A_1726 : i32 to index
      %swap3A_1735 = tpu.vector_load %arg15[%swap3A_1734] {strides = array<i32>} : memref<4096xf32, #tpu.memory_space<vmem>>, vector<16xf32>,
      tpu.vector_store %arg15[%swap3A_1734], %mul3A_1733 {add = true, strides = array<i32>} : memref<4096xf32, #tpu.memory_space<vmem>>, vector<16xf32>,
      %mul3A_1736 = arith.mulf %mul3A_1733, %mul3A_1733 : vector<16xf32>
      %swap3A_1737 = arith.index_cast %mul3A_1726 : i32 to index
      %swap3A_1738 = tpu.vector_load %arg16[%swap3A_1737] {strides = array<i32>} : memref<4096xf32, #tpu.memory_space<vmem>>, vector<16xf32>,
      tpu.vector_store %arg16[%swap3A_1737], %mul3A_1736 {add = true, strides = array<i32>} : memref<4096xf32, #tpu.memory_space<vmem>>, vector<16xf32>,
      %scan3A_1739 = arith.constant 0 : i32
      %scan3A_1740 = arith.constant 1 : i32
      %scan3A_1741 = arith.addi %scan3A_1719, %scan3A_1740 : i32
      %mul3A_1742 = arith.constant 16 : i32
      %mul3A_1743 = arith.muli %scan3A_1741, %mul3A_1742 : i32
      %add3A_1744 = arith.constant 4096 : i32
      %add3A_1745 = arith.addi %add3A_1744, %mul3A_1743 : i32
      %mul3A_1746 = arith.constant 16 : i32
      %mul3A_1747 = arith.muli %scan3A_1741, %mul3A_1746 : i32
      %get3A_1748 = arith.index_cast %add3A_1745 : i32 to index
      %get3A_1749 = tpu.vector_load %arg13[%get3A_1748] {strides = array<i32>} : memref<8192xi32, #tpu.memory_space<vmem>>, vector<16xi32>,
      %min3A_1750 = arith.constant 50048 : i32
      %min3A_1751 = vector.broadcast %min3A_1750 : i32 to vector<16xi32>
      %min3A_1752 = arith.minsi %get3A_1749, %min3A_1751 : vector<16xi32>
      %gather3A_1753 = tpu.vector_load_idx %arg11[%min3A_1752] : memref<50064xf32, #tpu.memory_space<vmem>>[vector<16xi32>], vector<16xf32>,
      %get3A_1754 = arith.index_cast %add3A_1745 : i32 to index
      %get3A_1755 = tpu.vector_load %arg14[%get3A_1754] {strides = array<i32>} : memref<8192xf32, #tpu.memory_space<vmem>>, vector<16xf32>,
      %mul3A_1756 = arith.mulf %gather3A_1753, %get3A_1755 : vector<16xf32>
      %swap3A_1757 = arith.index_cast %mul3A_1747 : i32 to index
      %swap3A_1758 = tpu.vector_load %arg15[%swap3A_1757] {strides = array<i32>} : memref<4096xf32, #tpu.memory_space<vmem>>, vector<16xf32>,
      tpu.vector_store %arg15[%swap3A_1757], %mul3A_1756 {add = true, strides = array<i32>} : memref<4096xf32, #tpu.memory_space<vmem>>, vector<16xf32>,
      %mul3A_1759 = arith.mulf %mul3A_1756, %mul3A_1756 : vector<16xf32>
      %swap3A_1760 = arith.index_cast %mul3A_1747 : i32 to index
      %swap3A_1761 = tpu.vector_load %arg16[%swap3A_1760] {strides = array<i32>} : memref<4096xf32, #tpu.memory_space<vmem>>, vector<16xf32>,
      tpu.vector_store %arg16[%swap3A_1760], %mul3A_1759 {add = true, strides = array<i32>} : memref<4096xf32, #tpu.memory_space<vmem>>, vector<16xf32>,
      %scan3A_1762 = arith.constant 0 : i32
      scf.yield %scan3A_1762 : i32
    }
    %scan3A_1481 = arith.constant 256 : i32
    %mul3A_1482 = arith.constant 13 : i32
    %mul3A_1483 = arith.muli %select_n3A_30, %mul3A_1482 : i32
    %add3A_1484 = arith.constant 12 : i32
    %add3A_1485 = arith.addi %mul3A_1483, %add3A_1484 : i32
    %dma_start3A_1486 = arith.constant 0 : i32
    %dma_start3A_1487 = tpu.memref_slice %arg11[%dma_start3A_1486] : memref<50064xf32, #tpu.memory_space<vmem>> -> memref<50048xf32, #tpu.memory_space<vmem>>
    %dma_start3A_1488 = arith.constant 0 : i32
    %dma_start3A_1489 = tpu.memref_slice %arg2[%add3A_1485, %select_n3A_9, %dma_start3A_1488] : memref<26x16x100000xf32, #tpu.memory_space<hbm>> -> memref<1x1x50048xf32, #tpu.memory_space<hbm>>
    %dma_start3A_1490 = tpu.memref_squeeze %dma_start3A_1489 : memref<1x1x50048xf32, #tpu.memory_space<hbm>> -> memref<50048xf32, #tpu.memory_space<hbm>>
    %dma_start3A_1491 = arith.constant 0 : i32
    %dma_start3A_1492 = tpu.memref_slice %arg11[%dma_start3A_1491] : memref<50064xf32, #tpu.memory_space<vmem>> -> memref<50048xf32, #tpu.memory_space<vmem>>
    %dma_start3A_1493 = arith.constant 0 : i32
    %dma_start3A_1494 = tpu.memref_slice %arg2[%add3A_1485, %select_n3A_9, %dma_start3A_1493] : memref<26x16x100000xf32, #tpu.memory_space<hbm>> -> memref<1x1x50048xf32, #tpu.memory_space<hbm>>
    %dma_start3A_1495 = tpu.memref_squeeze %dma_start3A_1494 : memref<1x1x50048xf32, #tpu.memory_space<hbm>> -> memref<50048xf32, #tpu.memory_space<hbm>>
    tpu.enqueue_dma source(%dma_start3A_1495 : memref<50048xf32, #tpu.memory_space<hbm>>) target(%dma_start3A_1492 : memref<50048xf32, #tpu.memory_space<vmem>>) target_semaphore(%arg18 : memref<!tpu.dma_semaphore, #tpu.memory_space<semaphore_mem>>)
    %dma_wait3A_1496 = arith.constant 128 : i32
    %dma_wait3A_1497 = tpu.memref_slice %arg12[%dma_wait3A_1496] : memref<50176xf32, #tpu.memory_space<vmem>> -> memref<49920xf32, #tpu.memory_space<vmem>>
    %dma_wait3A_1498 = arith.constant 50048 : i32
    %dma_wait3A_1499 = tpu.memref_slice %arg2[%add3A_1422, %select_n3A_9, %dma_wait3A_1498] : memref<26x16x100000xf32, #tpu.memory_space<hbm>> -> memref<1x1x49920xf32, #tpu.memory_space<hbm>>
    %dma_wait3A_1500 = tpu.memref_squeeze %dma_wait3A_1499 : memref<1x1x49920xf32, #tpu.memory_space<hbm>> -> memref<49920xf32, #tpu.memory_space<hbm>>
    %dma_wait3A_1501 = arith.constant 128 : i32
    %dma_wait3A_1502 = tpu.memref_slice %arg12[%dma_wait3A_1501] : memref<50176xf32, #tpu.memory_space<vmem>> -> memref<49920xf32, #tpu.memory_space<vmem>>
    %dma_wait3A_1503 = arith.constant 50048 : i32
    %dma_wait3A_1504 = tpu.memref_slice %arg2[%add3A_1422, %select_n3A_9, %dma_wait3A_1503] : memref<26x16x100000xf32, #tpu.memory_space<hbm>> -> memref<1x1x49920xf32, #tpu.memory_space<hbm>>
    %dma_wait3A_1505 = tpu.memref_squeeze %dma_wait3A_1504 : memref<1x1x49920xf32, #tpu.memory_space<hbm>> -> memref<49920xf32, #tpu.memory_space<hbm>>
    tpu.wait_dma2 semaphore(%arg19 : memref<!tpu.dma_semaphore, #tpu.memory_space<semaphore_mem>>) src(%dma_wait3A_1505 : memref<49920xf32, #tpu.memory_space<hbm>>) dst(%dma_wait3A_1502 : memref<49920xf32, #tpu.memory_space<vmem>>)
    %dma_wait3A_1506 = arith.constant 50048 : i32
    %dma_wait3A_1507 = tpu.memref_slice %arg12[%dma_wait3A_1506] : memref<50176xf32, #tpu.memory_space<vmem>> -> memref<128xf32, #tpu.memory_space<vmem>>
    %dma_wait3A_1508 = arith.constant 0 : i32
    %dma_wait3A_1509 = tpu.memref_slice %arg6[%add3A_1422, %select_n3A_9, %dma_wait3A_1508] : memref<26x16x128xf32, #tpu.memory_space<hbm>> -> memref<1x1x128xf32, #tpu.memory_space<hbm>>
    %dma_wait3A_1510 = tpu.memref_squeeze %dma_wait3A_1509 : memref<1x1x128xf32, #tpu.memory_space<hbm>> -> memref<128xf32, #tpu.memory_space<hbm>>
    %dma_wait3A_1511 = arith.constant 50048 : i32
    %dma_wait3A_1512 = tpu.memref_slice %arg12[%dma_wait3A_1511] : memref<50176xf32, #tpu.memory_space<vmem>> -> memref<128xf32, #tpu.memory_space<vmem>>
    %dma_wait3A_1513 = arith.constant 0 : i32
    %dma_wait3A_1514 = tpu.memref_slice %arg6[%add3A_1422, %select_n3A_9, %dma_wait3A_1513] : memref<26x16x128xf32, #tpu.memory_space<hbm>> -> memref<1x1x128xf32, #tpu.memory_space<hbm>>
    %dma_wait3A_1515 = tpu.memref_squeeze %dma_wait3A_1514 : memref<1x1x128xf32, #tpu.memory_space<hbm>> -> memref<128xf32, #tpu.memory_space<hbm>>
    tpu.wait_dma2 semaphore(%arg19 : memref<!tpu.dma_semaphore, #tpu.memory_space<semaphore_mem>>) src(%dma_wait3A_1515 : memref<128xf32, #tpu.memory_space<hbm>>) dst(%dma_wait3A_1512 : memref<128xf32, #tpu.memory_space<vmem>>)
    %scan3A_1516 = arith.constant 0 : i32
    %scan3A_1517 = arith.constant 0 : i32
    %scan3A_1518 = arith.constant 256 : i32
    %scan3A_1519 = arith.addi %scan3A_1517, %scan3A_1518 : i32
    %scan3A_1520 = arith.constant 2 : i32
    %scan3A_1521 = scf.for %scan3A_1719 = %scan3A_1517 to %scan3A_1519 step %scan3A_1520 iter_args(%scan3A_1720 = %scan3A_1516) -> (i32)  : i32 {
      %mul3A_1721 = arith.constant 16 : i32
      %mul3A_1722 = arith.muli %scan3A_1719, %mul3A_1721 : i32
      %add3A_1723 = arith.constant 4096 : i32
      %add3A_1724 = arith.addi %add3A_1723, %mul3A_1722 : i32
      %mul3A_1725 = arith.constant 16 : i32
      %mul3A_1726 = arith.muli %scan3A_1719, %mul3A_1725 : i32
      %get3A = arith.index_cast %add3A_1724 : i32 to index
      %get3A_1727 = tpu.vector_load %arg13[%get3A] {strides = array<i32>} : memref<8192xi32, #tpu.memory_space<vmem>>, vector<16xi32>,
      %sub3A_1728 = arith.constant 49920 : i32
      %sub3A_1729 = vector.broadcast %sub3A_1728 : i32 to vector<16xi32>
      %sub3A_1730 = arith.subi %get3A_1727, %sub3A_1729 : vector<16xi32>
      %max3A = arith.constant 0 : i32
      %max3A_1731 = vector.broadcast %max3A : i32 to vector<16xi32>
      %max3A_1732 = arith.maxsi %sub3A_1730, %max3A_1731 : vector<16xi32>
      %add3A_1733 = arith.constant 96 : i32
      %add3A_1734 = vector.broadcast %add3A_1733 : i32 to vector<16xi32>
      %add3A_1735 = arith.addi %sub3A_1730, %add3A_1734 : vector<16xi32>
      %ge3A = arith.constant 50048 : i32
      %ge3A_1736 = vector.broadcast %ge3A : i32 to vector<16xi32>
      %ge3A_1737 = arith.cmpi sge, %sub3A_1730, %ge3A_1736 : vector<16xi32>
      %select_n3A_1738 = arith.select %ge3A_1737, %add3A_1735, %max3A_1732 : vector<16xi1>, vector<16xi32>
      %gather3A = tpu.vector_load_idx %arg12[%select_n3A_1738] : memref<50176xf32, #tpu.memory_space<vmem>>[vector<16xi32>], vector<16xf32>,
      %get3A_1739 = arith.index_cast %add3A_1724 : i32 to index
      %get3A_1740 = tpu.vector_load %arg14[%get3A_1739] {strides = array<i32>} : memref<8192xf32, #tpu.memory_space<vmem>>, vector<16xf32>,
      %mul3A_1741 = arith.mulf %gather3A, %get3A_1740 : vector<16xf32>
      %swap3A_1742 = arith.index_cast %mul3A_1726 : i32 to index
      %swap3A_1743 = tpu.vector_load %arg15[%swap3A_1742] {strides = array<i32>} : memref<4096xf32, #tpu.memory_space<vmem>>, vector<16xf32>,
      tpu.vector_store %arg15[%swap3A_1742], %mul3A_1741 {add = true, strides = array<i32>} : memref<4096xf32, #tpu.memory_space<vmem>>, vector<16xf32>,
      %mul3A_1744 = arith.mulf %mul3A_1741, %mul3A_1741 : vector<16xf32>
      %swap3A_1745 = arith.index_cast %mul3A_1726 : i32 to index
      %swap3A_1746 = tpu.vector_load %arg16[%swap3A_1745] {strides = array<i32>} : memref<4096xf32, #tpu.memory_space<vmem>>, vector<16xf32>,
      tpu.vector_store %arg16[%swap3A_1745], %mul3A_1744 {add = true, strides = array<i32>} : memref<4096xf32, #tpu.memory_space<vmem>>, vector<16xf32>,
      %scan3A_1747 = arith.constant 0 : i32
      %scan3A_1748 = arith.constant 1 : i32
      %scan3A_1749 = arith.addi %scan3A_1719, %scan3A_1748 : i32
      %mul3A_1750 = arith.constant 16 : i32
      %mul3A_1751 = arith.muli %scan3A_1749, %mul3A_1750 : i32
      %add3A_1752 = arith.constant 4096 : i32
      %add3A_1753 = arith.addi %add3A_1752, %mul3A_1751 : i32
      %mul3A_1754 = arith.constant 16 : i32
      %mul3A_1755 = arith.muli %scan3A_1749, %mul3A_1754 : i32
      %get3A_1756 = arith.index_cast %add3A_1753 : i32 to index
      %get3A_1757 = tpu.vector_load %arg13[%get3A_1756] {strides = array<i32>} : memref<8192xi32, #tpu.memory_space<vmem>>, vector<16xi32>,
      %sub3A_1758 = arith.constant 49920 : i32
      %sub3A_1759 = vector.broadcast %sub3A_1758 : i32 to vector<16xi32>
      %sub3A_1760 = arith.subi %get3A_1757, %sub3A_1759 : vector<16xi32>
      %max3A_1761 = arith.constant 0 : i32
      %max3A_1762 = vector.broadcast %max3A_1761 : i32 to vector<16xi32>
      %max3A_1763 = arith.maxsi %sub3A_1760, %max3A_1762 : vector<16xi32>
      %add3A_1764 = arith.constant 96 : i32
      %add3A_1765 = vector.broadcast %add3A_1764 : i32 to vector<16xi32>
      %add3A_1766 = arith.addi %sub3A_1760, %add3A_1765 : vector<16xi32>
      %ge3A_1767 = arith.constant 50048 : i32
      %ge3A_1768 = vector.broadcast %ge3A_1767 : i32 to vector<16xi32>
      %ge3A_1769 = arith.cmpi sge, %sub3A_1760, %ge3A_1768 : vector<16xi32>
      %select_n3A_1770 = arith.select %ge3A_1769, %add3A_1766, %max3A_1763 : vector<16xi1>, vector<16xi32>
      %gather3A_1771 = tpu.vector_load_idx %arg12[%select_n3A_1770] : memref<50176xf32, #tpu.memory_space<vmem>>[vector<16xi32>], vector<16xf32>,
      %get3A_1772 = arith.index_cast %add3A_1753 : i32 to index
      %get3A_1773 = tpu.vector_load %arg14[%get3A_1772] {strides = array<i32>} : memref<8192xf32, #tpu.memory_space<vmem>>, vector<16xf32>,
      %mul3A_1774 = arith.mulf %gather3A_1771, %get3A_1773 : vector<16xf32>
      %swap3A_1775 = arith.index_cast %mul3A_1755 : i32 to index
      %swap3A_1776 = tpu.vector_load %arg15[%swap3A_1775] {strides = array<i32>} : memref<4096xf32, #tpu.memory_space<vmem>>, vector<16xf32>,
      tpu.vector_store %arg15[%swap3A_1775], %mul3A_1774 {add = true, strides = array<i32>} : memref<4096xf32, #tpu.memory_space<vmem>>, vector<16xf32>,
      %mul3A_1777 = arith.mulf %mul3A_1774, %mul3A_1774 : vector<16xf32>
      %swap3A_1778 = arith.index_cast %mul3A_1755 : i32 to index
      %swap3A_1779 = tpu.vector_load %arg16[%swap3A_1778] {strides = array<i32>} : memref<4096xf32, #tpu.memory_space<vmem>>, vector<16xf32>,
      tpu.vector_store %arg16[%swap3A_1778], %mul3A_1777 {add = true, strides = array<i32>} : memref<4096xf32, #tpu.memory_space<vmem>>, vector<16xf32>,
      %scan3A_1780 = arith.constant 0 : i32
      scf.yield %scan3A_1780 : i32
    }
    %scan3A_1522 = arith.constant 256 : i32
    %dma_wait3A_1523 = arith.constant 0 : i32
    %dma_wait3A_1524 = tpu.memref_slice %arg13[%dma_wait3A_1523] : memref<8192xi32, #tpu.memory_space<vmem>> -> memref<4096xi32, #tpu.memory_space<vmem>>
    %dma_wait3A_1525 = tpu.memref_slice %arg4[%mul3A_1458] : memref<106496xi32, #tpu.memory_space<hbm>> -> memref<4096xi32, #tpu.memory_space<hbm>>
    %dma_wait3A_1526 = arith.constant 0 : i32
    %dma_wait3A_1527 = tpu.memref_slice %arg13[%dma_wait3A_1526] : memref<8192xi32, #tpu.memory_space<vmem>> -> memref<4096xi32, #tpu.memory_space<vmem>>
    %dma_wait3A_1528 = tpu.memref_slice %arg4[%mul3A_1458] : memref<106496xi32, #tpu.memory_space<hbm>> -> memref<4096xi32, #tpu.memory_space<hbm>>
    tpu.wait_dma2 semaphore(%arg20 : memref<!tpu.dma_semaphore, #tpu.memory_space<semaphore_mem>>) src(%dma_wait3A_1528 : memref<4096xi32, #tpu.memory_space<hbm>>) dst(%dma_wait3A_1527 : memref<4096xi32, #tpu.memory_space<vmem>>)
    %dma_wait3A_1529 = arith.constant 0 : i32
    %dma_wait3A_1530 = tpu.memref_slice %arg14[%dma_wait3A_1529] : memref<8192xf32, #tpu.memory_space<vmem>> -> memref<4096xf32, #tpu.memory_space<vmem>>
    %dma_wait3A_1531 = arith.constant 0 : i32
    %dma_wait3A_1532 = tpu.memref_slice %arg5[%add3A_1456, %dma_wait3A_1531] : memref<26x4096xf32, #tpu.memory_space<hbm>> -> memref<1x4096xf32, #tpu.memory_space<hbm>>
    %dma_wait3A_1533 = tpu.memref_squeeze %dma_wait3A_1532 : memref<1x4096xf32, #tpu.memory_space<hbm>> -> memref<4096xf32, #tpu.memory_space<hbm>>
    %dma_wait3A_1534 = arith.constant 0 : i32
    %dma_wait3A_1535 = tpu.memref_slice %arg14[%dma_wait3A_1534] : memref<8192xf32, #tpu.memory_space<vmem>> -> memref<4096xf32, #tpu.memory_space<vmem>>
    %dma_wait3A_1536 = arith.constant 0 : i32
    %dma_wait3A_1537 = tpu.memref_slice %arg5[%add3A_1456, %dma_wait3A_1536] : memref<26x4096xf32, #tpu.memory_space<hbm>> -> memref<1x4096xf32, #tpu.memory_space<hbm>>
    %dma_wait3A_1538 = tpu.memref_squeeze %dma_wait3A_1537 : memref<1x4096xf32, #tpu.memory_space<hbm>> -> memref<4096xf32, #tpu.memory_space<hbm>>
    tpu.wait_dma2 semaphore(%arg20 : memref<!tpu.dma_semaphore, #tpu.memory_space<semaphore_mem>>) src(%dma_wait3A_1538 : memref<4096xf32, #tpu.memory_space<hbm>>) dst(%dma_wait3A_1535 : memref<4096xf32, #tpu.memory_space<vmem>>)
    %mul3A_1539 = arith.constant 13 : i32
    %mul3A_1540 = arith.muli %select_n3A_30, %mul3A_1539 : i32
    %add3A_1541 = arith.constant 12 : i32
    %add3A_1542 = arith.addi %mul3A_1540, %add3A_1541 : i32
    %dma_start3A_1543 = arith.constant 128 : i32
    %dma_start3A_1544 = tpu.memref_slice %arg12[%dma_start3A_1543] : memref<50176xf32, #tpu.memory_space<vmem>> -> memref<49920xf32, #tpu.memory_space<vmem>>
    %dma_start3A_1545 = arith.constant 50048 : i32
    %dma_start3A_1546 = tpu.memref_slice %arg2[%add3A_1542, %select_n3A_9, %dma_start3A_1545] : memref<26x16x100000xf32, #tpu.memory_space<hbm>> -> memref<1x1x49920xf32, #tpu.memory_space<hbm>>
    %dma_start3A_1547 = tpu.memref_squeeze %dma_start3A_1546 : memref<1x1x49920xf32, #tpu.memory_space<hbm>> -> memref<49920xf32, #tpu.memory_space<hbm>>
    %dma_start3A_1548 = arith.constant 128 : i32
    %dma_start3A_1549 = tpu.memref_slice %arg12[%dma_start3A_1548] : memref<50176xf32, #tpu.memory_space<vmem>> -> memref<49920xf32, #tpu.memory_space<vmem>>
    %dma_start3A_1550 = arith.constant 50048 : i32
    %dma_start3A_1551 = tpu.memref_slice %arg2[%add3A_1542, %select_n3A_9, %dma_start3A_1550] : memref<26x16x100000xf32, #tpu.memory_space<hbm>> -> memref<1x1x49920xf32, #tpu.memory_space<hbm>>
    %dma_start3A_1552 = tpu.memref_squeeze %dma_start3A_1551 : memref<1x1x49920xf32, #tpu.memory_space<hbm>> -> memref<49920xf32, #tpu.memory_space<hbm>>
    tpu.enqueue_dma source(%dma_start3A_1552 : memref<49920xf32, #tpu.memory_space<hbm>>) target(%dma_start3A_1549 : memref<49920xf32, #tpu.memory_space<vmem>>) target_semaphore(%arg19 : memref<!tpu.dma_semaphore, #tpu.memory_space<semaphore_mem>>)
    %dma_start3A_1553 = arith.constant 50048 : i32
    %dma_start3A_1554 = tpu.memref_slice %arg12[%dma_start3A_1553] : memref<50176xf32, #tpu.memory_space<vmem>> -> memref<128xf32, #tpu.memory_space<vmem>>
    %dma_start3A_1555 = arith.constant 0 : i32
    %dma_start3A_1556 = tpu.memref_slice %arg6[%add3A_1542, %select_n3A_9, %dma_start3A_1555] : memref<26x16x128xf32, #tpu.memory_space<hbm>> -> memref<1x1x128xf32, #tpu.memory_space<hbm>>
    %dma_start3A_1557 = tpu.memref_squeeze %dma_start3A_1556 : memref<1x1x128xf32, #tpu.memory_space<hbm>> -> memref<128xf32, #tpu.memory_space<hbm>>
    %dma_start3A_1558 = arith.constant 50048 : i32
    %dma_start3A_1559 = tpu.memref_slice %arg12[%dma_start3A_1558] : memref<50176xf32, #tpu.memory_space<vmem>> -> memref<128xf32, #tpu.memory_space<vmem>>
    %dma_start3A_1560 = arith.constant 0 : i32
    %dma_start3A_1561 = tpu.memref_slice %arg6[%add3A_1542, %select_n3A_9, %dma_start3A_1560] : memref<26x16x128xf32, #tpu.memory_space<hbm>> -> memref<1x1x128xf32, #tpu.memory_space<hbm>>
    %dma_start3A_1562 = tpu.memref_squeeze %dma_start3A_1561 : memref<1x1x128xf32, #tpu.memory_space<hbm>> -> memref<128xf32, #tpu.memory_space<hbm>>
    tpu.enqueue_dma source(%dma_start3A_1562 : memref<128xf32, #tpu.memory_space<hbm>>) target(%dma_start3A_1559 : memref<128xf32, #tpu.memory_space<vmem>>) target_semaphore(%arg19 : memref<!tpu.dma_semaphore, #tpu.memory_space<semaphore_mem>>)
    %dma_wait3A_1563 = arith.constant 0 : i32
    %dma_wait3A_1564 = tpu.memref_slice %arg11[%dma_wait3A_1563] : memref<50064xf32, #tpu.memory_space<vmem>> -> memref<50048xf32, #tpu.memory_space<vmem>>
    %dma_wait3A_1565 = arith.constant 0 : i32
    %dma_wait3A_1566 = tpu.memref_slice %arg2[%add3A_1485, %select_n3A_9, %dma_wait3A_1565] : memref<26x16x100000xf32, #tpu.memory_space<hbm>> -> memref<1x1x50048xf32, #tpu.memory_space<hbm>>
    %dma_wait3A_1567 = tpu.memref_squeeze %dma_wait3A_1566 : memref<1x1x50048xf32, #tpu.memory_space<hbm>> -> memref<50048xf32, #tpu.memory_space<hbm>>
    %dma_wait3A_1568 = arith.constant 0 : i32
    %dma_wait3A_1569 = tpu.memref_slice %arg11[%dma_wait3A_1568] : memref<50064xf32, #tpu.memory_space<vmem>> -> memref<50048xf32, #tpu.memory_space<vmem>>
    %dma_wait3A_1570 = arith.constant 0 : i32
    %dma_wait3A_1571 = tpu.memref_slice %arg2[%add3A_1485, %select_n3A_9, %dma_wait3A_1570] : memref<26x16x100000xf32, #tpu.memory_space<hbm>> -> memref<1x1x50048xf32, #tpu.memory_space<hbm>>
    %dma_wait3A_1572 = tpu.memref_squeeze %dma_wait3A_1571 : memref<1x1x50048xf32, #tpu.memory_space<hbm>> -> memref<50048xf32, #tpu.memory_space<hbm>>
    tpu.wait_dma2 semaphore(%arg18 : memref<!tpu.dma_semaphore, #tpu.memory_space<semaphore_mem>>) src(%dma_wait3A_1572 : memref<50048xf32, #tpu.memory_space<hbm>>) dst(%dma_wait3A_1569 : memref<50048xf32, #tpu.memory_space<vmem>>)
    %mul3A_1573 = arith.constant 4096 : i32
    %mul3A_1574 = arith.muli %min3A_31, %mul3A_1573 : i32
    %dma_start3A_1575 = arith.constant 4096 : i32
    %dma_start3A_1576 = tpu.memref_slice %arg13[%dma_start3A_1575] : memref<8192xi32, #tpu.memory_space<vmem>> -> memref<4096xi32, #tpu.memory_space<vmem>>
    %dma_start3A_1577 = tpu.memref_slice %arg4[%mul3A_1574] : memref<106496xi32, #tpu.memory_space<hbm>> -> memref<4096xi32, #tpu.memory_space<hbm>>
    %dma_start3A_1578 = arith.constant 4096 : i32
    %dma_start3A_1579 = tpu.memref_slice %arg13[%dma_start3A_1578] : memref<8192xi32, #tpu.memory_space<vmem>> -> memref<4096xi32, #tpu.memory_space<vmem>>
    %dma_start3A_1580 = tpu.memref_slice %arg4[%mul3A_1574] : memref<106496xi32, #tpu.memory_space<hbm>> -> memref<4096xi32, #tpu.memory_space<hbm>>
    tpu.enqueue_dma source(%dma_start3A_1580 : memref<4096xi32, #tpu.memory_space<hbm>>) target(%dma_start3A_1579 : memref<4096xi32, #tpu.memory_space<vmem>>) target_semaphore(%arg20 : memref<!tpu.dma_semaphore, #tpu.memory_space<semaphore_mem>>)
    %dma_start3A_1581 = arith.constant 4096 : i32
    %dma_start3A_1582 = tpu.memref_slice %arg14[%dma_start3A_1581] : memref<8192xf32, #tpu.memory_space<vmem>> -> memref<4096xf32, #tpu.memory_space<vmem>>
    %dma_start3A_1583 = arith.constant 0 : i32
    %dma_start3A_1584 = tpu.memref_slice %arg5[%min3A_31, %dma_start3A_1583] : memref<26x4096xf32, #tpu.memory_space<hbm>> -> memref<1x4096xf32, #tpu.memory_space<hbm>>
    %dma_start3A_1585 = tpu.memref_squeeze %dma_start3A_1584 : memref<1x4096xf32, #tpu.memory_space<hbm>> -> memref<4096xf32, #tpu.memory_space<hbm>>
    %dma_start3A_1586 = arith.constant 4096 : i32
    %dma_start3A_1587 = tpu.memref_slice %arg14[%dma_start3A_1586] : memref<8192xf32, #tpu.memory_space<vmem>> -> memref<4096xf32, #tpu.memory_space<vmem>>
    %dma_start3A_1588 = arith.constant 0 : i32
    %dma_start3A_1589 = tpu.memref_slice %arg5[%min3A_31, %dma_start3A_1588] : memref<26x4096xf32, #tpu.memory_space<hbm>> -> memref<1x4096xf32, #tpu.memory_space<hbm>>
    %dma_start3A_1590 = tpu.memref_squeeze %dma_start3A_1589 : memref<1x4096xf32, #tpu.memory_space<hbm>> -> memref<4096xf32, #tpu.memory_space<hbm>>
    tpu.enqueue_dma source(%dma_start3A_1590 : memref<4096xf32, #tpu.memory_space<hbm>>) target(%dma_start3A_1587 : memref<4096xf32, #tpu.memory_space<vmem>>) target_semaphore(%arg20 : memref<!tpu.dma_semaphore, #tpu.memory_space<semaphore_mem>>)
    %scan3A_1591 = arith.constant 0 : i32
    %scan3A_1592 = arith.constant 0 : i32
    %scan3A_1593 = arith.constant 256 : i32
    %scan3A_1594 = arith.addi %scan3A_1592, %scan3A_1593 : i32
    %scan3A_1595 = arith.constant 2 : i32
    %scan3A_1596 = scf.for %scan3A_1719 = %scan3A_1592 to %scan3A_1594 step %scan3A_1595 iter_args(%scan3A_1720 = %scan3A_1591) -> (i32)  : i32 {
      %mul3A_1721 = arith.constant 16 : i32
      %mul3A_1722 = arith.muli %scan3A_1719, %mul3A_1721 : i32
      %add3A_1723 = arith.constant 0 : i32
      %add3A_1724 = arith.addi %add3A_1723, %mul3A_1722 : i32
      %mul3A_1725 = arith.constant 16 : i32
      %mul3A_1726 = arith.muli %scan3A_1719, %mul3A_1725 : i32
      %get3A = arith.index_cast %add3A_1724 : i32 to index
      %get3A_1727 = tpu.vector_load %arg13[%get3A] {strides = array<i32>} : memref<8192xi32, #tpu.memory_space<vmem>>, vector<16xi32>,
      %min3A_1728 = arith.constant 50048 : i32
      %min3A_1729 = vector.broadcast %min3A_1728 : i32 to vector<16xi32>
      %min3A_1730 = arith.minsi %get3A_1727, %min3A_1729 : vector<16xi32>
      %gather3A = tpu.vector_load_idx %arg11[%min3A_1730] : memref<50064xf32, #tpu.memory_space<vmem>>[vector<16xi32>], vector<16xf32>,
      %get3A_1731 = arith.index_cast %add3A_1724 : i32 to index
      %get3A_1732 = tpu.vector_load %arg14[%get3A_1731] {strides = array<i32>} : memref<8192xf32, #tpu.memory_space<vmem>>, vector<16xf32>,
      %mul3A_1733 = arith.mulf %gather3A, %get3A_1732 : vector<16xf32>
      %swap3A_1734 = arith.index_cast %mul3A_1726 : i32 to index
      %swap3A_1735 = tpu.vector_load %arg15[%swap3A_1734] {strides = array<i32>} : memref<4096xf32, #tpu.memory_space<vmem>>, vector<16xf32>,
      tpu.vector_store %arg15[%swap3A_1734], %mul3A_1733 {add = true, strides = array<i32>} : memref<4096xf32, #tpu.memory_space<vmem>>, vector<16xf32>,
      %mul3A_1736 = arith.mulf %mul3A_1733, %mul3A_1733 : vector<16xf32>
      %swap3A_1737 = arith.index_cast %mul3A_1726 : i32 to index
      %swap3A_1738 = tpu.vector_load %arg16[%swap3A_1737] {strides = array<i32>} : memref<4096xf32, #tpu.memory_space<vmem>>, vector<16xf32>,
      tpu.vector_store %arg16[%swap3A_1737], %mul3A_1736 {add = true, strides = array<i32>} : memref<4096xf32, #tpu.memory_space<vmem>>, vector<16xf32>,
      %scan3A_1739 = arith.constant 0 : i32
      %scan3A_1740 = arith.constant 1 : i32
      %scan3A_1741 = arith.addi %scan3A_1719, %scan3A_1740 : i32
      %mul3A_1742 = arith.constant 16 : i32
      %mul3A_1743 = arith.muli %scan3A_1741, %mul3A_1742 : i32
      %add3A_1744 = arith.constant 0 : i32
      %add3A_1745 = arith.addi %add3A_1744, %mul3A_1743 : i32
      %mul3A_1746 = arith.constant 16 : i32
      %mul3A_1747 = arith.muli %scan3A_1741, %mul3A_1746 : i32
      %get3A_1748 = arith.index_cast %add3A_1745 : i32 to index
      %get3A_1749 = tpu.vector_load %arg13[%get3A_1748] {strides = array<i32>} : memref<8192xi32, #tpu.memory_space<vmem>>, vector<16xi32>,
      %min3A_1750 = arith.constant 50048 : i32
      %min3A_1751 = vector.broadcast %min3A_1750 : i32 to vector<16xi32>
      %min3A_1752 = arith.minsi %get3A_1749, %min3A_1751 : vector<16xi32>
      %gather3A_1753 = tpu.vector_load_idx %arg11[%min3A_1752] : memref<50064xf32, #tpu.memory_space<vmem>>[vector<16xi32>], vector<16xf32>,
      %get3A_1754 = arith.index_cast %add3A_1745 : i32 to index
      %get3A_1755 = tpu.vector_load %arg14[%get3A_1754] {strides = array<i32>} : memref<8192xf32, #tpu.memory_space<vmem>>, vector<16xf32>,
      %mul3A_1756 = arith.mulf %gather3A_1753, %get3A_1755 : vector<16xf32>
      %swap3A_1757 = arith.index_cast %mul3A_1747 : i32 to index
      %swap3A_1758 = tpu.vector_load %arg15[%swap3A_1757] {strides = array<i32>} : memref<4096xf32, #tpu.memory_space<vmem>>, vector<16xf32>,
      tpu.vector_store %arg15[%swap3A_1757], %mul3A_1756 {add = true, strides = array<i32>} : memref<4096xf32, #tpu.memory_space<vmem>>, vector<16xf32>,
      %mul3A_1759 = arith.mulf %mul3A_1756, %mul3A_1756 : vector<16xf32>
      %swap3A_1760 = arith.index_cast %mul3A_1747 : i32 to index
      %swap3A_1761 = tpu.vector_load %arg16[%swap3A_1760] {strides = array<i32>} : memref<4096xf32, #tpu.memory_space<vmem>>, vector<16xf32>,
      tpu.vector_store %arg16[%swap3A_1760], %mul3A_1759 {add = true, strides = array<i32>} : memref<4096xf32, #tpu.memory_space<vmem>>, vector<16xf32>,
      %scan3A_1762 = arith.constant 0 : i32
      scf.yield %scan3A_1762 : i32
    }
    %scan3A_1597 = arith.constant 256 : i32
    %dma_start3A_1598 = arith.constant 0 : i32
    %dma_start3A_1599 = tpu.memref_slice %arg11[%dma_start3A_1598] : memref<50064xf32, #tpu.memory_space<vmem>> -> memref<50048xf32, #tpu.memory_space<vmem>>
    %dma_start3A_1600 = arith.constant 0 : i32
    %dma_start3A_1601 = tpu.memref_slice %arg3[%min3A_31, %dma_start3A_1600] : memref<26x100000xf32, #tpu.memory_space<hbm>> -> memref<1x50048xf32, #tpu.memory_space<hbm>>
    %dma_start3A_1602 = tpu.memref_squeeze %dma_start3A_1601 : memref<1x50048xf32, #tpu.memory_space<hbm>> -> memref<50048xf32, #tpu.memory_space<hbm>>
    %dma_start3A_1603 = arith.constant 0 : i32
    %dma_start3A_1604 = tpu.memref_slice %arg11[%dma_start3A_1603] : memref<50064xf32, #tpu.memory_space<vmem>> -> memref<50048xf32, #tpu.memory_space<vmem>>
    %dma_start3A_1605 = arith.constant 0 : i32
    %dma_start3A_1606 = tpu.memref_slice %arg3[%min3A_31, %dma_start3A_1605] : memref<26x100000xf32, #tpu.memory_space<hbm>> -> memref<1x50048xf32, #tpu.memory_space<hbm>>
    %dma_start3A_1607 = tpu.memref_squeeze %dma_start3A_1606 : memref<1x50048xf32, #tpu.memory_space<hbm>> -> memref<50048xf32, #tpu.memory_space<hbm>>
    tpu.enqueue_dma source(%dma_start3A_1607 : memref<50048xf32, #tpu.memory_space<hbm>>) target(%dma_start3A_1604 : memref<50048xf32, #tpu.memory_space<vmem>>) target_semaphore(%arg18 : memref<!tpu.dma_semaphore, #tpu.memory_space<semaphore_mem>>)
    %dma_wait3A_1608 = arith.constant 128 : i32
    %dma_wait3A_1609 = tpu.memref_slice %arg12[%dma_wait3A_1608] : memref<50176xf32, #tpu.memory_space<vmem>> -> memref<49920xf32, #tpu.memory_space<vmem>>
    %dma_wait3A_1610 = arith.constant 50048 : i32
    %dma_wait3A_1611 = tpu.memref_slice %arg2[%add3A_1542, %select_n3A_9, %dma_wait3A_1610] : memref<26x16x100000xf32, #tpu.memory_space<hbm>> -> memref<1x1x49920xf32, #tpu.memory_space<hbm>>
    %dma_wait3A_1612 = tpu.memref_squeeze %dma_wait3A_1611 : memref<1x1x49920xf32, #tpu.memory_space<hbm>> -> memref<49920xf32, #tpu.memory_space<hbm>>
    %dma_wait3A_1613 = arith.constant 128 : i32
    %dma_wait3A_1614 = tpu.memref_slice %arg12[%dma_wait3A_1613] : memref<50176xf32, #tpu.memory_space<vmem>> -> memref<49920xf32, #tpu.memory_space<vmem>>
    %dma_wait3A_1615 = arith.constant 50048 : i32
    %dma_wait3A_1616 = tpu.memref_slice %arg2[%add3A_1542, %select_n3A_9, %dma_wait3A_1615] : memref<26x16x100000xf32, #tpu.memory_space<hbm>> -> memref<1x1x49920xf32, #tpu.memory_space<hbm>>
    %dma_wait3A_1617 = tpu.memref_squeeze %dma_wait3A_1616 : memref<1x1x49920xf32, #tpu.memory_space<hbm>> -> memref<49920xf32, #tpu.memory_space<hbm>>
    tpu.wait_dma2 semaphore(%arg19 : memref<!tpu.dma_semaphore, #tpu.memory_space<semaphore_mem>>) src(%dma_wait3A_1617 : memref<49920xf32, #tpu.memory_space<hbm>>) dst(%dma_wait3A_1614 : memref<49920xf32, #tpu.memory_space<vmem>>)
    %dma_wait3A_1618 = arith.constant 50048 : i32
    %dma_wait3A_1619 = tpu.memref_slice %arg12[%dma_wait3A_1618] : memref<50176xf32, #tpu.memory_space<vmem>> -> memref<128xf32, #tpu.memory_space<vmem>>
    %dma_wait3A_1620 = arith.constant 0 : i32
    %dma_wait3A_1621 = tpu.memref_slice %arg6[%add3A_1542, %select_n3A_9, %dma_wait3A_1620] : memref<26x16x128xf32, #tpu.memory_space<hbm>> -> memref<1x1x128xf32, #tpu.memory_space<hbm>>
    %dma_wait3A_1622 = tpu.memref_squeeze %dma_wait3A_1621 : memref<1x1x128xf32, #tpu.memory_space<hbm>> -> memref<128xf32, #tpu.memory_space<hbm>>
    %dma_wait3A_1623 = arith.constant 50048 : i32
    %dma_wait3A_1624 = tpu.memref_slice %arg12[%dma_wait3A_1623] : memref<50176xf32, #tpu.memory_space<vmem>> -> memref<128xf32, #tpu.memory_space<vmem>>
    %dma_wait3A_1625 = arith.constant 0 : i32
    %dma_wait3A_1626 = tpu.memref_slice %arg6[%add3A_1542, %select_n3A_9, %dma_wait3A_1625] : memref<26x16x128xf32, #tpu.memory_space<hbm>> -> memref<1x1x128xf32, #tpu.memory_space<hbm>>
    %dma_wait3A_1627 = tpu.memref_squeeze %dma_wait3A_1626 : memref<1x1x128xf32, #tpu.memory_space<hbm>> -> memref<128xf32, #tpu.memory_space<hbm>>
    tpu.wait_dma2 semaphore(%arg19 : memref<!tpu.dma_semaphore, #tpu.memory_space<semaphore_mem>>) src(%dma_wait3A_1627 : memref<128xf32, #tpu.memory_space<hbm>>) dst(%dma_wait3A_1624 : memref<128xf32, #tpu.memory_space<vmem>>)
    %scan3A_1628 = arith.constant 0 : i32
    %scan3A_1629 = arith.constant 0 : i32
    %scan3A_1630 = arith.constant 256 : i32
    %scan3A_1631 = arith.addi %scan3A_1629, %scan3A_1630 : i32
    %scan3A_1632 = arith.constant 2 : i32
    %scan3A_1633 = scf.for %scan3A_1719 = %scan3A_1629 to %scan3A_1631 step %scan3A_1632 iter_args(%scan3A_1720 = %scan3A_1628) -> (i32)  : i32 {
      %mul3A_1721 = arith.constant 16 : i32
      %mul3A_1722 = arith.muli %scan3A_1719, %mul3A_1721 : i32
      %add3A_1723 = arith.constant 0 : i32
      %add3A_1724 = arith.addi %add3A_1723, %mul3A_1722 : i32
      %mul3A_1725 = arith.constant 16 : i32
      %mul3A_1726 = arith.muli %scan3A_1719, %mul3A_1725 : i32
      %get3A = arith.index_cast %add3A_1724 : i32 to index
      %get3A_1727 = tpu.vector_load %arg13[%get3A] {strides = array<i32>} : memref<8192xi32, #tpu.memory_space<vmem>>, vector<16xi32>,
      %sub3A_1728 = arith.constant 49920 : i32
      %sub3A_1729 = vector.broadcast %sub3A_1728 : i32 to vector<16xi32>
      %sub3A_1730 = arith.subi %get3A_1727, %sub3A_1729 : vector<16xi32>
      %max3A = arith.constant 0 : i32
      %max3A_1731 = vector.broadcast %max3A : i32 to vector<16xi32>
      %max3A_1732 = arith.maxsi %sub3A_1730, %max3A_1731 : vector<16xi32>
      %add3A_1733 = arith.constant 96 : i32
      %add3A_1734 = vector.broadcast %add3A_1733 : i32 to vector<16xi32>
      %add3A_1735 = arith.addi %sub3A_1730, %add3A_1734 : vector<16xi32>
      %ge3A = arith.constant 50048 : i32
      %ge3A_1736 = vector.broadcast %ge3A : i32 to vector<16xi32>
      %ge3A_1737 = arith.cmpi sge, %sub3A_1730, %ge3A_1736 : vector<16xi32>
      %select_n3A_1738 = arith.select %ge3A_1737, %add3A_1735, %max3A_1732 : vector<16xi1>, vector<16xi32>
      %gather3A = tpu.vector_load_idx %arg12[%select_n3A_1738] : memref<50176xf32, #tpu.memory_space<vmem>>[vector<16xi32>], vector<16xf32>,
      %get3A_1739 = arith.index_cast %add3A_1724 : i32 to index
      %get3A_1740 = tpu.vector_load %arg14[%get3A_1739] {strides = array<i32>} : memref<8192xf32, #tpu.memory_space<vmem>>, vector<16xf32>,
      %mul3A_1741 = arith.mulf %gather3A, %get3A_1740 : vector<16xf32>
      %swap3A_1742 = arith.index_cast %mul3A_1726 : i32 to index
      %swap3A_1743 = tpu.vector_load %arg15[%swap3A_1742] {strides = array<i32>} : memref<4096xf32, #tpu.memory_space<vmem>>, vector<16xf32>,
      tpu.vector_store %arg15[%swap3A_1742], %mul3A_1741 {add = true, strides = array<i32>} : memref<4096xf32, #tpu.memory_space<vmem>>, vector<16xf32>,
      %mul3A_1744 = arith.mulf %mul3A_1741, %mul3A_1741 : vector<16xf32>
      %swap3A_1745 = arith.index_cast %mul3A_1726 : i32 to index
      %swap3A_1746 = tpu.vector_load %arg16[%swap3A_1745] {strides = array<i32>} : memref<4096xf32, #tpu.memory_space<vmem>>, vector<16xf32>,
      tpu.vector_store %arg16[%swap3A_1745], %mul3A_1744 {add = true, strides = array<i32>} : memref<4096xf32, #tpu.memory_space<vmem>>, vector<16xf32>,
      %scan3A_1747 = arith.constant 0 : i32
      %scan3A_1748 = arith.constant 1 : i32
      %scan3A_1749 = arith.addi %scan3A_1719, %scan3A_1748 : i32
      %mul3A_1750 = arith.constant 16 : i32
      %mul3A_1751 = arith.muli %scan3A_1749, %mul3A_1750 : i32
      %add3A_1752 = arith.constant 0 : i32
      %add3A_1753 = arith.addi %add3A_1752, %mul3A_1751 : i32
      %mul3A_1754 = arith.constant 16 : i32
      %mul3A_1755 = arith.muli %scan3A_1749, %mul3A_1754 : i32
      %get3A_1756 = arith.index_cast %add3A_1753 : i32 to index
      %get3A_1757 = tpu.vector_load %arg13[%get3A_1756] {strides = array<i32>} : memref<8192xi32, #tpu.memory_space<vmem>>, vector<16xi32>,
      %sub3A_1758 = arith.constant 49920 : i32
      %sub3A_1759 = vector.broadcast %sub3A_1758 : i32 to vector<16xi32>
      %sub3A_1760 = arith.subi %get3A_1757, %sub3A_1759 : vector<16xi32>
      %max3A_1761 = arith.constant 0 : i32
      %max3A_1762 = vector.broadcast %max3A_1761 : i32 to vector<16xi32>
      %max3A_1763 = arith.maxsi %sub3A_1760, %max3A_1762 : vector<16xi32>
      %add3A_1764 = arith.constant 96 : i32
      %add3A_1765 = vector.broadcast %add3A_1764 : i32 to vector<16xi32>
      %add3A_1766 = arith.addi %sub3A_1760, %add3A_1765 : vector<16xi32>
      %ge3A_1767 = arith.constant 50048 : i32
      %ge3A_1768 = vector.broadcast %ge3A_1767 : i32 to vector<16xi32>
      %ge3A_1769 = arith.cmpi sge, %sub3A_1760, %ge3A_1768 : vector<16xi32>
      %select_n3A_1770 = arith.select %ge3A_1769, %add3A_1766, %max3A_1763 : vector<16xi1>, vector<16xi32>
      %gather3A_1771 = tpu.vector_load_idx %arg12[%select_n3A_1770] : memref<50176xf32, #tpu.memory_space<vmem>>[vector<16xi32>], vector<16xf32>,
      %get3A_1772 = arith.index_cast %add3A_1753 : i32 to index
      %get3A_1773 = tpu.vector_load %arg14[%get3A_1772] {strides = array<i32>} : memref<8192xf32, #tpu.memory_space<vmem>>, vector<16xf32>,
      %mul3A_1774 = arith.mulf %gather3A_1771, %get3A_1773 : vector<16xf32>
      %swap3A_1775 = arith.index_cast %mul3A_1755 : i32 to index
      %swap3A_1776 = tpu.vector_load %arg15[%swap3A_1775] {strides = array<i32>} : memref<4096xf32, #tpu.memory_space<vmem>>, vector<16xf32>,
      tpu.vector_store %arg15[%swap3A_1775], %mul3A_1774 {add = true, strides = array<i32>} : memref<4096xf32, #tpu.memory_space<vmem>>, vector<16xf32>,
      %mul3A_1777 = arith.mulf %mul3A_1774, %mul3A_1774 : vector<16xf32>
      %swap3A_1778 = arith.index_cast %mul3A_1755 : i32 to index
      %swap3A_1779 = tpu.vector_load %arg16[%swap3A_1778] {strides = array<i32>} : memref<4096xf32, #tpu.memory_space<vmem>>, vector<16xf32>,
      tpu.vector_store %arg16[%swap3A_1778], %mul3A_1777 {add = true, strides = array<i32>} : memref<4096xf32, #tpu.memory_space<vmem>>, vector<16xf32>,
      %scan3A_1780 = arith.constant 0 : i32
      scf.yield %scan3A_1780 : i32
    }
    %scan3A_1634 = arith.constant 256 : i32
    %dma_wait3A_1635 = arith.constant 4096 : i32
    %dma_wait3A_1636 = tpu.memref_slice %arg13[%dma_wait3A_1635] : memref<8192xi32, #tpu.memory_space<vmem>> -> memref<4096xi32, #tpu.memory_space<vmem>>
    %dma_wait3A_1637 = tpu.memref_slice %arg4[%mul3A_1574] : memref<106496xi32, #tpu.memory_space<hbm>> -> memref<4096xi32, #tpu.memory_space<hbm>>
    %dma_wait3A_1638 = arith.constant 4096 : i32
    %dma_wait3A_1639 = tpu.memref_slice %arg13[%dma_wait3A_1638] : memref<8192xi32, #tpu.memory_space<vmem>> -> memref<4096xi32, #tpu.memory_space<vmem>>
    %dma_wait3A_1640 = tpu.memref_slice %arg4[%mul3A_1574] : memref<106496xi32, #tpu.memory_space<hbm>> -> memref<4096xi32, #tpu.memory_space<hbm>>
    tpu.wait_dma2 semaphore(%arg20 : memref<!tpu.dma_semaphore, #tpu.memory_space<semaphore_mem>>) src(%dma_wait3A_1640 : memref<4096xi32, #tpu.memory_space<hbm>>) dst(%dma_wait3A_1639 : memref<4096xi32, #tpu.memory_space<vmem>>)
    %dma_wait3A_1641 = arith.constant 4096 : i32
    %dma_wait3A_1642 = tpu.memref_slice %arg14[%dma_wait3A_1641] : memref<8192xf32, #tpu.memory_space<vmem>> -> memref<4096xf32, #tpu.memory_space<vmem>>
    %dma_wait3A_1643 = arith.constant 0 : i32
    %dma_wait3A_1644 = tpu.memref_slice %arg5[%min3A_31, %dma_wait3A_1643] : memref<26x4096xf32, #tpu.memory_space<hbm>> -> memref<1x4096xf32, #tpu.memory_space<hbm>>
    %dma_wait3A_1645 = tpu.memref_squeeze %dma_wait3A_1644 : memref<1x4096xf32, #tpu.memory_space<hbm>> -> memref<4096xf32, #tpu.memory_space<hbm>>
    %dma_wait3A_1646 = arith.constant 4096 : i32
    %dma_wait3A_1647 = tpu.memref_slice %arg14[%dma_wait3A_1646] : memref<8192xf32, #tpu.memory_space<vmem>> -> memref<4096xf32, #tpu.memory_space<vmem>>
    %dma_wait3A_1648 = arith.constant 0 : i32
    %dma_wait3A_1649 = tpu.memref_slice %arg5[%min3A_31, %dma_wait3A_1648] : memref<26x4096xf32, #tpu.memory_space<hbm>> -> memref<1x4096xf32, #tpu.memory_space<hbm>>
    %dma_wait3A_1650 = tpu.memref_squeeze %dma_wait3A_1649 : memref<1x4096xf32, #tpu.memory_space<hbm>> -> memref<4096xf32, #tpu.memory_space<hbm>>
    tpu.wait_dma2 semaphore(%arg20 : memref<!tpu.dma_semaphore, #tpu.memory_space<semaphore_mem>>) src(%dma_wait3A_1650 : memref<4096xf32, #tpu.memory_space<hbm>>) dst(%dma_wait3A_1647 : memref<4096xf32, #tpu.memory_space<vmem>>)
    %dma_start3A_1651 = arith.constant 128 : i32
    %dma_start3A_1652 = tpu.memref_slice %arg12[%dma_start3A_1651] : memref<50176xf32, #tpu.memory_space<vmem>> -> memref<49920xf32, #tpu.memory_space<vmem>>
    %dma_start3A_1653 = arith.constant 50048 : i32
    %dma_start3A_1654 = tpu.memref_slice %arg3[%min3A_31, %dma_start3A_1653] : memref<26x100000xf32, #tpu.memory_space<hbm>> -> memref<1x49920xf32, #tpu.memory_space<hbm>>
    %dma_start3A_1655 = tpu.memref_squeeze %dma_start3A_1654 : memref<1x49920xf32, #tpu.memory_space<hbm>> -> memref<49920xf32, #tpu.memory_space<hbm>>
    %dma_start3A_1656 = arith.constant 128 : i32
    %dma_start3A_1657 = tpu.memref_slice %arg12[%dma_start3A_1656] : memref<50176xf32, #tpu.memory_space<vmem>> -> memref<49920xf32, #tpu.memory_space<vmem>>
    %dma_start3A_1658 = arith.constant 50048 : i32
    %dma_start3A_1659 = tpu.memref_slice %arg3[%min3A_31, %dma_start3A_1658] : memref<26x100000xf32, #tpu.memory_space<hbm>> -> memref<1x49920xf32, #tpu.memory_space<hbm>>
    %dma_start3A_1660 = tpu.memref_squeeze %dma_start3A_1659 : memref<1x49920xf32, #tpu.memory_space<hbm>> -> memref<49920xf32, #tpu.memory_space<hbm>>
    tpu.enqueue_dma source(%dma_start3A_1660 : memref<49920xf32, #tpu.memory_space<hbm>>) target(%dma_start3A_1657 : memref<49920xf32, #tpu.memory_space<vmem>>) target_semaphore(%arg19 : memref<!tpu.dma_semaphore, #tpu.memory_space<semaphore_mem>>)
    %dma_start3A_1661 = arith.constant 50048 : i32
    %dma_start3A_1662 = tpu.memref_slice %arg12[%dma_start3A_1661] : memref<50176xf32, #tpu.memory_space<vmem>> -> memref<128xf32, #tpu.memory_space<vmem>>
    %dma_start3A_1663 = arith.constant 0 : i32
    %dma_start3A_1664 = tpu.memref_slice %arg7[%min3A_31, %dma_start3A_1663] : memref<26x128xf32, #tpu.memory_space<hbm>> -> memref<1x128xf32, #tpu.memory_space<hbm>>
    %dma_start3A_1665 = tpu.memref_squeeze %dma_start3A_1664 : memref<1x128xf32, #tpu.memory_space<hbm>> -> memref<128xf32, #tpu.memory_space<hbm>>
    %dma_start3A_1666 = arith.constant 50048 : i32
    %dma_start3A_1667 = tpu.memref_slice %arg12[%dma_start3A_1666] : memref<50176xf32, #tpu.memory_space<vmem>> -> memref<128xf32, #tpu.memory_space<vmem>>
    %dma_start3A_1668 = arith.constant 0 : i32
    %dma_start3A_1669 = tpu.memref_slice %arg7[%min3A_31, %dma_start3A_1668] : memref<26x128xf32, #tpu.memory_space<hbm>> -> memref<1x128xf32, #tpu.memory_space<hbm>>
    %dma_start3A_1670 = tpu.memref_squeeze %dma_start3A_1669 : memref<1x128xf32, #tpu.memory_space<hbm>> -> memref<128xf32, #tpu.memory_space<hbm>>
    tpu.enqueue_dma source(%dma_start3A_1670 : memref<128xf32, #tpu.memory_space<hbm>>) target(%dma_start3A_1667 : memref<128xf32, #tpu.memory_space<vmem>>) target_semaphore(%arg19 : memref<!tpu.dma_semaphore, #tpu.memory_space<semaphore_mem>>)
    %dma_wait3A_1671 = arith.constant 0 : i32
    %dma_wait3A_1672 = tpu.memref_slice %arg11[%dma_wait3A_1671] : memref<50064xf32, #tpu.memory_space<vmem>> -> memref<50048xf32, #tpu.memory_space<vmem>>
    %dma_wait3A_1673 = arith.constant 0 : i32
    %dma_wait3A_1674 = tpu.memref_slice %arg3[%min3A_31, %dma_wait3A_1673] : memref<26x100000xf32, #tpu.memory_space<hbm>> -> memref<1x50048xf32, #tpu.memory_space<hbm>>
    %dma_wait3A_1675 = tpu.memref_squeeze %dma_wait3A_1674 : memref<1x50048xf32, #tpu.memory_space<hbm>> -> memref<50048xf32, #tpu.memory_space<hbm>>
    %dma_wait3A_1676 = arith.constant 0 : i32
    %dma_wait3A_1677 = tpu.memref_slice %arg11[%dma_wait3A_1676] : memref<50064xf32, #tpu.memory_space<vmem>> -> memref<50048xf32, #tpu.memory_space<vmem>>
    %dma_wait3A_1678 = arith.constant 0 : i32
    %dma_wait3A_1679 = tpu.memref_slice %arg3[%min3A_31, %dma_wait3A_1678] : memref<26x100000xf32, #tpu.memory_space<hbm>> -> memref<1x50048xf32, #tpu.memory_space<hbm>>
    %dma_wait3A_1680 = tpu.memref_squeeze %dma_wait3A_1679 : memref<1x50048xf32, #tpu.memory_space<hbm>> -> memref<50048xf32, #tpu.memory_space<hbm>>
    tpu.wait_dma2 semaphore(%arg18 : memref<!tpu.dma_semaphore, #tpu.memory_space<semaphore_mem>>) src(%dma_wait3A_1680 : memref<50048xf32, #tpu.memory_space<hbm>>) dst(%dma_wait3A_1677 : memref<50048xf32, #tpu.memory_space<vmem>>)
    %scan3A_1681 = arith.constant 0 : i32
    %scan3A_1682 = arith.constant 0 : i32
    %scan3A_1683 = arith.constant 256 : i32
    %scan3A_1684 = arith.addi %scan3A_1682, %scan3A_1683 : i32
    %scan3A_1685 = arith.constant 2 : i32
    %scan3A_1686 = scf.for %scan3A_1719 = %scan3A_1682 to %scan3A_1684 step %scan3A_1685 iter_args(%scan3A_1720 = %scan3A_1681) -> (i32)  : i32 {
      %mul3A_1721 = arith.constant 16 : i32
      %mul3A_1722 = arith.muli %scan3A_1719, %mul3A_1721 : i32
      %add3A_1723 = arith.constant 4096 : i32
      %add3A_1724 = arith.addi %add3A_1723, %mul3A_1722 : i32
      %mul3A_1725 = arith.constant 16 : i32
      %mul3A_1726 = arith.muli %scan3A_1719, %mul3A_1725 : i32
      %get3A = arith.index_cast %add3A_1724 : i32 to index
      %get3A_1727 = tpu.vector_load %arg13[%get3A] {strides = array<i32>} : memref<8192xi32, #tpu.memory_space<vmem>>, vector<16xi32>,
      %min3A_1728 = arith.constant 50048 : i32
      %min3A_1729 = vector.broadcast %min3A_1728 : i32 to vector<16xi32>
      %min3A_1730 = arith.minsi %get3A_1727, %min3A_1729 : vector<16xi32>
      %gather3A = tpu.vector_load_idx %arg11[%min3A_1730] : memref<50064xf32, #tpu.memory_space<vmem>>[vector<16xi32>], vector<16xf32>,
      %get3A_1731 = arith.index_cast %add3A_1724 : i32 to index
      %get3A_1732 = tpu.vector_load %arg14[%get3A_1731] {strides = array<i32>} : memref<8192xf32, #tpu.memory_space<vmem>>, vector<16xf32>,
      %mul3A_1733 = arith.mulf %gather3A, %get3A_1732 : vector<16xf32>
      %swap3A_1734 = arith.index_cast %mul3A_1726 : i32 to index
      %swap3A_1735 = tpu.vector_load %arg17[%swap3A_1734] {strides = array<i32>} : memref<4096xf32, #tpu.memory_space<vmem>>, vector<16xf32>,
      tpu.vector_store %arg17[%swap3A_1734], %mul3A_1733 {strides = array<i32>} : memref<4096xf32, #tpu.memory_space<vmem>>, vector<16xf32>,
      %scan3A_1736 = arith.constant 0 : i32
      %scan3A_1737 = arith.constant 1 : i32
      %scan3A_1738 = arith.addi %scan3A_1719, %scan3A_1737 : i32
      %mul3A_1739 = arith.constant 16 : i32
      %mul3A_1740 = arith.muli %scan3A_1738, %mul3A_1739 : i32
      %add3A_1741 = arith.constant 4096 : i32
      %add3A_1742 = arith.addi %add3A_1741, %mul3A_1740 : i32
      %mul3A_1743 = arith.constant 16 : i32
      %mul3A_1744 = arith.muli %scan3A_1738, %mul3A_1743 : i32
      %get3A_1745 = arith.index_cast %add3A_1742 : i32 to index
      %get3A_1746 = tpu.vector_load %arg13[%get3A_1745] {strides = array<i32>} : memref<8192xi32, #tpu.memory_space<vmem>>, vector<16xi32>,
      %min3A_1747 = arith.constant 50048 : i32
      %min3A_1748 = vector.broadcast %min3A_1747 : i32 to vector<16xi32>
      %min3A_1749 = arith.minsi %get3A_1746, %min3A_1748 : vector<16xi32>
      %gather3A_1750 = tpu.vector_load_idx %arg11[%min3A_1749] : memref<50064xf32, #tpu.memory_space<vmem>>[vector<16xi32>], vector<16xf32>,
      %get3A_1751 = arith.index_cast %add3A_1742 : i32 to index
      %get3A_1752 = tpu.vector_load %arg14[%get3A_1751] {strides = array<i32>} : memref<8192xf32, #tpu.memory_space<vmem>>, vector<16xf32>,
      %mul3A_1753 = arith.mulf %gather3A_1750, %get3A_1752 : vector<16xf32>
      %swap3A_1754 = arith.index_cast %mul3A_1744 : i32 to index
      %swap3A_1755 = tpu.vector_load %arg17[%swap3A_1754] {strides = array<i32>} : memref<4096xf32, #tpu.memory_space<vmem>>, vector<16xf32>,
      tpu.vector_store %arg17[%swap3A_1754], %mul3A_1753 {strides = array<i32>} : memref<4096xf32, #tpu.memory_space<vmem>>, vector<16xf32>,
      %scan3A_1756 = arith.constant 0 : i32
      scf.yield %scan3A_1756 : i32
    }
    %scan3A_1687 = arith.constant 256 : i32
    %dma_wait3A_1688 = arith.constant 128 : i32
    %dma_wait3A_1689 = tpu.memref_slice %arg12[%dma_wait3A_1688] : memref<50176xf32, #tpu.memory_space<vmem>> -> memref<49920xf32, #tpu.memory_space<vmem>>
    %dma_wait3A_1690 = arith.constant 50048 : i32
    %dma_wait3A_1691 = tpu.memref_slice %arg3[%min3A_31, %dma_wait3A_1690] : memref<26x100000xf32, #tpu.memory_space<hbm>> -> memref<1x49920xf32, #tpu.memory_space<hbm>>
    %dma_wait3A_1692 = tpu.memref_squeeze %dma_wait3A_1691 : memref<1x49920xf32, #tpu.memory_space<hbm>> -> memref<49920xf32, #tpu.memory_space<hbm>>
    %dma_wait3A_1693 = arith.constant 128 : i32
    %dma_wait3A_1694 = tpu.memref_slice %arg12[%dma_wait3A_1693] : memref<50176xf32, #tpu.memory_space<vmem>> -> memref<49920xf32, #tpu.memory_space<vmem>>
    %dma_wait3A_1695 = arith.constant 50048 : i32
    %dma_wait3A_1696 = tpu.memref_slice %arg3[%min3A_31, %dma_wait3A_1695] : memref<26x100000xf32, #tpu.memory_space<hbm>> -> memref<1x49920xf32, #tpu.memory_space<hbm>>
    %dma_wait3A_1697 = tpu.memref_squeeze %dma_wait3A_1696 : memref<1x49920xf32, #tpu.memory_space<hbm>> -> memref<49920xf32, #tpu.memory_space<hbm>>
    tpu.wait_dma2 semaphore(%arg19 : memref<!tpu.dma_semaphore, #tpu.memory_space<semaphore_mem>>) src(%dma_wait3A_1697 : memref<49920xf32, #tpu.memory_space<hbm>>) dst(%dma_wait3A_1694 : memref<49920xf32, #tpu.memory_space<vmem>>)
    %dma_wait3A_1698 = arith.constant 50048 : i32
    %dma_wait3A_1699 = tpu.memref_slice %arg12[%dma_wait3A_1698] : memref<50176xf32, #tpu.memory_space<vmem>> -> memref<128xf32, #tpu.memory_space<vmem>>
    %dma_wait3A_1700 = arith.constant 0 : i32
    %dma_wait3A_1701 = tpu.memref_slice %arg7[%min3A_31, %dma_wait3A_1700] : memref<26x128xf32, #tpu.memory_space<hbm>> -> memref<1x128xf32, #tpu.memory_space<hbm>>
    %dma_wait3A_1702 = tpu.memref_squeeze %dma_wait3A_1701 : memref<1x128xf32, #tpu.memory_space<hbm>> -> memref<128xf32, #tpu.memory_space<hbm>>
    %dma_wait3A_1703 = arith.constant 50048 : i32
    %dma_wait3A_1704 = tpu.memref_slice %arg12[%dma_wait3A_1703] : memref<50176xf32, #tpu.memory_space<vmem>> -> memref<128xf32, #tpu.memory_space<vmem>>
    %dma_wait3A_1705 = arith.constant 0 : i32
    %dma_wait3A_1706 = tpu.memref_slice %arg7[%min3A_31, %dma_wait3A_1705] : memref<26x128xf32, #tpu.memory_space<hbm>> -> memref<1x128xf32, #tpu.memory_space<hbm>>
    %dma_wait3A_1707 = tpu.memref_squeeze %dma_wait3A_1706 : memref<1x128xf32, #tpu.memory_space<hbm>> -> memref<128xf32, #tpu.memory_space<hbm>>
    tpu.wait_dma2 semaphore(%arg19 : memref<!tpu.dma_semaphore, #tpu.memory_space<semaphore_mem>>) src(%dma_wait3A_1707 : memref<128xf32, #tpu.memory_space<hbm>>) dst(%dma_wait3A_1704 : memref<128xf32, #tpu.memory_space<vmem>>)
    %scan3A_1708 = arith.constant 0 : i32
    %scan3A_1709 = arith.constant 0 : i32
    %scan3A_1710 = arith.constant 256 : i32
    %scan3A_1711 = arith.addi %scan3A_1709, %scan3A_1710 : i32
    %scan3A_1712 = arith.constant 2 : i32
    %scan3A_1713 = scf.for %scan3A_1719 = %scan3A_1709 to %scan3A_1711 step %scan3A_1712 iter_args(%scan3A_1720 = %scan3A_1708) -> (i32)  : i32 {
      %mul3A_1721 = arith.constant 16 : i32
      %mul3A_1722 = arith.muli %scan3A_1719, %mul3A_1721 : i32
      %add3A_1723 = arith.constant 4096 : i32
      %add3A_1724 = arith.addi %add3A_1723, %mul3A_1722 : i32
      %mul3A_1725 = arith.constant 16 : i32
      %mul3A_1726 = arith.muli %scan3A_1719, %mul3A_1725 : i32
      %get3A = arith.index_cast %add3A_1724 : i32 to index
      %get3A_1727 = tpu.vector_load %arg13[%get3A] {strides = array<i32>} : memref<8192xi32, #tpu.memory_space<vmem>>, vector<16xi32>,
      %sub3A_1728 = arith.constant 49920 : i32
      %sub3A_1729 = vector.broadcast %sub3A_1728 : i32 to vector<16xi32>
      %sub3A_1730 = arith.subi %get3A_1727, %sub3A_1729 : vector<16xi32>
      %max3A = arith.constant 0 : i32
      %max3A_1731 = vector.broadcast %max3A : i32 to vector<16xi32>
      %max3A_1732 = arith.maxsi %sub3A_1730, %max3A_1731 : vector<16xi32>
      %add3A_1733 = arith.constant 96 : i32
      %add3A_1734 = vector.broadcast %add3A_1733 : i32 to vector<16xi32>
      %add3A_1735 = arith.addi %sub3A_1730, %add3A_1734 : vector<16xi32>
      %ge3A = arith.constant 50048 : i32
      %ge3A_1736 = vector.broadcast %ge3A : i32 to vector<16xi32>
      %ge3A_1737 = arith.cmpi sge, %sub3A_1730, %ge3A_1736 : vector<16xi32>
      %select_n3A_1738 = arith.select %ge3A_1737, %add3A_1735, %max3A_1732 : vector<16xi1>, vector<16xi32>
      %gather3A = tpu.vector_load_idx %arg12[%select_n3A_1738] : memref<50176xf32, #tpu.memory_space<vmem>>[vector<16xi32>], vector<16xf32>,
      %get3A_1739 = arith.index_cast %add3A_1724 : i32 to index
      %get3A_1740 = tpu.vector_load %arg14[%get3A_1739] {strides = array<i32>} : memref<8192xf32, #tpu.memory_space<vmem>>, vector<16xf32>,
      %mul3A_1741 = arith.mulf %gather3A, %get3A_1740 : vector<16xf32>
      %swap3A_1742 = arith.index_cast %mul3A_1726 : i32 to index
      %swap3A_1743 = tpu.vector_load %arg17[%swap3A_1742] {strides = array<i32>} : memref<4096xf32, #tpu.memory_space<vmem>>, vector<16xf32>,
      tpu.vector_store %arg17[%swap3A_1742], %mul3A_1741 {add = true, strides = array<i32>} : memref<4096xf32, #tpu.memory_space<vmem>>, vector<16xf32>,
      %scan3A_1744 = arith.constant 0 : i32
      %scan3A_1745 = arith.constant 1 : i32
      %scan3A_1746 = arith.addi %scan3A_1719, %scan3A_1745 : i32
      %mul3A_1747 = arith.constant 16 : i32
      %mul3A_1748 = arith.muli %scan3A_1746, %mul3A_1747 : i32
      %add3A_1749 = arith.constant 4096 : i32
      %add3A_1750 = arith.addi %add3A_1749, %mul3A_1748 : i32
      %mul3A_1751 = arith.constant 16 : i32
      %mul3A_1752 = arith.muli %scan3A_1746, %mul3A_1751 : i32
      %get3A_1753 = arith.index_cast %add3A_1750 : i32 to index
      %get3A_1754 = tpu.vector_load %arg13[%get3A_1753] {strides = array<i32>} : memref<8192xi32, #tpu.memory_space<vmem>>, vector<16xi32>,
      %sub3A_1755 = arith.constant 49920 : i32
      %sub3A_1756 = vector.broadcast %sub3A_1755 : i32 to vector<16xi32>
      %sub3A_1757 = arith.subi %get3A_1754, %sub3A_1756 : vector<16xi32>
      %max3A_1758 = arith.constant 0 : i32
      %max3A_1759 = vector.broadcast %max3A_1758 : i32 to vector<16xi32>
      %max3A_1760 = arith.maxsi %sub3A_1757, %max3A_1759 : vector<16xi32>
      %add3A_1761 = arith.constant 96 : i32
      %add3A_1762 = vector.broadcast %add3A_1761 : i32 to vector<16xi32>
      %add3A_1763 = arith.addi %sub3A_1757, %add3A_1762 : vector<16xi32>
      %ge3A_1764 = arith.constant 50048 : i32
      %ge3A_1765 = vector.broadcast %ge3A_1764 : i32 to vector<16xi32>
      %ge3A_1766 = arith.cmpi sge, %sub3A_1757, %ge3A_1765 : vector<16xi32>
      %select_n3A_1767 = arith.select %ge3A_1766, %add3A_1763, %max3A_1760 : vector<16xi1>, vector<16xi32>
      %gather3A_1768 = tpu.vector_load_idx %arg12[%select_n3A_1767] : memref<50176xf32, #tpu.memory_space<vmem>>[vector<16xi32>], vector<16xf32>,
      %get3A_1769 = arith.index_cast %add3A_1750 : i32 to index
      %get3A_1770 = tpu.vector_load %arg14[%get3A_1769] {strides = array<i32>} : memref<8192xf32, #tpu.memory_space<vmem>>, vector<16xf32>,
      %mul3A_1771 = arith.mulf %gather3A_1768, %get3A_1770 : vector<16xf32>
      %swap3A_1772 = arith.index_cast %mul3A_1752 : i32 to index
      %swap3A_1773 = tpu.vector_load %arg17[%swap3A_1772] {strides = array<i32>} : memref<4096xf32, #tpu.memory_space<vmem>>, vector<16xf32>,
      tpu.vector_store %arg17[%swap3A_1772], %mul3A_1771 {add = true, strides = array<i32>} : memref<4096xf32, #tpu.memory_space<vmem>>, vector<16xf32>,
      %scan3A_1774 = arith.constant 0 : i32
      scf.yield %scan3A_1774 : i32
    }
    %scan3A_1714 = arith.constant 256 : i32
    %mul3A_1715 = arith.constant 4096 : i32
    %mul3A_1716 = arith.muli %add3A, %mul3A_1715 : i32
    "tpu.region"() ({
      %run_scoped3A = tpu.sem_alloc : memref<!tpu.dma_semaphore, #tpu.memory_space<semaphore_mem>>
      %dma_start3A_1719 = tpu.memref_slice %arg8[%mul3A_1716] : memref<131072xf32, #tpu.memory_space<hbm>> -> memref<4096xf32, #tpu.memory_space<hbm>>
      %dma_start3A_1720 = tpu.memref_slice %arg8[%mul3A_1716] : memref<131072xf32, #tpu.memory_space<hbm>> -> memref<4096xf32, #tpu.memory_space<hbm>>
      tpu.enqueue_dma source(%arg15 : memref<4096xf32, #tpu.memory_space<vmem>>) target(%dma_start3A_1720 : memref<4096xf32, #tpu.memory_space<hbm>>) target_semaphore(%run_scoped3A : memref<!tpu.dma_semaphore, #tpu.memory_space<semaphore_mem>>)
      %dma_wait3A_1721 = tpu.memref_slice %arg8[%mul3A_1716] : memref<131072xf32, #tpu.memory_space<hbm>> -> memref<4096xf32, #tpu.memory_space<hbm>>
      %dma_wait3A_1722 = tpu.memref_slice %arg8[%mul3A_1716] : memref<131072xf32, #tpu.memory_space<hbm>> -> memref<4096xf32, #tpu.memory_space<hbm>>
      tpu.wait_dma2 semaphore(%run_scoped3A : memref<!tpu.dma_semaphore, #tpu.memory_space<semaphore_mem>>) src(%arg15 : memref<4096xf32, #tpu.memory_space<vmem>>) dst(%dma_wait3A_1722 : memref<4096xf32, #tpu.memory_space<hbm>>)
      tpu.yield
    }) : () -> ()
    "tpu.region"() ({
      %run_scoped3A = tpu.sem_alloc : memref<!tpu.dma_semaphore, #tpu.memory_space<semaphore_mem>>
      %dma_start3A_1719 = tpu.memref_slice %arg9[%mul3A_1716] : memref<131072xf32, #tpu.memory_space<hbm>> -> memref<4096xf32, #tpu.memory_space<hbm>>
      %dma_start3A_1720 = tpu.memref_slice %arg9[%mul3A_1716] : memref<131072xf32, #tpu.memory_space<hbm>> -> memref<4096xf32, #tpu.memory_space<hbm>>
      tpu.enqueue_dma source(%arg16 : memref<4096xf32, #tpu.memory_space<vmem>>) target(%dma_start3A_1720 : memref<4096xf32, #tpu.memory_space<hbm>>) target_semaphore(%run_scoped3A : memref<!tpu.dma_semaphore, #tpu.memory_space<semaphore_mem>>)
      %dma_wait3A_1721 = tpu.memref_slice %arg9[%mul3A_1716] : memref<131072xf32, #tpu.memory_space<hbm>> -> memref<4096xf32, #tpu.memory_space<hbm>>
      %dma_wait3A_1722 = tpu.memref_slice %arg9[%mul3A_1716] : memref<131072xf32, #tpu.memory_space<hbm>> -> memref<4096xf32, #tpu.memory_space<hbm>>
      tpu.wait_dma2 semaphore(%run_scoped3A : memref<!tpu.dma_semaphore, #tpu.memory_space<semaphore_mem>>) src(%arg16 : memref<4096xf32, #tpu.memory_space<vmem>>) dst(%dma_wait3A_1722 : memref<4096xf32, #tpu.memory_space<hbm>>)
      tpu.yield
    }) : () -> ()
    %mul3A_1717 = arith.constant 4096 : i32
    %mul3A_1718 = arith.muli %min3A_31, %mul3A_1717 : i32
    "tpu.region"() ({
      %run_scoped3A = tpu.sem_alloc : memref<!tpu.dma_semaphore, #tpu.memory_space<semaphore_mem>>
      %dma_start3A_1719 = tpu.memref_slice %arg10[%mul3A_1718] : memref<106496xf32, #tpu.memory_space<hbm>> -> memref<4096xf32, #tpu.memory_space<hbm>>
      %dma_start3A_1720 = tpu.memref_slice %arg10[%mul3A_1718] : memref<106496xf32, #tpu.memory_space<hbm>> -> memref<4096xf32, #tpu.memory_space<hbm>>
      tpu.enqueue_dma source(%arg17 : memref<4096xf32, #tpu.memory_space<vmem>>) target(%dma_start3A_1720 : memref<4096xf32, #tpu.memory_space<hbm>>) target_semaphore(%run_scoped3A : memref<!tpu.dma_semaphore, #tpu.memory_space<semaphore_mem>>)
      %dma_wait3A_1721 = tpu.memref_slice %arg10[%mul3A_1718] : memref<106496xf32, #tpu.memory_space<hbm>> -> memref<4096xf32, #tpu.memory_space<hbm>>
      %dma_wait3A_1722 = tpu.memref_slice %arg10[%mul3A_1718] : memref<106496xf32, #tpu.memory_space<hbm>> -> memref<4096xf32, #tpu.memory_space<hbm>>
      tpu.wait_dma2 semaphore(%run_scoped3A : memref<!tpu.dma_semaphore, #tpu.memory_space<semaphore_mem>>) src(%arg17 : memref<4096xf32, #tpu.memory_space<vmem>>) dst(%dma_wait3A_1722 : memref<4096xf32, #tpu.memory_space<hbm>>)
      tpu.yield
    }) : () -> ()
    return
  }
}

module attributes {stable_mosaic.version = 14 : i64} {
  func.func @tc_body(%arg0: memref<2x16x4096xf32, #tpu.memory_space<vmem>>, %arg1: memref<2x16x4096xf32, #tpu.memory_space<vmem>>, %arg2: memref<26x4096xf32, #tpu.memory_space<vmem>>, %arg3: memref<32x16xf32, #tpu.memory_space<vmem>>, %arg4: memref<32x1xf32, #tpu.memory_space<vmem>>, %arg5: memref<32x32xf32, #tpu.memory_space<vmem>>, %arg6: memref<32x1xf32, #tpu.memory_space<vmem>>, %arg7: memref<1x1xf32, #tpu.memory_space<vmem>>, %arg8: memref<1x4096xf32, #tpu.memory_space<vmem>>) attributes {dimension_semantics = [], scalar_prefetch = 0 : i64, scratch_operands = 0 : i64, tpu.core_type = #tpu.core_type<tc>} {
    %get3A = arith.constant 0 : index
    %get3A_0 = arith.constant 0 : index
    %get3A_1 = arith.constant 0 : index
    %get3A_2 = vector.load %arg0[%get3A, %get3A_0, %get3A_1] : memref<2x16x4096xf32, #tpu.memory_space<vmem>>, vector<1x16x4096xf32>
    %get3A_3 = vector.shape_cast %get3A_2 : vector<1x16x4096xf32> to vector<16x4096xf32>
    %get3A_4 = arith.constant 1 : index
    %get3A_5 = arith.constant 0 : index
    %get3A_6 = arith.constant 0 : index
    %get3A_7 = vector.load %arg0[%get3A_4, %get3A_5, %get3A_6] : memref<2x16x4096xf32, #tpu.memory_space<vmem>>, vector<1x16x4096xf32>
    %get3A_8 = vector.shape_cast %get3A_7 : vector<1x16x4096xf32> to vector<16x4096xf32>
    %add3A = arith.addf %get3A_3, %get3A_8 : vector<16x4096xf32>
    %get3A_9 = arith.constant 0 : index
    %get3A_10 = arith.constant 0 : index
    %get3A_11 = arith.constant 0 : index
    %get3A_12 = vector.load %arg1[%get3A_9, %get3A_10, %get3A_11] : memref<2x16x4096xf32, #tpu.memory_space<vmem>>, vector<1x16x4096xf32>
    %get3A_13 = vector.shape_cast %get3A_12 : vector<1x16x4096xf32> to vector<16x4096xf32>
    %get3A_14 = arith.constant 1 : index
    %get3A_15 = arith.constant 0 : index
    %get3A_16 = arith.constant 0 : index
    %get3A_17 = vector.load %arg1[%get3A_14, %get3A_15, %get3A_16] : memref<2x16x4096xf32, #tpu.memory_space<vmem>>, vector<1x16x4096xf32>
    %get3A_18 = vector.shape_cast %get3A_17 : vector<1x16x4096xf32> to vector<16x4096xf32>
    %add3A_19 = arith.addf %get3A_13, %get3A_18 : vector<16x4096xf32>
    %mul3A = arith.mulf %add3A, %add3A : vector<16x4096xf32>
    %sub3A = arith.subf %mul3A, %add3A_19 : vector<16x4096xf32>
    %mul3A_20 = arith.constant 5.000000e-01 : f32
    %mul3A_21 = vector.broadcast %mul3A_20 : f32 to vector<16x4096xf32>
    %mul3A_22 = arith.mulf %mul3A_21, %sub3A : vector<16x4096xf32>
    %get3A_23 = arith.constant 0 : index
    %get3A_24 = arith.constant 0 : index
    %get3A_25 = vector.load %arg3[%get3A_23, %get3A_24] : memref<32x16xf32, #tpu.memory_space<vmem>>, vector<32x16xf32>
    %dot_general3A = arith.constant dense<0.000000e+00> : vector<32x4096xf32>
    %dot_general3A_26 = tpu.matmul %get3A_25, %mul3A_22, %dot_general3A {dimension_numbers = #tpu.dot_dimension_numbers<[1], [0], [0], [1], [0, 0, 1, 1], [], []>, transpose_lhs_hint = false} : vector<32x16xf32>, vector<16x4096xf32>, vector<32x4096xf32> -> vector<32x4096xf32>
    %get3A_27 = arith.constant 0 : index
    %get3A_28 = arith.constant 0 : index
    %get3A_29 = vector.load %arg4[%get3A_27, %get3A_28] : memref<32x1xf32, #tpu.memory_space<vmem>>, vector<32x1xf32>
    %add3A_30 = vector.broadcast %get3A_29 : vector<32x1xf32> to vector<32x4096xf32>
    %add3A_31 = arith.addf %dot_general3A_26, %add3A_30 : vector<32x4096xf32>
    %max3A = arith.constant 0.000000e+00 : f32
    %max3A_32 = vector.broadcast %max3A : f32 to vector<32x4096xf32>
    %max3A_33 = arith.maximumf %add3A_31, %max3A_32 : vector<32x4096xf32>
    %get3A_34 = arith.constant 0 : index
    %get3A_35 = arith.constant 0 : index
    %get3A_36 = vector.load %arg5[%get3A_34, %get3A_35] : memref<32x32xf32, #tpu.memory_space<vmem>>, vector<32x32xf32>
    %dot_general3A_37 = arith.constant dense<0.000000e+00> : vector<32x4096xf32>
    %dot_general3A_38 = tpu.matmul %get3A_36, %max3A_33, %dot_general3A_37 {dimension_numbers = #tpu.dot_dimension_numbers<[1], [0], [0], [1], [0, 0, 1, 1], [], []>, transpose_lhs_hint = false} : vector<32x32xf32>, vector<32x4096xf32>, vector<32x4096xf32> -> vector<32x4096xf32>
    %get3A_39 = arith.constant 0 : index
    %get3A_40 = arith.constant 0 : index
    %get3A_41 = vector.load %arg6[%get3A_39, %get3A_40] : memref<32x1xf32, #tpu.memory_space<vmem>>, vector<32x1xf32>
    %add3A_42 = vector.broadcast %get3A_41 : vector<32x1xf32> to vector<32x4096xf32>
    %add3A_43 = arith.addf %dot_general3A_38, %add3A_42 : vector<32x4096xf32>
    %max3A_44 = arith.constant 0.000000e+00 : f32
    %max3A_45 = vector.broadcast %max3A_44 : f32 to vector<32x4096xf32>
    %max3A_46 = arith.maximumf %add3A_43, %max3A_45 : vector<32x4096xf32>
    %reduce_sum3A = arith.constant dense<0.000000e+00> : vector<4096xf32>
    %reduce_sum3A_47 = vector.multi_reduction <add>, %mul3A_22, %reduce_sum3A [0] : vector<16x4096xf32> to vector<4096xf32>
    %broadcast_in_dim3A = vector.shape_cast %reduce_sum3A_47 : vector<4096xf32> to vector<1x4096xf32>
    %get3A_48 = arith.constant 0 : index
    %get3A_49 = arith.constant 0 : index
    %get3A_50 = vector.load %arg2[%get3A_48, %get3A_49] : memref<26x4096xf32, #tpu.memory_space<vmem>>, vector<26x4096xf32>
    %reduce_sum3A_51 = arith.constant dense<0.000000e+00> : vector<4096xf32>
    %reduce_sum3A_52 = vector.multi_reduction <add>, %get3A_50, %reduce_sum3A_51 [0] : vector<26x4096xf32> to vector<4096xf32>
    %broadcast_in_dim3A_53 = vector.shape_cast %reduce_sum3A_52 : vector<4096xf32> to vector<1x4096xf32>
    %add3A_54 = arith.addf %broadcast_in_dim3A, %broadcast_in_dim3A_53 : vector<1x4096xf32>
    %reduce_sum3A_55 = arith.constant dense<0.000000e+00> : vector<4096xf32>
    %reduce_sum3A_56 = vector.multi_reduction <add>, %max3A_46, %reduce_sum3A_55 [0] : vector<32x4096xf32> to vector<4096xf32>
    %broadcast_in_dim3A_57 = vector.shape_cast %reduce_sum3A_56 : vector<4096xf32> to vector<1x4096xf32>
    %add3A_58 = arith.addf %add3A_54, %broadcast_in_dim3A_57 : vector<1x4096xf32>
    %get3A_59 = arith.constant 0 : index
    %get3A_60 = arith.constant 0 : index
    %get3A_61 = vector.load %arg7[%get3A_59, %get3A_60] : memref<1x1xf32, #tpu.memory_space<vmem>>, vector<1x1xf32>
    %get3A_62 = vector.extract %get3A_61[0, 0] : f32 from vector<1x1xf32>
    %add3A_63 = vector.broadcast %get3A_62 : f32 to vector<1x4096xf32>
    %add3A_64 = arith.addf %add3A_58, %add3A_63 : vector<1x4096xf32>
    %swap3A = arith.constant 0 : index
    %swap3A_65 = arith.constant 0 : index
    %swap3A_66 = vector.load %arg8[%swap3A, %swap3A_65] : memref<1x4096xf32, #tpu.memory_space<vmem>>, vector<1x4096xf32>
    tpu.vector_store %arg8[%swap3A, %swap3A_65], %add3A_64 {strides = array<i32>} : memref<1x4096xf32, #tpu.memory_space<vmem>>, vector<1x4096xf32>,
    return
  }
}

</mosaic_0001>

<sc_bundles>
// kernel: kernel.4.cloned.1.call-start
scs
__scs_entry_jumppad:
0x0: {  	(pc) =	sbr.rel $0x88, $3  }
0x1: {  	(tag) =	ssettag $0x0;
	lr =	simm.s32 $0x1  }
0x2: {  	[smem:$0x3F98] =	sst lr;
	_ =	strace $0xD0000000  }
0x3: {  	_ = 	snop  }
0x4: {  	_ = 	snop  }
0x5: {  	_ = 	snop  }
0x6: {  	_ = 	snop  }
0x7: {  	_ = 	snop  }
__scs_overlays_trampoline_lowered:
0x8: {  	[smem:$0x3FA7] =	sst s0  }
0x9: {  	[smem:$0x3FA8] =	sst s1  }
0xa: {  	[smem:$0x3FA9] =	sst s2  }
0xb: {  	[smem:$0x3FAA] =	sst s3  }
0xc: {  	[smem:$0x3FAB] =	sst s4  }
0xd: {  	[smem:$0x3FAC] =	sst s5  }
0xe: {  	[smem:$0x3FAD] =	sst s6  }
0xf: {  	[smem:$0x3FAE] =	sst s7  }
0x10: {  	[smem:$0x3FAF] =	sst s8  }
0x11: {  	[smem:$0x3FB0] =	sst s9;
	s0 =	simm.s32 @!p0 $0x0  }
0x12: {  	s1 =	sld [smem:$0x3F96];
	s0 =	simm.s32 @p0 $0x1  }
0x13: {  	[smem:$0x3FB1] =	sst s0;
	s0 =	simm.s32 @!p1 $0x0  }
0x14: {  	s2 =	sld [smem:$0x3F95];
	s0 =	simm.s32 @p1 $0x1  }
0x15: {  	[smem:$0x3FB2] =	sst s0;
	s0 =	simm.s32 @!p2 $0x0  }
0x16: {  	s3 =	sld [smem:$0x3FDB];
	s0 =	simm.s32 @p2 $0x1  }
0x17: {  	s4 =	simm.s32 $0x1BF5;
	[smem:$0x3FB4] =	sst s0  }
0x18: {  	s0 =	sld [smem:$0x3F97];
	_ =	swait.ge [sflag:s4], $0x0  }
0x19: {  	s7 =	sld [smem:$0x3F98]  }
0x1a: {  	s8 =	sadd.s32 $0xFFFFE003, lr  }
0x1b: {  	s9 =	sadd.s32 $0xFFFFFEF7, lr;
	s5 =	simm.s32 $0xFFFFFFFF;
	p2 =	slt.u32 s8, $0xFFFFF086  }
0x1c: {  	p1 =	slt.u32 s9, $0xF7A;
	s5 =	simm.s32 @!p2 $0x0  }
0x1d: {  	s5 =	simm.s32 @p1 $0x1;
	p0 =	seq.s32 s7, s2  }
0x1e: {  	s7 =	smul.u32 @!p0 $0xF7A, s2;
	p2 =	seq.s32 @!p0 s5, $0x0  }
0x1f: {  	s9 =	smul.u32 $0xF7A, s1;
	s8 =	simm.s32 @!p0 $0x1BF5;
	p2 =	por !p2, p0  }
0x20: {  	[sflag:s8] =	ssyncset.s32 @!p0 $0xFFFFF086;
	s6 =	sadd.s32 @!p0 s3, s7;
	s7 =	simm.s32 @!p0 $0x108  }
0x21: {  	s3 =	sadd.s32 s3, s9;
	s6 =	sadd.s32 @!p0 $0x88, s6;
	s7 =	simm.s32 @p2 $0x1082  }
0x22: {  	[simem:s7], [sflag:s8] =	dma.local @!p0 [hbm:s6], $0xF7A  }
0x23: {  	s9 =	sor.u32 $0xD0000000, s2;
	s6 =	simm.s32 $0x108;
	_ =	swait.ge @!p0 [sflag:s8], $0x0  }
0x24: {  	s3 =	sadd.s32 $0x88, s3;
	s6 =	simm.s32 @!p1 $0x1082;
	[sflag:s4] =	ssyncset.s32 $0xFFFFF086  }
0x25: {  	[simem:s6], [sflag:s4] =	dma.local [hbm:s3], $0xF7A  }
0x26: {  	[smem:$0x3F98] =	sst s1;
	(tag) =	ssettag s2;
	_ =	strace s9  }
0x27: {  	s1 =	sld [smem:$0x3FA8]  }
0x28: {  	s2 =	sld [smem:$0x3FA9]  }
0x29: {  	s4 =	sld [smem:$0x3FAB]  }
0x2a: {  	p0 =	seq.s32 s5, $0x0;
	s5 =	sld [smem:$0x3FAC]  }
0x2b: {  	s6 =	sld [smem:$0x3FAD]  }
0x2c: {  	s7 =	sld [smem:$0x3FAE]  }
0x2d: {  	s3 =	simm.s32 $0x108;
	s8 =	sld [smem:$0x3FAF]  }
0x2e: {  	s3 =	simm.s32 @!p0 $0x1082;
	s9 =	sld [smem:$0x3FB0]  }
0x2f: {  	lr =	sadd.s32 s0, s3;
	s0 =	sld [smem:$0x3FA7]  }
0x30: {  	s3 =	sld [smem:$0x3FAA]  }
0x31: {  	[smem:$0x3FB3] =	sst s10  }
0x32: {  	s10 =	sld [smem:$0x3FB1];
	_ =	sdelay $0x3  }
0x33: {  	p0 =	seq.s32 s10, $0x1;
	s10 =	sld [smem:$0x3FB3];
	_ =	sdelay $0x3  }
0x34: {  	[smem:$0x3FB3] =	sst s10  }
0x35: {  	s10 =	sld [smem:$0x3FB2];
	_ =	sdelay $0x3  }
0x36: {  	p1 =	seq.s32 s10, $0x1;
	s10 =	sld [smem:$0x3FB3];
	_ =	sdelay $0x3  }
0x37: {  	[smem:$0x3FB3] =	sst s10  }
0x38: {  	s10 =	sld [smem:$0x3FB4]  }
0x39: {  	_ = 	snop;
	(pc) =	sbr.ind lr, $3  }
0x3a: {  	_ = 	snop  }
0x3b: {  	_ = 	snop  }
0x3c: {  	p2 =	seq.s32 s10, $0x1;
	s10 =	sld [smem:$0x3FB3]  }
0x3d: {  	_ =	shalt  }
0x3e: {  	_ =	shalt  }
0x3f: {  	_ =	shalt  }
0x40: {  	_ =	shalt  }
0x41: {  	_ =	shalt  }
0x42: {  	_ =	shalt  }
0x43: {  	_ =	shalt  }
0x44: {  	_ =	shalt  }
0x45: {  	_ =	shalt  }
0x46: {  	_ =	shalt  }
0x47: {  	_ =	shalt  }
0x48: {  	_ =	shalt  }
0x49: {  	_ =	shalt  }
0x4a: {  	_ =	shalt  }
0x4b: {  	_ =	shalt  }
0x4c: {  	_ =	shalt  }
0x4d: {  	_ =	shalt  }
0x4e: {  	_ =	shalt  }
0x4f: {  	_ =	shalt  }
0x50: {  	_ =	shalt  }
0x51: {  	_ =	shalt  }
0x52: {  	_ =	shalt  }
0x53: {  	_ =	shalt  }
0x54: {  	_ =	shalt  }
0x55: {  	_ =	shalt  }
0x56: {  	_ =	shalt  }
0x57: {  	_ =	shalt  }
0x58: {  	_ =	shalt  }
0x59: {  	_ =	shalt  }
0x5a: {  	_ =	shalt  }
0x5b: {  	_ =	shalt  }
0x5c: {  	_ =	shalt  }
0x5d: {  	_ =	shalt  }
0x5e: {  	_ =	shalt  }
0x5f: {  	_ =	shalt  }
0x60: {  	_ =	shalt  }
0x61: {  	_ =	shalt  }
0x62: {  	_ =	shalt  }
0x63: {  	_ =	shalt  }
0x64: {  	_ =	shalt  }
0x65: {  	_ =	shalt  }
0x66: {  	_ =	shalt  }
0x67: {  	_ =	shalt  }
0x68: {  	_ =	shalt  }
0x69: {  	_ =	shalt  }
0x6a: {  	_ =	shalt  }
0x6b: {  	_ =	shalt  }
0x6c: {  	_ =	shalt  }
0x6d: {  	_ =	shalt  }
0x6e: {  	_ =	shalt  }
0x6f: {  	_ =	shalt  }
0x70: {  	_ =	shalt  }
0x71: {  	_ =	shalt  }
0x72: {  	_ =	shalt  }
0x73: {  	_ =	shalt  }
0x74: {  	_ =	shalt  }
0x75: {  	_ =	shalt  }
0x76: {  	_ =	shalt  }
0x77: {  	_ =	shalt  }
0x78: {  	_ =	shalt  }
0x79: {  	_ =	shalt  }
0x7a: {  	_ =	shalt  }
0x7b: {  	_ =	shalt  }
0x7c: {  	_ =	shalt  }
0x7d: {  	_ =	shalt  }
0x7e: {  	_ =	shalt  }
0x7f: {  	_ =	shalt  }
0x80: {  	_ =	shalt  }
0x81: {  	_ =	shalt  }
0x82: {  	_ =	shalt  }
0x83: {  	_ =	shalt  }
0x84: {  	_ =	shalt  }
0x85: {  	_ =	shalt  }
0x86: {  	_ =	shalt  }
0x87: {  	_ =	shalt  }
.Lfunc_end0:
.L_simem_size_0:
called_computation_lowered:
.L_overlay_start_0:
0x88: {  	s2 =	sld [smem:$0x3FD9]  }
0x89: {  	s3 =	sld [smem:$0x3FFE];
	_ =	sdelay $0x1  }
0x8a: {  	s1 =	srdreg.scid  }
0x8b: {  	s0 =	sand.u32 $0x1, s1  }
0x8c: {  	s17 =	sshll.u32 s0, $0xA;
	s2 =	sadd.s32 s3, s2  }
0x8d: {  	s2 =	sadd.s32 s2, s17  }
0x8e: {  	[smem:$0x3FBF] =	sst s2  }
0x8f: {  	_ = 	snop  }
0x90: {  	s2 =	sld [smem:$0x3FC9]  }
0x91: {  	s18 =	sld [smem:$0x3FC8]  }
0x92: {  	s4 =	sld [smem:$0x3FC7]  }
0x93: {  	s5 =	sld [smem:$0x3FC6]  }
0x94: {  	s6 =	sld [smem:$0x3FD0];
	(tm) =	ssettm $0x1  }
0x95: {  	s7 =	sld [smem:$0x3FFB];
	_ =	sdelay $0x3  }
0x96: {  	_ =	strace s7  }
0x97: {  	s7 =	sld [smem:$0x3FFC];
	_ =	sdelay $0x3  }
0x98: {  	_ =	strace s7  }
0x99: {  	s7 =	sld [smem:$0x3FFD];
	_ =	sdelay $0x3  }
0x9a: {  	_ =	strace s7  }
0x9b: {  	_ =	strace $0x8FFFFFFF  }
0x9c: {  	s19 =	sld [smem:$0x3FDB];
	_ =	sdelay $0x1  }
0x9d: {  	s8 =	simm.s32 $_scs_section_size  }
0x9e: {  	s9 =	simm.s32 $_size__tile_overlayer_lowered;
	s10 =	simm.s32 $_tile_overlayer_lowered  }
0x9f: {  	s22 =	simm.s32 $0x1BFF;
	s21 =	sshll.u32 s10, $0x1;
	s7 =	sadd.s32 s8, s19  }
0xa0: {  	s11 =	simm.s32 $0x0;
	s20 =	sshll.u32 s9, $0x1;
	s9 =	sadd.s32 s21, s7  }
0xa1: {  	[timem:s11], [sflag:s22] =	dma.local [hbm:s9], s20  }
0xa2: {  	_ =	swait.ge [sflag:s22], s20  }
0xa3: {  	s8 =	ssub.s32 $0x0, s20;
	[sflag:s22] =	ssyncset.done $0x0  }
0xa4: {  	[sflag:s22] =	ssyncadd.s32 s8;
	_ =	sdelay $0x1  }
0xa5: {  	s23 =	simm.s32 $0x1B8B  }
0xa6: {  	_ =	swait.ge [sflag:s23], $0x1  }
0xa7: {  	[sflag:s23] =	ssyncset.done $0x0  }
0xa8: {  	s25 =	simm.s32 $0x1B8E;
	s24 =	sld [smem:$0x3FFE];
	[sflag:s23] =	ssyncadd.s32 $0xFFFFFFFF  }
0xa9: {  	s26 =	simm.s32 $execute0_lowered;
	[smem:$0x3FD2] =	sst s25  }
0xaa: {  	s9 =	sshll.u32 s26, $0x1;
	_ =	strace $0x80000046;
	[dreg:$0x1] =	wrdreg $0xFFFFFFFF  }
0xab: {  	s28 =	simm.s32 $_size_execute0_lowered;
	s7 =	sadd.s32 s7, s9;
	[dreg:$0x0] =	wrdreg $0x0  }
0xac: {  	s9 =	sshll.u32 s28, $0x1;
	[dreg:$0x2] =	wrdreg s7  }
0xad: {  	[dreg:$0x3] =	wrdreg s9  }
0xae: {  	[dreg:$0x4] =	wrdreg $0xC0  }
0xaf: {  	_ =	task [dreg:s11], $0x5FFFF  }
0xb0: {  	[dreg:$0x1] =	wrdreg $0xFFFFFFFF  }
0xb1: {  	[dreg:$0x0] =	wrdreg $0x60  }
0xb2: {  	[dreg:$0x2] =	wrdreg s5  }
0xb3: {  	[dreg:$0x3] =	wrdreg s4  }
0xb4: {  	[dreg:$0x4] =	wrdreg s2  }
0xb5: {  	[dreg:$0x5] =	wrdreg s18  }
0xb6: {  	[dreg:$0x6] =	wrdreg s24  }
0xb7: {  	[dreg:$0x7] =	wrdreg s6  }
0xb8: {  	[dreg:$0x8] =	wrdreg $0x9  }
0xb9: {  	_ =	task.clear_ibuf [dreg:s11], $0x9FFFF;
	_ =	strace $0x90000046  }
0xba: {  	s29 =	simm.s32 $0x9;
	_ =	strace $0x80000048  }
0xbb: {  	_ =	swait.ge [sflag:s29], $0x1  }
0xbc: {  	[sflag:s29] =	ssyncadd.s32 $0xFFFFFFFF  }
0xbd: {  	_ =	strace $0x90000048  }
0xbe: {  	_ =	sfence  }
0xbf: {  	s30 =	sld [smem:$0x0];
	_ =	sdelay $0x2  }
0xc0: {  	s31 =	sshll.u32 s1, $0xD;
	s1 =	sshrl.u32 s1, $0x2  }
0xc1: {  	s3 =	sand.u32 $0x4000, s31;
	s1 =	sadd.s32 s1, s30  }
0xc2: {  	s0 =	sor.u32 s3, s0;
	s1 =	sshll.u32 s1, $0x11  }
0xc3: {  	s0 =	sor.u32 s1, s0  }
0xc4: {  	s0 =	sadd.s32 $0x8F2B, s0  }
0xc5: {  	[sflag:s0] =	ssyncadd.remote.s32 $0x1  }
0xc6: {  	_ =	sfence.sel $0xFFFF  }
0xc7: {  	[dreg:$0x0] =	wrdreg $0xFFFFFFFF;
	(pc) =	sbr.abs _section_cstart, $3  }
0xc8: {  	[dreg:$0x1] =	wrdreg $0xFFFFFFFF  }
0xc9: {  	_ =	task.clear_ibuf [dreg:s11], $0x2FFFF;
	_ =	strace $0x9FFFFFFF  }
0xca: {  	(tm) =	ssettm $0x7FFFFFFF  }
0xcb: {  	_ =	shalt  }
tec
execute0_lowered:
.L_overlay_start_1:
0x0: {  	(tag) =	ssettag $0x1  }
0x1: {  	s0 =	srdreg.scid  }
0x2: {  	s2 =	stileid.u32;
	s9 =	rddreg [dreg:$0x3]  }
0x3: {  	s0 =	sand.u32 $0x1, s0;
	s5 =	sshrl.u32 s2, $0x3;
	s1 =	sshll.u32 s2, $0x1  }
0x4: {  	s3 =	sshrl.u32 s2, $0x2;
	s16 =	smul.u32 $0xD, s5;
	s14 =	sor.u32 s0, s1  }
0x5: {  	s0 =	ssub.s32 $0x2, s0;
	s31 =	sand.u32 $0x1, s3;
	s23 =	smul.u32 $0x13DB000, s5  }
0x6: {  	s22 =	sshrl.u32 s0, $0x1;
	s3 =	smul.u32 $0xC3800, s31;
	s31 =	sshll.u32 s31, $0xA  }
0x7: {  	s17 =	sadd.s32 $0x1, s16;
	s0 =	ssub.s32 s0, s22;
	s19 =	sadd.s32 $0x2, s16  }
0x8: {  	s20 =	sadd.s32 $0x3, s16;
	s21 =	sadd.s32 $0x4, s16;
	s22 =	sadd.s32 $0x5, s16  }
0x9: {  	s28 =	sadd.s32 $0xA, s16;
	[smem:$0x7FD] =	sst s0;
	s24 =	sshll.u32 s17, $0x4  }
0xa: {  	s25 =	sshll.u32 s17, $0x9;
	s6 =	smul.u32 $0x187000, s17;
	s0 =	sadd.s32 s23, s3  }
0xb: {  	s26 =	sshll.u32 s19, $0x9;
	s29 =	sshll.u32 s19, $0x4;
	s4 =	sshll.u32 s20, $0x9  }
0xc: {  	s10 =	sshll.u32 s22, $0x4;
	s23 =	sadd.s32 $0x6, s16;
	[smem:$0x7ED] =	sst s25  }
0xd: {  	s1 =	sand.u32 $0x70, s24;
	s7 =	sand.u32 $0x3000, s25;
	[smem:$0x7EF] =	sst s26  }
0xe: {  	s30 =	sand.u32 $0x3000, s26;
	[smem:$0x7F1] =	sst s4;
	s8 =	sand.u32 $0x3000, s4  }
0xf: {  	s11 =	sand.u32 $0x70, s10;
	s15 =	sshll.u32 s23, $0x4;
	s24 =	sadd.s32 $0x7, s16  }
0x10: {  	s1 =	sadd.s32 s9, s1;
	s13 =	sadd.s32 s3, s6;
	s3 =	sshll.u32 s20, $0x4  }
0x11: {  	s25 =	smul.u32 $0x280, s5;
	s1 =	sadd.s32 s7, s1;
	s7 =	sand.u32 $0x70, s3  }
0x12: {  	[dreg:$0x7] =	wrdreg s1;
	s1 =	sand.u32 $0x70, s29;
	s7 =	sadd.s32 s9, s7  }
0x13: {  	s10 =	sshll.u32 s24, $0x4;
	s1 =	sadd.s32 s9, s1;
	s6 =	sadd.s32 s8, s7  }
0x14: {  	s7 =	sshll.u32 s21, $0x4;
	s1 =	sadd.s32 s30, s1;
	[dreg:$0x9] =	wrdreg s6  }
0x15: {  	s6 =	sshll.u32 s21, $0x9;
	[dreg:$0x8] =	wrdreg s1;
	s1 =	sand.u32 $0x70, s7  }
0x16: {  	s10 =	sand.u32 $0x70, s10;
	s8 =	sand.u32 $0x3000, s6;
	s1 =	sadd.s32 s9, s1  }
0x17: {  	s18 =	sadd.s32 s9, s10;
	s7 =	sshll.u32 s22, $0x9;
	s1 =	sadd.s32 s8, s1  }
0x18: {  	s12 =	sand.u32 $0x3000, s7;
	[dreg:$0xa] =	wrdreg s1;
	s1 =	sadd.s32 s9, s11  }
0x19: {  	s10 =	sshll.u32 s24, $0x9;
	s8 =	sshll.u32 s23, $0x9;
	s1 =	sadd.s32 s12, s1  }
0x1a: {  	s12 =	smul.u32 $0xD000, s5;
	[dreg:$0xb] =	wrdreg s1;
	s1 =	sand.u32 $0x70, s15  }
0x1b: {  	s11 =	sand.u32 $0x3000, s8;
	s15 =	sand.u32 $0x3000, s10;
	s1 =	sadd.s32 s9, s1  }
0x1c: {  	s12 =	sand.u32 $0x8000, s12;
	s1 =	sadd.s32 s11, s1;
	s11 =	sadd.s32 $0x8, s16  }
0x1d: {  	s29 =	sor.u32 s25, s12;
	[dreg:$0xc] =	wrdreg s1;
	s1 =	sadd.s32 s15, s18  }
0x1e: {  	s26 =	sshll.u32 s11, $0xC;
	[smem:$0x7EC] =	sst s29;
	s18 =	sshll.u32 s28, $0x4  }
0x1f: {  	s29 =	sadd.s32 $0xB, s16;
	[dreg:$0xd] =	wrdreg s1;
	s15 =	sand.u32 $0x18000, s26  }
0x20: {  	s26 =	sadd.s32 $0x9, s16;
	s3 =	sand.u32 $0x70, s18;
	s18 =	sshll.u32 s29, $0x9  }
0x21: {  	s1 =	sor.u32 s25, s15;
	s30 =	sshll.u32 s26, $0x4;
	s12 =	sshll.u32 s26, $0x9  }
0x22: {  	s15 =	sshll.u32 s28, $0x9;
	s25 =	sshll.u32 s14, $0x7;
	[smem:$0x7FC] =	sst s1  }
0x23: {  	s1 =	sand.u32 $0x70, s30;
	s2 =	sand.u32 $0x3000, s12;
	s4 =	sand.u32 $0x3000, s15  }
0x24: {  	s30 =	sshll.u32 s29, $0x4;
	s25 =	sand.u32 $0x380, s25;
	s1 =	sadd.s32 s9, s1  }
0x25: {  	s1 =	sadd.s32 s2, s1;
	s2 =	sand.u32 $0x70, s30;
	s30 =	sadd.s32 $0xC, s16  }
0x26: {  	[dreg:$0xe] =	wrdreg s1;
	s1 =	sadd.s32 s9, s3;
	s16 =	sshll.u32 s30, $0x4  }
0x27: {  	s1 =	sadd.s32 s4, s1;
	s4 =	sadd.s32 s9, s2;
	s3 =	sand.u32 $0x70, s16  }
0x28: {  	s16 =	sshll.u32 s30, $0x9;
	[dreg:$0xf] =	wrdreg s1;
	s1 =	sand.u32 $0x3000, s18  }
0x29: {  	s3 =	sadd.s32 s9, s3;
	s2 =	sand.u32 $0x3000, s16;
	s1 =	sadd.s32 s1, s4  }
0x2a: {  	s0 =	sor.u32 s25, s0;
	s2 =	sadd.s32 s2, s3;
	[dreg:$0x10] =	wrdreg s1  }
0x2b: {  	s3 =	sadd.s32 $0x61C00, s0;
	s4 =	sshrl.u32 s0, $0x3;
	s1 =	rddreg [dreg:$0x0]  }
0x2c: {  	[dreg:$0x11] =	wrdreg s2;
	s2 =	sshrl.u32 s3, $0x3;
	s3 =	sadd.s32 s1, s4  }
0x2d: {  	s2 =	sadd.s32 s1, s2;
	[dreg:$0x12] =	wrdreg s3;
	s3 =	sor.u32 s25, s13  }
0x2e: {  	[dreg:$0x13] =	wrdreg s2;
	s4 =	sshrl.u32 s3, $0x3;
	s2 =	sadd.s32 $0x61C00, s3  }
0x2f: {  	s13 =	sadd.s32 $0x30E000, s0;
	s3 =	sadd.s32 s1, s4;
	s2 =	sshrl.u32 s2, $0x3  }
0x30: {  	s4 =	sshrl.u32 s13, $0x3;
	[dreg:$0x14] =	wrdreg s3;
	s2 =	sadd.s32 s1, s2  }
0x31: {  	s13 =	sadd.s32 $0x36FC00, s0;
	[dreg:$0x15] =	wrdreg s2;
	s2 =	sadd.s32 s1, s4  }
0x32: {  	s4 =	sshrl.u32 s13, $0x3;
	s13 =	sadd.s32 $0x495000, s0;
	[dreg:$0x16] =	wrdreg s2  }
0x33: {  	s2 =	sadd.s32 s1, s4;
	s4 =	sshrl.u32 s13, $0x3;
	s13 =	sadd.s32 $0x4F6C00, s0  }
0x34: {  	[dreg:$0x17] =	wrdreg s2;
	s2 =	sadd.s32 s1, s4;
	s4 =	sshrl.u32 s13, $0x3  }
0x35: {  	s13 =	sadd.s32 $0x61C000, s0;
	[dreg:$0x18] =	wrdreg s2;
	s2 =	sadd.s32 s1, s4  }
0x36: {  	s4 =	sshrl.u32 s13, $0x3;
	s13 =	sadd.s32 $0x67DC00, s0;
	[dreg:$0x19] =	wrdreg s2  }
0x37: {  	s2 =	sadd.s32 s1, s4;
	s4 =	sshrl.u32 s13, $0x3;
	s13 =	sadd.s32 $0x7A3000, s0  }
0x38: {  	[dreg:$0x1a] =	wrdreg s2;
	s2 =	sadd.s32 s1, s4;
	s4 =	sshrl.u32 s13, $0x3  }
0x39: {  	s13 =	sadd.s32 $0x804C00, s0;
	[dreg:$0x1b] =	wrdreg s2;
	s2 =	sadd.s32 s1, s4  }
0x3a: {  	s4 =	sshrl.u32 s13, $0x3;
	s13 =	sadd.s32 $0x92A000, s0;
	[dreg:$0x1c] =	wrdreg s2  }
0x3b: {  	s2 =	sadd.s32 s1, s4;
	s4 =	sshrl.u32 s13, $0x3;
	s13 =	sadd.s32 $0x98BC00, s0  }
0x3c: {  	[dreg:$0x1d] =	wrdreg s2;
	s2 =	sadd.s32 s1, s4;
	s4 =	sshrl.u32 s13, $0x3  }
0x3d: {  	s13 =	sadd.s32 $0xAB1000, s0;
	[dreg:$0x1e] =	wrdreg s2;
	s2 =	sadd.s32 s1, s4  }
0x3e: {  	s4 =	sshrl.u32 s13, $0x3;
	s13 =	sadd.s32 $0xB12C00, s0;
	[dreg:$0x1f] =	wrdreg s2  }
0x3f: {  	s2 =	sadd.s32 s1, s4;
	s4 =	sshrl.u32 s13, $0x3;
	s13 =	sadd.s32 $0xC38000, s0  }
0x40: {  	[smem:$0x7D2] =	sst s2;
	s2 =	sadd.s32 s1, s4;
	s4 =	sshrl.u32 s13, $0x3  }
0x41: {  	s13 =	sadd.s32 $0xC99C00, s0;
	[smem:$0x7D3] =	sst s2;
	s2 =	sadd.s32 s1, s4  }
0x42: {  	s4 =	sshrl.u32 s13, $0x3;
	s13 =	sadd.s32 $0xDBF000, s0;
	[smem:$0x7D4] =	sst s2  }
0x43: {  	s2 =	sadd.s32 s1, s4;
	s4 =	sshrl.u32 s13, $0x3;
	s13 =	sadd.s32 $0xE20C00, s0  }
0x44: {  	[smem:$0x7D5] =	sst s2;
	s2 =	sadd.s32 s1, s4;
	s4 =	sshrl.u32 s13, $0x3  }
0x45: {  	s13 =	sadd.s32 $0xF46000, s0;
	[smem:$0x7D6] =	sst s2;
	s2 =	sadd.s32 s1, s4  }
0x46: {  	s4 =	sshrl.u32 s13, $0x3;
	s13 =	sadd.s32 $0xFA7C00, s0;
	[smem:$0x7D7] =	sst s2  }
0x47: {  	s2 =	sadd.s32 s1, s4;
	s4 =	sshrl.u32 s13, $0x3;
	s13 =	sadd.s32 $0x10CD000, s0  }
0x48: {  	[smem:$0x7D8] =	sst s2;
	s2 =	sadd.s32 s1, s4;
	s3 =	sshrl.u32 s13, $0x3  }
0x49: {  	s4 =	sadd.s32 $0x112EC00, s0;
	[smem:$0x7D9] =	sst s2;
	s2 =	sadd.s32 s1, s3  }
0x4a: {  	s13 =	sshrl.u32 s4, $0x3;
	s4 =	sadd.s32 $0x1254000, s0;
	s0 =	sadd.s32 $0x12B5C00, s0  }
0x4b: {  	[smem:$0x7DA] =	sst s2;
	s3 =	sshrl.u32 s4, $0x3;
	s2 =	sadd.s32 s1, s13  }
0x4c: {  	s4 =	smul.u32 $0x6800, s5;
	s0 =	sshrl.u32 s0, $0x3;
	[smem:$0x7DB] =	sst s2  }
0x4d: {  	s13 =	sadd.s32 s1, s3;
	s0 =	sadd.s32 s1, s0;
	s3 =	sshll.u32 s17, $0xB  }
0x4e: {  	s17 =	sshll.u32 s21, $0xB;
	s21 =	sshll.u32 s24, $0xB;
	[smem:$0x7DC] =	sst s13  }
0x4f: {  	s24 =	sshll.u32 s28, $0xB;
	[smem:$0x7DD] =	sst s0;
	s0 =	sor.u32 s4, s31  }
0x50: {  	s1 =	sor.u32 s31, s3;
	s4 =	sshll.u32 s19, $0xB;
	s13 =	sshll.u32 s20, $0xB  }
0x51: {  	s19 =	sshll.u32 s22, $0xB;
	s20 =	sshll.u32 s23, $0xB;
	s22 =	sshll.u32 s26, $0xB  }
0x52: {  	s23 =	sshll.u32 s11, $0xB;
	s26 =	sshll.u32 s29, $0xB;
	s29 =	sshll.u32 s30, $0xB  }
0x53: {  	s2 =	sor.u32 s31, s4;
	s3 =	sor.u32 s31, s13;
	s4 =	sor.u32 s31, s17  }
0x54: {  	s13 =	sor.u32 s31, s19;
	s17 =	sor.u32 s31, s20;
	s19 =	sor.u32 s31, s21  }
0x55: {  	s21 =	sor.u32 s31, s23;
	s20 =	sor.u32 s31, s22;
	s22 =	sor.u32 s31, s24  }
0x56: {  	s23 =	sor.u32 s31, s26;
	s24 =	sor.u32 s31, s29;
	s0 =	sor.u32 s25, s0  }
0x57: {  	s1 =	sor.u32 s25, s1;
	s26 =	rddreg [dreg:$0x4];
	s2 =	sor.u32 s25, s2  }
0x58: {  	s3 =	sor.u32 s25, s3;
	s4 =	sor.u32 s25, s4;
	s13 =	sor.u32 s25, s13  }
0x59: {  	s17 =	sor.u32 s25, s17;
	s19 =	sor.u32 s25, s19;
	s21 =	sor.u32 s25, s21  }
0x5a: {  	s20 =	sor.u32 s25, s20;
	s22 =	sor.u32 s25, s22;
	s23 =	sor.u32 s25, s23  }
0x5b: {  	s24 =	sor.u32 s25, s24;
	s0 =	sshrl.u32 s0, $0x3;
	s25 =	sadd.s32 $0x1000, s26  }
0x5c: {  	s30 =	sshrl.u32 s1, $0x3;
	s0 =	sadd.s32 s25, s0  }
0x5d: {  	s31 =	sshrl.u32 s2, $0x3;
	s29 =	sshrl.u32 s13, $0x3;
	[smem:$0x7DE] =	sst s0  }
0x5e: {  	s0 =	sadd.s32 s25, s30;
	s30 =	sadd.s32 s25, s29;
	s29 =	sld [smem:$0x7EC]  }
0x5f: {  	s2 =	sadd.s32 s25, s31;
	[smem:$0x7DF] =	sst s0  }
0x60: {  	s3 =	sshrl.u32 s3, $0x3;
	[smem:$0x7E0] =	sst s2  }
0x61: {  	s4 =	sshrl.u32 s4, $0x3;
	s31 =	sshrl.u32 s17, $0x3;
	[smem:$0x7E3] =	sst s30  }
0x62: {  	s17 =	sshrl.u32 s23, $0x3;
	s0 =	sadd.s32 s25, s3;
	s30 =	sld [smem:$0x7ED]  }
0x63: {  	s2 =	sshrl.u32 s21, $0x3;
	s21 =	smul.u32 $0x1A00, s5;
	s5 =	sld [smem:$0x7F1]  }
0x64: {  	s1 =	sshrl.u32 s19, $0x3;
	s19 =	sadd.s32 s25, s17;
	[smem:$0x7E1] =	sst s0  }
0x65: {  	s0 =	sadd.s32 s25, s4;
	[smem:$0x7E9] =	sst s19  }
0x66: {  	s4 =	sshrl.u32 s20, $0x3;
	s20 =	sshrl.u32 s24, $0x3;
	s24 =	rddreg [dreg:$0x2]  }
0x67: {  	s3 =	sadd.s32 s25, s2;
	[smem:$0x7E2] =	sst s0  }
0x68: {  	[smem:$0x7E6] =	sst s3  }
0x69: {  	s0 =	sadd.s32 s25, s31;
	s31 =	sld [smem:$0x7EF]  }
0x6a: {  	s6 =	sadd.s32 s24, s6;
	[smem:$0x7E4] =	sst s0  }
0x6b: {  	s7 =	sadd.s32 s24, s7;
	[smem:$0x7F3] =	sst s6  }
0x6c: {  	s8 =	sadd.s32 s24, s8;
	[smem:$0x7F4] =	sst s7  }
0x6d: {  	s28 =	simm.s32 $0x0;
	s10 =	sadd.s32 s24, s10;
	[smem:$0x7F5] =	sst s8  }
0x6e: {  	s11 =	sshll.u32 s11, $0x9;
	s12 =	sadd.s32 s24, s12;
	[smem:$0x7F6] =	sst s10  }
0x6f: {  	s13 =	sshrl.u32 s22, $0x3;
	s17 =	sadd.s32 s24, s15;
	[smem:$0x7F8] =	sst s12  }
0x70: {  	s22 =	smin.u32 s14, $0x19;
	s18 =	sadd.s32 s24, s18;
	[smem:$0x7F9] =	sst s17  }
0x71: {  	s23 =	sshll.u32 s14, $0x9;
	s19 =	sshrl.u32 s22, $0x3;
	[smem:$0x7FA] =	sst s18  }
0x72: {  	s0 =	sadd.s32 s25, s1;
	s2 =	sadd.s32 s24, s30;
	s30 =	rddreg [dreg:$0x5]  }
0x73: {  	s15 =	simm.s32 $0x80;
	s1 =	sshll.u32 s22, $0x7;
	[smem:$0x7E5] =	sst s0  }
0x74: {  	s6 =	simm.s32 $0x0;
	s7 =	sshll.u32 s19, $0xA;
	[smem:$0x7EE] =	sst s2  }
0x75: {  	s17 =	simm.s32 $0x1A800;
	s0 =	sadd.s32 s25, s4;
	[smem:$0x7FF] =	sst s6  }
0x76: {  	s18 =	simm.s32 $0x3;
	s1 =	sand.u32 $0x380, s1;
	[smem:$0x7E7] =	sst s0  }
0x77: {  	s0 =	sadd.s32 s25, s13;
	s13 =	sadd.s32 s23, s26;
	s23 =	sld [smem:$0x7FC]  }
0x78: {  	s2 =	sadd.s32 s24, s31;
	[smem:$0x7E8] =	sst s0;
	s0 =	sadd.s32 s25, s20  }
0x79: {  	s25 =	sshll.u32 s22, $0x9;
	[smem:$0x7F0] =	sst s2;
	s2 =	sadd.s32 s24, s5  }
0x7a: {  	s20 =	sadd.s32 s24, s16;
	s10 =	sadd.s32 $0x2A00, s13;
	[smem:$0x7EA] =	sst s0  }
0x7b: {  	s16 =	simm.s32 $0x400;
	s14 =	sadd.s32 s25, s26;
	[smem:$0x7F2] =	sst s2  }
0x7c: {  	s0 =	sadd.s32 s24, s21;
	s2 =	sadd.s32 s24, s11;
	[smem:$0x7FB] =	sst s20  }
0x7d: {  	s21 =	sshll.u32 s19, $0xF;
	s26 =	rddreg [dreg:$0x1];
	s11 =	sadd.s32 $0x6A00, s13  }
0x7e: {  	s20 =	simm.s32 $0x18780;
	[smem:$0x7EB] =	sst s0;
	s0 =	sshrl.u32 s29, $0x3  }
0x7f: {  	[smem:$0x7F7] =	sst s2;
	s2 =	sadd.s32 s24, s25;
	s22 =	sor.u32 s1, s21  }
0x80: {  	s4 =	sshrl.u32 s23, $0x3;
	s24 =	smul.u32 $0xC3800, s19;
	s12 =	sadd.s32 $0xAA00, s14  }
0x81: {  	s14 =	simm.s32 $0x18800;
	s19 =	simm.s32 $0xC480;
	s21 =	simm.s32 $0x1  }
0x82: {  	s23 =	simm.s32 $0x1B800;
	s3 =	sadd.s32 s9, s0;
	s0 =	sshrl.u32 s22, $0x3  }
0x83: {  	s4 =	sadd.s32 s9, s4;
	_ =	strace $0x80000047;
	s22 =	simm.s32 $0x19800  }
0x84: {  	s5 =	sadd.s32 s9, s0;
	s25 =	sor.u32 s1, s24;
	s1 =	sor.u32 s1, s7  }
0x85: {  	s31 =	sld [smem:$0x7FD];
	s24 =	simm.s32 $0x2;
	s29 =	sshrl.u32 s25, $0x3  }
0x86: {  	s0 =	sadd.s32 $0x61C00, s25;
	s1 =	sshrl.u32 s1, $0x3;
	s25 =	simm.s32 $0xC400  }
0x87: {  	s7 =	sadd.s32 s26, s29;
	s0 =	sshrl.u32 s0, $0x3;
	s9 =	sadd.s32 s30, s1  }
0x88: {  	v0 =	vimm.f32 $0.0e+00;
	s8 =	sadd.s32 s26, s0;
	s13 =	smax.u32 s31, $0x1;
	s26 =	simm.s32 $0x4  }
.LBB2_1:
0x89: {  	[tilespmem:$0xC380] =	vst v0  }
0x8a: {  	[tilespmem:$0xC400] =	vst v0  }
0x8b: {  	[tilespmem:$0xC410] =	vst v0  }
0x8c: {  	[tilespmem:$0xC420] =	vst v0  }
0x8d: {  	[tilespmem:$0xC430] =	vst v0  }
0x8e: {  	[tilespmem:$0xC440] =	vst v0  }
0x8f: {  	[tilespmem:$0xC450] =	vst v0;
	s0 =	sld [smem:$0x7EB]  }
0x90: {  	[tilespmem:$0xC460] =	vst v0  }
0x91: {  	[tilespmem:$0xC470] =	vst v0  }
0x92: {  	[tilespmem:s14], [sflag:$0x3] =	stream.linear.gather [hbm4b:s0+s6], $0x1000, $0x38;
	[tilespmem:$0x1F800] =	vst v63  }
0x93: {  	_ = 	snop  }
0x94: {  	[tilespmem:s17], [sflag:$0x3] =	stream.strided.gather [hbm4b:s3+s15], $0x1000, s16, s15, $0x38;
	[tilespmem:$0x1F800] =	vst v63  }
0x95: {  	s1 =	rddreg [dreg:$0x12]  }
0x96: {  	[tilespmem:s6], [sflag:$0x1] =	stream.strided.gather [hbm4b:s1+s15], $0xC380, s16, s15, $0x38;
	[tilespmem:$0x1F800] =	vst v63  }
0x97: {  	_ =	swait.ge [sflag:s18], $0x1000  }
0x98: {  	[sflag:s18] =	ssyncset.done $0x0  }
0x99: {  	[sflag:s18] =	ssyncadd.s32 $0xFFFFF000  }
0x9a: {  	_ =	swait.ge [sflag:s18], $0x1000  }
0x9b: {  	[sflag:s18] =	ssyncset.done $0x0  }
0x9c: {  	s1 =	rddreg [dreg:$0x13];
	[sflag:s18] =	ssyncadd.s32 $0xFFFFF000  }
0x9d: {  	[tilespmem:s19], [sflag:$0x2] =	stream.strided.gather [hbm4b:s1+s15], $0xC300, s16, s15, $0x38;
	[tilespmem:$0x1F800] =	vst v63  }
0x9e: {  	s1 =	sld [smem:$0x7DE];
	_ =	sdelay $0x2  }
0x9f: {  	[tilespmem:s20], [sflag:$0x2] =	stream.linear.gather [hbm4b:s1+s6], $0x80, $0x38;
	[tilespmem:$0x1F800] =	vst v63  }
0xa0: {  	_ =	swait.ge [sflag:s21], $0xC380  }
0xa1: {  	s1 =	sld [smem:$0x7EE]  }
0xa2: {  	[sflag:s21] =	ssyncset.done $0x0  }
0xa3: {  	[sflag:s21] =	ssyncadd.s32 $0xFFFF3C80  }
0xa4: {  	[tilespmem:s22], [sflag:$0x3] =	stream.linear.gather [hbm4b:s1+s6], $0x1000, $0x38;
	[tilespmem:$0x1F800] =	vst v63  }
0xa5: {  	s29 =	simm.s32 $0x1C810;
	s30 =	simm.s32 $0x1A810;
	s1 =	rddreg [dreg:$0x7]  }
0xa6: {  	[tilespmem:s23], [sflag:$0x3] =	stream.strided.gather [hbm4b:s1+s15], $0x1000, s16, s15, $0x38;
	[tilespmem:$0x1F800] =	vst v63  }
0xa7: {  	s31 =	simm.s32 $0x18810;
	s0 =	simm.s32 $0xFFFFFFFE;
	s1 =	simm.s32 $0x1D810  }
.LBB2_2:
0xa8: {  	v1 =	vld [tilespmem:s31+$0xFFFFFFF0];
	_ =	sdelay $0x4  }
0xa9: {  	vm0 =	vlt.s32 v1, $0xC380  }
0xaa: {  	v1 =	vnsel vm0, $0xC380, v1;
	_ =	sdelay $0x3  }
0xab: {  	v2 =	vld [tilespmem:s30+$0xFFFFFFF0]  }
0xac: {  	v1 =	vld.idx.msk [tilespmem:v1+s6+$0x0], $0xffff;
	_ =	sdelay $0x4  }
0xad: {  	v1 =	vmul.f32 v2, v1;
	_ =	sdelay $0x1  }
0xae: {  	v2 =	vmul.f32 v1, v1  }
0xaf: {  	[tilespmem:s29+$0xFFFFFFF0] =	vst v1  }
0xb0: {  	[tilespmem:s1+$0xFFFFFFF0] =	vst v2  }
0xb1: {  	v1 =	vld [tilespmem:s31+$0x0];
	_ =	sdelay $0x4  }
0xb2: {  	vm15 =	vlt.s32 v1, $0xC380  }
0xb3: {  	v1 =	vnsel vm15, $0xC380, v1;
	_ =	sdelay $0x3  }
0xb4: {  	v2 =	vld [tilespmem:s30+$0x0]  }
0xb5: {  	v1 =	vld.idx.msk [tilespmem:v1+s6+$0x0], $0xffff;
	_ =	sdelay $0x2  }
0xb6: {  	s0 =	sadd.s32 $0x2, s0  }
0xb7: {  	p0 =	slt.u32 s0, $0xFE  }
.Ltmp0:
0xb8: {  	v1 =	vmul.f32 v2, v1;
	(pc) =	sbr.rel @p0 .LBB2_2-.Ltmp0, $4  }
0xb9: {  	_ = 	snop  }
0xba: {  	v2 =	vmul.f32 v1, v1  }
0xbb: {  	s30 =	sadd.s32 $0x20, s30;
	[tilespmem:s29+$0x0] =	vst v1  }
0xbc: {  	s31 =	sadd.s32 $0x20, s31;
	s29 =	sadd.s32 $0x20, s29;
	[tilespmem:s1+$0x0] =	vst v2;
	s1 =	sadd.s32 $0x20, s1  }
0xbd: {  	s0 =	rddreg [dreg:$0x14]  }
0xbe: {  	[tilespmem:s6], [sflag:$0x1] =	stream.strided.gather [hbm4b:s0+s15], $0xC380, s16, s15, $0x38;
	[tilespmem:$0x1F800] =	vst v63  }
0xbf: {  	_ =	swait.ge [sflag:s24], $0xC300  }
0xc0: {  	[sflag:s24] =	ssyncset.done $0x0  }
0xc1: {  	[sflag:s24] =	ssyncadd.s32 $0xFFFF3D00  }
0xc2: {  	s29 =	simm.s32 $0xFFFFFFFE;
	_ =	swait.ge [sflag:s24], $0x80  }
0xc3: {  	s30 =	simm.s32 $0x1D810;
	s31 =	simm.s32 $0x1C810;
	[sflag:s24] =	ssyncset.done $0x0  }
0xc4: {  	s1 =	simm.s32 $0x18810;
	s0 =	simm.s32 $0x1A810;
	[sflag:s24] =	ssyncadd.s32 $0xFFFFFF80  }
.LBB2_4:
0xc5: {  	v1 =	vld [tilespmem:s1+$0xFFFFFFF0];
	_ =	sdelay $0x4  }
0xc6: {  	v2 =	vadd.s32 $0xFFFF3D00, v1  }
0xc7: {  	vm0 =	vgt.s32 v2, $0x0  }
0xc8: {  	v1 =	vadd.s32 $0xFFFF3D60, v1;
	vm13 =	vgt.s32 v2, $0xC37F;
	v3 =	vnsel vm0, $0x0, v2  }
0xc9: {  	v1 =	vsel vm13, v1, v3;
	_ =	sdelay $0x3  }
0xca: {  	v2 =	vld [tilespmem:s0+$0xFFFFFFF0]  }
0xcb: {  	v1 =	vld.idx.msk [tilespmem:v1+s25+$0x0], $0xffff;
	_ =	sdelay $0x4  }
0xcc: {  	v1 =	vmul.f32 v2, v1;
	_ =	sdelay $0x1  }
0xcd: {  	v2 =	vmul.f32 v1, v1  }
0xce: {  	[tilespmem:s31+$0xFFFFFFF0] =	vst.add.f32.msk $0xffff, v1  }
0xcf: {  	[tilespmem:s30+$0xFFFFFFF0] =	vst.add.f32.msk $0xffff, v2  }
0xd0: {  	v1 =	vld [tilespmem:s1+$0x0];
	_ =	sdelay $0x4  }
0xd1: {  	v2 =	vadd.s32 $0xFFFF3D00, v1  }
0xd2: {  	vm14 =	vgt.s32 v2, $0x0  }
0xd3: {  	v1 =	vadd.s32 $0xFFFF3D60, v1;
	vm15 =	vgt.s32 v2, $0xC37F;
	v3 =	vnsel vm14, $0x0, v2  }
0xd4: {  	v1 =	vsel vm15, v1, v3;
	_ =	sdelay $0x3  }
0xd5: {  	v2 =	vld [tilespmem:s0+$0x0]  }
0xd6: {  	v1 =	vld.idx.msk [tilespmem:v1+s25+$0x0], $0xffff;
	_ =	sdelay $0x2  }
0xd7: {  	s29 =	sadd.s32 $0x2, s29  }
0xd8: {  	p0 =	slt.u32 s29, $0xFE  }
.Ltmp1:
0xd9: {  	v1 =	vmul.f32 v2, v1;
	(pc) =	sbr.rel @p0 .LBB2_4-.Ltmp1, $4  }
0xda: {  	_ = 	snop  }
0xdb: {  	v2 =	vmul.f32 v1, v1  }
0xdc: {  	s1 =	sadd.s32 $0x20, s1;
	[tilespmem:s31+$0x0] =	vst.add.f32.msk $0xffff, v1  }
0xdd: {  	s0 =	sadd.s32 $0x20, s0;
	s31 =	sadd.s32 $0x20, s31;
	[tilespmem:s30+$0x0] =	vst.add.f32.msk $0xffff, v2;
	s30 =	sadd.s32 $0x20, s30  }
0xde: {  	_ =	swait.ge [sflag:s18], $0x1000  }
0xdf: {  	[sflag:s18] =	ssyncset.done $0x0  }
0xe0: {  	[sflag:s18] =	ssyncadd.s32 $0xFFFFF000  }
0xe1: {  	_ =	swait.ge [sflag:s18], $0x1000  }
0xe2: {  	[sflag:s18] =	ssyncset.done $0x0;
	s0 =	rddreg [dreg:$0x15]  }
0xe3: {  	s1 =	sld [smem:$0x7DF];
	[sflag:s18] =	ssyncadd.s32 $0xFFFFF000  }
0xe4: {  	[tilespmem:s19], [sflag:$0x2] =	stream.strided.gather [hbm4b:s0+s15], $0xC300, s16, s15, $0x38;
	[tilespmem:$0x1F800] =	vst v63  }
0xe5: {  	_ = 	snop  }
0xe6: {  	[tilespmem:s20], [sflag:$0x2] =	stream.linear.gather [hbm4b:s1+s6], $0x80, $0x38;
	[tilespmem:$0x1F800] =	vst v63  }
0xe7: {  	_ =	swait.ge [sflag:s21], $0xC380  }
0xe8: {  	s1 =	sld [smem:$0x7F0]  }
0xe9: {  	[sflag:s21] =	ssyncset.done $0x0  }
0xea: {  	[sflag:s21] =	ssyncadd.s32 $0xFFFF3C80  }
0xeb: {  	[tilespmem:s14], [sflag:$0x3] =	stream.linear.gather [hbm4b:s1+s6], $0x1000, $0x38;
	[tilespmem:$0x1F800] =	vst v63  }
0xec: {  	s29 =	simm.s32 $0x1C810;
	s30 =	simm.s32 $0x1B810;
	s1 =	rddreg [dreg:$0x8]  }
0xed: {  	[tilespmem:s17], [sflag:$0x3] =	stream.strided.gather [hbm4b:s1+s15], $0x1000, s16, s15, $0x38;
	[tilespmem:$0x1F800] =	vst v63  }
0xee: {  	s31 =	simm.s32 $0x19810;
	s0 =	simm.s32 $0xFFFFFFFE;
	s1 =	simm.s32 $0x1D810  }
.LBB2_6:
0xef: {  	v1 =	vld [tilespmem:s31+$0xFFFFFFF0];
	_ =	sdelay $0x4  }
0xf0: {  	vm0 =	vlt.s32 v1, $0xC380  }
0xf1: {  	v1 =	vnsel vm0, $0xC380, v1;
	_ =	sdelay $0x3  }
0xf2: {  	v2 =	vld [tilespmem:s30+$0xFFFFFFF0]  }
0xf3: {  	v1 =	vld.idx.msk [tilespmem:v1+s6+$0x0], $0xffff;
	_ =	sdelay $0x4  }
0xf4: {  	v1 =	vmul.f32 v2, v1;
	_ =	sdelay $0x1  }
0xf5: {  	v2 =	vmul.f32 v1, v1  }
0xf6: {  	[tilespmem:s29+$0xFFFFFFF0] =	vst.add.f32.msk $0xffff, v1  }
0xf7: {  	[tilespmem:s1+$0xFFFFFFF0] =	vst.add.f32.msk $0xffff, v2  }
0xf8: {  	v1 =	vld [tilespmem:s31+$0x0];
	_ =	sdelay $0x4  }
0xf9: {  	vm15 =	vlt.s32 v1, $0xC380  }
0xfa: {  	v1 =	vnsel vm15, $0xC380, v1;
	_ =	sdelay $0x3  }
0xfb: {  	v2 =	vld [tilespmem:s30+$0x0]  }
0xfc: {  	v1 =	vld.idx.msk [tilespmem:v1+s6+$0x0], $0xffff;
	_ =	sdelay $0x2  }
0xfd: {  	s0 =	sadd.s32 $0x2, s0  }
0xfe: {  	p0 =	slt.u32 s0, $0xFE  }
.Ltmp2:
0xff: {  	v1 =	vmul.f32 v2, v1;
	(pc) =	sbr.rel @p0 .LBB2_6-.Ltmp2, $4  }
0x100: {  	_ = 	snop  }
0x101: {  	v2 =	vmul.f32 v1, v1  }
0x102: {  	s30 =	sadd.s32 $0x20, s30;
	[tilespmem:s29+$0x0] =	vst.add.f32.msk $0xffff, v1  }
0x103: {  	s31 =	sadd.s32 $0x20, s31;
	s29 =	sadd.s32 $0x20, s29;
	[tilespmem:s1+$0x0] =	vst.add.f32.msk $0xffff, v2;
	s1 =	sadd.s32 $0x20, s1  }
0x104: {  	s0 =	rddreg [dreg:$0x16]  }
0x105: {  	[tilespmem:s6], [sflag:$0x1] =	stream.strided.gather [hbm4b:s0+s15], $0xC380, s16, s15, $0x38;
	[tilespmem:$0x1F800] =	vst v63  }
0x106: {  	_ =	swait.ge [sflag:s24], $0xC300  }
0x107: {  	[sflag:s24] =	ssyncset.done $0x0  }
0x108: {  	[sflag:s24] =	ssyncadd.s32 $0xFFFF3D00  }
0x109: {  	s29 =	simm.s32 $0xFFFFFFFE;
	_ =	swait.ge [sflag:s24], $0x80  }
0x10a: {  	s30 =	simm.s32 $0x1D810;
	s31 =	simm.s32 $0x1C810;
	[sflag:s24] =	ssyncset.done $0x0  }
0x10b: {  	s1 =	simm.s32 $0x19810;
	s0 =	simm.s32 $0x1B810;
	[sflag:s24] =	ssyncadd.s32 $0xFFFFFF80  }
.LBB2_8:
0x10c: {  	v1 =	vld [tilespmem:s1+$0xFFFFFFF0];
	_ =	sdelay $0x4  }
0x10d: {  	v2 =	vadd.s32 $0xFFFF3D00, v1  }
0x10e: {  	vm0 =	vgt.s32 v2, $0x0  }
0x10f: {  	v1 =	vadd.s32 $0xFFFF3D60, v1;
	vm13 =	vgt.s32 v2, $0xC37F;
	v3 =	vnsel vm0, $0x0, v2  }
0x110: {  	v1 =	vsel vm13, v1, v3;
	_ =	sdelay $0x3  }
0x111: {  	v2 =	vld [tilespmem:s0+$0xFFFFFFF0]  }
0x112: {  	v1 =	vld.idx.msk [tilespmem:v1+s25+$0x0], $0xffff;
	_ =	sdelay $0x4  }
0x113: {  	v1 =	vmul.f32 v2, v1;
	_ =	sdelay $0x1  }
0x114: {  	v2 =	vmul.f32 v1, v1  }
0x115: {  	[tilespmem:s31+$0xFFFFFFF0] =	vst.add.f32.msk $0xffff, v1  }
0x116: {  	[tilespmem:s30+$0xFFFFFFF0] =	vst.add.f32.msk $0xffff, v2  }
0x117: {  	v1 =	vld [tilespmem:s1+$0x0];
	_ =	sdelay $0x4  }
0x118: {  	v2 =	vadd.s32 $0xFFFF3D00, v1  }
0x119: {  	vm14 =	vgt.s32 v2, $0x0  }
0x11a: {  	v1 =	vadd.s32 $0xFFFF3D60, v1;
	vm15 =	vgt.s32 v2, $0xC37F;
	v3 =	vnsel vm14, $0x0, v2  }
0x11b: {  	v1 =	vsel vm15, v1, v3;
	_ =	sdelay $0x3  }
0x11c: {  	v2 =	vld [tilespmem:s0+$0x0]  }
0x11d: {  	v1 =	vld.idx.msk [tilespmem:v1+s25+$0x0], $0xffff;
	_ =	sdelay $0x2  }
0x11e: {  	s29 =	sadd.s32 $0x2, s29  }
0x11f: {  	p0 =	slt.u32 s29, $0xFE  }
.Ltmp3:
0x120: {  	v1 =	vmul.f32 v2, v1;
	(pc) =	sbr.rel @p0 .LBB2_8-.Ltmp3, $4  }
0x121: {  	_ = 	snop  }
0x122: {  	v2 =	vmul.f32 v1, v1  }
0x123: {  	s1 =	sadd.s32 $0x20, s1;
	[tilespmem:s31+$0x0] =	vst.add.f32.msk $0xffff, v1  }
0x124: {  	s0 =	sadd.s32 $0x20, s0;
	s31 =	sadd.s32 $0x20, s31;
	[tilespmem:s30+$0x0] =	vst.add.f32.msk $0xffff, v2;
	s30 =	sadd.s32 $0x20, s30  }
0x125: {  	_ =	swait.ge [sflag:s18], $0x1000  }
0x126: {  	[sflag:s18] =	ssyncset.done $0x0  }
0x127: {  	[sflag:s18] =	ssyncadd.s32 $0xFFFFF000  }
0x128: {  	_ =	swait.ge [sflag:s18], $0x1000  }
0x129: {  	[sflag:s18] =	ssyncset.done $0x0;
	s0 =	rddreg [dreg:$0x17]  }
0x12a: {  	s1 =	sld [smem:$0x7E0];
	[sflag:s18] =	ssyncadd.s32 $0xFFFFF000  }
0x12b: {  	[tilespmem:s19], [sflag:$0x2] =	stream.strided.gather [hbm4b:s0+s15], $0xC300, s16, s15, $0x38;
	[tilespmem:$0x1F800] =	vst v63  }
0x12c: {  	_ = 	snop  }
0x12d: {  	[tilespmem:s20], [sflag:$0x2] =	stream.linear.gather [hbm4b:s1+s6], $0x80, $0x38;
	[tilespmem:$0x1F800] =	vst v63  }
0x12e: {  	_ =	swait.ge [sflag:s21], $0xC380  }
0x12f: {  	s1 =	sld [smem:$0x7F2]  }
0x130: {  	[sflag:s21] =	ssyncset.done $0x0  }
0x131: {  	[sflag:s21] =	ssyncadd.s32 $0xFFFF3C80  }
0x132: {  	[tilespmem:s22], [sflag:$0x3] =	stream.linear.gather [hbm4b:s1+s6], $0x1000, $0x38;
	[tilespmem:$0x1F800] =	vst v63  }
0x133: {  	s29 =	simm.s32 $0x1C810;
	s30 =	simm.s32 $0x1A810;
	s1 =	rddreg [dreg:$0x9]  }
0x134: {  	[tilespmem:s23], [sflag:$0x3] =	stream.strided.gather [hbm4b:s1+s15], $0x1000, s16, s15, $0x38;
	[tilespmem:$0x1F800] =	vst v63  }
0x135: {  	s31 =	simm.s32 $0x18810;
	s0 =	simm.s32 $0xFFFFFFFE;
	s1 =	simm.s32 $0x1D810  }
.LBB2_10:
0x136: {  	v1 =	vld [tilespmem:s31+$0xFFFFFFF0];
	_ =	sdelay $0x4  }
0x137: {  	vm0 =	vlt.s32 v1, $0xC380  }
0x138: {  	v1 =	vnsel vm0, $0xC380, v1;
	_ =	sdelay $0x3  }
0x139: {  	v2 =	vld [tilespmem:s30+$0xFFFFFFF0]  }
0x13a: {  	v1 =	vld.idx.msk [tilespmem:v1+s6+$0x0], $0xffff;
	_ =	sdelay $0x4  }
0x13b: {  	v1 =	vmul.f32 v2, v1;
	_ =	sdelay $0x1  }
0x13c: {  	v2 =	vmul.f32 v1, v1  }
0x13d: {  	[tilespmem:s29+$0xFFFFFFF0] =	vst.add.f32.msk $0xffff, v1  }
0x13e: {  	[tilespmem:s1+$0xFFFFFFF0] =	vst.add.f32.msk $0xffff, v2  }
0x13f: {  	v1 =	vld [tilespmem:s31+$0x0];
	_ =	sdelay $0x4  }
0x140: {  	vm15 =	vlt.s32 v1, $0xC380  }
0x141: {  	v1 =	vnsel vm15, $0xC380, v1;
	_ =	sdelay $0x3  }
0x142: {  	v2 =	vld [tilespmem:s30+$0x0]  }
0x143: {  	v1 =	vld.idx.msk [tilespmem:v1+s6+$0x0], $0xffff;
	_ =	sdelay $0x2  }
0x144: {  	s0 =	sadd.s32 $0x2, s0  }
0x145: {  	p0 =	slt.u32 s0, $0xFE  }
.Ltmp4:
0x146: {  	v1 =	vmul.f32 v2, v1;
	(pc) =	sbr.rel @p0 .LBB2_10-.Ltmp4, $4  }
0x147: {  	_ = 	snop  }
0x148: {  	v2 =	vmul.f32 v1, v1  }
0x149: {  	s30 =	sadd.s32 $0x20, s30;
	[tilespmem:s29+$0x0] =	vst.add.f32.msk $0xffff, v1  }
0x14a: {  	s31 =	sadd.s32 $0x20, s31;
	s29 =	sadd.s32 $0x20, s29;
	[tilespmem:s1+$0x0] =	vst.add.f32.msk $0xffff, v2;
	s1 =	sadd.s32 $0x20, s1  }
0x14b: {  	s0 =	rddreg [dreg:$0x18]  }
0x14c: {  	[tilespmem:s6], [sflag:$0x1] =	stream.strided.gather [hbm4b:s0+s15], $0xC380, s16, s15, $0x38;
	[tilespmem:$0x1F800] =	vst v63  }
0x14d: {  	_ =	swait.ge [sflag:s24], $0xC300  }
0x14e: {  	[sflag:s24] =	ssyncset.done $0x0  }
0x14f: {  	[sflag:s24] =	ssyncadd.s32 $0xFFFF3D00  }
0x150: {  	s29 =	simm.s32 $0xFFFFFFFE;
	_ =	swait.ge [sflag:s24], $0x80  }
0x151: {  	s30 =	simm.s32 $0x1D810;
	s31 =	simm.s32 $0x1C810;
	[sflag:s24] =	ssyncset.done $0x0  }
0x152: {  	s1 =	simm.s32 $0x18810;
	s0 =	simm.s32 $0x1A810;
	[sflag:s24] =	ssyncadd.s32 $0xFFFFFF80  }
.LBB2_12:
0x153: {  	v1 =	vld [tilespmem:s1+$0xFFFFFFF0];
	_ =	sdelay $0x4  }
0x154: {  	v2 =	vadd.s32 $0xFFFF3D00, v1  }
0x155: {  	vm0 =	vgt.s32 v2, $0x0  }
0x156: {  	v1 =	vadd.s32 $0xFFFF3D60, v1;
	vm13 =	vgt.s32 v2, $0xC37F;
	v3 =	vnsel vm0, $0x0, v2  }
0x157: {  	v1 =	vsel vm13, v1, v3;
	_ =	sdelay $0x3  }
0x158: {  	v2 =	vld [tilespmem:s0+$0xFFFFFFF0]  }
0x159: {  	v1 =	vld.idx.msk [tilespmem:v1+s25+$0x0], $0xffff;
	_ =	sdelay $0x4  }
0x15a: {  	v1 =	vmul.f32 v2, v1;
	_ =	sdelay $0x1  }
0x15b: {  	v2 =	vmul.f32 v1, v1  }
0x15c: {  	[tilespmem:s31+$0xFFFFFFF0] =	vst.add.f32.msk $0xffff, v1  }
0x15d: {  	[tilespmem:s30+$0xFFFFFFF0] =	vst.add.f32.msk $0xffff, v2  }
0x15e: {  	v1 =	vld [tilespmem:s1+$0x0];
	_ =	sdelay $0x4  }
0x15f: {  	v2 =	vadd.s32 $0xFFFF3D00, v1  }
0x160: {  	vm14 =	vgt.s32 v2, $0x0  }
0x161: {  	v1 =	vadd.s32 $0xFFFF3D60, v1;
	vm15 =	vgt.s32 v2, $0xC37F;
	v3 =	vnsel vm14, $0x0, v2  }
0x162: {  	v1 =	vsel vm15, v1, v3;
	_ =	sdelay $0x3  }
0x163: {  	v2 =	vld [tilespmem:s0+$0x0]  }
0x164: {  	v1 =	vld.idx.msk [tilespmem:v1+s25+$0x0], $0xffff;
	_ =	sdelay $0x2  }
0x165: {  	s29 =	sadd.s32 $0x2, s29  }
0x166: {  	p0 =	slt.u32 s29, $0xFE  }
.Ltmp5:
0x167: {  	v1 =	vmul.f32 v2, v1;
	(pc) =	sbr.rel @p0 .LBB2_12-.Ltmp5, $4  }
0x168: {  	_ = 	snop  }
0x169: {  	v2 =	vmul.f32 v1, v1  }
0x16a: {  	s1 =	sadd.s32 $0x20, s1;
	[tilespmem:s31+$0x0] =	vst.add.f32.msk $0xffff, v1  }
0x16b: {  	s0 =	sadd.s32 $0x20, s0;
	s31 =	sadd.s32 $0x20, s31;
	[tilespmem:s30+$0x0] =	vst.add.f32.msk $0xffff, v2;
	s30 =	sadd.s32 $0x20, s30  }
0x16c: {  	_ =	swait.ge [sflag:s18], $0x1000  }
0x16d: {  	[sflag:s18] =	ssyncset.done $0x0  }
0x16e: {  	[sflag:s18] =	ssyncadd.s32 $0xFFFFF000  }
0x16f: {  	_ =	swait.ge [sflag:s18], $0x1000  }
0x170: {  	[sflag:s18] =	ssyncset.done $0x0;
	s0 =	rddreg [dreg:$0x19]  }
0x171: {  	s1 =	sld [smem:$0x7E1];
	[sflag:s18] =	ssyncadd.s32 $0xFFFFF000  }
0x172: {  	[tilespmem:s19], [sflag:$0x2] =	stream.strided.gather [hbm4b:s0+s15], $0xC300, s16, s15, $0x38;
	[tilespmem:$0x1F800] =	vst v63  }
0x173: {  	_ = 	snop  }
0x174: {  	[tilespmem:s20], [sflag:$0x2] =	stream.linear.gather [hbm4b:s1+s6], $0x80, $0x38;
	[tilespmem:$0x1F800] =	vst v63  }
0x175: {  	_ =	swait.ge [sflag:s21], $0xC380  }
0x176: {  	s1 =	sld [smem:$0x7F3]  }
0x177: {  	[sflag:s21] =	ssyncset.done $0x0  }
0x178: {  	[sflag:s21] =	ssyncadd.s32 $0xFFFF3C80  }
0x179: {  	[tilespmem:s14], [sflag:$0x3] =	stream.linear.gather [hbm4b:s1+s6], $0x1000, $0x38;
	[tilespmem:$0x1F800] =	vst v63  }
0x17a: {  	s29 =	simm.s32 $0x1C810;
	s30 =	simm.s32 $0x1B810;
	s1 =	rddreg [dreg:$0xa]  }
0x17b: {  	[tilespmem:s17], [sflag:$0x3] =	stream.strided.gather [hbm4b:s1+s15], $0x1000, s16, s15, $0x38;
	[tilespmem:$0x1F800] =	vst v63  }
0x17c: {  	s31 =	simm.s32 $0x19810;
	s0 =	simm.s32 $0xFFFFFFFE;
	s1 =	simm.s32 $0x1D810  }
.LBB2_14:
0x17d: {  	v1 =	vld [tilespmem:s31+$0xFFFFFFF0];
	_ =	sdelay $0x4  }
0x17e: {  	vm0 =	vlt.s32 v1, $0xC380  }
0x17f: {  	v1 =	vnsel vm0, $0xC380, v1;
	_ =	sdelay $0x3  }
0x180: {  	v2 =	vld [tilespmem:s30+$0xFFFFFFF0]  }
0x181: {  	v1 =	vld.idx.msk [tilespmem:v1+s6+$0x0], $0xffff;
	_ =	sdelay $0x4  }
0x182: {  	v1 =	vmul.f32 v2, v1;
	_ =	sdelay $0x1  }
0x183: {  	v2 =	vmul.f32 v1, v1  }
0x184: {  	[tilespmem:s29+$0xFFFFFFF0] =	vst.add.f32.msk $0xffff, v1  }
0x185: {  	[tilespmem:s1+$0xFFFFFFF0] =	vst.add.f32.msk $0xffff, v2  }
0x186: {  	v1 =	vld [tilespmem:s31+$0x0];
	_ =	sdelay $0x4  }
0x187: {  	vm15 =	vlt.s32 v1, $0xC380  }
0x188: {  	v1 =	vnsel vm15, $0xC380, v1;
	_ =	sdelay $0x3  }
0x189: {  	v2 =	vld [tilespmem:s30+$0x0]  }
0x18a: {  	v1 =	vld.idx.msk [tilespmem:v1+s6+$0x0], $0xffff;
	_ =	sdelay $0x2  }
0x18b: {  	s0 =	sadd.s32 $0x2, s0  }
0x18c: {  	p0 =	slt.u32 s0, $0xFE  }
.Ltmp6:
0x18d: {  	v1 =	vmul.f32 v2, v1;
	(pc) =	sbr.rel @p0 .LBB2_14-.Ltmp6, $4  }
0x18e: {  	_ = 	snop  }
0x18f: {  	v2 =	vmul.f32 v1, v1  }
0x190: {  	s30 =	sadd.s32 $0x20, s30;
	[tilespmem:s29+$0x0] =	vst.add.f32.msk $0xffff, v1  }
0x191: {  	s31 =	sadd.s32 $0x20, s31;
	s29 =	sadd.s32 $0x20, s29;
	[tilespmem:s1+$0x0] =	vst.add.f32.msk $0xffff, v2;
	s1 =	sadd.s32 $0x20, s1  }
0x192: {  	s0 =	rddreg [dreg:$0x1a]  }
0x193: {  	[tilespmem:s6], [sflag:$0x1] =	stream.strided.gather [hbm4b:s0+s15], $0xC380, s16, s15, $0x38;
	[tilespmem:$0x1F800] =	vst v63  }
0x194: {  	_ =	swait.ge [sflag:s24], $0xC300  }
0x195: {  	[sflag:s24] =	ssyncset.done $0x0  }
0x196: {  	[sflag:s24] =	ssyncadd.s32 $0xFFFF3D00  }
0x197: {  	s29 =	simm.s32 $0xFFFFFFFE;
	_ =	swait.ge [sflag:s24], $0x80  }
0x198: {  	s30 =	simm.s32 $0x1D810;
	s31 =	simm.s32 $0x1C810;
	[sflag:s24] =	ssyncset.done $0x0  }
0x199: {  	s1 =	simm.s32 $0x19810;
	s0 =	simm.s32 $0x1B810;
	[sflag:s24] =	ssyncadd.s32 $0xFFFFFF80  }
.LBB2_16:
0x19a: {  	v1 =	vld [tilespmem:s1+$0xFFFFFFF0];
	_ =	sdelay $0x4  }
0x19b: {  	v2 =	vadd.s32 $0xFFFF3D00, v1  }
0x19c: {  	vm0 =	vgt.s32 v2, $0x0  }
0x19d: {  	v1 =	vadd.s32 $0xFFFF3D60, v1;
	vm13 =	vgt.s32 v2, $0xC37F;
	v3 =	vnsel vm0, $0x0, v2  }
0x19e: {  	v1 =	vsel vm13, v1, v3;
	_ =	sdelay $0x3  }
0x19f: {  	v2 =	vld [tilespmem:s0+$0xFFFFFFF0]  }
0x1a0: {  	v1 =	vld.idx.msk [tilespmem:v1+s25+$0x0], $0xffff;
	_ =	sdelay $0x4  }
0x1a1: {  	v1 =	vmul.f32 v2, v1;
	_ =	sdelay $0x1  }
0x1a2: {  	v2 =	vmul.f32 v1, v1  }
0x1a3: {  	[tilespmem:s31+$0xFFFFFFF0] =	vst.add.f32.msk $0xffff, v1  }
0x1a4: {  	[tilespmem:s30+$0xFFFFFFF0] =	vst.add.f32.msk $0xffff, v2  }
0x1a5: {  	v1 =	vld [tilespmem:s1+$0x0];
	_ =	sdelay $0x4  }
0x1a6: {  	v2 =	vadd.s32 $0xFFFF3D00, v1  }
0x1a7: {  	vm14 =	vgt.s32 v2, $0x0  }
0x1a8: {  	v1 =	vadd.s32 $0xFFFF3D60, v1;
	vm15 =	vgt.s32 v2, $0xC37F;
	v3 =	vnsel vm14, $0x0, v2  }
0x1a9: {  	v1 =	vsel vm15, v1, v3;
	_ =	sdelay $0x3  }
0x1aa: {  	v2 =	vld [tilespmem:s0+$0x0]  }
0x1ab: {  	v1 =	vld.idx.msk [tilespmem:v1+s25+$0x0], $0xffff;
	_ =	sdelay $0x2  }
0x1ac: {  	s29 =	sadd.s32 $0x2, s29  }
0x1ad: {  	p0 =	slt.u32 s29, $0xFE  }
.Ltmp7:
0x1ae: {  	v1 =	vmul.f32 v2, v1;
	(pc) =	sbr.rel @p0 .LBB2_16-.Ltmp7, $4  }
0x1af: {  	_ = 	snop  }
0x1b0: {  	v2 =	vmul.f32 v1, v1  }
0x1b1: {  	s1 =	sadd.s32 $0x20, s1;
	[tilespmem:s31+$0x0] =	vst.add.f32.msk $0xffff, v1  }
0x1b2: {  	s0 =	sadd.s32 $0x20, s0;
	s31 =	sadd.s32 $0x20, s31;
	[tilespmem:s30+$0x0] =	vst.add.f32.msk $0xffff, v2;
	s30 =	sadd.s32 $0x20, s30  }
0x1b3: {  	_ =	swait.ge [sflag:s18], $0x1000  }
0x1b4: {  	[sflag:s18] =	ssyncset.done $0x0  }
0x1b5: {  	[sflag:s18] =	ssyncadd.s32 $0xFFFFF000  }
0x1b6: {  	_ =	swait.ge [sflag:s18], $0x1000  }
0x1b7: {  	[sflag:s18] =	ssyncset.done $0x0;
	s0 =	rddreg [dreg:$0x1b]  }
0x1b8: {  	s1 =	sld [smem:$0x7E2];
	[sflag:s18] =	ssyncadd.s32 $0xFFFFF000  }
0x1b9: {  	[tilespmem:s19], [sflag:$0x2] =	stream.strided.gather [hbm4b:s0+s15], $0xC300, s16, s15, $0x38;
	[tilespmem:$0x1F800] =	vst v63  }
0x1ba: {  	_ = 	snop  }
0x1bb: {  	[tilespmem:s20], [sflag:$0x2] =	stream.linear.gather [hbm4b:s1+s6], $0x80, $0x38;
	[tilespmem:$0x1F800] =	vst v63  }
0x1bc: {  	_ =	swait.ge [sflag:s21], $0xC380  }
0x1bd: {  	s1 =	sld [smem:$0x7F4]  }
0x1be: {  	[sflag:s21] =	ssyncset.done $0x0  }
0x1bf: {  	[sflag:s21] =	ssyncadd.s32 $0xFFFF3C80  }
0x1c0: {  	[tilespmem:s22], [sflag:$0x3] =	stream.linear.gather [hbm4b:s1+s6], $0x1000, $0x38;
	[tilespmem:$0x1F800] =	vst v63  }
0x1c1: {  	s29 =	simm.s32 $0x1C810;
	s30 =	simm.s32 $0x1A810;
	s1 =	rddreg [dreg:$0xb]  }
0x1c2: {  	[tilespmem:s23], [sflag:$0x3] =	stream.strided.gather [hbm4b:s1+s15], $0x1000, s16, s15, $0x38;
	[tilespmem:$0x1F800] =	vst v63  }
0x1c3: {  	s31 =	simm.s32 $0x18810;
	s0 =	simm.s32 $0xFFFFFFFE;
	s1 =	simm.s32 $0x1D810  }
.LBB2_18:
0x1c4: {  	v1 =	vld [tilespmem:s31+$0xFFFFFFF0];
	_ =	sdelay $0x4  }
0x1c5: {  	vm0 =	vlt.s32 v1, $0xC380  }
0x1c6: {  	v1 =	vnsel vm0, $0xC380, v1;
	_ =	sdelay $0x3  }
0x1c7: {  	v2 =	vld [tilespmem:s30+$0xFFFFFFF0]  }
0x1c8: {  	v1 =	vld.idx.msk [tilespmem:v1+s6+$0x0], $0xffff;
	_ =	sdelay $0x4  }
0x1c9: {  	v1 =	vmul.f32 v2, v1;
	_ =	sdelay $0x1  }
0x1ca: {  	v2 =	vmul.f32 v1, v1  }
0x1cb: {  	[tilespmem:s29+$0xFFFFFFF0] =	vst.add.f32.msk $0xffff, v1  }
0x1cc: {  	[tilespmem:s1+$0xFFFFFFF0] =	vst.add.f32.msk $0xffff, v2  }
0x1cd: {  	v1 =	vld [tilespmem:s31+$0x0];
	_ =	sdelay $0x4  }
0x1ce: {  	vm15 =	vlt.s32 v1, $0xC380  }
0x1cf: {  	v1 =	vnsel vm15, $0xC380, v1;
	_ =	sdelay $0x3  }
0x1d0: {  	v2 =	vld [tilespmem:s30+$0x0]  }
0x1d1: {  	v1 =	vld.idx.msk [tilespmem:v1+s6+$0x0], $0xffff;
	_ =	sdelay $0x2  }
0x1d2: {  	s0 =	sadd.s32 $0x2, s0  }
0x1d3: {  	p0 =	slt.u32 s0, $0xFE  }
.Ltmp8:
0x1d4: {  	v1 =	vmul.f32 v2, v1;
	(pc) =	sbr.rel @p0 .LBB2_18-.Ltmp8, $4  }
0x1d5: {  	_ = 	snop  }
0x1d6: {  	v2 =	vmul.f32 v1, v1  }
0x1d7: {  	s30 =	sadd.s32 $0x20, s30;
	[tilespmem:s29+$0x0] =	vst.add.f32.msk $0xffff, v1  }
0x1d8: {  	s31 =	sadd.s32 $0x20, s31;
	s29 =	sadd.s32 $0x20, s29;
	[tilespmem:s1+$0x0] =	vst.add.f32.msk $0xffff, v2;
	s1 =	sadd.s32 $0x20, s1  }
0x1d9: {  	s0 =	rddreg [dreg:$0x1c]  }
0x1da: {  	[tilespmem:s6], [sflag:$0x1] =	stream.strided.gather [hbm4b:s0+s15], $0xC380, s16, s15, $0x38;
	[tilespmem:$0x1F800] =	vst v63  }
0x1db: {  	_ =	swait.ge [sflag:s24], $0xC300  }
0x1dc: {  	[sflag:s24] =	ssyncset.done $0x0  }
0x1dd: {  	[sflag:s24] =	ssyncadd.s32 $0xFFFF3D00  }
0x1de: {  	s29 =	simm.s32 $0xFFFFFFFE;
	_ =	swait.ge [sflag:s24], $0x80  }
0x1df: {  	s30 =	simm.s32 $0x1D810;
	s31 =	simm.s32 $0x1C810;
	[sflag:s24] =	ssyncset.done $0x0  }
0x1e0: {  	s1 =	simm.s32 $0x18810;
	s0 =	simm.s32 $0x1A810;
	[sflag:s24] =	ssyncadd.s32 $0xFFFFFF80  }
.LBB2_20:
0x1e1: {  	v1 =	vld [tilespmem:s1+$0xFFFFFFF0];
	_ =	sdelay $0x4  }
0x1e2: {  	v2 =	vadd.s32 $0xFFFF3D00, v1  }
0x1e3: {  	vm0 =	vgt.s32 v2, $0x0  }
0x1e4: {  	v1 =	vadd.s32 $0xFFFF3D60, v1;
	vm13 =	vgt.s32 v2, $0xC37F;
	v3 =	vnsel vm0, $0x0, v2  }
0x1e5: {  	v1 =	vsel vm13, v1, v3;
	_ =	sdelay $0x3  }
0x1e6: {  	v2 =	vld [tilespmem:s0+$0xFFFFFFF0]  }
0x1e7: {  	v1 =	vld.idx.msk [tilespmem:v1+s25+$0x0], $0xffff;
	_ =	sdelay $0x4  }
0x1e8: {  	v1 =	vmul.f32 v2, v1;
	_ =	sdelay $0x1  }
0x1e9: {  	v2 =	vmul.f32 v1, v1  }
0x1ea: {  	[tilespmem:s31+$0xFFFFFFF0] =	vst.add.f32.msk $0xffff, v1  }
0x1eb: {  	[tilespmem:s30+$0xFFFFFFF0] =	vst.add.f32.msk $0xffff, v2  }
0x1ec: {  	v1 =	vld [tilespmem:s1+$0x0];
	_ =	sdelay $0x4  }
0x1ed: {  	v2 =	vadd.s32 $0xFFFF3D00, v1  }
0x1ee: {  	vm14 =	vgt.s32 v2, $0x0  }
0x1ef: {  	v1 =	vadd.s32 $0xFFFF3D60, v1;
	vm15 =	vgt.s32 v2, $0xC37F;
	v3 =	vnsel vm14, $0x0, v2  }
0x1f0: {  	v1 =	vsel vm15, v1, v3;
	_ =	sdelay $0x3  }
0x1f1: {  	v2 =	vld [tilespmem:s0+$0x0]  }
0x1f2: {  	v1 =	vld.idx.msk [tilespmem:v1+s25+$0x0], $0xffff;
	_ =	sdelay $0x2  }
0x1f3: {  	s29 =	sadd.s32 $0x2, s29  }
0x1f4: {  	p0 =	slt.u32 s29, $0xFE  }
.Ltmp9:
0x1f5: {  	v1 =	vmul.f32 v2, v1;
	(pc) =	sbr.rel @p0 .LBB2_20-.Ltmp9, $4  }
0x1f6: {  	_ = 	snop  }
0x1f7: {  	v2 =	vmul.f32 v1, v1  }
0x1f8: {  	s1 =	sadd.s32 $0x20, s1;
	[tilespmem:s31+$0x0] =	vst.add.f32.msk $0xffff, v1  }
0x1f9: {  	s0 =	sadd.s32 $0x20, s0;
	s31 =	sadd.s32 $0x20, s31;
	[tilespmem:s30+$0x0] =	vst.add.f32.msk $0xffff, v2;
	s30 =	sadd.s32 $0x20, s30  }
0x1fa: {  	_ =	swait.ge [sflag:s18], $0x1000  }
0x1fb: {  	[sflag:s18] =	ssyncset.done $0x0  }
0x1fc: {  	[sflag:s18] =	ssyncadd.s32 $0xFFFFF000  }
0x1fd: {  	_ =	swait.ge [sflag:s18], $0x1000  }
0x1fe: {  	[sflag:s18] =	ssyncset.done $0x0;
	s0 =	rddreg [dreg:$0x1d]  }
0x1ff: {  	s1 =	sld [smem:$0x7E3];
	[sflag:s18] =	ssyncadd.s32 $0xFFFFF000  }
0x200: {  	[tilespmem:s19], [sflag:$0x2] =	stream.strided.gather [hbm4b:s0+s15], $0xC300, s16, s15, $0x38;
	[tilespmem:$0x1F800] =	vst v63  }
0x201: {  	_ = 	snop  }
0x202: {  	[tilespmem:s20], [sflag:$0x2] =	stream.linear.gather [hbm4b:s1+s6], $0x80, $0x38;
	[tilespmem:$0x1F800] =	vst v63  }
0x203: {  	_ =	swait.ge [sflag:s21], $0xC380  }
0x204: {  	s1 =	sld [smem:$0x7F5]  }
0x205: {  	[sflag:s21] =	ssyncset.done $0x0  }
0x206: {  	[sflag:s21] =	ssyncadd.s32 $0xFFFF3C80  }
0x207: {  	[tilespmem:s14], [sflag:$0x3] =	stream.linear.gather [hbm4b:s1+s6], $0x1000, $0x38;
	[tilespmem:$0x1F800] =	vst v63  }
0x208: {  	s29 =	simm.s32 $0x1C810;
	s30 =	simm.s32 $0x1B810;
	s1 =	rddreg [dreg:$0xc]  }
0x209: {  	[tilespmem:s17], [sflag:$0x3] =	stream.strided.gather [hbm4b:s1+s15], $0x1000, s16, s15, $0x38;
	[tilespmem:$0x1F800] =	vst v63  }
0x20a: {  	s31 =	simm.s32 $0x19810;
	s0 =	simm.s32 $0xFFFFFFFE;
	s1 =	simm.s32 $0x1D810  }
.LBB2_22:
0x20b: {  	v1 =	vld [tilespmem:s31+$0xFFFFFFF0];
	_ =	sdelay $0x4  }
0x20c: {  	vm0 =	vlt.s32 v1, $0xC380  }
0x20d: {  	v1 =	vnsel vm0, $0xC380, v1;
	_ =	sdelay $0x3  }
0x20e: {  	v2 =	vld [tilespmem:s30+$0xFFFFFFF0]  }
0x20f: {  	v1 =	vld.idx.msk [tilespmem:v1+s6+$0x0], $0xffff;
	_ =	sdelay $0x4  }
0x210: {  	v1 =	vmul.f32 v2, v1;
	_ =	sdelay $0x1  }
0x211: {  	v2 =	vmul.f32 v1, v1  }
0x212: {  	[tilespmem:s29+$0xFFFFFFF0] =	vst.add.f32.msk $0xffff, v1  }
0x213: {  	[tilespmem:s1+$0xFFFFFFF0] =	vst.add.f32.msk $0xffff, v2  }
0x214: {  	v1 =	vld [tilespmem:s31+$0x0];
	_ =	sdelay $0x4  }
0x215: {  	vm15 =	vlt.s32 v1, $0xC380  }
0x216: {  	v1 =	vnsel vm15, $0xC380, v1;
	_ =	sdelay $0x3  }
0x217: {  	v2 =	vld [tilespmem:s30+$0x0]  }
0x218: {  	v1 =	vld.idx.msk [tilespmem:v1+s6+$0x0], $0xffff;
	_ =	sdelay $0x2  }
0x219: {  	s0 =	sadd.s32 $0x2, s0  }
0x21a: {  	p0 =	slt.u32 s0, $0xFE  }
.Ltmp10:
0x21b: {  	v1 =	vmul.f32 v2, v1;
	(pc) =	sbr.rel @p0 .LBB2_22-.Ltmp10, $4  }
0x21c: {  	_ = 	snop  }
0x21d: {  	v2 =	vmul.f32 v1, v1  }
0x21e: {  	s30 =	sadd.s32 $0x20, s30;
	[tilespmem:s29+$0x0] =	vst.add.f32.msk $0xffff, v1  }
0x21f: {  	s31 =	sadd.s32 $0x20, s31;
	s29 =	sadd.s32 $0x20, s29;
	[tilespmem:s1+$0x0] =	vst.add.f32.msk $0xffff, v2;
	s1 =	sadd.s32 $0x20, s1  }
0x220: {  	s0 =	rddreg [dreg:$0x1e]  }
0x221: {  	[tilespmem:s6], [sflag:$0x1] =	stream.strided.gather [hbm4b:s0+s15], $0xC380, s16, s15, $0x38;
	[tilespmem:$0x1F800] =	vst v63  }
0x222: {  	_ =	swait.ge [sflag:s24], $0xC300  }
0x223: {  	[sflag:s24] =	ssyncset.done $0x0  }
0x224: {  	[sflag:s24] =	ssyncadd.s32 $0xFFFF3D00  }
0x225: {  	s29 =	simm.s32 $0xFFFFFFFE;
	_ =	swait.ge [sflag:s24], $0x80  }
0x226: {  	s30 =	simm.s32 $0x1D810;
	s31 =	simm.s32 $0x1C810;
	[sflag:s24] =	ssyncset.done $0x0  }
0x227: {  	s1 =	simm.s32 $0x19810;
	s0 =	simm.s32 $0x1B810;
	[sflag:s24] =	ssyncadd.s32 $0xFFFFFF80  }
.LBB2_24:
0x228: {  	v1 =	vld [tilespmem:s1+$0xFFFFFFF0];
	_ =	sdelay $0x4  }
0x229: {  	v2 =	vadd.s32 $0xFFFF3D00, v1  }
0x22a: {  	vm0 =	vgt.s32 v2, $0x0  }
0x22b: {  	v1 =	vadd.s32 $0xFFFF3D60, v1;
	vm13 =	vgt.s32 v2, $0xC37F;
	v3 =	vnsel vm0, $0x0, v2  }
0x22c: {  	v1 =	vsel vm13, v1, v3;
	_ =	sdelay $0x3  }
0x22d: {  	v2 =	vld [tilespmem:s0+$0xFFFFFFF0]  }
0x22e: {  	v1 =	vld.idx.msk [tilespmem:v1+s25+$0x0], $0xffff;
	_ =	sdelay $0x4  }
0x22f: {  	v1 =	vmul.f32 v2, v1;
	_ =	sdelay $0x1  }
0x230: {  	v2 =	vmul.f32 v1, v1  }
0x231: {  	[tilespmem:s31+$0xFFFFFFF0] =	vst.add.f32.msk $0xffff, v1  }
0x232: {  	[tilespmem:s30+$0xFFFFFFF0] =	vst.add.f32.msk $0xffff, v2  }
0x233: {  	v1 =	vld [tilespmem:s1+$0x0];
	_ =	sdelay $0x4  }
0x234: {  	v2 =	vadd.s32 $0xFFFF3D00, v1  }
0x235: {  	vm14 =	vgt.s32 v2, $0x0  }
0x236: {  	v1 =	vadd.s32 $0xFFFF3D60, v1;
	vm15 =	vgt.s32 v2, $0xC37F;
	v3 =	vnsel vm14, $0x0, v2  }
0x237: {  	v1 =	vsel vm15, v1, v3;
	_ =	sdelay $0x3  }
0x238: {  	v2 =	vld [tilespmem:s0+$0x0]  }
0x239: {  	v1 =	vld.idx.msk [tilespmem:v1+s25+$0x0], $0xffff;
	_ =	sdelay $0x2  }
0x23a: {  	s29 =	sadd.s32 $0x2, s29  }
0x23b: {  	p0 =	slt.u32 s29, $0xFE  }
.Ltmp11:
0x23c: {  	v1 =	vmul.f32 v2, v1;
	(pc) =	sbr.rel @p0 .LBB2_24-.Ltmp11, $4  }
0x23d: {  	_ = 	snop  }
0x23e: {  	v2 =	vmul.f32 v1, v1  }
0x23f: {  	s1 =	sadd.s32 $0x20, s1;
	[tilespmem:s31+$0x0] =	vst.add.f32.msk $0xffff, v1  }
0x240: {  	s0 =	sadd.s32 $0x20, s0;
	s31 =	sadd.s32 $0x20, s31;
	[tilespmem:s30+$0x0] =	vst.add.f32.msk $0xffff, v2;
	s30 =	sadd.s32 $0x20, s30  }
0x241: {  	_ =	swait.ge [sflag:s18], $0x1000  }
0x242: {  	[sflag:s18] =	ssyncset.done $0x0  }
0x243: {  	[sflag:s18] =	ssyncadd.s32 $0xFFFFF000  }
0x244: {  	_ =	swait.ge [sflag:s18], $0x1000  }
0x245: {  	[sflag:s18] =	ssyncset.done $0x0;
	s0 =	rddreg [dreg:$0x1f]  }
0x246: {  	s1 =	sld [smem:$0x7E4];
	[sflag:s18] =	ssyncadd.s32 $0xFFFFF000  }
0x247: {  	[tilespmem:s19], [sflag:$0x2] =	stream.strided.gather [hbm4b:s0+s15], $0xC300, s16, s15, $0x38;
	[tilespmem:$0x1F800] =	vst v63  }
0x248: {  	_ = 	snop  }
0x249: {  	[tilespmem:s20], [sflag:$0x2] =	stream.linear.gather [hbm4b:s1+s6], $0x80, $0x38;
	[tilespmem:$0x1F800] =	vst v63  }
0x24a: {  	_ =	swait.ge [sflag:s21], $0xC380  }
0x24b: {  	s1 =	sld [smem:$0x7F6]  }
0x24c: {  	[sflag:s21] =	ssyncset.done $0x0  }
0x24d: {  	[sflag:s21] =	ssyncadd.s32 $0xFFFF3C80  }
0x24e: {  	[tilespmem:s22], [sflag:$0x3] =	stream.linear.gather [hbm4b:s1+s6], $0x1000, $0x38;
	[tilespmem:$0x1F800] =	vst v63  }
0x24f: {  	s29 =	simm.s32 $0x1C810;
	s30 =	simm.s32 $0x1A810;
	s1 =	rddreg [dreg:$0xd]  }
0x250: {  	[tilespmem:s23], [sflag:$0x3] =	stream.strided.gather [hbm4b:s1+s15], $0x1000, s16, s15, $0x38;
	[tilespmem:$0x1F800] =	vst v63  }
0x251: {  	s31 =	simm.s32 $0x18810;
	s0 =	simm.s32 $0xFFFFFFFE;
	s1 =	simm.s32 $0x1D810  }
.LBB2_26:
0x252: {  	v1 =	vld [tilespmem:s31+$0xFFFFFFF0];
	_ =	sdelay $0x4  }
0x253: {  	vm0 =	vlt.s32 v1, $0xC380  }
0x254: {  	v1 =	vnsel vm0, $0xC380, v1;
	_ =	sdelay $0x3  }
0x255: {  	v2 =	vld [tilespmem:s30+$0xFFFFFFF0]  }
0x256: {  	v1 =	vld.idx.msk [tilespmem:v1+s6+$0x0], $0xffff;
	_ =	sdelay $0x4  }
0x257: {  	v1 =	vmul.f32 v2, v1;
	_ =	sdelay $0x1  }
0x258: {  	v2 =	vmul.f32 v1, v1  }
0x259: {  	[tilespmem:s29+$0xFFFFFFF0] =	vst.add.f32.msk $0xffff, v1  }
0x25a: {  	[tilespmem:s1+$0xFFFFFFF0] =	vst.add.f32.msk $0xffff, v2  }
0x25b: {  	v1 =	vld [tilespmem:s31+$0x0];
	_ =	sdelay $0x4  }
0x25c: {  	vm15 =	vlt.s32 v1, $0xC380  }
0x25d: {  	v1 =	vnsel vm15, $0xC380, v1;
	_ =	sdelay $0x3  }
0x25e: {  	v2 =	vld [tilespmem:s30+$0x0]  }
0x25f: {  	v1 =	vld.idx.msk [tilespmem:v1+s6+$0x0], $0xffff;
	_ =	sdelay $0x2  }
0x260: {  	s0 =	sadd.s32 $0x2, s0  }
0x261: {  	p0 =	slt.u32 s0, $0xFE  }
.Ltmp12:
0x262: {  	v1 =	vmul.f32 v2, v1;
	(pc) =	sbr.rel @p0 .LBB2_26-.Ltmp12, $4  }
0x263: {  	_ = 	snop  }
0x264: {  	v2 =	vmul.f32 v1, v1  }
0x265: {  	s30 =	sadd.s32 $0x20, s30;
	[tilespmem:s29+$0x0] =	vst.add.f32.msk $0xffff, v1  }
0x266: {  	s31 =	sadd.s32 $0x20, s31;
	s29 =	sadd.s32 $0x20, s29;
	[tilespmem:s1+$0x0] =	vst.add.f32.msk $0xffff, v2;
	s1 =	sadd.s32 $0x20, s1  }
0x267: {  	s0 =	sld [smem:$0x7D2];
	_ =	sdelay $0x2  }
0x268: {  	[tilespmem:s6], [sflag:$0x1] =	stream.strided.gather [hbm4b:s0+s15], $0xC380, s16, s15, $0x38;
	[tilespmem:$0x1F800] =	vst v63  }
0x269: {  	_ =	swait.ge [sflag:s24], $0xC300  }
0x26a: {  	[sflag:s24] =	ssyncset.done $0x0  }
0x26b: {  	[sflag:s24] =	ssyncadd.s32 $0xFFFF3D00  }
0x26c: {  	s29 =	simm.s32 $0xFFFFFFFE;
	_ =	swait.ge [sflag:s24], $0x80  }
0x26d: {  	s30 =	simm.s32 $0x1D810;
	s31 =	simm.s32 $0x1C810;
	[sflag:s24] =	ssyncset.done $0x0  }
0x26e: {  	s1 =	simm.s32 $0x18810;
	s0 =	simm.s32 $0x1A810;
	[sflag:s24] =	ssyncadd.s32 $0xFFFFFF80  }
.LBB2_28:
0x26f: {  	v1 =	vld [tilespmem:s1+$0xFFFFFFF0];
	_ =	sdelay $0x4  }
0x270: {  	v2 =	vadd.s32 $0xFFFF3D00, v1  }
0x271: {  	vm0 =	vgt.s32 v2, $0x0  }
0x272: {  	v1 =	vadd.s32 $0xFFFF3D60, v1;
	vm13 =	vgt.s32 v2, $0xC37F;
	v3 =	vnsel vm0, $0x0, v2  }
0x273: {  	v1 =	vsel vm13, v1, v3;
	_ =	sdelay $0x3  }
0x274: {  	v2 =	vld [tilespmem:s0+$0xFFFFFFF0]  }
0x275: {  	v1 =	vld.idx.msk [tilespmem:v1+s25+$0x0], $0xffff;
	_ =	sdelay $0x4  }
0x276: {  	v1 =	vmul.f32 v2, v1;
	_ =	sdelay $0x1  }
0x277: {  	v2 =	vmul.f32 v1, v1  }
0x278: {  	[tilespmem:s31+$0xFFFFFFF0] =	vst.add.f32.msk $0xffff, v1  }
0x279: {  	[tilespmem:s30+$0xFFFFFFF0] =	vst.add.f32.msk $0xffff, v2  }
0x27a: {  	v1 =	vld [tilespmem:s1+$0x0];
	_ =	sdelay $0x4  }
0x27b: {  	v2 =	vadd.s32 $0xFFFF3D00, v1  }
0x27c: {  	vm14 =	vgt.s32 v2, $0x0  }
0x27d: {  	v1 =	vadd.s32 $0xFFFF3D60, v1;
	vm15 =	vgt.s32 v2, $0xC37F;
	v3 =	vnsel vm14, $0x0, v2  }
0x27e: {  	v1 =	vsel vm15, v1, v3;
	_ =	sdelay $0x3  }
0x27f: {  	v2 =	vld [tilespmem:s0+$0x0]  }
0x280: {  	v1 =	vld.idx.msk [tilespmem:v1+s25+$0x0], $0xffff;
	_ =	sdelay $0x2  }
0x281: {  	s29 =	sadd.s32 $0x2, s29  }
0x282: {  	p0 =	slt.u32 s29, $0xFE  }
.Ltmp13:
0x283: {  	v1 =	vmul.f32 v2, v1;
	(pc) =	sbr.rel @p0 .LBB2_28-.Ltmp13, $4  }
0x284: {  	_ = 	snop  }
0x285: {  	v2 =	vmul.f32 v1, v1  }
0x286: {  	s1 =	sadd.s32 $0x20, s1;
	[tilespmem:s31+$0x0] =	vst.add.f32.msk $0xffff, v1  }
0x287: {  	s0 =	sadd.s32 $0x20, s0;
	s31 =	sadd.s32 $0x20, s31;
	[tilespmem:s30+$0x0] =	vst.add.f32.msk $0xffff, v2;
	s30 =	sadd.s32 $0x20, s30  }
0x288: {  	_ =	swait.ge [sflag:s18], $0x1000  }
0x289: {  	[sflag:s18] =	ssyncset.done $0x0  }
0x28a: {  	[sflag:s18] =	ssyncadd.s32 $0xFFFFF000  }
0x28b: {  	_ =	swait.ge [sflag:s18], $0x1000  }
0x28c: {  	s0 =	sld [smem:$0x7D3]  }
0x28d: {  	[sflag:s18] =	ssyncset.done $0x0  }
0x28e: {  	s1 =	sld [smem:$0x7E5];
	[sflag:s18] =	ssyncadd.s32 $0xFFFFF000  }
0x28f: {  	[tilespmem:s19], [sflag:$0x2] =	stream.strided.gather [hbm4b:s0+s15], $0xC300, s16, s15, $0x38;
	[tilespmem:$0x1F800] =	vst v63  }
0x290: {  	_ = 	snop  }
0x291: {  	[tilespmem:s20], [sflag:$0x2] =	stream.linear.gather [hbm4b:s1+s6], $0x80, $0x38;
	[tilespmem:$0x1F800] =	vst v63  }
0x292: {  	_ =	swait.ge [sflag:s21], $0xC380  }
0x293: {  	s1 =	sld [smem:$0x7F7]  }
0x294: {  	[sflag:s21] =	ssyncset.done $0x0  }
0x295: {  	s29 =	simm.s32 $0x1C810;
	s30 =	simm.s32 $0x1B810;
	[sflag:s21] =	ssyncadd.s32 $0xFFFF3C80  }
0x296: {  	[tilespmem:s14], [sflag:$0x3] =	stream.linear.gather [hbm4b:s1+s6], $0x1000, $0x38;
	[tilespmem:$0x1F800] =	vst v63  }
0x297: {  	s31 =	simm.s32 $0x19810;
	s0 =	simm.s32 $0xFFFFFFFE;
	s1 =	simm.s32 $0x1D810  }
0x298: {  	[tilespmem:s17], [sflag:$0x3] =	stream.strided.gather [hbm4b:s4+s15], $0x1000, s16, s15, $0x38;
	[tilespmem:$0x1F800] =	vst v63  }
.LBB2_30:
0x299: {  	v1 =	vld [tilespmem:s31+$0xFFFFFFF0];
	_ =	sdelay $0x4  }
0x29a: {  	vm0 =	vlt.s32 v1, $0xC380  }
0x29b: {  	v1 =	vnsel vm0, $0xC380, v1;
	_ =	sdelay $0x3  }
0x29c: {  	v2 =	vld [tilespmem:s30+$0xFFFFFFF0]  }
0x29d: {  	v1 =	vld.idx.msk [tilespmem:v1+s6+$0x0], $0xffff;
	_ =	sdelay $0x4  }
0x29e: {  	v1 =	vmul.f32 v2, v1;
	_ =	sdelay $0x1  }
0x29f: {  	v2 =	vmul.f32 v1, v1  }
0x2a0: {  	[tilespmem:s29+$0xFFFFFFF0] =	vst.add.f32.msk $0xffff, v1  }
0x2a1: {  	[tilespmem:s1+$0xFFFFFFF0] =	vst.add.f32.msk $0xffff, v2  }
0x2a2: {  	v1 =	vld [tilespmem:s31+$0x0];
	_ =	sdelay $0x4  }
0x2a3: {  	vm15 =	vlt.s32 v1, $0xC380  }
0x2a4: {  	v1 =	vnsel vm15, $0xC380, v1;
	_ =	sdelay $0x3  }
0x2a5: {  	v2 =	vld [tilespmem:s30+$0x0]  }
0x2a6: {  	v1 =	vld.idx.msk [tilespmem:v1+s6+$0x0], $0xffff;
	_ =	sdelay $0x2  }
0x2a7: {  	s0 =	sadd.s32 $0x2, s0  }
0x2a8: {  	p0 =	slt.u32 s0, $0xFE  }
.Ltmp14:
0x2a9: {  	v1 =	vmul.f32 v2, v1;
	(pc) =	sbr.rel @p0 .LBB2_30-.Ltmp14, $4  }
0x2aa: {  	_ = 	snop  }
0x2ab: {  	v2 =	vmul.f32 v1, v1  }
0x2ac: {  	s30 =	sadd.s32 $0x20, s30;
	[tilespmem:s29+$0x0] =	vst.add.f32.msk $0xffff, v1  }
0x2ad: {  	s31 =	sadd.s32 $0x20, s31;
	s29 =	sadd.s32 $0x20, s29;
	[tilespmem:s1+$0x0] =	vst.add.f32.msk $0xffff, v2;
	s1 =	sadd.s32 $0x20, s1  }
0x2ae: {  	s0 =	sld [smem:$0x7D4];
	_ =	sdelay $0x2  }
0x2af: {  	[tilespmem:s6], [sflag:$0x1] =	stream.strided.gather [hbm4b:s0+s15], $0xC380, s16, s15, $0x38;
	[tilespmem:$0x1F800] =	vst v63  }
0x2b0: {  	_ =	swait.ge [sflag:s24], $0xC300  }
0x2b1: {  	[sflag:s24] =	ssyncset.done $0x0  }
0x2b2: {  	[sflag:s24] =	ssyncadd.s32 $0xFFFF3D00  }
0x2b3: {  	s29 =	simm.s32 $0xFFFFFFFE;
	_ =	swait.ge [sflag:s24], $0x80  }
0x2b4: {  	s30 =	simm.s32 $0x1D810;
	s31 =	simm.s32 $0x1C810;
	[sflag:s24] =	ssyncset.done $0x0  }
0x2b5: {  	s1 =	simm.s32 $0x19810;
	s0 =	simm.s32 $0x1B810;
	[sflag:s24] =	ssyncadd.s32 $0xFFFFFF80  }
.LBB2_32:
0x2b6: {  	v1 =	vld [tilespmem:s1+$0xFFFFFFF0];
	_ =	sdelay $0x4  }
0x2b7: {  	v2 =	vadd.s32 $0xFFFF3D00, v1  }
0x2b8: {  	vm0 =	vgt.s32 v2, $0x0  }
0x2b9: {  	v1 =	vadd.s32 $0xFFFF3D60, v1;
	vm13 =	vgt.s32 v2, $0xC37F;
	v3 =	vnsel vm0, $0x0, v2  }
0x2ba: {  	v1 =	vsel vm13, v1, v3;
	_ =	sdelay $0x3  }
0x2bb: {  	v2 =	vld [tilespmem:s0+$0xFFFFFFF0]  }
0x2bc: {  	v1 =	vld.idx.msk [tilespmem:v1+s25+$0x0], $0xffff;
	_ =	sdelay $0x4  }
0x2bd: {  	v1 =	vmul.f32 v2, v1;
	_ =	sdelay $0x1  }
0x2be: {  	v2 =	vmul.f32 v1, v1  }
0x2bf: {  	[tilespmem:s31+$0xFFFFFFF0] =	vst.add.f32.msk $0xffff, v1  }
0x2c0: {  	[tilespmem:s30+$0xFFFFFFF0] =	vst.add.f32.msk $0xffff, v2  }
0x2c1: {  	v1 =	vld [tilespmem:s1+$0x0];
	_ =	sdelay $0x4  }
0x2c2: {  	v2 =	vadd.s32 $0xFFFF3D00, v1  }
0x2c3: {  	vm14 =	vgt.s32 v2, $0x0  }
0x2c4: {  	v1 =	vadd.s32 $0xFFFF3D60, v1;
	vm15 =	vgt.s32 v2, $0xC37F;
	v3 =	vnsel vm14, $0x0, v2  }
0x2c5: {  	v1 =	vsel vm15, v1, v3;
	_ =	sdelay $0x3  }
0x2c6: {  	v2 =	vld [tilespmem:s0+$0x0]  }
0x2c7: {  	v1 =	vld.idx.msk [tilespmem:v1+s25+$0x0], $0xffff;
	_ =	sdelay $0x2  }
0x2c8: {  	s29 =	sadd.s32 $0x2, s29  }
0x2c9: {  	p0 =	slt.u32 s29, $0xFE  }
.Ltmp15:
0x2ca: {  	v1 =	vmul.f32 v2, v1;
	(pc) =	sbr.rel @p0 .LBB2_32-.Ltmp15, $4  }
0x2cb: {  	_ = 	snop  }
0x2cc: {  	v2 =	vmul.f32 v1, v1  }
0x2cd: {  	s1 =	sadd.s32 $0x20, s1;
	[tilespmem:s31+$0x0] =	vst.add.f32.msk $0xffff, v1  }
0x2ce: {  	s0 =	sadd.s32 $0x20, s0;
	s31 =	sadd.s32 $0x20, s31;
	[tilespmem:s30+$0x0] =	vst.add.f32.msk $0xffff, v2;
	s30 =	sadd.s32 $0x20, s30  }
0x2cf: {  	_ =	swait.ge [sflag:s18], $0x1000  }
0x2d0: {  	[sflag:s18] =	ssyncset.done $0x0  }
0x2d1: {  	[sflag:s18] =	ssyncadd.s32 $0xFFFFF000  }
0x2d2: {  	_ =	swait.ge [sflag:s18], $0x1000  }
0x2d3: {  	s0 =	sld [smem:$0x7D5]  }
0x2d4: {  	[sflag:s18] =	ssyncset.done $0x0  }
0x2d5: {  	s1 =	sld [smem:$0x7E6];
	[sflag:s18] =	ssyncadd.s32 $0xFFFFF000  }
0x2d6: {  	[tilespmem:s19], [sflag:$0x2] =	stream.strided.gather [hbm4b:s0+s15], $0xC300, s16, s15, $0x38;
	[tilespmem:$0x1F800] =	vst v63  }
0x2d7: {  	_ = 	snop  }
0x2d8: {  	[tilespmem:s20], [sflag:$0x2] =	stream.linear.gather [hbm4b:s1+s6], $0x80, $0x38;
	[tilespmem:$0x1F800] =	vst v63  }
0x2d9: {  	_ =	swait.ge [sflag:s21], $0xC380  }
0x2da: {  	s1 =	sld [smem:$0x7F8]  }
0x2db: {  	[sflag:s21] =	ssyncset.done $0x0  }
0x2dc: {  	[sflag:s21] =	ssyncadd.s32 $0xFFFF3C80  }
0x2dd: {  	[tilespmem:s22], [sflag:$0x3] =	stream.linear.gather [hbm4b:s1+s6], $0x1000, $0x38;
	[tilespmem:$0x1F800] =	vst v63  }
0x2de: {  	s29 =	simm.s32 $0x1C810;
	s30 =	simm.s32 $0x1A810;
	s1 =	rddreg [dreg:$0xe]  }
0x2df: {  	[tilespmem:s23], [sflag:$0x3] =	stream.strided.gather [hbm4b:s1+s15], $0x1000, s16, s15, $0x38;
	[tilespmem:$0x1F800] =	vst v63  }
0x2e0: {  	s31 =	simm.s32 $0x18810;
	s0 =	simm.s32 $0xFFFFFFFE;
	s1 =	simm.s32 $0x1D810  }
.LBB2_34:
0x2e1: {  	v1 =	vld [tilespmem:s31+$0xFFFFFFF0];
	_ =	sdelay $0x4  }
0x2e2: {  	vm0 =	vlt.s32 v1, $0xC380  }
0x2e3: {  	v1 =	vnsel vm0, $0xC380, v1;
	_ =	sdelay $0x3  }
0x2e4: {  	v2 =	vld [tilespmem:s30+$0xFFFFFFF0]  }
0x2e5: {  	v1 =	vld.idx.msk [tilespmem:v1+s6+$0x0], $0xffff;
	_ =	sdelay $0x4  }
0x2e6: {  	v1 =	vmul.f32 v2, v1;
	_ =	sdelay $0x1  }
0x2e7: {  	v2 =	vmul.f32 v1, v1  }
0x2e8: {  	[tilespmem:s29+$0xFFFFFFF0] =	vst.add.f32.msk $0xffff, v1  }
0x2e9: {  	[tilespmem:s1+$0xFFFFFFF0] =	vst.add.f32.msk $0xffff, v2  }
0x2ea: {  	v1 =	vld [tilespmem:s31+$0x0];
	_ =	sdelay $0x4  }
0x2eb: {  	vm15 =	vlt.s32 v1, $0xC380  }
0x2ec: {  	v1 =	vnsel vm15, $0xC380, v1;
	_ =	sdelay $0x3  }
0x2ed: {  	v2 =	vld [tilespmem:s30+$0x0]  }
0x2ee: {  	v1 =	vld.idx.msk [tilespmem:v1+s6+$0x0], $0xffff;
	_ =	sdelay $0x2  }
0x2ef: {  	s0 =	sadd.s32 $0x2, s0  }
0x2f0: {  	p0 =	slt.u32 s0, $0xFE  }
.Ltmp16:
0x2f1: {  	v1 =	vmul.f32 v2, v1;
	(pc) =	sbr.rel @p0 .LBB2_34-.Ltmp16, $4  }
0x2f2: {  	_ = 	snop  }
0x2f3: {  	v2 =	vmul.f32 v1, v1  }
0x2f4: {  	s30 =	sadd.s32 $0x20, s30;
	[tilespmem:s29+$0x0] =	vst.add.f32.msk $0xffff, v1  }
0x2f5: {  	s31 =	sadd.s32 $0x20, s31;
	s29 =	sadd.s32 $0x20, s29;
	[tilespmem:s1+$0x0] =	vst.add.f32.msk $0xffff, v2;
	s1 =	sadd.s32 $0x20, s1  }
0x2f6: {  	s0 =	sld [smem:$0x7D6];
	_ =	sdelay $0x2  }
0x2f7: {  	[tilespmem:s6], [sflag:$0x1] =	stream.strided.gather [hbm4b:s0+s15], $0xC380, s16, s15, $0x38;
	[tilespmem:$0x1F800] =	vst v63  }
0x2f8: {  	_ =	swait.ge [sflag:s24], $0xC300  }
0x2f9: {  	[sflag:s24] =	ssyncset.done $0x0  }
0x2fa: {  	[sflag:s24] =	ssyncadd.s32 $0xFFFF3D00  }
0x2fb: {  	s29 =	simm.s32 $0xFFFFFFFE;
	_ =	swait.ge [sflag:s24], $0x80  }
0x2fc: {  	s30 =	simm.s32 $0x1D810;
	s31 =	simm.s32 $0x1C810;
	[sflag:s24] =	ssyncset.done $0x0  }
0x2fd: {  	s1 =	simm.s32 $0x18810;
	s0 =	simm.s32 $0x1A810;
	[sflag:s24] =	ssyncadd.s32 $0xFFFFFF80  }
.LBB2_36:
0x2fe: {  	v1 =	vld [tilespmem:s1+$0xFFFFFFF0];
	_ =	sdelay $0x4  }
0x2ff: {  	v2 =	vadd.s32 $0xFFFF3D00, v1  }
0x300: {  	vm0 =	vgt.s32 v2, $0x0  }
0x301: {  	v1 =	vadd.s32 $0xFFFF3D60, v1;
	vm13 =	vgt.s32 v2, $0xC37F;
	v3 =	vnsel vm0, $0x0, v2  }
0x302: {  	v1 =	vsel vm13, v1, v3;
	_ =	sdelay $0x3  }
0x303: {  	v2 =	vld [tilespmem:s0+$0xFFFFFFF0]  }
0x304: {  	v1 =	vld.idx.msk [tilespmem:v1+s25+$0x0], $0xffff;
	_ =	sdelay $0x4  }
0x305: {  	v1 =	vmul.f32 v2, v1;
	_ =	sdelay $0x1  }
0x306: {  	v2 =	vmul.f32 v1, v1  }
0x307: {  	[tilespmem:s31+$0xFFFFFFF0] =	vst.add.f32.msk $0xffff, v1  }
0x308: {  	[tilespmem:s30+$0xFFFFFFF0] =	vst.add.f32.msk $0xffff, v2  }
0x309: {  	v1 =	vld [tilespmem:s1+$0x0];
	_ =	sdelay $0x4  }
0x30a: {  	v2 =	vadd.s32 $0xFFFF3D00, v1  }
0x30b: {  	vm14 =	vgt.s32 v2, $0x0  }
0x30c: {  	v1 =	vadd.s32 $0xFFFF3D60, v1;
	vm15 =	vgt.s32 v2, $0xC37F;
	v3 =	vnsel vm14, $0x0, v2  }
0x30d: {  	v1 =	vsel vm15, v1, v3;
	_ =	sdelay $0x3  }
0x30e: {  	v2 =	vld [tilespmem:s0+$0x0]  }
0x30f: {  	v1 =	vld.idx.msk [tilespmem:v1+s25+$0x0], $0xffff;
	_ =	sdelay $0x2  }
0x310: {  	s29 =	sadd.s32 $0x2, s29  }
0x311: {  	p0 =	slt.u32 s29, $0xFE  }
.Ltmp17:
0x312: {  	v1 =	vmul.f32 v2, v1;
	(pc) =	sbr.rel @p0 .LBB2_36-.Ltmp17, $4  }
0x313: {  	_ = 	snop  }
0x314: {  	v2 =	vmul.f32 v1, v1  }
0x315: {  	s1 =	sadd.s32 $0x20, s1;
	[tilespmem:s31+$0x0] =	vst.add.f32.msk $0xffff, v1  }
0x316: {  	s0 =	sadd.s32 $0x20, s0;
	s31 =	sadd.s32 $0x20, s31;
	[tilespmem:s30+$0x0] =	vst.add.f32.msk $0xffff, v2;
	s30 =	sadd.s32 $0x20, s30  }
0x317: {  	_ =	swait.ge [sflag:s18], $0x1000  }
0x318: {  	[sflag:s18] =	ssyncset.done $0x0  }
0x319: {  	[sflag:s18] =	ssyncadd.s32 $0xFFFFF000  }
0x31a: {  	_ =	swait.ge [sflag:s18], $0x1000  }
0x31b: {  	s0 =	sld [smem:$0x7D7]  }
0x31c: {  	[sflag:s18] =	ssyncset.done $0x0  }
0x31d: {  	s1 =	sld [smem:$0x7E7];
	[sflag:s18] =	ssyncadd.s32 $0xFFFFF000  }
0x31e: {  	[tilespmem:s19], [sflag:$0x2] =	stream.strided.gather [hbm4b:s0+s15], $0xC300, s16, s15, $0x38;
	[tilespmem:$0x1F800] =	vst v63  }
0x31f: {  	_ = 	snop  }
0x320: {  	[tilespmem:s20], [sflag:$0x2] =	stream.linear.gather [hbm4b:s1+s6], $0x80, $0x38;
	[tilespmem:$0x1F800] =	vst v63  }
0x321: {  	_ =	swait.ge [sflag:s21], $0xC380  }
0x322: {  	s1 =	sld [smem:$0x7F9]  }
0x323: {  	[sflag:s21] =	ssyncset.done $0x0  }
0x324: {  	[sflag:s21] =	ssyncadd.s32 $0xFFFF3C80  }
0x325: {  	[tilespmem:s14], [sflag:$0x3] =	stream.linear.gather [hbm4b:s1+s6], $0x1000, $0x38;
	[tilespmem:$0x1F800] =	vst v63  }
0x326: {  	s29 =	simm.s32 $0x1C810;
	s30 =	simm.s32 $0x1B810;
	s1 =	rddreg [dreg:$0xf]  }
0x327: {  	[tilespmem:s17], [sflag:$0x3] =	stream.strided.gather [hbm4b:s1+s15], $0x1000, s16, s15, $0x38;
	[tilespmem:$0x1F800] =	vst v63  }
0x328: {  	s31 =	simm.s32 $0x19810;
	s0 =	simm.s32 $0xFFFFFFFE;
	s1 =	simm.s32 $0x1D810  }
.LBB2_38:
0x329: {  	v1 =	vld [tilespmem:s31+$0xFFFFFFF0];
	_ =	sdelay $0x4  }
0x32a: {  	vm0 =	vlt.s32 v1, $0xC380  }
0x32b: {  	v1 =	vnsel vm0, $0xC380, v1;
	_ =	sdelay $0x3  }
0x32c: {  	v2 =	vld [tilespmem:s30+$0xFFFFFFF0]  }
0x32d: {  	v1 =	vld.idx.msk [tilespmem:v1+s6+$0x0], $0xffff;
	_ =	sdelay $0x4  }
0x32e: {  	v1 =	vmul.f32 v2, v1;
	_ =	sdelay $0x1  }
0x32f: {  	v2 =	vmul.f32 v1, v1  }
0x330: {  	[tilespmem:s29+$0xFFFFFFF0] =	vst.add.f32.msk $0xffff, v1  }
0x331: {  	[tilespmem:s1+$0xFFFFFFF0] =	vst.add.f32.msk $0xffff, v2  }
0x332: {  	v1 =	vld [tilespmem:s31+$0x0];
	_ =	sdelay $0x4  }
0x333: {  	vm15 =	vlt.s32 v1, $0xC380  }
0x334: {  	v1 =	vnsel vm15, $0xC380, v1;
	_ =	sdelay $0x3  }
0x335: {  	v2 =	vld [tilespmem:s30+$0x0]  }
0x336: {  	v1 =	vld.idx.msk [tilespmem:v1+s6+$0x0], $0xffff;
	_ =	sdelay $0x2  }
0x337: {  	s0 =	sadd.s32 $0x2, s0  }
0x338: {  	p0 =	slt.u32 s0, $0xFE  }
.Ltmp18:
0x339: {  	v1 =	vmul.f32 v2, v1;
	(pc) =	sbr.rel @p0 .LBB2_38-.Ltmp18, $4  }
0x33a: {  	_ = 	snop  }
0x33b: {  	v2 =	vmul.f32 v1, v1  }
0x33c: {  	s30 =	sadd.s32 $0x20, s30;
	[tilespmem:s29+$0x0] =	vst.add.f32.msk $0xffff, v1  }
0x33d: {  	s31 =	sadd.s32 $0x20, s31;
	s29 =	sadd.s32 $0x20, s29;
	[tilespmem:s1+$0x0] =	vst.add.f32.msk $0xffff, v2;
	s1 =	sadd.s32 $0x20, s1  }
0x33e: {  	s0 =	sld [smem:$0x7D8];
	_ =	sdelay $0x2  }
0x33f: {  	[tilespmem:s6], [sflag:$0x1] =	stream.strided.gather [hbm4b:s0+s15], $0xC380, s16, s15, $0x38;
	[tilespmem:$0x1F800] =	vst v63  }
0x340: {  	_ =	swait.ge [sflag:s24], $0xC300  }
0x341: {  	[sflag:s24] =	ssyncset.done $0x0  }
0x342: {  	[sflag:s24] =	ssyncadd.s32 $0xFFFF3D00  }
0x343: {  	s29 =	simm.s32 $0xFFFFFFFE;
	_ =	swait.ge [sflag:s24], $0x80  }
0x344: {  	s30 =	simm.s32 $0x1D810;
	s31 =	simm.s32 $0x1C810;
	[sflag:s24] =	ssyncset.done $0x0  }
0x345: {  	s1 =	simm.s32 $0x19810;
	s0 =	simm.s32 $0x1B810;
	[sflag:s24] =	ssyncadd.s32 $0xFFFFFF80  }
.LBB2_40:
0x346: {  	v1 =	vld [tilespmem:s1+$0xFFFFFFF0];
	_ =	sdelay $0x4  }
0x347: {  	v2 =	vadd.s32 $0xFFFF3D00, v1  }
0x348: {  	vm0 =	vgt.s32 v2, $0x0  }
0x349: {  	v1 =	vadd.s32 $0xFFFF3D60, v1;
	vm13 =	vgt.s32 v2, $0xC37F;
	v3 =	vnsel vm0, $0x0, v2  }
0x34a: {  	v1 =	vsel vm13, v1, v3;
	_ =	sdelay $0x3  }
0x34b: {  	v2 =	vld [tilespmem:s0+$0xFFFFFFF0]  }
0x34c: {  	v1 =	vld.idx.msk [tilespmem:v1+s25+$0x0], $0xffff;
	_ =	sdelay $0x4  }
0x34d: {  	v1 =	vmul.f32 v2, v1;
	_ =	sdelay $0x1  }
0x34e: {  	v2 =	vmul.f32 v1, v1  }
0x34f: {  	[tilespmem:s31+$0xFFFFFFF0] =	vst.add.f32.msk $0xffff, v1  }
0x350: {  	[tilespmem:s30+$0xFFFFFFF0] =	vst.add.f32.msk $0xffff, v2  }
0x351: {  	v1 =	vld [tilespmem:s1+$0x0];
	_ =	sdelay $0x4  }
0x352: {  	v2 =	vadd.s32 $0xFFFF3D00, v1  }
0x353: {  	vm14 =	vgt.s32 v2, $0x0  }
0x354: {  	v1 =	vadd.s32 $0xFFFF3D60, v1;
	vm15 =	vgt.s32 v2, $0xC37F;
	v3 =	vnsel vm14, $0x0, v2  }
0x355: {  	v1 =	vsel vm15, v1, v3;
	_ =	sdelay $0x3  }
0x356: {  	v2 =	vld [tilespmem:s0+$0x0]  }
0x357: {  	v1 =	vld.idx.msk [tilespmem:v1+s25+$0x0], $0xffff;
	_ =	sdelay $0x2  }
0x358: {  	s29 =	sadd.s32 $0x2, s29  }
0x359: {  	p0 =	slt.u32 s29, $0xFE  }
.Ltmp19:
0x35a: {  	v1 =	vmul.f32 v2, v1;
	(pc) =	sbr.rel @p0 .LBB2_40-.Ltmp19, $4  }
0x35b: {  	_ = 	snop  }
0x35c: {  	v2 =	vmul.f32 v1, v1  }
0x35d: {  	s1 =	sadd.s32 $0x20, s1;
	[tilespmem:s31+$0x0] =	vst.add.f32.msk $0xffff, v1  }
0x35e: {  	s0 =	sadd.s32 $0x20, s0;
	s31 =	sadd.s32 $0x20, s31;
	[tilespmem:s30+$0x0] =	vst.add.f32.msk $0xffff, v2;
	s30 =	sadd.s32 $0x20, s30  }
0x35f: {  	_ =	swait.ge [sflag:s18], $0x1000  }
0x360: {  	[sflag:s18] =	ssyncset.done $0x0  }
0x361: {  	[sflag:s18] =	ssyncadd.s32 $0xFFFFF000  }
0x362: {  	_ =	swait.ge [sflag:s18], $0x1000  }
0x363: {  	s0 =	sld [smem:$0x7D9]  }
0x364: {  	[sflag:s18] =	ssyncset.done $0x0  }
0x365: {  	s1 =	sld [smem:$0x7E8];
	[sflag:s18] =	ssyncadd.s32 $0xFFFFF000  }
0x366: {  	[tilespmem:s19], [sflag:$0x2] =	stream.strided.gather [hbm4b:s0+s15], $0xC300, s16, s15, $0x38;
	[tilespmem:$0x1F800] =	vst v63  }
0x367: {  	_ = 	snop  }
0x368: {  	[tilespmem:s20], [sflag:$0x2] =	stream.linear.gather [hbm4b:s1+s6], $0x80, $0x38;
	[tilespmem:$0x1F800] =	vst v63  }
0x369: {  	_ =	swait.ge [sflag:s21], $0xC380  }
0x36a: {  	s1 =	sld [smem:$0x7FA]  }
0x36b: {  	[sflag:s21] =	ssyncset.done $0x0  }
0x36c: {  	[sflag:s21] =	ssyncadd.s32 $0xFFFF3C80  }
0x36d: {  	[tilespmem:s22], [sflag:$0x3] =	stream.linear.gather [hbm4b:s1+s6], $0x1000, $0x38;
	[tilespmem:$0x1F800] =	vst v63  }
0x36e: {  	s29 =	simm.s32 $0x1C810;
	s30 =	simm.s32 $0x1A810;
	s1 =	rddreg [dreg:$0x10]  }
0x36f: {  	[tilespmem:s23], [sflag:$0x3] =	stream.strided.gather [hbm4b:s1+s15], $0x1000, s16, s15, $0x38;
	[tilespmem:$0x1F800] =	vst v63  }
0x370: {  	s31 =	simm.s32 $0x18810;
	s0 =	simm.s32 $0xFFFFFFFE;
	s1 =	simm.s32 $0x1D810  }
.LBB2_42:
0x371: {  	v1 =	vld [tilespmem:s31+$0xFFFFFFF0];
	_ =	sdelay $0x4  }
0x372: {  	vm0 =	vlt.s32 v1, $0xC380  }
0x373: {  	v1 =	vnsel vm0, $0xC380, v1;
	_ =	sdelay $0x3  }
0x374: {  	v2 =	vld [tilespmem:s30+$0xFFFFFFF0]  }
0x375: {  	v1 =	vld.idx.msk [tilespmem:v1+s6+$0x0], $0xffff;
	_ =	sdelay $0x4  }
0x376: {  	v1 =	vmul.f32 v2, v1;
	_ =	sdelay $0x1  }
0x377: {  	v2 =	vmul.f32 v1, v1  }
0x378: {  	[tilespmem:s29+$0xFFFFFFF0] =	vst.add.f32.msk $0xffff, v1  }
0x379: {  	[tilespmem:s1+$0xFFFFFFF0] =	vst.add.f32.msk $0xffff, v2  }
0x37a: {  	v1 =	vld [tilespmem:s31+$0x0];
	_ =	sdelay $0x4  }
0x37b: {  	vm15 =	vlt.s32 v1, $0xC380  }
0x37c: {  	v1 =	vnsel vm15, $0xC380, v1;
	_ =	sdelay $0x3  }
0x37d: {  	v2 =	vld [tilespmem:s30+$0x0]  }
0x37e: {  	v1 =	vld.idx.msk [tilespmem:v1+s6+$0x0], $0xffff;
	_ =	sdelay $0x2  }
0x37f: {  	s0 =	sadd.s32 $0x2, s0  }
0x380: {  	p0 =	slt.u32 s0, $0xFE  }
.Ltmp20:
0x381: {  	v1 =	vmul.f32 v2, v1;
	(pc) =	sbr.rel @p0 .LBB2_42-.Ltmp20, $4  }
0x382: {  	_ = 	snop  }
0x383: {  	v2 =	vmul.f32 v1, v1  }
0x384: {  	s30 =	sadd.s32 $0x20, s30;
	[tilespmem:s29+$0x0] =	vst.add.f32.msk $0xffff, v1  }
0x385: {  	s31 =	sadd.s32 $0x20, s31;
	s29 =	sadd.s32 $0x20, s29;
	[tilespmem:s1+$0x0] =	vst.add.f32.msk $0xffff, v2;
	s1 =	sadd.s32 $0x20, s1  }
0x386: {  	s0 =	sld [smem:$0x7DA];
	_ =	sdelay $0x2  }
0x387: {  	[tilespmem:s6], [sflag:$0x1] =	stream.strided.gather [hbm4b:s0+s15], $0xC380, s16, s15, $0x38;
	[tilespmem:$0x1F800] =	vst v63  }
0x388: {  	_ =	swait.ge [sflag:s24], $0xC300  }
0x389: {  	[sflag:s24] =	ssyncset.done $0x0  }
0x38a: {  	[sflag:s24] =	ssyncadd.s32 $0xFFFF3D00  }
0x38b: {  	s29 =	simm.s32 $0xFFFFFFFE;
	_ =	swait.ge [sflag:s24], $0x80  }
0x38c: {  	s30 =	simm.s32 $0x1D810;
	s31 =	simm.s32 $0x1C810;
	[sflag:s24] =	ssyncset.done $0x0  }
0x38d: {  	s1 =	simm.s32 $0x18810;
	s0 =	simm.s32 $0x1A810;
	[sflag:s24] =	ssyncadd.s32 $0xFFFFFF80  }
.LBB2_44:
0x38e: {  	v1 =	vld [tilespmem:s1+$0xFFFFFFF0];
	_ =	sdelay $0x4  }
0x38f: {  	v2 =	vadd.s32 $0xFFFF3D00, v1  }
0x390: {  	vm0 =	vgt.s32 v2, $0x0  }
0x391: {  	v1 =	vadd.s32 $0xFFFF3D60, v1;
	vm13 =	vgt.s32 v2, $0xC37F;
	v3 =	vnsel vm0, $0x0, v2  }
0x392: {  	v1 =	vsel vm13, v1, v3;
	_ =	sdelay $0x3  }
0x393: {  	v2 =	vld [tilespmem:s0+$0xFFFFFFF0]  }
0x394: {  	v1 =	vld.idx.msk [tilespmem:v1+s25+$0x0], $0xffff;
	_ =	sdelay $0x4  }
0x395: {  	v1 =	vmul.f32 v2, v1;
	_ =	sdelay $0x1  }
0x396: {  	v2 =	vmul.f32 v1, v1  }
0x397: {  	[tilespmem:s31+$0xFFFFFFF0] =	vst.add.f32.msk $0xffff, v1  }
0x398: {  	[tilespmem:s30+$0xFFFFFFF0] =	vst.add.f32.msk $0xffff, v2  }
0x399: {  	v1 =	vld [tilespmem:s1+$0x0];
	_ =	sdelay $0x4  }
0x39a: {  	v2 =	vadd.s32 $0xFFFF3D00, v1  }
0x39b: {  	vm14 =	vgt.s32 v2, $0x0  }
0x39c: {  	v1 =	vadd.s32 $0xFFFF3D60, v1;
	vm15 =	vgt.s32 v2, $0xC37F;
	v3 =	vnsel vm14, $0x0, v2  }
0x39d: {  	v1 =	vsel vm15, v1, v3;
	_ =	sdelay $0x3  }
0x39e: {  	v2 =	vld [tilespmem:s0+$0x0]  }
0x39f: {  	v1 =	vld.idx.msk [tilespmem:v1+s25+$0x0], $0xffff;
	_ =	sdelay $0x2  }
0x3a0: {  	s29 =	sadd.s32 $0x2, s29  }
0x3a1: {  	p0 =	slt.u32 s29, $0xFE  }
.Ltmp21:
0x3a2: {  	v1 =	vmul.f32 v2, v1;
	(pc) =	sbr.rel @p0 .LBB2_44-.Ltmp21, $4  }
0x3a3: {  	_ = 	snop  }
0x3a4: {  	v2 =	vmul.f32 v1, v1  }
0x3a5: {  	s1 =	sadd.s32 $0x20, s1;
	[tilespmem:s31+$0x0] =	vst.add.f32.msk $0xffff, v1  }
0x3a6: {  	s0 =	sadd.s32 $0x20, s0;
	s31 =	sadd.s32 $0x20, s31;
	[tilespmem:s30+$0x0] =	vst.add.f32.msk $0xffff, v2;
	s30 =	sadd.s32 $0x20, s30  }
0x3a7: {  	_ =	swait.ge [sflag:s18], $0x1000  }
0x3a8: {  	[sflag:s18] =	ssyncset.done $0x0  }
0x3a9: {  	[sflag:s18] =	ssyncadd.s32 $0xFFFFF000  }
0x3aa: {  	_ =	swait.ge [sflag:s18], $0x1000  }
0x3ab: {  	s0 =	sld [smem:$0x7DB]  }
0x3ac: {  	[sflag:s18] =	ssyncset.done $0x0  }
0x3ad: {  	s1 =	sld [smem:$0x7E9];
	[sflag:s18] =	ssyncadd.s32 $0xFFFFF000  }
0x3ae: {  	[tilespmem:s19], [sflag:$0x2] =	stream.strided.gather [hbm4b:s0+s15], $0xC300, s16, s15, $0x38;
	[tilespmem:$0x1F800] =	vst v63  }
0x3af: {  	_ = 	snop  }
0x3b0: {  	[tilespmem:s20], [sflag:$0x2] =	stream.linear.gather [hbm4b:s1+s6], $0x80, $0x38;
	[tilespmem:$0x1F800] =	vst v63  }
0x3b1: {  	_ =	swait.ge [sflag:s21], $0xC380  }
0x3b2: {  	s1 =	sld [smem:$0x7FB]  }
0x3b3: {  	[sflag:s21] =	ssyncset.done $0x0  }
0x3b4: {  	[sflag:s21] =	ssyncadd.s32 $0xFFFF3C80  }
0x3b5: {  	[tilespmem:s14], [sflag:$0x3] =	stream.linear.gather [hbm4b:s1+s6], $0x1000, $0x38;
	[tilespmem:$0x1F800] =	vst v63  }
0x3b6: {  	s29 =	simm.s32 $0x1C810;
	s30 =	simm.s32 $0x1B810;
	s1 =	rddreg [dreg:$0x11]  }
0x3b7: {  	[tilespmem:s17], [sflag:$0x3] =	stream.strided.gather [hbm4b:s1+s15], $0x1000, s16, s15, $0x38;
	[tilespmem:$0x1F800] =	vst v63  }
0x3b8: {  	s31 =	simm.s32 $0x19810;
	s0 =	simm.s32 $0xFFFFFFFE;
	s1 =	simm.s32 $0x1D810  }
.LBB2_46:
0x3b9: {  	v1 =	vld [tilespmem:s31+$0xFFFFFFF0];
	_ =	sdelay $0x4  }
0x3ba: {  	vm0 =	vlt.s32 v1, $0xC380  }
0x3bb: {  	v1 =	vnsel vm0, $0xC380, v1;
	_ =	sdelay $0x3  }
0x3bc: {  	v2 =	vld [tilespmem:s30+$0xFFFFFFF0]  }
0x3bd: {  	v1 =	vld.idx.msk [tilespmem:v1+s6+$0x0], $0xffff;
	_ =	sdelay $0x4  }
0x3be: {  	v1 =	vmul.f32 v2, v1;
	_ =	sdelay $0x1  }
0x3bf: {  	v2 =	vmul.f32 v1, v1  }
0x3c0: {  	[tilespmem:s29+$0xFFFFFFF0] =	vst.add.f32.msk $0xffff, v1  }
0x3c1: {  	[tilespmem:s1+$0xFFFFFFF0] =	vst.add.f32.msk $0xffff, v2  }
0x3c2: {  	v1 =	vld [tilespmem:s31+$0x0];
	_ =	sdelay $0x4  }
0x3c3: {  	vm15 =	vlt.s32 v1, $0xC380  }
0x3c4: {  	v1 =	vnsel vm15, $0xC380, v1;
	_ =	sdelay $0x3  }
0x3c5: {  	v2 =	vld [tilespmem:s30+$0x0]  }
0x3c6: {  	v1 =	vld.idx.msk [tilespmem:v1+s6+$0x0], $0xffff;
	_ =	sdelay $0x2  }
0x3c7: {  	s0 =	sadd.s32 $0x2, s0  }
0x3c8: {  	p0 =	slt.u32 s0, $0xFE  }
.Ltmp22:
0x3c9: {  	v1 =	vmul.f32 v2, v1;
	(pc) =	sbr.rel @p0 .LBB2_46-.Ltmp22, $4  }
0x3ca: {  	_ = 	snop  }
0x3cb: {  	v2 =	vmul.f32 v1, v1  }
0x3cc: {  	s30 =	sadd.s32 $0x20, s30;
	[tilespmem:s29+$0x0] =	vst.add.f32.msk $0xffff, v1  }
0x3cd: {  	s31 =	sadd.s32 $0x20, s31;
	s29 =	sadd.s32 $0x20, s29;
	[tilespmem:s1+$0x0] =	vst.add.f32.msk $0xffff, v2;
	s1 =	sadd.s32 $0x20, s1  }
0x3ce: {  	s0 =	sld [smem:$0x7DC];
	_ =	sdelay $0x2  }
0x3cf: {  	[tilespmem:s6], [sflag:$0x1] =	stream.strided.gather [hbm4b:s0+s15], $0xC380, s16, s15, $0x38;
	[tilespmem:$0x1F800] =	vst v63  }
0x3d0: {  	_ =	swait.ge [sflag:s24], $0xC300  }
0x3d1: {  	[sflag:s24] =	ssyncset.done $0x0  }
0x3d2: {  	[sflag:s24] =	ssyncadd.s32 $0xFFFF3D00  }
0x3d3: {  	s29 =	simm.s32 $0xFFFFFFFE;
	_ =	swait.ge [sflag:s24], $0x80  }
0x3d4: {  	s30 =	simm.s32 $0x1D810;
	s31 =	simm.s32 $0x1C810;
	[sflag:s24] =	ssyncset.done $0x0  }
0x3d5: {  	s1 =	simm.s32 $0x19810;
	s0 =	simm.s32 $0x1B810;
	[sflag:s24] =	ssyncadd.s32 $0xFFFFFF80  }
.LBB2_48:
0x3d6: {  	v1 =	vld [tilespmem:s1+$0xFFFFFFF0];
	_ =	sdelay $0x4  }
0x3d7: {  	v2 =	vadd.s32 $0xFFFF3D00, v1  }
0x3d8: {  	vm0 =	vgt.s32 v2, $0x0  }
0x3d9: {  	v1 =	vadd.s32 $0xFFFF3D60, v1;
	vm13 =	vgt.s32 v2, $0xC37F;
	v3 =	vnsel vm0, $0x0, v2  }
0x3da: {  	v1 =	vsel vm13, v1, v3;
	_ =	sdelay $0x3  }
0x3db: {  	v2 =	vld [tilespmem:s0+$0xFFFFFFF0]  }
0x3dc: {  	v1 =	vld.idx.msk [tilespmem:v1+s25+$0x0], $0xffff;
	_ =	sdelay $0x4  }
0x3dd: {  	v1 =	vmul.f32 v2, v1;
	_ =	sdelay $0x1  }
0x3de: {  	v2 =	vmul.f32 v1, v1  }
0x3df: {  	[tilespmem:s31+$0xFFFFFFF0] =	vst.add.f32.msk $0xffff, v1  }
0x3e0: {  	[tilespmem:s30+$0xFFFFFFF0] =	vst.add.f32.msk $0xffff, v2  }
0x3e1: {  	v1 =	vld [tilespmem:s1+$0x0];
	_ =	sdelay $0x4  }
0x3e2: {  	v2 =	vadd.s32 $0xFFFF3D00, v1  }
0x3e3: {  	vm14 =	vgt.s32 v2, $0x0  }
0x3e4: {  	v1 =	vadd.s32 $0xFFFF3D60, v1;
	vm15 =	vgt.s32 v2, $0xC37F;
	v3 =	vnsel vm14, $0x0, v2  }
0x3e5: {  	v1 =	vsel vm15, v1, v3;
	_ =	sdelay $0x3  }
0x3e6: {  	v2 =	vld [tilespmem:s0+$0x0]  }
0x3e7: {  	v1 =	vld.idx.msk [tilespmem:v1+s25+$0x0], $0xffff;
	_ =	sdelay $0x2  }
0x3e8: {  	s29 =	sadd.s32 $0x2, s29  }
0x3e9: {  	p0 =	slt.u32 s29, $0xFE  }
.Ltmp23:
0x3ea: {  	v1 =	vmul.f32 v2, v1;
	(pc) =	sbr.rel @p0 .LBB2_48-.Ltmp23, $4  }
0x3eb: {  	_ = 	snop  }
0x3ec: {  	v2 =	vmul.f32 v1, v1  }
0x3ed: {  	s1 =	sadd.s32 $0x20, s1;
	[tilespmem:s31+$0x0] =	vst.add.f32.msk $0xffff, v1  }
0x3ee: {  	s0 =	sadd.s32 $0x20, s0;
	s31 =	sadd.s32 $0x20, s31;
	[tilespmem:s30+$0x0] =	vst.add.f32.msk $0xffff, v2;
	s30 =	sadd.s32 $0x20, s30  }
0x3ef: {  	_ =	swait.ge [sflag:s18], $0x1000  }
0x3f0: {  	[sflag:s18] =	ssyncset.done $0x0  }
0x3f1: {  	[sflag:s18] =	ssyncadd.s32 $0xFFFFF000  }
0x3f2: {  	_ =	swait.ge [sflag:s18], $0x1000  }
0x3f3: {  	s0 =	sld [smem:$0x7DD]  }
0x3f4: {  	[sflag:s18] =	ssyncset.done $0x0  }
0x3f5: {  	s1 =	sld [smem:$0x7EA];
	[sflag:s18] =	ssyncadd.s32 $0xFFFFF000  }
0x3f6: {  	[tilespmem:s19], [sflag:$0x2] =	stream.strided.gather [hbm4b:s0+s15], $0xC300, s16, s15, $0x38;
	[tilespmem:$0x1F800] =	vst v63  }
0x3f7: {  	_ = 	snop  }
0x3f8: {  	[tilespmem:s20], [sflag:$0x2] =	stream.linear.gather [hbm4b:s1+s6], $0x80, $0x38;
	[tilespmem:$0x1F800] =	vst v63  }
0x3f9: {  	_ =	swait.ge [sflag:s21], $0xC380  }
0x3fa: {  	[sflag:s21] =	ssyncset.done $0x0  }
0x3fb: {  	s29 =	simm.s32 $0x1C810;
	s30 =	simm.s32 $0x1A810;
	[sflag:s21] =	ssyncadd.s32 $0xFFFF3C80  }
0x3fc: {  	[tilespmem:s22], [sflag:$0x3] =	stream.linear.gather [hbm4b:s2+s6], $0x1000, $0x38;
	[tilespmem:$0x1F800] =	vst v63  }
0x3fd: {  	s31 =	simm.s32 $0x18810;
	s0 =	simm.s32 $0xFFFFFFFE;
	s1 =	simm.s32 $0x1D810  }
0x3fe: {  	[tilespmem:s23], [sflag:$0x3] =	stream.strided.gather [hbm4b:s5+s15], $0x1000, s16, s15, $0x38;
	[tilespmem:$0x1F800] =	vst v63  }
.LBB2_50:
0x3ff: {  	v1 =	vld [tilespmem:s31+$0xFFFFFFF0];
	_ =	sdelay $0x4  }
0x400: {  	vm0 =	vlt.s32 v1, $0xC380  }
0x401: {  	v1 =	vnsel vm0, $0xC380, v1;
	_ =	sdelay $0x3  }
0x402: {  	v2 =	vld [tilespmem:s30+$0xFFFFFFF0]  }
0x403: {  	v1 =	vld.idx.msk [tilespmem:v1+s6+$0x0], $0xffff;
	_ =	sdelay $0x4  }
0x404: {  	v1 =	vmul.f32 v2, v1;
	_ =	sdelay $0x1  }
0x405: {  	v2 =	vmul.f32 v1, v1  }
0x406: {  	[tilespmem:s29+$0xFFFFFFF0] =	vst.add.f32.msk $0xffff, v1  }
0x407: {  	[tilespmem:s1+$0xFFFFFFF0] =	vst.add.f32.msk $0xffff, v2  }
0x408: {  	v1 =	vld [tilespmem:s31+$0x0];
	_ =	sdelay $0x4  }
0x409: {  	vm15 =	vlt.s32 v1, $0xC380  }
0x40a: {  	v1 =	vnsel vm15, $0xC380, v1;
	_ =	sdelay $0x3  }
0x40b: {  	v2 =	vld [tilespmem:s30+$0x0]  }
0x40c: {  	v1 =	vld.idx.msk [tilespmem:v1+s6+$0x0], $0xffff;
	_ =	sdelay $0x2  }
0x40d: {  	s0 =	sadd.s32 $0x2, s0  }
0x40e: {  	p0 =	slt.u32 s0, $0xFE  }
.Ltmp24:
0x40f: {  	v1 =	vmul.f32 v2, v1;
	(pc) =	sbr.rel @p0 .LBB2_50-.Ltmp24, $4  }
0x410: {  	_ = 	snop  }
0x411: {  	v2 =	vmul.f32 v1, v1  }
0x412: {  	s30 =	sadd.s32 $0x20, s30;
	[tilespmem:s29+$0x0] =	vst.add.f32.msk $0xffff, v1  }
0x413: {  	s31 =	sadd.s32 $0x20, s31;
	s29 =	sadd.s32 $0x20, s29;
	[tilespmem:s1+$0x0] =	vst.add.f32.msk $0xffff, v2;
	s1 =	sadd.s32 $0x20, s1  }
0x414: {  	[tilespmem:s6], [sflag:$0x1] =	stream.strided.gather [hbm4b:s7+s15], $0xC380, s16, s15, $0x38;
	[tilespmem:$0x1F800] =	vst v63  }
0x415: {  	_ =	swait.ge [sflag:s24], $0xC300  }
0x416: {  	[sflag:s24] =	ssyncset.done $0x0  }
0x417: {  	[sflag:s24] =	ssyncadd.s32 $0xFFFF3D00  }
0x418: {  	s29 =	simm.s32 $0xFFFFFFFE;
	_ =	swait.ge [sflag:s24], $0x80  }
0x419: {  	s30 =	simm.s32 $0x1D810;
	s31 =	simm.s32 $0x1C810;
	[sflag:s24] =	ssyncset.done $0x0  }
0x41a: {  	s0 =	simm.s32 $0x1A810;
	s1 =	simm.s32 $0x18810;
	[sflag:s24] =	ssyncadd.s32 $0xFFFFFF80  }
.LBB2_52:
0x41b: {  	v1 =	vld [tilespmem:s1+$0xFFFFFFF0];
	_ =	sdelay $0x4  }
0x41c: {  	v2 =	vadd.s32 $0xFFFF3D00, v1  }
0x41d: {  	vm0 =	vgt.s32 v2, $0x0  }
0x41e: {  	v1 =	vadd.s32 $0xFFFF3D60, v1;
	vm13 =	vgt.s32 v2, $0xC37F;
	v3 =	vnsel vm0, $0x0, v2  }
0x41f: {  	v1 =	vsel vm13, v1, v3;
	_ =	sdelay $0x3  }
0x420: {  	v2 =	vld [tilespmem:s0+$0xFFFFFFF0]  }
0x421: {  	v1 =	vld.idx.msk [tilespmem:v1+s25+$0x0], $0xffff;
	_ =	sdelay $0x4  }
0x422: {  	v1 =	vmul.f32 v2, v1;
	_ =	sdelay $0x1  }
0x423: {  	v2 =	vmul.f32 v1, v1  }
0x424: {  	[tilespmem:s31+$0xFFFFFFF0] =	vst.add.f32.msk $0xffff, v1  }
0x425: {  	[tilespmem:s30+$0xFFFFFFF0] =	vst.add.f32.msk $0xffff, v2  }
0x426: {  	v1 =	vld [tilespmem:s1+$0x0];
	_ =	sdelay $0x4  }
0x427: {  	v2 =	vadd.s32 $0xFFFF3D00, v1  }
0x428: {  	vm14 =	vgt.s32 v2, $0x0  }
0x429: {  	v1 =	vadd.s32 $0xFFFF3D60, v1;
	vm15 =	vgt.s32 v2, $0xC37F;
	v3 =	vnsel vm14, $0x0, v2  }
0x42a: {  	v1 =	vsel vm15, v1, v3;
	_ =	sdelay $0x3  }
0x42b: {  	v2 =	vld [tilespmem:s0+$0x0]  }
0x42c: {  	v1 =	vld.idx.msk [tilespmem:v1+s25+$0x0], $0xffff;
	_ =	sdelay $0x2  }
0x42d: {  	s29 =	sadd.s32 $0x2, s29  }
0x42e: {  	p0 =	slt.u32 s29, $0xFE  }
.Ltmp25:
0x42f: {  	v1 =	vmul.f32 v2, v1;
	(pc) =	sbr.rel @p0 .LBB2_52-.Ltmp25, $4  }
0x430: {  	_ = 	snop  }
0x431: {  	v2 =	vmul.f32 v1, v1  }
0x432: {  	s1 =	sadd.s32 $0x20, s1;
	[tilespmem:s31+$0x0] =	vst.add.f32.msk $0xffff, v1  }
0x433: {  	s0 =	sadd.s32 $0x20, s0;
	s31 =	sadd.s32 $0x20, s31;
	[tilespmem:s30+$0x0] =	vst.add.f32.msk $0xffff, v2;
	s30 =	sadd.s32 $0x20, s30  }
0x434: {  	_ =	swait.ge [sflag:s18], $0x1000  }
0x435: {  	[sflag:s18] =	ssyncset.done $0x0  }
0x436: {  	[sflag:s18] =	ssyncadd.s32 $0xFFFFF000  }
0x437: {  	_ =	swait.ge [sflag:s18], $0x1000  }
0x438: {  	[sflag:s18] =	ssyncset.done $0x0  }
0x439: {  	[sflag:s18] =	ssyncadd.s32 $0xFFFFF000  }
0x43a: {  	[tilespmem:s19], [sflag:$0x2] =	stream.strided.gather [hbm4b:s8+s15], $0xC300, s16, s15, $0x38;
	[tilespmem:$0x1F800] =	vst v63  }
0x43b: {  	_ = 	snop  }
0x43c: {  	[tilespmem:s20], [sflag:$0x2] =	stream.linear.gather [hbm4b:s9+s6], $0x80, $0x38;
	[tilespmem:$0x1F800] =	vst v63  }
0x43d: {  	_ =	swait.ge [sflag:s21], $0xC380  }
0x43e: {  	s0 =	simm.s32 $0xFFFFFFFE;
	s1 =	simm.s32 $0x1B810;
	[sflag:s21] =	ssyncset.done $0x0  }
0x43f: {  	s29 =	simm.s32 $0x19810;
	s30 =	simm.s32 $0x1E810;
	[sflag:s21] =	ssyncadd.s32 $0xFFFF3C80  }
.LBB2_54:
0x440: {  	v1 =	vld [tilespmem:s29+$0xFFFFFFF0];
	_ =	sdelay $0x4  }
0x441: {  	vm0 =	vlt.s32 v1, $0xC380  }
0x442: {  	v1 =	vnsel vm0, $0xC380, v1;
	_ =	sdelay $0x3  }
0x443: {  	v2 =	vld [tilespmem:s1+$0xFFFFFFF0]  }
0x444: {  	v1 =	vld.idx.msk [tilespmem:v1+s6+$0x0], $0xffff;
	_ =	sdelay $0x4  }
0x445: {  	v1 =	vmul.f32 v2, v1;
	_ =	sdelay $0x1  }
0x446: {  	[tilespmem:s30+$0xFFFFFFF0] =	vst v1  }
0x447: {  	v1 =	vld [tilespmem:s29+$0x0];
	_ =	sdelay $0x4  }
0x448: {  	vm15 =	vlt.s32 v1, $0xC380  }
0x449: {  	v1 =	vnsel vm15, $0xC380, v1;
	_ =	sdelay $0x3  }
0x44a: {  	v2 =	vld [tilespmem:s1+$0x0]  }
0x44b: {  	v1 =	vld.idx.msk [tilespmem:v1+s6+$0x0], $0xffff  }
0x44c: {  	s0 =	sadd.s32 $0x2, s0  }
0x44d: {  	p0 =	slt.u32 s0, $0xFE  }
.Ltmp26:
0x44e: {  	_ = 	snop;
	(pc) =	sbr.rel @p0 .LBB2_54-.Ltmp26, $3  }
0x44f: {  	_ = 	snop  }
0x450: {  	v1 =	vmul.f32 v2, v1;
	_ =	sdelay $0x1  }
0x451: {  	s1 =	sadd.s32 $0x20, s1;
	s29 =	sadd.s32 $0x20, s29;
	[tilespmem:s30+$0x0] =	vst v1;
	s30 =	sadd.s32 $0x20, s30  }
0x452: {  	_ =	swait.ge [sflag:s24], $0xC300  }
0x453: {  	[sflag:s24] =	ssyncset.done $0x0  }
0x454: {  	[sflag:s24] =	ssyncadd.s32 $0xFFFF3D00  }
0x455: {  	_ =	swait.ge [sflag:s24], $0x80  }
0x456: {  	s0 =	simm.s32 $0xFFFFFFFE;
	s1 =	simm.s32 $0x1B810;
	[sflag:s24] =	ssyncset.done $0x0  }
0x457: {  	s29 =	simm.s32 $0x19810;
	s30 =	simm.s32 $0x1E810;
	[sflag:s24] =	ssyncadd.s32 $0xFFFFFF80  }
.LBB2_56:
0x458: {  	v1 =	vld [tilespmem:s29+$0xFFFFFFF0];
	_ =	sdelay $0x4  }
0x459: {  	v2 =	vadd.s32 $0xFFFF3D00, v1  }
0x45a: {  	vm0 =	vgt.s32 v2, $0x0  }
0x45b: {  	v1 =	vadd.s32 $0xFFFF3D60, v1;
	vm13 =	vgt.s32 v2, $0xC37F;
	v3 =	vnsel vm0, $0x0, v2  }
0x45c: {  	v1 =	vsel vm13, v1, v3;
	_ =	sdelay $0x3  }
0x45d: {  	v2 =	vld [tilespmem:s1+$0xFFFFFFF0]  }
0x45e: {  	v1 =	vld.idx.msk [tilespmem:v1+s25+$0x0], $0xffff;
	_ =	sdelay $0x4  }
0x45f: {  	v1 =	vmul.f32 v2, v1;
	_ =	sdelay $0x1  }
0x460: {  	[tilespmem:s30+$0xFFFFFFF0] =	vst.add.f32.msk $0xffff, v1  }
0x461: {  	v1 =	vld [tilespmem:s29+$0x0];
	_ =	sdelay $0x4  }
0x462: {  	v2 =	vadd.s32 $0xFFFF3D00, v1  }
0x463: {  	vm14 =	vgt.s32 v2, $0x0  }
0x464: {  	v1 =	vadd.s32 $0xFFFF3D60, v1;
	vm15 =	vgt.s32 v2, $0xC37F;
	v3 =	vnsel vm14, $0x0, v2  }
0x465: {  	v1 =	vsel vm15, v1, v3;
	_ =	sdelay $0x3  }
0x466: {  	v2 =	vld [tilespmem:s1+$0x0]  }
0x467: {  	v1 =	vld.idx.msk [tilespmem:v1+s25+$0x0], $0xffff  }
0x468: {  	s0 =	sadd.s32 $0x2, s0  }
0x469: {  	p0 =	slt.u32 s0, $0xFE  }
.Ltmp27:
0x46a: {  	_ = 	snop;
	(pc) =	sbr.rel @p0 .LBB2_56-.Ltmp27, $3  }
0x46b: {  	_ = 	snop  }
0x46c: {  	v1 =	vmul.f32 v2, v1;
	_ =	sdelay $0x1  }
0x46d: {  	s29 =	sadd.s32 $0x20, s29;
	s1 =	sadd.s32 $0x20, s1;
	[tilespmem:s30+$0x0] =	vst.add.f32.msk $0xffff, v1;
	s30 =	sadd.s32 $0x20, s30  }
0x46e: {  	s0 =	simm.s32 $0x1C800  }
0x46f: {  	[hbm4b:s10+s6] =	stream.linear.scatter [tilespmem:s0], [sflag:$0x4], $0x1000, $0x38;
	[tilespmem:$0x1F800] =	vst v63  }
0x470: {  	_ =	swait.ge [sflag:s26], $0x1000  }
0x471: {  	[sflag:s26] =	ssyncset.done $0x0  }
0x472: {  	s30 =	simm.s32 $0x1D800;
	[sflag:s26] =	ssyncadd.s32 $0xFFFFF000  }
0x473: {  	[hbm4b:s11+s6] =	stream.linear.scatter [tilespmem:s30], [sflag:$0x4], $0x1000, $0x38;
	[tilespmem:$0x1F800] =	vst v63  }
0x474: {  	s28 =	sadd.s32 $0x1, s28;
	_ =	swait.ge [sflag:s26], $0x1000  }
0x475: {  	p0 =	sne.s32 s28, s13;
	[sflag:s26] =	ssyncset.done $0x0  }
.Ltmp28:
0x476: {  	s31 =	simm.s32 $0x1E800;
	[sflag:s26] =	ssyncadd.s32 $0xFFFFF000;
	(pc) =	sbr.rel @p0 .LBB2_1-.Ltmp28, $4  }
0x477: {  	[hbm4b:s12+s6] =	stream.linear.scatter [tilespmem:s31], [sflag:$0x4], $0x1000, $0x38;
	[tilespmem:$0x1F800] =	vst v63  }
0x478: {  	_ =	swait.ge [sflag:s26], $0x1000  }
0x479: {  	[sflag:s26] =	ssyncset.done $0x0  }
0x47a: {  	[sflag:s26] =	ssyncadd.s32 $0xFFFFF000  }
0x47b: {  	_ =	sfence.sel $0x180000  }
0x47c: {  	[bflag:$0x0] =	sbarrier.arrive $0xFFFF  }
0x47d: {  	_ =	strace $0x90000047  }
0x47e: {  	s0 =	stileid.u32;
	[bflag:$0x2] =	sbarrier.arrive $0xFFFF  }
0x47f: {  	p0 =	sne.s32 s0, $0x0;
	s0 =	rddreg [dreg:$0x6]  }
0x480: {  	s0 =	sadd.s32 @!p0 $0x100000, s0  }
0x481: {  	[sflag:s0] =	ssyncadd.tile.s32 @!p0 $0x1;
	_ =	shalt  }
.Lfunc_end2:
_tile_overlayer_lowered:
.L_overlay_start_2:
0x482: {  	(tag) =	ssettag $0x2  }
0x483: {  	s0 =	rddreg [dreg:$0x0];
	s2 =	stileid.u32  }
0x484: {  	s1 =	rddreg [dreg:$0x1];
	p0 =	sne.s32 s2, $0x0  }
0x485: {  	s3 =	rddreg [dreg:$0x2];
	[bflag:$0x3] =	sbarrier.arrive $0xFFFF;
	s2 =	simm.s32 @!p0 $0x1C04  }
0x486: {  	[timem:s3], [sflag:s2] =	dma.local @!p0 [hbm:s0], s1  }
0x487: {  	s0 =	simm.s32 @!p0 $0x4  }
0x488: {  	_ =	swait.ge @!p0 [sflag:s0], s1  }
0x489: {  	s1 =	ssub.s32 @!p0 $0x0, s1;
	[sflag:s0] =	ssyncset.done @!p0 $0x0  }
0x48a: {  	[sflag:s0] =	ssyncadd.s32 @!p0 s1  }
0x48b: {  	[bflag:$0x3] =	sbarrier.arrive $0xFFFF  }
0x48c: {  	_ =	shalt  }

</sc_bundles>
